<compile_context>
chip_gen: v7x
topology: tpu7x:2x2x1
jax: 0.10.2.dev20260603
libtpu: 0.0.44.dev20260713+nightly
codegen_flags: <defaults>
</compile_context>

<pallas_src>
import functools

import jax
import jax.numpy as jnp
from jax import lax
from jax.experimental import pallas as pl
from jax.experimental.pallas import tpu as pltpu
from jax.experimental.pallas import tpu_sc as plsc

_C = 16
_D = 4
_MAP_HW = (512, 512, 1024, 256)
_CHUNK = 256
_NW = 32
_GRP = _CHUNK // 16
_NIDX = _CHUNK * 8

_ROWS = [_D * hw * hw for hw in _MAP_HW]
_BASE = [sum(_ROWS[:i]) for i in range(4)]
_TOTAL = sum(_ROWS)


def _body(tab, uv, zc, idc, out, uvb, zb, idcb, idxb0, idxb1, wxb0, wxb1,
          wyb0, wyb1, wzb0, wzb1, texb0, texb1, outb0, outb1,
          sem0, sem1, osem0, osem1):

    idxb = (idxb0, idxb1)
    wxb = (wxb0, wxb1)
    wyb = (wyb0, wyb1)
    wzb = (wzb0, wzb1)
    texb = (texb0, texb1)
    outb = (outb0, outb1)
    sems = (sem0, sem1)
    osems = (osem0, osem1)
    nrays = out.shape[1]
    per_w = nrays // _NW
    nchunk = per_w // _CHUNK
    wid = lax.axis_index("s") * 2 + lax.axis_index("c")
    w0 = pl.multiple_of(wid * per_w, _CHUNK)


    pltpu.sync_copy(uv.at[pl.ds(2 * w0, 2 * per_w)], uvb)
    pltpu.sync_copy(zc.at[pl.ds(w0, per_w)], zb)
    pltpu.sync_copy(idc.at[pl.ds(w0, per_w)], idcb)

    def pass1(ch, idx_r, wx_r, wy_r, wz_r):
        cbase = pl.multiple_of(ch * _CHUNK, _CHUNK)

        def grp(g, c1):
            off = pl.multiple_of(g * 16, 16)
            rows = cbase + off + lax.iota(jnp.int32, 16)
            rows2 = rows + rows
            x = plsc.load_gather(uvb, [rows2])
            y = plsc.load_gather(uvb, [rows2 + 1])
            z = zb[pl.ds(cbase + off, 16)]
            mi = idcb[pl.ds(cbase + off, 16)]
            is2 = mi == 2
            is3 = mi == 3
            wf = jnp.where(is2, 1024.0, jnp.where(is3, 256.0, 512.0))
            wi = jnp.where(is2, 1024, jnp.where(is3, 256, 512))
            base = jnp.where(mi == 0, _BASE[0],
                             jnp.where(mi == 1, _BASE[1],
                                       jnp.where(is2, _BASE[2], _BASE[3])))
            wm1 = wf - 1.0
            ix = jnp.clip((x + 1.0) * 0.5 * wm1, 0.0, wm1)
            iy = jnp.clip((y + 1.0) * 0.5 * wm1, 0.0, wm1)
            iz = jnp.clip((z + 1.0) * (0.5 * (_D - 1)), 0.0, float(_D - 1))
            x0 = ix.astype(jnp.int32)
            y0 = iy.astype(jnp.int32)
            z0 = iz.astype(jnp.int32)
            wx = ix - x0.astype(jnp.float32)
            wy = iy - y0.astype(jnp.float32)
            wz = iz - z0.astype(jnp.float32)
            x1 = jnp.minimum(x0 + 1, wi - 1)
            y1 = jnp.minimum(y0 + 1, wi - 1)
            z1 = jnp.minimum(z0 + 1, _D - 1)
            hw = wi * wi
            b00 = base + z0 * hw + y0 * wi
            b01 = base + z0 * hw + y1 * wi
            b10 = base + z1 * hw + y0 * wi
            b11 = base + z1 * hw + y1 * wi
            corners = (b00 + x0, b00 + x1, b01 + x0, b01 + x1,
                       b10 + x0, b10 + x1, b11 + x0, b11 + x1)
            for k in range(8):
                idx_r[pl.ds(off + k * _CHUNK, 16)] = corners[k]
            wx_r[pl.ds(off, 16)] = wx
            wy_r[pl.ds(off, 16)] = wy
            wz_r[pl.ds(off, 16)] = wz
            return c1

        lax.fori_loop(0, _GRP, grp, 0, unroll=False)

    def fire(idx_r, tex_r, sem):
        for j in range(_NIDX // 128):
            sl = pl.ds(j * 128, 128)
            pltpu.async_copy(tab.at[idx_r.at[sl]], tex_r.at[sl, :], sem)

    def drain(tex_r, sem):
        pltpu.make_async_copy(tab.at[pl.ds(0, _NIDX), :], tex_r, sem).wait()

    def pass2(tex_r, wx_r, wy_r, wz_r, out_r):
        def grp(g, c1):
            off = pl.multiple_of(g * 16, 16)
            rows = off + lax.iota(jnp.int32, 16)
            wx = wx_r[pl.ds(off, 16)]
            wy = wy_r[pl.ds(off, 16)]
            wz = wz_r[pl.ds(off, 16)]
            u0 = 1.0 - wx
            v0 = 1.0 - wy
            t0 = 1.0 - wz
            tv00 = t0 * v0
            tv01 = t0 * wy
            tv10 = wz * v0
            tv11 = wz * wy
            w = (tv00 * u0, tv00 * wx, tv01 * u0, tv01 * wx,
                 tv10 * u0, tv10 * wx, tv11 * u0, tv11 * wx)
            rk = [rows + k * _CHUNK for k in range(8)]
            for c in range(_C):
                cc = jnp.full((16,), c, jnp.int32)
                acc = w[0] * plsc.load_gather(tex_r, [rk[0], cc])
                for k in range(1, 8):
                    acc = acc + w[k] * plsc.load_gather(tex_r, [rk[k], cc])
                out_r[c, pl.ds(off, 16)] = acc
            return c1

        lax.fori_loop(0, _GRP, grp, 0, unroll=False)

    def out_dma(ch, out_r, osem):
        cbase = pl.multiple_of(w0 + ch * _CHUNK, _CHUNK)
        return pltpu.make_async_copy(out_r, out.at[:, pl.ds(cbase, _CHUNK)],
                                     osem)

    pass1(0, idxb[0], wxb[0], wyb[0], wzb[0])
    fire(idxb[0], texb[0], sems[0])

    def half(i, ch, p, q):
        @pl.when(ch + 1 < nchunk)
        def _():
            pass1(ch + 1, idxb[q], wxb[q], wyb[q], wzb[q])
            fire(idxb[q], texb[q], sems[q])

        drain(texb[p], sems[p])

        @pl.when(i > 0)
        def _():
            out_dma(ch - 2, outb[p], osems[p]).wait()

        pass2(texb[p], wxb[p], wyb[p], wzb[p], outb[p])
        out_dma(ch, outb[p], osems[p]).start()

    def pair(i, carry):
        half(i, 2 * i, 0, 1)
        half(i, 2 * i + 1, 1, 0)
        return carry

    lax.fori_loop(0, nchunk // 2, pair, 0, unroll=False)
    out_dma(nchunk - 2, outb[0], osems[0]).wait()
    out_dma(nchunk - 1, outb[1], osems[1]).wait()


def _sample(tab, uv, zc, idc):
    r = zc.shape[0]
    per_w = r // _NW
    f = pl.kernel(
        _body,
        out_type=jax.ShapeDtypeStruct((_C, r), jnp.float32),
        mesh=plsc.VectorSubcoreMesh(core_axis_name="c", subcore_axis_name="s"),
        compiler_params=pltpu.CompilerParams(needs_layout_passes=False,
                                             use_tc_tiling_on_sc=False),
        scratch_types=[
            pltpu.VMEM((2 * per_w,), jnp.float32),
            pltpu.VMEM((per_w,), jnp.float32),
            pltpu.VMEM((per_w,), jnp.int32),
            pltpu.VMEM((_NIDX,), jnp.int32),
            pltpu.VMEM((_NIDX,), jnp.int32),
            pltpu.VMEM((_CHUNK,), jnp.float32),
            pltpu.VMEM((_CHUNK,), jnp.float32),
            pltpu.VMEM((_CHUNK,), jnp.float32),
            pltpu.VMEM((_CHUNK,), jnp.float32),
            pltpu.VMEM((_CHUNK,), jnp.float32),
            pltpu.VMEM((_CHUNK,), jnp.float32),
            pltpu.VMEM((_NIDX, _C), jnp.float32),
            pltpu.VMEM((_NIDX, _C), jnp.float32),
            pltpu.VMEM((_C, _CHUNK), jnp.float32),
            pltpu.VMEM((_C, _CHUNK), jnp.float32),
            pltpu.SemaphoreType.DMA,
            pltpu.SemaphoreType.DMA,
            pltpu.SemaphoreType.DMA,
            pltpu.SemaphoreType.DMA,
        ],
    )
    return f(tab, uv, zc, idc)


def kernel(uv_coords, uv_idcs, subject_id, map0, map1, map2, map3):
    maps = (map0, map1, map2, map3)
    tab = jnp.concatenate(
        [jnp.transpose(m, (0, 2, 3, 1)).reshape(-1, _C) for m in maps],
        axis=0)
    idc = uv_idcs.astype(jnp.int32)
    return _sample(tab, uv_coords.reshape(-1), subject_id, idc)

# --- scband reference (transcript-rebuilt; emitter-appended) ---
"""Pipeline reference for scband-multi-subject-multi-texture-44349832299088 (READ-ONLY COPY).

The authoritative reference and input builder live on the scoring server;
editing this copy changes nothing except your own understanding.
"""

import jax, jax.numpy as jnp
import numpy as np

MAP_SHAPES = [(4, 16, 512, 512), (4, 16, 512, 512), (4, 16, 1024, 1024), (4, 16, 256, 256)]
R = 262144


def grid_sample_3d(vol, coords):
    # vol: (C, D, H, W); coords: (R, 3) in [-1, 1], order (x->W, y->H, z->D)
    # trilinear, padding_mode='border', align_corners=True
    C, D, H, W = vol.shape
    ix = (coords[:, 0] + 1.0) * 0.5 * (W - 1)
    iy = (coords[:, 1] + 1.0) * 0.5 * (H - 1)
    iz = (coords[:, 2] + 1.0) * 0.5 * (D - 1)
    ix = jnp.clip(ix, 0.0, W - 1)
    iy = jnp.clip(iy, 0.0, H - 1)
    iz = jnp.clip(iz, 0.0, D - 1)
    x0f = jnp.floor(ix); y0f = jnp.floor(iy); z0f = jnp.floor(iz)
    wx = ix - x0f; wy = iy - y0f; wz = iz - z0f
    x0 = jnp.clip(x0f.astype(jnp.int32), 0, W - 1)
    y0 = jnp.clip(y0f.astype(jnp.int32), 0, H - 1)
    z0 = jnp.clip(z0f.astype(jnp.int32), 0, D - 1)
    x1 = jnp.clip(x0 + 1, 0, W - 1)
    y1 = jnp.clip(y0 + 1, 0, H - 1)
    z1 = jnp.clip(z0 + 1, 0, D - 1)

    def g(zi, yi, xi):
        return vol[:, zi, yi, xi]  # (C, R)

    out = (g(z0, y0, x0) * ((1 - wz) * (1 - wy) * (1 - wx))[None, :]
           + g(z0, y0, x1) * ((1 - wz) * (1 - wy) * wx)[None, :]
           + g(z0, y1, x0) * ((1 - wz) * wy * (1 - wx))[None, :]
           + g(z0, y1, x1) * ((1 - wz) * wy * wx)[None, :]
           + g(z1, y0, x0) * (wz * (1 - wy) * (1 - wx))[None, :]
           + g(z1, y0, x1) * (wz * (1 - wy) * wx)[None, :]
           + g(z1, y1, x0) * (wz * wy * (1 - wx))[None, :]
           + g(z1, y1, x1) * (wz * wy * wx)[None, :])
    return out  # (C, R)


def setup_inputs(seed: int = 0) -> dict:
    key = jax.random.key(seed)
    ks = jax.random.split(key, 3 + len(MAP_SHAPES))
    uv_coords = jax.random.uniform(ks[0], (R, 2), dtype=jnp.float32, minval=-1.0, maxval=1.0)
    uv_idcs = jax.random.randint(ks[1], (R,), 0, len(MAP_SHAPES)).astype(jnp.int64)
    subject_id = jax.random.uniform(ks[2], (R,), dtype=jnp.float32, minval=-1.0, maxval=1.0)
    inp = {"uv_coords": uv_coords, "uv_idcs": uv_idcs, "subject_id": subject_id}
    for i, s in enumerate(MAP_SHAPES):
        inp[f"map{i}"] = jax.random.normal(ks[3 + i], s, dtype=jnp.float32) * 0.1
    return inp


def reference(uv_coords, uv_idcs, subject_id, map0, map1, map2, map3):
    maps = [map0, map1, map2, map3]
    C = maps[0].shape[1]
    Rr = uv_coords.shape[0]
    coords = jnp.concatenate([uv_coords, subject_id[:, None]], axis=-1)  # (R, 3)
    ret = jnp.zeros((C, Rr), dtype=uv_coords.dtype)
    for i, m in enumerate(maps):
        vol = jnp.transpose(m, (1, 0, 2, 3))  # (C, M, H, W)
        s = grid_sample_3d(vol, coords)  # (C, R)
        ret = jnp.where((uv_idcs == i)[None, :], s, ret)
    return ret  # (C, R)

if __name__ == "__main__":
    import jax
    _d = setup_inputs()
    print(jax.jit(kernel)(*tuple(_d.values())))

</pallas_src>

<mosaic_0001>
#map = affine_map<(d0, d1) -> (0, 0)>
#map1 = affine_map<(d0, d1) -> (0)>
module attributes {stable_mosaic.version = 14 : i64} {
  func.func @_body(%arg0: i32, %arg1: i32, %arg2: memref<6553600x16xf32, #tpu.memory_space<hbm>>, %arg3: memref<524288xf32, #tpu.memory_space<hbm>>, %arg4: memref<262144xf32, #tpu.memory_space<hbm>>, %arg5: memref<262144xi32, #tpu.memory_space<hbm>>, %arg6: memref<16x262144xf32, #tpu.memory_space<hbm>>, %arg7: memref<16384xf32, #tpu.memory_space<vmem>>, %arg8: memref<8192xf32, #tpu.memory_space<vmem>>, %arg9: memref<8192xi32, #tpu.memory_space<vmem>>, %arg10: memref<2048xi32, #tpu.memory_space<vmem>>, %arg11: memref<2048xi32, #tpu.memory_space<vmem>>, %arg12: memref<256xf32, #tpu.memory_space<vmem>>, %arg13: memref<256xf32, #tpu.memory_space<vmem>>, %arg14: memref<256xf32, #tpu.memory_space<vmem>>, %arg15: memref<256xf32, #tpu.memory_space<vmem>>, %arg16: memref<256xf32, #tpu.memory_space<vmem>>, %arg17: memref<256xf32, #tpu.memory_space<vmem>>, %arg18: memref<2048x16xf32, #tpu.memory_space<vmem>>, %arg19: memref<2048x16xf32, #tpu.memory_space<vmem>>, %arg20: memref<16x256xf32, #tpu.memory_space<vmem>>, %arg21: memref<16x256xf32, #tpu.memory_space<vmem>>, %arg22: memref<!tpu.dma_semaphore, #tpu.memory_space<semaphore_mem>>, %arg23: memref<!tpu.dma_semaphore, #tpu.memory_space<semaphore_mem>>, %arg24: memref<!tpu.dma_semaphore, #tpu.memory_space<semaphore_mem>>, %arg25: memref<!tpu.dma_semaphore, #tpu.memory_space<semaphore_mem>>) attributes {dimension_semantics = [#tpu.dimension_semantics<core_parallel>, #tpu.dimension_semantics<subcore_parallel>], iteration_bounds = array<i64: 2, 16>, scalar_prefetch = 0 : i64, scratch_operands = 19 : i64, tpu.core_type = #tpu.core_type<sc_vector_subcore>, window_params = [{transform_indices = #map}, {transform_indices = #map1}, {transform_indices = #map1}, {transform_indices = #map1}, {transform_indices = #map}]} {
    %mul3A = arith.constant 2 : i32
    %mul3A_0 = arith.muli %arg1, %mul3A : i32
    %add3A = arith.addi %mul3A_0, %arg0 : i32
    %mul3A_1 = arith.constant 8192 : i32
    %mul3A_2 = arith.muli %add3A, %mul3A_1 : i32
    %multiple_of3A = tpu.assume_multiple %mul3A_2, 256 : i32
    %mul3A_3 = arith.constant 2 : i32
    %mul3A_4 = arith.muli %mul3A_3, %multiple_of3A : i32
    "tpu.region"() ({
      %run_scoped3A = tpu.sem_alloc : memref<!tpu.dma_semaphore, #tpu.memory_space<semaphore_mem>>
      %dma_start3A_158 = tpu.memref_slice %arg3[%mul3A_4] : memref<524288xf32, #tpu.memory_space<hbm>> -> memref<16384xf32, #tpu.memory_space<hbm>>
      %dma_start3A_159 = tpu.memref_slice %arg3[%mul3A_4] : memref<524288xf32, #tpu.memory_space<hbm>> -> memref<16384xf32, #tpu.memory_space<hbm>>
      tpu.enqueue_dma source(%dma_start3A_159 : memref<16384xf32, #tpu.memory_space<hbm>>) target(%arg7 : memref<16384xf32, #tpu.memory_space<vmem>>) target_semaphore(%run_scoped3A : memref<!tpu.dma_semaphore, #tpu.memory_space<semaphore_mem>>)
      %dma_wait3A_160 = tpu.memref_slice %arg3[%mul3A_4] : memref<524288xf32, #tpu.memory_space<hbm>> -> memref<16384xf32, #tpu.memory_space<hbm>>
      %dma_wait3A_161 = tpu.memref_slice %arg3[%mul3A_4] : memref<524288xf32, #tpu.memory_space<hbm>> -> memref<16384xf32, #tpu.memory_space<hbm>>
      tpu.wait_dma2 semaphore(%run_scoped3A : memref<!tpu.dma_semaphore, #tpu.memory_space<semaphore_mem>>) src(%dma_wait3A_161 : memref<16384xf32, #tpu.memory_space<hbm>>) dst(%arg7 : memref<16384xf32, #tpu.memory_space<vmem>>)
      tpu.yield
    }) : () -> ()
    "tpu.region"() ({
      %run_scoped3A = tpu.sem_alloc : memref<!tpu.dma_semaphore, #tpu.memory_space<semaphore_mem>>
      %dma_start3A_158 = tpu.memref_slice %arg4[%multiple_of3A] : memref<262144xf32, #tpu.memory_space<hbm>> -> memref<8192xf32, #tpu.memory_space<hbm>>
      %dma_start3A_159 = tpu.memref_slice %arg4[%multiple_of3A] : memref<262144xf32, #tpu.memory_space<hbm>> -> memref<8192xf32, #tpu.memory_space<hbm>>
      tpu.enqueue_dma source(%dma_start3A_159 : memref<8192xf32, #tpu.memory_space<hbm>>) target(%arg8 : memref<8192xf32, #tpu.memory_space<vmem>>) target_semaphore(%run_scoped3A : memref<!tpu.dma_semaphore, #tpu.memory_space<semaphore_mem>>)
      %dma_wait3A_160 = tpu.memref_slice %arg4[%multiple_of3A] : memref<262144xf32, #tpu.memory_space<hbm>> -> memref<8192xf32, #tpu.memory_space<hbm>>
      %dma_wait3A_161 = tpu.memref_slice %arg4[%multiple_of3A] : memref<262144xf32, #tpu.memory_space<hbm>> -> memref<8192xf32, #tpu.memory_space<hbm>>
      tpu.wait_dma2 semaphore(%run_scoped3A : memref<!tpu.dma_semaphore, #tpu.memory_space<semaphore_mem>>) src(%dma_wait3A_161 : memref<8192xf32, #tpu.memory_space<hbm>>) dst(%arg8 : memref<8192xf32, #tpu.memory_space<vmem>>)
      tpu.yield
    }) : () -> ()
    "tpu.region"() ({
      %run_scoped3A = tpu.sem_alloc : memref<!tpu.dma_semaphore, #tpu.memory_space<semaphore_mem>>
      %dma_start3A_158 = tpu.memref_slice %arg5[%multiple_of3A] : memref<262144xi32, #tpu.memory_space<hbm>> -> memref<8192xi32, #tpu.memory_space<hbm>>
      %dma_start3A_159 = tpu.memref_slice %arg5[%multiple_of3A] : memref<262144xi32, #tpu.memory_space<hbm>> -> memref<8192xi32, #tpu.memory_space<hbm>>
      tpu.enqueue_dma source(%dma_start3A_159 : memref<8192xi32, #tpu.memory_space<hbm>>) target(%arg9 : memref<8192xi32, #tpu.memory_space<vmem>>) target_semaphore(%run_scoped3A : memref<!tpu.dma_semaphore, #tpu.memory_space<semaphore_mem>>)
      %dma_wait3A_160 = tpu.memref_slice %arg5[%multiple_of3A] : memref<262144xi32, #tpu.memory_space<hbm>> -> memref<8192xi32, #tpu.memory_space<hbm>>
      %dma_wait3A_161 = tpu.memref_slice %arg5[%multiple_of3A] : memref<262144xi32, #tpu.memory_space<hbm>> -> memref<8192xi32, #tpu.memory_space<hbm>>
      tpu.wait_dma2 semaphore(%run_scoped3A : memref<!tpu.dma_semaphore, #tpu.memory_space<semaphore_mem>>) src(%dma_wait3A_161 : memref<8192xi32, #tpu.memory_space<hbm>>) dst(%arg9 : memref<8192xi32, #tpu.memory_space<vmem>>)
      tpu.yield
    }) : () -> ()
    %multiple_of3A_5 = arith.constant 0 : i32
    %multiple_of3A_6 = tpu.assume_multiple %multiple_of3A_5, 256 : i32
    %scan3A = arith.constant 0 : i32
    %scan3A_7 = arith.constant 0 : i32
    %scan3A_8 = arith.constant 16 : i32
    %scan3A_9 = arith.addi %scan3A_7, %scan3A_8 : i32
    %scan3A_10 = arith.constant 1 : i32
    scf.for %scan3A_158 = %scan3A_7 to %scan3A_9 step %scan3A_10  : i32 {
      %mul3A_159 = arith.constant 16 : i32
      %mul3A_160 = arith.muli %scan3A_158, %mul3A_159 : i32
      %multiple_of3A_161 = tpu.assume_multiple %mul3A_160, 16 : i32
      %add3A_162 = arith.addi %multiple_of3A_6, %multiple_of3A_161 : i32
      %iota3A = tpu.iota {dimensions = array<i32: 0>} : vector<16xi32>
      %add3A_163 = vector.broadcast %add3A_162 : i32 to vector<16xi32>
      %add3A_164 = arith.addi %add3A_163, %iota3A : vector<16xi32>
      %add3A_165 = arith.addi %add3A_164, %add3A_164 : vector<16xi32>
      %gather3A = tpu.vector_load_idx %arg7[%add3A_165] : memref<16384xf32, #tpu.memory_space<vmem>>[vector<16xi32>], vector<16xf32>,
      %add3A_166 = arith.constant 1 : i32
      %add3A_167 = vector.broadcast %add3A_166 : i32 to vector<16xi32>
      %add3A_168 = arith.addi %add3A_165, %add3A_167 : vector<16xi32>
      %gather3A_169 = tpu.vector_load_idx %arg7[%add3A_168] : memref<16384xf32, #tpu.memory_space<vmem>>[vector<16xi32>], vector<16xf32>,
      %add3A_170 = arith.addi %multiple_of3A_6, %multiple_of3A_161 : i32
      %get3A = arith.index_cast %add3A_170 : i32 to index
      %get3A_171 = tpu.vector_load %arg8[%get3A] {strides = array<i32>} : memref<8192xf32, #tpu.memory_space<vmem>>, vector<16xf32>,
      %add3A_172 = arith.addi %multiple_of3A_6, %multiple_of3A_161 : i32
      %get3A_173 = arith.index_cast %add3A_172 : i32 to index
      %get3A_174 = tpu.vector_load %arg9[%get3A_173] {strides = array<i32>} : memref<8192xi32, #tpu.memory_space<vmem>>, vector<16xi32>,
      %eq3A = arith.constant 2 : i32
      %eq3A_175 = vector.broadcast %eq3A : i32 to vector<16xi32>
      %eq3A_176 = arith.cmpi eq, %get3A_174, %eq3A_175 : vector<16xi32>
      %eq3A_177 = arith.constant 3 : i32
      %eq3A_178 = vector.broadcast %eq3A_177 : i32 to vector<16xi32>
      %eq3A_179 = arith.cmpi eq, %get3A_174, %eq3A_178 : vector<16xi32>
      %jit3A = arith.constant 2.560000e+02 : f32
      %jit3A_180 = arith.constant 5.120000e+02 : f32
      %broadcast_in_dim3A = vector.broadcast %jit3A : f32 to vector<16xf32>
      %broadcast_in_dim3A_181 = vector.broadcast %jit3A_180 : f32 to vector<16xf32>
      %select_n3A = arith.select %eq3A_179, %broadcast_in_dim3A, %broadcast_in_dim3A_181 : vector<16xi1>, vector<16xf32>
      %jit3A_182 = arith.constant 1.024000e+03 : f32
      %broadcast_in_dim3A_183 = vector.broadcast %jit3A_182 : f32 to vector<16xf32>
      %select_n3A_184 = arith.select %eq3A_176, %broadcast_in_dim3A_183, %select_n3A : vector<16xi1>, vector<16xf32>
      %jit3A_185 = arith.constant 256 : i32
      %jit3A_186 = arith.constant 512 : i32
      %broadcast_in_dim3A_187 = vector.broadcast %jit3A_185 : i32 to vector<16xi32>
      %broadcast_in_dim3A_188 = vector.broadcast %jit3A_186 : i32 to vector<16xi32>
      %select_n3A_189 = arith.select %eq3A_179, %broadcast_in_dim3A_187, %broadcast_in_dim3A_188 : vector<16xi1>, vector<16xi32>
      %jit3A_190 = arith.constant 1024 : i32
      %broadcast_in_dim3A_191 = vector.broadcast %jit3A_190 : i32 to vector<16xi32>
      %select_n3A_192 = arith.select %eq3A_176, %broadcast_in_dim3A_191, %select_n3A_189 : vector<16xi1>, vector<16xi32>
      %eq3A_193 = arith.constant 0 : i32
      %eq3A_194 = vector.broadcast %eq3A_193 : i32 to vector<16xi32>
      %eq3A_195 = arith.cmpi eq, %get3A_174, %eq3A_194 : vector<16xi32>
      %eq3A_196 = arith.constant 1 : i32
      %eq3A_197 = vector.broadcast %eq3A_196 : i32 to vector<16xi32>
      %eq3A_198 = arith.cmpi eq, %get3A_174, %eq3A_197 : vector<16xi32>
      %jit3A_199 = arith.constant 2097152 : i32
      %jit3A_200 = arith.constant 6291456 : i32
      %broadcast_in_dim3A_201 = vector.broadcast %jit3A_199 : i32 to vector<16xi32>
      %broadcast_in_dim3A_202 = vector.broadcast %jit3A_200 : i32 to vector<16xi32>
      %select_n3A_203 = arith.select %eq3A_176, %broadcast_in_dim3A_201, %broadcast_in_dim3A_202 : vector<16xi1>, vector<16xi32>
      %jit3A_204 = arith.constant 1048576 : i32
      %broadcast_in_dim3A_205 = vector.broadcast %jit3A_204 : i32 to vector<16xi32>
      %select_n3A_206 = arith.select %eq3A_198, %broadcast_in_dim3A_205, %select_n3A_203 : vector<16xi1>, vector<16xi32>
      %jit3A_207 = arith.constant 0 : i32
      %broadcast_in_dim3A_208 = vector.broadcast %jit3A_207 : i32 to vector<16xi32>
      %select_n3A_209 = arith.select %eq3A_195, %broadcast_in_dim3A_208, %select_n3A_206 : vector<16xi1>, vector<16xi32>
      %sub3A = arith.constant 1.000000e+00 : f32
      %sub3A_210 = vector.broadcast %sub3A : f32 to vector<16xf32>
      %sub3A_211 = arith.subf %select_n3A_184, %sub3A_210 : vector<16xf32>
      %add3A_212 = arith.constant 1.000000e+00 : f32
      %add3A_213 = vector.broadcast %add3A_212 : f32 to vector<16xf32>
      %add3A_214 = arith.addf %gather3A, %add3A_213 : vector<16xf32>
      %mul3A_215 = arith.constant 5.000000e-01 : f32
      %mul3A_216 = vector.broadcast %mul3A_215 : f32 to vector<16xf32>
      %mul3A_217 = arith.mulf %add3A_214, %mul3A_216 : vector<16xf32>
      %mul3A_218 = arith.mulf %mul3A_217, %sub3A_211 : vector<16xf32>
      %jit3A_219 = arith.constant 0.000000e+00 : f32
      %max3A = vector.broadcast %jit3A_219 : f32 to vector<16xf32>
      %max3A_220 = arith.maximumf %max3A, %mul3A_218 : vector<16xf32>
      %min3A = arith.minimumf %sub3A_211, %max3A_220 : vector<16xf32>
      %add3A_221 = arith.constant 1.000000e+00 : f32
      %add3A_222 = vector.broadcast %add3A_221 : f32 to vector<16xf32>
      %add3A_223 = arith.addf %gather3A_169, %add3A_222 : vector<16xf32>
      %mul3A_224 = arith.constant 5.000000e-01 : f32
      %mul3A_225 = vector.broadcast %mul3A_224 : f32 to vector<16xf32>
      %mul3A_226 = arith.mulf %add3A_223, %mul3A_225 : vector<16xf32>
      %mul3A_227 = arith.mulf %mul3A_226, %sub3A_211 : vector<16xf32>
      %jit3A_228 = arith.constant 0.000000e+00 : f32
      %max3A_229 = vector.broadcast %jit3A_228 : f32 to vector<16xf32>
      %max3A_230 = arith.maximumf %max3A_229, %mul3A_227 : vector<16xf32>
      %min3A_231 = arith.minimumf %sub3A_211, %max3A_230 : vector<16xf32>
      %add3A_232 = arith.constant 1.000000e+00 : f32
      %add3A_233 = vector.broadcast %add3A_232 : f32 to vector<16xf32>
      %add3A_234 = arith.addf %get3A_171, %add3A_233 : vector<16xf32>
      %mul3A_235 = arith.constant 1.500000e+00 : f32
      %mul3A_236 = vector.broadcast %mul3A_235 : f32 to vector<16xf32>
      %mul3A_237 = arith.mulf %add3A_234, %mul3A_236 : vector<16xf32>
      %jit3A_238 = arith.constant 0.000000e+00 : f32
      %jit3A_239 = arith.constant 3.000000e+00 : f32
      %max3A_240 = vector.broadcast %jit3A_238 : f32 to vector<16xf32>
      %max3A_241 = arith.maximumf %max3A_240, %mul3A_237 : vector<16xf32>
      %min3A_242 = vector.broadcast %jit3A_239 : f32 to vector<16xf32>
      %min3A_243 = arith.minimumf %min3A_242, %max3A_241 : vector<16xf32>
      %convert_element_type3A = arith.fptosi %min3A : vector<16xf32> to vector<16xi32>
      %convert_element_type3A_244 = arith.fptosi %min3A_231 : vector<16xf32> to vector<16xi32>
      %convert_element_type3A_245 = arith.fptosi %min3A_243 : vector<16xf32> to vector<16xi32>
      %convert_element_type3A_246 = arith.sitofp %convert_element_type3A : vector<16xi32> to vector<16xf32>
      %sub3A_247 = arith.subf %min3A, %convert_element_type3A_246 : vector<16xf32>
      %convert_element_type3A_248 = arith.sitofp %convert_element_type3A_244 : vector<16xi32> to vector<16xf32>
      %sub3A_249 = arith.subf %min3A_231, %convert_element_type3A_248 : vector<16xf32>
      %convert_element_type3A_250 = arith.sitofp %convert_element_type3A_245 : vector<16xi32> to vector<16xf32>
      %sub3A_251 = arith.subf %min3A_243, %convert_element_type3A_250 : vector<16xf32>
      %add3A_252 = arith.constant 1 : i32
      %add3A_253 = vector.broadcast %add3A_252 : i32 to vector<16xi32>
      %add3A_254 = arith.addi %convert_element_type3A, %add3A_253 : vector<16xi32>
      %sub3A_255 = arith.constant 1 : i32
      %sub3A_256 = vector.broadcast %sub3A_255 : i32 to vector<16xi32>
      %sub3A_257 = arith.subi %select_n3A_192, %sub3A_256 : vector<16xi32>
      %min3A_258 = arith.minsi %add3A_254, %sub3A_257 : vector<16xi32>
      %add3A_259 = arith.constant 1 : i32
      %add3A_260 = vector.broadcast %add3A_259 : i32 to vector<16xi32>
      %add3A_261 = arith.addi %convert_element_type3A_244, %add3A_260 : vector<16xi32>
      %sub3A_262 = arith.constant 1 : i32
      %sub3A_263 = vector.broadcast %sub3A_262 : i32 to vector<16xi32>
      %sub3A_264 = arith.subi %select_n3A_192, %sub3A_263 : vector<16xi32>
      %min3A_265 = arith.minsi %add3A_261, %sub3A_264 : vector<16xi32>
      %add3A_266 = arith.constant 1 : i32
      %add3A_267 = vector.broadcast %add3A_266 : i32 to vector<16xi32>
      %add3A_268 = arith.addi %convert_element_type3A_245, %add3A_267 : vector<16xi32>
      %min3A_269 = arith.constant 3 : i32
      %min3A_270 = vector.broadcast %min3A_269 : i32 to vector<16xi32>
      %min3A_271 = arith.minsi %add3A_268, %min3A_270 : vector<16xi32>
      %mul3A_272 = arith.muli %select_n3A_192, %select_n3A_192 : vector<16xi32>
      %mul3A_273 = arith.muli %convert_element_type3A_245, %mul3A_272 : vector<16xi32>
      %add3A_274 = arith.addi %select_n3A_209, %mul3A_273 : vector<16xi32>
      %mul3A_275 = arith.muli %convert_element_type3A_244, %select_n3A_192 : vector<16xi32>
      %add3A_276 = arith.addi %add3A_274, %mul3A_275 : vector<16xi32>
      %mul3A_277 = arith.muli %convert_element_type3A_245, %mul3A_272 : vector<16xi32>
      %add3A_278 = arith.addi %select_n3A_209, %mul3A_277 : vector<16xi32>
      %mul3A_279 = arith.muli %min3A_265, %select_n3A_192 : vector<16xi32>
      %add3A_280 = arith.addi %add3A_278, %mul3A_279 : vector<16xi32>
      %mul3A_281 = arith.muli %min3A_271, %mul3A_272 : vector<16xi32>
      %add3A_282 = arith.addi %select_n3A_209, %mul3A_281 : vector<16xi32>
      %mul3A_283 = arith.muli %convert_element_type3A_244, %select_n3A_192 : vector<16xi32>
      %add3A_284 = arith.addi %add3A_282, %mul3A_283 : vector<16xi32>
      %mul3A_285 = arith.muli %min3A_271, %mul3A_272 : vector<16xi32>
      %add3A_286 = arith.addi %select_n3A_209, %mul3A_285 : vector<16xi32>
      %mul3A_287 = arith.muli %min3A_265, %select_n3A_192 : vector<16xi32>
      %add3A_288 = arith.addi %add3A_286, %mul3A_287 : vector<16xi32>
      %add3A_289 = arith.addi %add3A_276, %convert_element_type3A : vector<16xi32>
      %add3A_290 = arith.addi %add3A_276, %min3A_258 : vector<16xi32>
      %add3A_291 = arith.addi %add3A_280, %convert_element_type3A : vector<16xi32>
      %add3A_292 = arith.addi %add3A_280, %min3A_258 : vector<16xi32>
      %add3A_293 = arith.addi %add3A_284, %convert_element_type3A : vector<16xi32>
      %add3A_294 = arith.addi %add3A_284, %min3A_258 : vector<16xi32>
      %add3A_295 = arith.addi %add3A_288, %convert_element_type3A : vector<16xi32>
      %add3A_296 = arith.addi %add3A_288, %min3A_258 : vector<16xi32>
      %add3A_297 = arith.constant 0 : i32
      %add3A_298 = arith.addi %multiple_of3A_161, %add3A_297 : i32
      %swap3A = arith.index_cast %add3A_298 : i32 to index
      %swap3A_299 = tpu.vector_load %arg10[%swap3A] {strides = array<i32>} : memref<2048xi32, #tpu.memory_space<vmem>>, vector<16xi32>,
      tpu.vector_store %arg10[%swap3A], %add3A_289 {strides = array<i32>} : memref<2048xi32, #tpu.memory_space<vmem>>, vector<16xi32>,
      %add3A_300 = arith.constant 256 : i32
      %add3A_301 = arith.addi %multiple_of3A_161, %add3A_300 : i32
      %swap3A_302 = arith.index_cast %add3A_301 : i32 to index
      %swap3A_303 = tpu.vector_load %arg10[%swap3A_302] {strides = array<i32>} : memref<2048xi32, #tpu.memory_space<vmem>>, vector<16xi32>,
      tpu.vector_store %arg10[%swap3A_302], %add3A_290 {strides = array<i32>} : memref<2048xi32, #tpu.memory_space<vmem>>, vector<16xi32>,
      %add3A_304 = arith.constant 512 : i32
      %add3A_305 = arith.addi %multiple_of3A_161, %add3A_304 : i32
      %swap3A_306 = arith.index_cast %add3A_305 : i32 to index
      %swap3A_307 = tpu.vector_load %arg10[%swap3A_306] {strides = array<i32>} : memref<2048xi32, #tpu.memory_space<vmem>>, vector<16xi32>,
      tpu.vector_store %arg10[%swap3A_306], %add3A_291 {strides = array<i32>} : memref<2048xi32, #tpu.memory_space<vmem>>, vector<16xi32>,
      %add3A_308 = arith.constant 768 : i32
      %add3A_309 = arith.addi %multiple_of3A_161, %add3A_308 : i32
      %swap3A_310 = arith.index_cast %add3A_309 : i32 to index
      %swap3A_311 = tpu.vector_load %arg10[%swap3A_310] {strides = array<i32>} : memref<2048xi32, #tpu.memory_space<vmem>>, vector<16xi32>,
      tpu.vector_store %arg10[%swap3A_310], %add3A_292 {strides = array<i32>} : memref<2048xi32, #tpu.memory_space<vmem>>, vector<16xi32>,
      %add3A_312 = arith.constant 1024 : i32
      %add3A_313 = arith.addi %multiple_of3A_161, %add3A_312 : i32
      %swap3A_314 = arith.index_cast %add3A_313 : i32 to index
      %swap3A_315 = tpu.vector_load %arg10[%swap3A_314] {strides = array<i32>} : memref<2048xi32, #tpu.memory_space<vmem>>, vector<16xi32>,
      tpu.vector_store %arg10[%swap3A_314], %add3A_293 {strides = array<i32>} : memref<2048xi32, #tpu.memory_space<vmem>>, vector<16xi32>,
      %add3A_316 = arith.constant 1280 : i32
      %add3A_317 = arith.addi %multiple_of3A_161, %add3A_316 : i32
      %swap3A_318 = arith.index_cast %add3A_317 : i32 to index
      %swap3A_319 = tpu.vector_load %arg10[%swap3A_318] {strides = array<i32>} : memref<2048xi32, #tpu.memory_space<vmem>>, vector<16xi32>,
      tpu.vector_store %arg10[%swap3A_318], %add3A_294 {strides = array<i32>} : memref<2048xi32, #tpu.memory_space<vmem>>, vector<16xi32>,
      %add3A_320 = arith.constant 1536 : i32
      %add3A_321 = arith.addi %multiple_of3A_161, %add3A_320 : i32
      %swap3A_322 = arith.index_cast %add3A_321 : i32 to index
      %swap3A_323 = tpu.vector_load %arg10[%swap3A_322] {strides = array<i32>} : memref<2048xi32, #tpu.memory_space<vmem>>, vector<16xi32>,
      tpu.vector_store %arg10[%swap3A_322], %add3A_295 {strides = array<i32>} : memref<2048xi32, #tpu.memory_space<vmem>>, vector<16xi32>,
      %add3A_324 = arith.constant 1792 : i32
      %add3A_325 = arith.addi %multiple_of3A_161, %add3A_324 : i32
      %swap3A_326 = arith.index_cast %add3A_325 : i32 to index
      %swap3A_327 = tpu.vector_load %arg10[%swap3A_326] {strides = array<i32>} : memref<2048xi32, #tpu.memory_space<vmem>>, vector<16xi32>,
      tpu.vector_store %arg10[%swap3A_326], %add3A_296 {strides = array<i32>} : memref<2048xi32, #tpu.memory_space<vmem>>, vector<16xi32>,
      %swap3A_328 = arith.index_cast %multiple_of3A_161 : i32 to index
      %swap3A_329 = tpu.vector_load %arg12[%swap3A_328] {strides = array<i32>} : memref<256xf32, #tpu.memory_space<vmem>>, vector<16xf32>,
      tpu.vector_store %arg12[%swap3A_328], %sub3A_247 {strides = array<i32>} : memref<256xf32, #tpu.memory_space<vmem>>, vector<16xf32>,
      %swap3A_330 = arith.index_cast %multiple_of3A_161 : i32 to index
      %swap3A_331 = tpu.vector_load %arg14[%swap3A_330] {strides = array<i32>} : memref<256xf32, #tpu.memory_space<vmem>>, vector<16xf32>,
      tpu.vector_store %arg14[%swap3A_330], %sub3A_249 {strides = array<i32>} : memref<256xf32, #tpu.memory_space<vmem>>, vector<16xf32>,
      %swap3A_332 = arith.index_cast %multiple_of3A_161 : i32 to index
      %swap3A_333 = tpu.vector_load %arg16[%swap3A_332] {strides = array<i32>} : memref<256xf32, #tpu.memory_space<vmem>>, vector<16xf32>,
      tpu.vector_store %arg16[%swap3A_332], %sub3A_251 {strides = array<i32>} : memref<256xf32, #tpu.memory_space<vmem>>, vector<16xf32>,
    }
    %scan3A_11 = arith.constant 16 : i32
    %dma_start3A = arith.constant 0 : i32
    %dma_start3A_12 = arith.constant 0 : i32
    %dma_start3A_13 = tpu.memref_slice %arg18[%dma_start3A, %dma_start3A_12] : memref<2048x16xf32, #tpu.memory_space<vmem>> -> memref<128x16xf32, #tpu.memory_space<vmem>>
    %dma_start3A_14 = arith.constant 0 : i32
    %dma_start3A_15 = tpu.memref_slice %arg10[%dma_start3A_14] : memref<2048xi32, #tpu.memory_space<vmem>> -> memref<128xi32, #tpu.memory_space<vmem>>
    %dma_start3A_16 = arith.constant 0 : i32
    %dma_start3A_17 = arith.constant 0 : i32
    %dma_start3A_18 = tpu.memref_slice %arg2[%dma_start3A_16, %dma_start3A_17] : memref<6553600x16xf32, #tpu.memory_space<hbm>> -> memref<6553600x16xf32, #tpu.memory_space<hbm>>
    tpu.enqueue_indirect_dma source(%dma_start3A_18 : memref<6553600x16xf32, #tpu.memory_space<hbm>>) target(%dma_start3A_13 : memref<128x16xf32, #tpu.memory_space<vmem>>) offsets(%dma_start3A_15 : memref<128xi32, #tpu.memory_space<vmem>>) semaphore(%arg22 : memref<!tpu.dma_semaphore, #tpu.memory_space<semaphore_mem>>)
    %dma_start3A_19 = arith.constant 128 : i32
    %dma_start3A_20 = arith.constant 0 : i32
    %dma_start3A_21 = tpu.memref_slice %arg18[%dma_start3A_19, %dma_start3A_20] : memref<2048x16xf32, #tpu.memory_space<vmem>> -> memref<128x16xf32, #tpu.memory_space<vmem>>
    %dma_start3A_22 = arith.constant 128 : i32
    %dma_start3A_23 = tpu.memref_slice %arg10[%dma_start3A_22] : memref<2048xi32, #tpu.memory_space<vmem>> -> memref<128xi32, #tpu.memory_space<vmem>>
    %dma_start3A_24 = arith.constant 0 : i32
    %dma_start3A_25 = arith.constant 0 : i32
    %dma_start3A_26 = tpu.memref_slice %arg2[%dma_start3A_24, %dma_start3A_25] : memref<6553600x16xf32, #tpu.memory_space<hbm>> -> memref<6553600x16xf32, #tpu.memory_space<hbm>>
    tpu.enqueue_indirect_dma source(%dma_start3A_26 : memref<6553600x16xf32, #tpu.memory_space<hbm>>) target(%dma_start3A_21 : memref<128x16xf32, #tpu.memory_space<vmem>>) offsets(%dma_start3A_23 : memref<128xi32, #tpu.memory_space<vmem>>) semaphore(%arg22 : memref<!tpu.dma_semaphore, #tpu.memory_space<semaphore_mem>>)
    %dma_start3A_27 = arith.constant 256 : i32
    %dma_start3A_28 = arith.constant 0 : i32
    %dma_start3A_29 = tpu.memref_slice %arg18[%dma_start3A_27, %dma_start3A_28] : memref<2048x16xf32, #tpu.memory_space<vmem>> -> memref<128x16xf32, #tpu.memory_space<vmem>>
    %dma_start3A_30 = arith.constant 256 : i32
    %dma_start3A_31 = tpu.memref_slice %arg10[%dma_start3A_30] : memref<2048xi32, #tpu.memory_space<vmem>> -> memref<128xi32, #tpu.memory_space<vmem>>
    %dma_start3A_32 = arith.constant 0 : i32
    %dma_start3A_33 = arith.constant 0 : i32
    %dma_start3A_34 = tpu.memref_slice %arg2[%dma_start3A_32, %dma_start3A_33] : memref<6553600x16xf32, #tpu.memory_space<hbm>> -> memref<6553600x16xf32, #tpu.memory_space<hbm>>
    tpu.enqueue_indirect_dma source(%dma_start3A_34 : memref<6553600x16xf32, #tpu.memory_space<hbm>>) target(%dma_start3A_29 : memref<128x16xf32, #tpu.memory_space<vmem>>) offsets(%dma_start3A_31 : memref<128xi32, #tpu.memory_space<vmem>>) semaphore(%arg22 : memref<!tpu.dma_semaphore, #tpu.memory_space<semaphore_mem>>)
    %dma_start3A_35 = arith.constant 384 : i32
    %dma_start3A_36 = arith.constant 0 : i32
    %dma_start3A_37 = tpu.memref_slice %arg18[%dma_start3A_35, %dma_start3A_36] : memref<2048x16xf32, #tpu.memory_space<vmem>> -> memref<128x16xf32, #tpu.memory_space<vmem>>
    %dma_start3A_38 = arith.constant 384 : i32
    %dma_start3A_39 = tpu.memref_slice %arg10[%dma_start3A_38] : memref<2048xi32, #tpu.memory_space<vmem>> -> memref<128xi32, #tpu.memory_space<vmem>>
    %dma_start3A_40 = arith.constant 0 : i32
    %dma_start3A_41 = arith.constant 0 : i32
    %dma_start3A_42 = tpu.memref_slice %arg2[%dma_start3A_40, %dma_start3A_41] : memref<6553600x16xf32, #tpu.memory_space<hbm>> -> memref<6553600x16xf32, #tpu.memory_space<hbm>>
    tpu.enqueue_indirect_dma source(%dma_start3A_42 : memref<6553600x16xf32, #tpu.memory_space<hbm>>) target(%dma_start3A_37 : memref<128x16xf32, #tpu.memory_space<vmem>>) offsets(%dma_start3A_39 : memref<128xi32, #tpu.memory_space<vmem>>) semaphore(%arg22 : memref<!tpu.dma_semaphore, #tpu.memory_space<semaphore_mem>>)
    %dma_start3A_43 = arith.constant 512 : i32
    %dma_start3A_44 = arith.constant 0 : i32
    %dma_start3A_45 = tpu.memref_slice %arg18[%dma_start3A_43, %dma_start3A_44] : memref<2048x16xf32, #tpu.memory_space<vmem>> -> memref<128x16xf32, #tpu.memory_space<vmem>>
    %dma_start3A_46 = arith.constant 512 : i32
    %dma_start3A_47 = tpu.memref_slice %arg10[%dma_start3A_46] : memref<2048xi32, #tpu.memory_space<vmem>> -> memref<128xi32, #tpu.memory_space<vmem>>
    %dma_start3A_48 = arith.constant 0 : i32
    %dma_start3A_49 = arith.constant 0 : i32
    %dma_start3A_50 = tpu.memref_slice %arg2[%dma_start3A_48, %dma_start3A_49] : memref<6553600x16xf32, #tpu.memory_space<hbm>> -> memref<6553600x16xf32, #tpu.memory_space<hbm>>
    tpu.enqueue_indirect_dma source(%dma_start3A_50 : memref<6553600x16xf32, #tpu.memory_space<hbm>>) target(%dma_start3A_45 : memref<128x16xf32, #tpu.memory_space<vmem>>) offsets(%dma_start3A_47 : memref<128xi32, #tpu.memory_space<vmem>>) semaphore(%arg22 : memref<!tpu.dma_semaphore, #tpu.memory_space<semaphore_mem>>)
    %dma_start3A_51 = arith.constant 640 : i32
    %dma_start3A_52 = arith.constant 0 : i32
    %dma_start3A_53 = tpu.memref_slice %arg18[%dma_start3A_51, %dma_start3A_52] : memref<2048x16xf32, #tpu.memory_space<vmem>> -> memref<128x16xf32, #tpu.memory_space<vmem>>
    %dma_start3A_54 = arith.constant 640 : i32
    %dma_start3A_55 = tpu.memref_slice %arg10[%dma_start3A_54] : memref<2048xi32, #tpu.memory_space<vmem>> -> memref<128xi32, #tpu.memory_space<vmem>>
    %dma_start3A_56 = arith.constant 0 : i32
    %dma_start3A_57 = arith.constant 0 : i32
    %dma_start3A_58 = tpu.memref_slice %arg2[%dma_start3A_56, %dma_start3A_57] : memref<6553600x16xf32, #tpu.memory_space<hbm>> -> memref<6553600x16xf32, #tpu.memory_space<hbm>>
    tpu.enqueue_indirect_dma source(%dma_start3A_58 : memref<6553600x16xf32, #tpu.memory_space<hbm>>) target(%dma_start3A_53 : memref<128x16xf32, #tpu.memory_space<vmem>>) offsets(%dma_start3A_55 : memref<128xi32, #tpu.memory_space<vmem>>) semaphore(%arg22 : memref<!tpu.dma_semaphore, #tpu.memory_space<semaphore_mem>>)
    %dma_start3A_59 = arith.constant 768 : i32
    %dma_start3A_60 = arith.constant 0 : i32
    %dma_start3A_61 = tpu.memref_slice %arg18[%dma_start3A_59, %dma_start3A_60] : memref<2048x16xf32, #tpu.memory_space<vmem>> -> memref<128x16xf32, #tpu.memory_space<vmem>>
    %dma_start3A_62 = arith.constant 768 : i32
    %dma_start3A_63 = tpu.memref_slice %arg10[%dma_start3A_62] : memref<2048xi32, #tpu.memory_space<vmem>> -> memref<128xi32, #tpu.memory_space<vmem>>
    %dma_start3A_64 = arith.constant 0 : i32
    %dma_start3A_65 = arith.constant 0 : i32
    %dma_start3A_66 = tpu.memref_slice %arg2[%dma_start3A_64, %dma_start3A_65] : memref<6553600x16xf32, #tpu.memory_space<hbm>> -> memref<6553600x16xf32, #tpu.memory_space<hbm>>
    tpu.enqueue_indirect_dma source(%dma_start3A_66 : memref<6553600x16xf32, #tpu.memory_space<hbm>>) target(%dma_start3A_61 : memref<128x16xf32, #tpu.memory_space<vmem>>) offsets(%dma_start3A_63 : memref<128xi32, #tpu.memory_space<vmem>>) semaphore(%arg22 : memref<!tpu.dma_semaphore, #tpu.memory_space<semaphore_mem>>)
    %dma_start3A_67 = arith.constant 896 : i32
    %dma_start3A_68 = arith.constant 0 : i32
    %dma_start3A_69 = tpu.memref_slice %arg18[%dma_start3A_67, %dma_start3A_68] : memref<2048x16xf32, #tpu.memory_space<vmem>> -> memref<128x16xf32, #tpu.memory_space<vmem>>
    %dma_start3A_70 = arith.constant 896 : i32
    %dma_start3A_71 = tpu.memref_slice %arg10[%dma_start3A_70] : memref<2048xi32, #tpu.memory_space<vmem>> -> memref<128xi32, #tpu.memory_space<vmem>>
    %dma_start3A_72 = arith.constant 0 : i32
    %dma_start3A_73 = arith.constant 0 : i32
    %dma_start3A_74 = tpu.memref_slice %arg2[%dma_start3A_72, %dma_start3A_73] : memref<6553600x16xf32, #tpu.memory_space<hbm>> -> memref<6553600x16xf32, #tpu.memory_space<hbm>>
    tpu.enqueue_indirect_dma source(%dma_start3A_74 : memref<6553600x16xf32, #tpu.memory_space<hbm>>) target(%dma_start3A_69 : memref<128x16xf32, #tpu.memory_space<vmem>>) offsets(%dma_start3A_71 : memref<128xi32, #tpu.memory_space<vmem>>) semaphore(%arg22 : memref<!tpu.dma_semaphore, #tpu.memory_space<semaphore_mem>>)
    %dma_start3A_75 = arith.constant 1024 : i32
    %dma_start3A_76 = arith.constant 0 : i32
    %dma_start3A_77 = tpu.memref_slice %arg18[%dma_start3A_75, %dma_start3A_76] : memref<2048x16xf32, #tpu.memory_space<vmem>> -> memref<128x16xf32, #tpu.memory_space<vmem>>
    %dma_start3A_78 = arith.constant 1024 : i32
    %dma_start3A_79 = tpu.memref_slice %arg10[%dma_start3A_78] : memref<2048xi32, #tpu.memory_space<vmem>> -> memref<128xi32, #tpu.memory_space<vmem>>
    %dma_start3A_80 = arith.constant 0 : i32
    %dma_start3A_81 = arith.constant 0 : i32
    %dma_start3A_82 = tpu.memref_slice %arg2[%dma_start3A_80, %dma_start3A_81] : memref<6553600x16xf32, #tpu.memory_space<hbm>> -> memref<6553600x16xf32, #tpu.memory_space<hbm>>
    tpu.enqueue_indirect_dma source(%dma_start3A_82 : memref<6553600x16xf32, #tpu.memory_space<hbm>>) target(%dma_start3A_77 : memref<128x16xf32, #tpu.memory_space<vmem>>) offsets(%dma_start3A_79 : memref<128xi32, #tpu.memory_space<vmem>>) semaphore(%arg22 : memref<!tpu.dma_semaphore, #tpu.memory_space<semaphore_mem>>)
    %dma_start3A_83 = arith.constant 1152 : i32
    %dma_start3A_84 = arith.constant 0 : i32
    %dma_start3A_85 = tpu.memref_slice %arg18[%dma_start3A_83, %dma_start3A_84] : memref<2048x16xf32, #tpu.memory_space<vmem>> -> memref<128x16xf32, #tpu.memory_space<vmem>>
    %dma_start3A_86 = arith.constant 1152 : i32
    %dma_start3A_87 = tpu.memref_slice %arg10[%dma_start3A_86] : memref<2048xi32, #tpu.memory_space<vmem>> -> memref<128xi32, #tpu.memory_space<vmem>>
    %dma_start3A_88 = arith.constant 0 : i32
    %dma_start3A_89 = arith.constant 0 : i32
    %dma_start3A_90 = tpu.memref_slice %arg2[%dma_start3A_88, %dma_start3A_89] : memref<6553600x16xf32, #tpu.memory_space<hbm>> -> memref<6553600x16xf32, #tpu.memory_space<hbm>>
    tpu.enqueue_indirect_dma source(%dma_start3A_90 : memref<6553600x16xf32, #tpu.memory_space<hbm>>) target(%dma_start3A_85 : memref<128x16xf32, #tpu.memory_space<vmem>>) offsets(%dma_start3A_87 : memref<128xi32, #tpu.memory_space<vmem>>) semaphore(%arg22 : memref<!tpu.dma_semaphore, #tpu.memory_space<semaphore_mem>>)
    %dma_start3A_91 = arith.constant 1280 : i32
    %dma_start3A_92 = arith.constant 0 : i32
    %dma_start3A_93 = tpu.memref_slice %arg18[%dma_start3A_91, %dma_start3A_92] : memref<2048x16xf32, #tpu.memory_space<vmem>> -> memref<128x16xf32, #tpu.memory_space<vmem>>
    %dma_start3A_94 = arith.constant 1280 : i32
    %dma_start3A_95 = tpu.memref_slice %arg10[%dma_start3A_94] : memref<2048xi32, #tpu.memory_space<vmem>> -> memref<128xi32, #tpu.memory_space<vmem>>
    %dma_start3A_96 = arith.constant 0 : i32
    %dma_start3A_97 = arith.constant 0 : i32
    %dma_start3A_98 = tpu.memref_slice %arg2[%dma_start3A_96, %dma_start3A_97] : memref<6553600x16xf32, #tpu.memory_space<hbm>> -> memref<6553600x16xf32, #tpu.memory_space<hbm>>
    tpu.enqueue_indirect_dma source(%dma_start3A_98 : memref<6553600x16xf32, #tpu.memory_space<hbm>>) target(%dma_start3A_93 : memref<128x16xf32, #tpu.memory_space<vmem>>) offsets(%dma_start3A_95 : memref<128xi32, #tpu.memory_space<vmem>>) semaphore(%arg22 : memref<!tpu.dma_semaphore, #tpu.memory_space<semaphore_mem>>)
    %dma_start3A_99 = arith.constant 1408 : i32
    %dma_start3A_100 = arith.constant 0 : i32
    %dma_start3A_101 = tpu.memref_slice %arg18[%dma_start3A_99, %dma_start3A_100] : memref<2048x16xf32, #tpu.memory_space<vmem>> -> memref<128x16xf32, #tpu.memory_space<vmem>>
    %dma_start3A_102 = arith.constant 1408 : i32
    %dma_start3A_103 = tpu.memref_slice %arg10[%dma_start3A_102] : memref<2048xi32, #tpu.memory_space<vmem>> -> memref<128xi32, #tpu.memory_space<vmem>>
    %dma_start3A_104 = arith.constant 0 : i32
    %dma_start3A_105 = arith.constant 0 : i32
    %dma_start3A_106 = tpu.memref_slice %arg2[%dma_start3A_104, %dma_start3A_105] : memref<6553600x16xf32, #tpu.memory_space<hbm>> -> memref<6553600x16xf32, #tpu.memory_space<hbm>>
    tpu.enqueue_indirect_dma source(%dma_start3A_106 : memref<6553600x16xf32, #tpu.memory_space<hbm>>) target(%dma_start3A_101 : memref<128x16xf32, #tpu.memory_space<vmem>>) offsets(%dma_start3A_103 : memref<128xi32, #tpu.memory_space<vmem>>) semaphore(%arg22 : memref<!tpu.dma_semaphore, #tpu.memory_space<semaphore_mem>>)
    %dma_start3A_107 = arith.constant 1536 : i32
    %dma_start3A_108 = arith.constant 0 : i32
    %dma_start3A_109 = tpu.memref_slice %arg18[%dma_start3A_107, %dma_start3A_108] : memref<2048x16xf32, #tpu.memory_space<vmem>> -> memref<128x16xf32, #tpu.memory_space<vmem>>
    %dma_start3A_110 = arith.constant 1536 : i32
    %dma_start3A_111 = tpu.memref_slice %arg10[%dma_start3A_110] : memref<2048xi32, #tpu.memory_space<vmem>> -> memref<128xi32, #tpu.memory_space<vmem>>
    %dma_start3A_112 = arith.constant 0 : i32
    %dma_start3A_113 = arith.constant 0 : i32
    %dma_start3A_114 = tpu.memref_slice %arg2[%dma_start3A_112, %dma_start3A_113] : memref<6553600x16xf32, #tpu.memory_space<hbm>> -> memref<6553600x16xf32, #tpu.memory_space<hbm>>
    tpu.enqueue_indirect_dma source(%dma_start3A_114 : memref<6553600x16xf32, #tpu.memory_space<hbm>>) target(%dma_start3A_109 : memref<128x16xf32, #tpu.memory_space<vmem>>) offsets(%dma_start3A_111 : memref<128xi32, #tpu.memory_space<vmem>>) semaphore(%arg22 : memref<!tpu.dma_semaphore, #tpu.memory_space<semaphore_mem>>)
    %dma_start3A_115 = arith.constant 1664 : i32
    %dma_start3A_116 = arith.constant 0 : i32
    %dma_start3A_117 = tpu.memref_slice %arg18[%dma_start3A_115, %dma_start3A_116] : memref<2048x16xf32, #tpu.memory_space<vmem>> -> memref<128x16xf32, #tpu.memory_space<vmem>>
    %dma_start3A_118 = arith.constant 1664 : i32
    %dma_start3A_119 = tpu.memref_slice %arg10[%dma_start3A_118] : memref<2048xi32, #tpu.memory_space<vmem>> -> memref<128xi32, #tpu.memory_space<vmem>>
    %dma_start3A_120 = arith.constant 0 : i32
    %dma_start3A_121 = arith.constant 0 : i32
    %dma_start3A_122 = tpu.memref_slice %arg2[%dma_start3A_120, %dma_start3A_121] : memref<6553600x16xf32, #tpu.memory_space<hbm>> -> memref<6553600x16xf32, #tpu.memory_space<hbm>>
    tpu.enqueue_indirect_dma source(%dma_start3A_122 : memref<6553600x16xf32, #tpu.memory_space<hbm>>) target(%dma_start3A_117 : memref<128x16xf32, #tpu.memory_space<vmem>>) offsets(%dma_start3A_119 : memref<128xi32, #tpu.memory_space<vmem>>) semaphore(%arg22 : memref<!tpu.dma_semaphore, #tpu.memory_space<semaphore_mem>>)
    %dma_start3A_123 = arith.constant 1792 : i32
    %dma_start3A_124 = arith.constant 0 : i32
    %dma_start3A_125 = tpu.memref_slice %arg18[%dma_start3A_123, %dma_start3A_124] : memref<2048x16xf32, #tpu.memory_space<vmem>> -> memref<128x16xf32, #tpu.memory_space<vmem>>
    %dma_start3A_126 = arith.constant 1792 : i32
    %dma_start3A_127 = tpu.memref_slice %arg10[%dma_start3A_126] : memref<2048xi32, #tpu.memory_space<vmem>> -> memref<128xi32, #tpu.memory_space<vmem>>
    %dma_start3A_128 = arith.constant 0 : i32
    %dma_start3A_129 = arith.constant 0 : i32
    %dma_start3A_130 = tpu.memref_slice %arg2[%dma_start3A_128, %dma_start3A_129] : memref<6553600x16xf32, #tpu.memory_space<hbm>> -> memref<6553600x16xf32, #tpu.memory_space<hbm>>
    tpu.enqueue_indirect_dma source(%dma_start3A_130 : memref<6553600x16xf32, #tpu.memory_space<hbm>>) target(%dma_start3A_125 : memref<128x16xf32, #tpu.memory_space<vmem>>) offsets(%dma_start3A_127 : memref<128xi32, #tpu.memory_space<vmem>>) semaphore(%arg22 : memref<!tpu.dma_semaphore, #tpu.memory_space<semaphore_mem>>)
    %dma_start3A_131 = arith.constant 1920 : i32
    %dma_start3A_132 = arith.constant 0 : i32
    %dma_start3A_133 = tpu.memref_slice %arg18[%dma_start3A_131, %dma_start3A_132] : memref<2048x16xf32, #tpu.memory_space<vmem>> -> memref<128x16xf32, #tpu.memory_space<vmem>>
    %dma_start3A_134 = arith.constant 1920 : i32
    %dma_start3A_135 = tpu.memref_slice %arg10[%dma_start3A_134] : memref<2048xi32, #tpu.memory_space<vmem>> -> memref<128xi32, #tpu.memory_space<vmem>>
    %dma_start3A_136 = arith.constant 0 : i32
    %dma_start3A_137 = arith.constant 0 : i32
    %dma_start3A_138 = tpu.memref_slice %arg2[%dma_start3A_136, %dma_start3A_137] : memref<6553600x16xf32, #tpu.memory_space<hbm>> -> memref<6553600x16xf32, #tpu.memory_space<hbm>>
    tpu.enqueue_indirect_dma source(%dma_start3A_138 : memref<6553600x16xf32, #tpu.memory_space<hbm>>) target(%dma_start3A_133 : memref<128x16xf32, #tpu.memory_space<vmem>>) offsets(%dma_start3A_135 : memref<128xi32, #tpu.memory_space<vmem>>) semaphore(%arg22 : memref<!tpu.dma_semaphore, #tpu.memory_space<semaphore_mem>>)
    %scan3A_139 = arith.constant 0 : i32
    %scan3A_140 = arith.constant 0 : i32
    %scan3A_141 = arith.constant 16 : i32
    %scan3A_142 = arith.addi %scan3A_140, %scan3A_141 : i32
    %scan3A_143 = arith.constant 1 : i32
    scf.for %scan3A_158 = %scan3A_140 to %scan3A_142 step %scan3A_143  : i32 {
      %mul3A_159 = arith.constant 2 : i32
      %mul3A_160 = arith.muli %mul3A_159, %scan3A_158 : i32
      %add3A_161 = arith.constant 1 : i32
      %add3A_162 = arith.addi %mul3A_160, %add3A_161 : i32
      %lt3A = arith.constant 32 : i32
      %lt3A_163 = arith.cmpi slt, %add3A_162, %lt3A : i32
      %convert_element_type3A = arith.extui %lt3A_163 : i1 to i32
      %cond3A = arith.constant 0 : i32
      %cond3A_164 = arith.cmpi ne, %convert_element_type3A, %cond3A : i32
      scf.if %cond3A_164 {
        %add3A_225 = arith.constant 1 : i32
        %add3A_226 = arith.addi %mul3A_160, %add3A_225 : i32
        %mul3A_227 = arith.constant 256 : i32
        %mul3A_228 = arith.muli %add3A_226, %mul3A_227 : i32
        %multiple_of3A_229 = tpu.assume_multiple %mul3A_228, 256 : i32
        %scan3A_230 = arith.constant 0 : i32
        %scan3A_231 = arith.constant 0 : i32
        %scan3A_232 = arith.constant 16 : i32
        %scan3A_233 = arith.addi %scan3A_231, %scan3A_232 : i32
        %scan3A_234 = arith.constant 1 : i32
        scf.for %scan3A_364 = %scan3A_231 to %scan3A_233 step %scan3A_234  : i32 {
          %mul3A_365 = arith.constant 16 : i32
          %mul3A_366 = arith.muli %scan3A_364, %mul3A_365 : i32
          %multiple_of3A_367 = tpu.assume_multiple %mul3A_366, 16 : i32
          %add3A_368 = arith.addi %multiple_of3A_229, %multiple_of3A_367 : i32
          %iota3A = tpu.iota {dimensions = array<i32: 0>} : vector<16xi32>
          %add3A_369 = vector.broadcast %add3A_368 : i32 to vector<16xi32>
          %add3A_370 = arith.addi %add3A_369, %iota3A : vector<16xi32>
          %add3A_371 = arith.addi %add3A_370, %add3A_370 : vector<16xi32>
          %gather3A = tpu.vector_load_idx %arg7[%add3A_371] : memref<16384xf32, #tpu.memory_space<vmem>>[vector<16xi32>], vector<16xf32>,
          %add3A_372 = arith.constant 1 : i32
          %add3A_373 = vector.broadcast %add3A_372 : i32 to vector<16xi32>
          %add3A_374 = arith.addi %add3A_371, %add3A_373 : vector<16xi32>
          %gather3A_375 = tpu.vector_load_idx %arg7[%add3A_374] : memref<16384xf32, #tpu.memory_space<vmem>>[vector<16xi32>], vector<16xf32>,
          %add3A_376 = arith.addi %multiple_of3A_229, %multiple_of3A_367 : i32
          %get3A = arith.index_cast %add3A_376 : i32 to index
          %get3A_377 = tpu.vector_load %arg8[%get3A] {strides = array<i32>} : memref<8192xf32, #tpu.memory_space<vmem>>, vector<16xf32>,
          %add3A_378 = arith.addi %multiple_of3A_229, %multiple_of3A_367 : i32
          %get3A_379 = arith.index_cast %add3A_378 : i32 to index
          %get3A_380 = tpu.vector_load %arg9[%get3A_379] {strides = array<i32>} : memref<8192xi32, #tpu.memory_space<vmem>>, vector<16xi32>,
          %eq3A = arith.constant 2 : i32
          %eq3A_381 = vector.broadcast %eq3A : i32 to vector<16xi32>
          %eq3A_382 = arith.cmpi eq, %get3A_380, %eq3A_381 : vector<16xi32>
          %eq3A_383 = arith.constant 3 : i32
          %eq3A_384 = vector.broadcast %eq3A_383 : i32 to vector<16xi32>
          %eq3A_385 = arith.cmpi eq, %get3A_380, %eq3A_384 : vector<16xi32>
          %jit3A = arith.constant 2.560000e+02 : f32
          %jit3A_386 = arith.constant 5.120000e+02 : f32
          %broadcast_in_dim3A = vector.broadcast %jit3A : f32 to vector<16xf32>
          %broadcast_in_dim3A_387 = vector.broadcast %jit3A_386 : f32 to vector<16xf32>
          %select_n3A = arith.select %eq3A_385, %broadcast_in_dim3A, %broadcast_in_dim3A_387 : vector<16xi1>, vector<16xf32>
          %jit3A_388 = arith.constant 1.024000e+03 : f32
          %broadcast_in_dim3A_389 = vector.broadcast %jit3A_388 : f32 to vector<16xf32>
          %select_n3A_390 = arith.select %eq3A_382, %broadcast_in_dim3A_389, %select_n3A : vector<16xi1>, vector<16xf32>
          %jit3A_391 = arith.constant 256 : i32
          %jit3A_392 = arith.constant 512 : i32
          %broadcast_in_dim3A_393 = vector.broadcast %jit3A_391 : i32 to vector<16xi32>
          %broadcast_in_dim3A_394 = vector.broadcast %jit3A_392 : i32 to vector<16xi32>
          %select_n3A_395 = arith.select %eq3A_385, %broadcast_in_dim3A_393, %broadcast_in_dim3A_394 : vector<16xi1>, vector<16xi32>
          %jit3A_396 = arith.constant 1024 : i32
          %broadcast_in_dim3A_397 = vector.broadcast %jit3A_396 : i32 to vector<16xi32>
          %select_n3A_398 = arith.select %eq3A_382, %broadcast_in_dim3A_397, %select_n3A_395 : vector<16xi1>, vector<16xi32>
          %eq3A_399 = arith.constant 0 : i32
          %eq3A_400 = vector.broadcast %eq3A_399 : i32 to vector<16xi32>
          %eq3A_401 = arith.cmpi eq, %get3A_380, %eq3A_400 : vector<16xi32>
          %eq3A_402 = arith.constant 1 : i32
          %eq3A_403 = vector.broadcast %eq3A_402 : i32 to vector<16xi32>
          %eq3A_404 = arith.cmpi eq, %get3A_380, %eq3A_403 : vector<16xi32>
          %jit3A_405 = arith.constant 2097152 : i32
          %jit3A_406 = arith.constant 6291456 : i32
          %broadcast_in_dim3A_407 = vector.broadcast %jit3A_405 : i32 to vector<16xi32>
          %broadcast_in_dim3A_408 = vector.broadcast %jit3A_406 : i32 to vector<16xi32>
          %select_n3A_409 = arith.select %eq3A_382, %broadcast_in_dim3A_407, %broadcast_in_dim3A_408 : vector<16xi1>, vector<16xi32>
          %jit3A_410 = arith.constant 1048576 : i32
          %broadcast_in_dim3A_411 = vector.broadcast %jit3A_410 : i32 to vector<16xi32>
          %select_n3A_412 = arith.select %eq3A_404, %broadcast_in_dim3A_411, %select_n3A_409 : vector<16xi1>, vector<16xi32>
          %jit3A_413 = arith.constant 0 : i32
          %broadcast_in_dim3A_414 = vector.broadcast %jit3A_413 : i32 to vector<16xi32>
          %select_n3A_415 = arith.select %eq3A_401, %broadcast_in_dim3A_414, %select_n3A_412 : vector<16xi1>, vector<16xi32>
          %sub3A = arith.constant 1.000000e+00 : f32
          %sub3A_416 = vector.broadcast %sub3A : f32 to vector<16xf32>
          %sub3A_417 = arith.subf %select_n3A_390, %sub3A_416 : vector<16xf32>
          %add3A_418 = arith.constant 1.000000e+00 : f32
          %add3A_419 = vector.broadcast %add3A_418 : f32 to vector<16xf32>
          %add3A_420 = arith.addf %gather3A, %add3A_419 : vector<16xf32>
          %mul3A_421 = arith.constant 5.000000e-01 : f32
          %mul3A_422 = vector.broadcast %mul3A_421 : f32 to vector<16xf32>
          %mul3A_423 = arith.mulf %add3A_420, %mul3A_422 : vector<16xf32>
          %mul3A_424 = arith.mulf %mul3A_423, %sub3A_417 : vector<16xf32>
          %jit3A_425 = arith.constant 0.000000e+00 : f32
          %max3A = vector.broadcast %jit3A_425 : f32 to vector<16xf32>
          %max3A_426 = arith.maximumf %max3A, %mul3A_424 : vector<16xf32>
          %min3A = arith.minimumf %sub3A_417, %max3A_426 : vector<16xf32>
          %add3A_427 = arith.constant 1.000000e+00 : f32
          %add3A_428 = vector.broadcast %add3A_427 : f32 to vector<16xf32>
          %add3A_429 = arith.addf %gather3A_375, %add3A_428 : vector<16xf32>
          %mul3A_430 = arith.constant 5.000000e-01 : f32
          %mul3A_431 = vector.broadcast %mul3A_430 : f32 to vector<16xf32>
          %mul3A_432 = arith.mulf %add3A_429, %mul3A_431 : vector<16xf32>
          %mul3A_433 = arith.mulf %mul3A_432, %sub3A_417 : vector<16xf32>
          %jit3A_434 = arith.constant 0.000000e+00 : f32
          %max3A_435 = vector.broadcast %jit3A_434 : f32 to vector<16xf32>
          %max3A_436 = arith.maximumf %max3A_435, %mul3A_433 : vector<16xf32>
          %min3A_437 = arith.minimumf %sub3A_417, %max3A_436 : vector<16xf32>
          %add3A_438 = arith.constant 1.000000e+00 : f32
          %add3A_439 = vector.broadcast %add3A_438 : f32 to vector<16xf32>
          %add3A_440 = arith.addf %get3A_377, %add3A_439 : vector<16xf32>
          %mul3A_441 = arith.constant 1.500000e+00 : f32
          %mul3A_442 = vector.broadcast %mul3A_441 : f32 to vector<16xf32>
          %mul3A_443 = arith.mulf %add3A_440, %mul3A_442 : vector<16xf32>
          %jit3A_444 = arith.constant 0.000000e+00 : f32
          %jit3A_445 = arith.constant 3.000000e+00 : f32
          %max3A_446 = vector.broadcast %jit3A_444 : f32 to vector<16xf32>
          %max3A_447 = arith.maximumf %max3A_446, %mul3A_443 : vector<16xf32>
          %min3A_448 = vector.broadcast %jit3A_445 : f32 to vector<16xf32>
          %min3A_449 = arith.minimumf %min3A_448, %max3A_447 : vector<16xf32>
          %convert_element_type3A_450 = arith.fptosi %min3A : vector<16xf32> to vector<16xi32>
          %convert_element_type3A_451 = arith.fptosi %min3A_437 : vector<16xf32> to vector<16xi32>
          %convert_element_type3A_452 = arith.fptosi %min3A_449 : vector<16xf32> to vector<16xi32>
          %convert_element_type3A_453 = arith.sitofp %convert_element_type3A_450 : vector<16xi32> to vector<16xf32>
          %sub3A_454 = arith.subf %min3A, %convert_element_type3A_453 : vector<16xf32>
          %convert_element_type3A_455 = arith.sitofp %convert_element_type3A_451 : vector<16xi32> to vector<16xf32>
          %sub3A_456 = arith.subf %min3A_437, %convert_element_type3A_455 : vector<16xf32>
          %convert_element_type3A_457 = arith.sitofp %convert_element_type3A_452 : vector<16xi32> to vector<16xf32>
          %sub3A_458 = arith.subf %min3A_449, %convert_element_type3A_457 : vector<16xf32>
          %add3A_459 = arith.constant 1 : i32
          %add3A_460 = vector.broadcast %add3A_459 : i32 to vector<16xi32>
          %add3A_461 = arith.addi %convert_element_type3A_450, %add3A_460 : vector<16xi32>
          %sub3A_462 = arith.constant 1 : i32
          %sub3A_463 = vector.broadcast %sub3A_462 : i32 to vector<16xi32>
          %sub3A_464 = arith.subi %select_n3A_398, %sub3A_463 : vector<16xi32>
          %min3A_465 = arith.minsi %add3A_461, %sub3A_464 : vector<16xi32>
          %add3A_466 = arith.constant 1 : i32
          %add3A_467 = vector.broadcast %add3A_466 : i32 to vector<16xi32>
          %add3A_468 = arith.addi %convert_element_type3A_451, %add3A_467 : vector<16xi32>
          %sub3A_469 = arith.constant 1 : i32
          %sub3A_470 = vector.broadcast %sub3A_469 : i32 to vector<16xi32>
          %sub3A_471 = arith.subi %select_n3A_398, %sub3A_470 : vector<16xi32>
          %min3A_472 = arith.minsi %add3A_468, %sub3A_471 : vector<16xi32>
          %add3A_473 = arith.constant 1 : i32
          %add3A_474 = vector.broadcast %add3A_473 : i32 to vector<16xi32>
          %add3A_475 = arith.addi %convert_element_type3A_452, %add3A_474 : vector<16xi32>
          %min3A_476 = arith.constant 3 : i32
          %min3A_477 = vector.broadcast %min3A_476 : i32 to vector<16xi32>
          %min3A_478 = arith.minsi %add3A_475, %min3A_477 : vector<16xi32>
          %mul3A_479 = arith.muli %select_n3A_398, %select_n3A_398 : vector<16xi32>
          %mul3A_480 = arith.muli %convert_element_type3A_452, %mul3A_479 : vector<16xi32>
          %add3A_481 = arith.addi %select_n3A_415, %mul3A_480 : vector<16xi32>
          %mul3A_482 = arith.muli %convert_element_type3A_451, %select_n3A_398 : vector<16xi32>
          %add3A_483 = arith.addi %add3A_481, %mul3A_482 : vector<16xi32>
          %mul3A_484 = arith.muli %convert_element_type3A_452, %mul3A_479 : vector<16xi32>
          %add3A_485 = arith.addi %select_n3A_415, %mul3A_484 : vector<16xi32>
          %mul3A_486 = arith.muli %min3A_472, %select_n3A_398 : vector<16xi32>
          %add3A_487 = arith.addi %add3A_485, %mul3A_486 : vector<16xi32>
          %mul3A_488 = arith.muli %min3A_478, %mul3A_479 : vector<16xi32>
          %add3A_489 = arith.addi %select_n3A_415, %mul3A_488 : vector<16xi32>
          %mul3A_490 = arith.muli %convert_element_type3A_451, %select_n3A_398 : vector<16xi32>
          %add3A_491 = arith.addi %add3A_489, %mul3A_490 : vector<16xi32>
          %mul3A_492 = arith.muli %min3A_478, %mul3A_479 : vector<16xi32>
          %add3A_493 = arith.addi %select_n3A_415, %mul3A_492 : vector<16xi32>
          %mul3A_494 = arith.muli %min3A_472, %select_n3A_398 : vector<16xi32>
          %add3A_495 = arith.addi %add3A_493, %mul3A_494 : vector<16xi32>
          %add3A_496 = arith.addi %add3A_483, %convert_element_type3A_450 : vector<16xi32>
          %add3A_497 = arith.addi %add3A_483, %min3A_465 : vector<16xi32>
          %add3A_498 = arith.addi %add3A_487, %convert_element_type3A_450 : vector<16xi32>
          %add3A_499 = arith.addi %add3A_487, %min3A_465 : vector<16xi32>
          %add3A_500 = arith.addi %add3A_491, %convert_element_type3A_450 : vector<16xi32>
          %add3A_501 = arith.addi %add3A_491, %min3A_465 : vector<16xi32>
          %add3A_502 = arith.addi %add3A_495, %convert_element_type3A_450 : vector<16xi32>
          %add3A_503 = arith.addi %add3A_495, %min3A_465 : vector<16xi32>
          %add3A_504 = arith.constant 0 : i32
          %add3A_505 = arith.addi %multiple_of3A_367, %add3A_504 : i32
          %swap3A = arith.index_cast %add3A_505 : i32 to index
          %swap3A_506 = tpu.vector_load %arg11[%swap3A] {strides = array<i32>} : memref<2048xi32, #tpu.memory_space<vmem>>, vector<16xi32>,
          tpu.vector_store %arg11[%swap3A], %add3A_496 {strides = array<i32>} : memref<2048xi32, #tpu.memory_space<vmem>>, vector<16xi32>,
          %add3A_507 = arith.constant 256 : i32
          %add3A_508 = arith.addi %multiple_of3A_367, %add3A_507 : i32
          %swap3A_509 = arith.index_cast %add3A_508 : i32 to index
          %swap3A_510 = tpu.vector_load %arg11[%swap3A_509] {strides = array<i32>} : memref<2048xi32, #tpu.memory_space<vmem>>, vector<16xi32>,
          tpu.vector_store %arg11[%swap3A_509], %add3A_497 {strides = array<i32>} : memref<2048xi32, #tpu.memory_space<vmem>>, vector<16xi32>,
          %add3A_511 = arith.constant 512 : i32
          %add3A_512 = arith.addi %multiple_of3A_367, %add3A_511 : i32
          %swap3A_513 = arith.index_cast %add3A_512 : i32 to index
          %swap3A_514 = tpu.vector_load %arg11[%swap3A_513] {strides = array<i32>} : memref<2048xi32, #tpu.memory_space<vmem>>, vector<16xi32>,
          tpu.vector_store %arg11[%swap3A_513], %add3A_498 {strides = array<i32>} : memref<2048xi32, #tpu.memory_space<vmem>>, vector<16xi32>,
          %add3A_515 = arith.constant 768 : i32
          %add3A_516 = arith.addi %multiple_of3A_367, %add3A_515 : i32
          %swap3A_517 = arith.index_cast %add3A_516 : i32 to index
          %swap3A_518 = tpu.vector_load %arg11[%swap3A_517] {strides = array<i32>} : memref<2048xi32, #tpu.memory_space<vmem>>, vector<16xi32>,
          tpu.vector_store %arg11[%swap3A_517], %add3A_499 {strides = array<i32>} : memref<2048xi32, #tpu.memory_space<vmem>>, vector<16xi32>,
          %add3A_519 = arith.constant 1024 : i32
          %add3A_520 = arith.addi %multiple_of3A_367, %add3A_519 : i32
          %swap3A_521 = arith.index_cast %add3A_520 : i32 to index
          %swap3A_522 = tpu.vector_load %arg11[%swap3A_521] {strides = array<i32>} : memref<2048xi32, #tpu.memory_space<vmem>>, vector<16xi32>,
          tpu.vector_store %arg11[%swap3A_521], %add3A_500 {strides = array<i32>} : memref<2048xi32, #tpu.memory_space<vmem>>, vector<16xi32>,
          %add3A_523 = arith.constant 1280 : i32
          %add3A_524 = arith.addi %multiple_of3A_367, %add3A_523 : i32
          %swap3A_525 = arith.index_cast %add3A_524 : i32 to index
          %swap3A_526 = tpu.vector_load %arg11[%swap3A_525] {strides = array<i32>} : memref<2048xi32, #tpu.memory_space<vmem>>, vector<16xi32>,
          tpu.vector_store %arg11[%swap3A_525], %add3A_501 {strides = array<i32>} : memref<2048xi32, #tpu.memory_space<vmem>>, vector<16xi32>,
          %add3A_527 = arith.constant 1536 : i32
          %add3A_528 = arith.addi %multiple_of3A_367, %add3A_527 : i32
          %swap3A_529 = arith.index_cast %add3A_528 : i32 to index
          %swap3A_530 = tpu.vector_load %arg11[%swap3A_529] {strides = array<i32>} : memref<2048xi32, #tpu.memory_space<vmem>>, vector<16xi32>,
          tpu.vector_store %arg11[%swap3A_529], %add3A_502 {strides = array<i32>} : memref<2048xi32, #tpu.memory_space<vmem>>, vector<16xi32>,
          %add3A_531 = arith.constant 1792 : i32
          %add3A_532 = arith.addi %multiple_of3A_367, %add3A_531 : i32
          %swap3A_533 = arith.index_cast %add3A_532 : i32 to index
          %swap3A_534 = tpu.vector_load %arg11[%swap3A_533] {strides = array<i32>} : memref<2048xi32, #tpu.memory_space<vmem>>, vector<16xi32>,
          tpu.vector_store %arg11[%swap3A_533], %add3A_503 {strides = array<i32>} : memref<2048xi32, #tpu.memory_space<vmem>>, vector<16xi32>,
          %swap3A_535 = arith.index_cast %multiple_of3A_367 : i32 to index
          %swap3A_536 = tpu.vector_load %arg13[%swap3A_535] {strides = array<i32>} : memref<256xf32, #tpu.memory_space<vmem>>, vector<16xf32>,
          tpu.vector_store %arg13[%swap3A_535], %sub3A_454 {strides = array<i32>} : memref<256xf32, #tpu.memory_space<vmem>>, vector<16xf32>,
          %swap3A_537 = arith.index_cast %multiple_of3A_367 : i32 to index
          %swap3A_538 = tpu.vector_load %arg15[%swap3A_537] {strides = array<i32>} : memref<256xf32, #tpu.memory_space<vmem>>, vector<16xf32>,
          tpu.vector_store %arg15[%swap3A_537], %sub3A_456 {strides = array<i32>} : memref<256xf32, #tpu.memory_space<vmem>>, vector<16xf32>,
          %swap3A_539 = arith.index_cast %multiple_of3A_367 : i32 to index
          %swap3A_540 = tpu.vector_load %arg17[%swap3A_539] {strides = array<i32>} : memref<256xf32, #tpu.memory_space<vmem>>, vector<16xf32>,
          tpu.vector_store %arg17[%swap3A_539], %sub3A_458 {strides = array<i32>} : memref<256xf32, #tpu.memory_space<vmem>>, vector<16xf32>,
        }
        %scan3A_235 = arith.constant 16 : i32
        %dma_start3A_236 = arith.constant 0 : i32
        %dma_start3A_237 = arith.constant 0 : i32
        %dma_start3A_238 = tpu.memref_slice %arg19[%dma_start3A_236, %dma_start3A_237] : memref<2048x16xf32, #tpu.memory_space<vmem>> -> memref<128x16xf32, #tpu.memory_space<vmem>>
        %dma_start3A_239 = arith.constant 0 : i32
        %dma_start3A_240 = tpu.memref_slice %arg11[%dma_start3A_239] : memref<2048xi32, #tpu.memory_space<vmem>> -> memref<128xi32, #tpu.memory_space<vmem>>
        %dma_start3A_241 = arith.constant 0 : i32
        %dma_start3A_242 = arith.constant 0 : i32
        %dma_start3A_243 = tpu.memref_slice %arg2[%dma_start3A_241, %dma_start3A_242] : memref<6553600x16xf32, #tpu.memory_space<hbm>> -> memref<6553600x16xf32, #tpu.memory_space<hbm>>
        tpu.enqueue_indirect_dma source(%dma_start3A_243 : memref<6553600x16xf32, #tpu.memory_space<hbm>>) target(%dma_start3A_238 : memref<128x16xf32, #tpu.memory_space<vmem>>) offsets(%dma_start3A_240 : memref<128xi32, #tpu.memory_space<vmem>>) semaphore(%arg23 : memref<!tpu.dma_semaphore, #tpu.memory_space<semaphore_mem>>)
        %dma_start3A_244 = arith.constant 128 : i32
        %dma_start3A_245 = arith.constant 0 : i32
        %dma_start3A_246 = tpu.memref_slice %arg19[%dma_start3A_244, %dma_start3A_245] : memref<2048x16xf32, #tpu.memory_space<vmem>> -> memref<128x16xf32, #tpu.memory_space<vmem>>
        %dma_start3A_247 = arith.constant 128 : i32
        %dma_start3A_248 = tpu.memref_slice %arg11[%dma_start3A_247] : memref<2048xi32, #tpu.memory_space<vmem>> -> memref<128xi32, #tpu.memory_space<vmem>>
        %dma_start3A_249 = arith.constant 0 : i32
        %dma_start3A_250 = arith.constant 0 : i32
        %dma_start3A_251 = tpu.memref_slice %arg2[%dma_start3A_249, %dma_start3A_250] : memref<6553600x16xf32, #tpu.memory_space<hbm>> -> memref<6553600x16xf32, #tpu.memory_space<hbm>>
        tpu.enqueue_indirect_dma source(%dma_start3A_251 : memref<6553600x16xf32, #tpu.memory_space<hbm>>) target(%dma_start3A_246 : memref<128x16xf32, #tpu.memory_space<vmem>>) offsets(%dma_start3A_248 : memref<128xi32, #tpu.memory_space<vmem>>) semaphore(%arg23 : memref<!tpu.dma_semaphore, #tpu.memory_space<semaphore_mem>>)
        %dma_start3A_252 = arith.constant 256 : i32
        %dma_start3A_253 = arith.constant 0 : i32
        %dma_start3A_254 = tpu.memref_slice %arg19[%dma_start3A_252, %dma_start3A_253] : memref<2048x16xf32, #tpu.memory_space<vmem>> -> memref<128x16xf32, #tpu.memory_space<vmem>>
        %dma_start3A_255 = arith.constant 256 : i32
        %dma_start3A_256 = tpu.memref_slice %arg11[%dma_start3A_255] : memref<2048xi32, #tpu.memory_space<vmem>> -> memref<128xi32, #tpu.memory_space<vmem>>
        %dma_start3A_257 = arith.constant 0 : i32
        %dma_start3A_258 = arith.constant 0 : i32
        %dma_start3A_259 = tpu.memref_slice %arg2[%dma_start3A_257, %dma_start3A_258] : memref<6553600x16xf32, #tpu.memory_space<hbm>> -> memref<6553600x16xf32, #tpu.memory_space<hbm>>
        tpu.enqueue_indirect_dma source(%dma_start3A_259 : memref<6553600x16xf32, #tpu.memory_space<hbm>>) target(%dma_start3A_254 : memref<128x16xf32, #tpu.memory_space<vmem>>) offsets(%dma_start3A_256 : memref<128xi32, #tpu.memory_space<vmem>>) semaphore(%arg23 : memref<!tpu.dma_semaphore, #tpu.memory_space<semaphore_mem>>)
        %dma_start3A_260 = arith.constant 384 : i32
        %dma_start3A_261 = arith.constant 0 : i32
        %dma_start3A_262 = tpu.memref_slice %arg19[%dma_start3A_260, %dma_start3A_261] : memref<2048x16xf32, #tpu.memory_space<vmem>> -> memref<128x16xf32, #tpu.memory_space<vmem>>
        %dma_start3A_263 = arith.constant 384 : i32
        %dma_start3A_264 = tpu.memref_slice %arg11[%dma_start3A_263] : memref<2048xi32, #tpu.memory_space<vmem>> -> memref<128xi32, #tpu.memory_space<vmem>>
        %dma_start3A_265 = arith.constant 0 : i32
        %dma_start3A_266 = arith.constant 0 : i32
        %dma_start3A_267 = tpu.memref_slice %arg2[%dma_start3A_265, %dma_start3A_266] : memref<6553600x16xf32, #tpu.memory_space<hbm>> -> memref<6553600x16xf32, #tpu.memory_space<hbm>>
        tpu.enqueue_indirect_dma source(%dma_start3A_267 : memref<6553600x16xf32, #tpu.memory_space<hbm>>) target(%dma_start3A_262 : memref<128x16xf32, #tpu.memory_space<vmem>>) offsets(%dma_start3A_264 : memref<128xi32, #tpu.memory_space<vmem>>) semaphore(%arg23 : memref<!tpu.dma_semaphore, #tpu.memory_space<semaphore_mem>>)
        %dma_start3A_268 = arith.constant 512 : i32
        %dma_start3A_269 = arith.constant 0 : i32
        %dma_start3A_270 = tpu.memref_slice %arg19[%dma_start3A_268, %dma_start3A_269] : memref<2048x16xf32, #tpu.memory_space<vmem>> -> memref<128x16xf32, #tpu.memory_space<vmem>>
        %dma_start3A_271 = arith.constant 512 : i32
        %dma_start3A_272 = tpu.memref_slice %arg11[%dma_start3A_271] : memref<2048xi32, #tpu.memory_space<vmem>> -> memref<128xi32, #tpu.memory_space<vmem>>
        %dma_start3A_273 = arith.constant 0 : i32
        %dma_start3A_274 = arith.constant 0 : i32
        %dma_start3A_275 = tpu.memref_slice %arg2[%dma_start3A_273, %dma_start3A_274] : memref<6553600x16xf32, #tpu.memory_space<hbm>> -> memref<6553600x16xf32, #tpu.memory_space<hbm>>
        tpu.enqueue_indirect_dma source(%dma_start3A_275 : memref<6553600x16xf32, #tpu.memory_space<hbm>>) target(%dma_start3A_270 : memref<128x16xf32, #tpu.memory_space<vmem>>) offsets(%dma_start3A_272 : memref<128xi32, #tpu.memory_space<vmem>>) semaphore(%arg23 : memref<!tpu.dma_semaphore, #tpu.memory_space<semaphore_mem>>)
        %dma_start3A_276 = arith.constant 640 : i32
        %dma_start3A_277 = arith.constant 0 : i32
        %dma_start3A_278 = tpu.memref_slice %arg19[%dma_start3A_276, %dma_start3A_277] : memref<2048x16xf32, #tpu.memory_space<vmem>> -> memref<128x16xf32, #tpu.memory_space<vmem>>
        %dma_start3A_279 = arith.constant 640 : i32
        %dma_start3A_280 = tpu.memref_slice %arg11[%dma_start3A_279] : memref<2048xi32, #tpu.memory_space<vmem>> -> memref<128xi32, #tpu.memory_space<vmem>>
        %dma_start3A_281 = arith.constant 0 : i32
        %dma_start3A_282 = arith.constant 0 : i32
        %dma_start3A_283 = tpu.memref_slice %arg2[%dma_start3A_281, %dma_start3A_282] : memref<6553600x16xf32, #tpu.memory_space<hbm>> -> memref<6553600x16xf32, #tpu.memory_space<hbm>>
        tpu.enqueue_indirect_dma source(%dma_start3A_283 : memref<6553600x16xf32, #tpu.memory_space<hbm>>) target(%dma_start3A_278 : memref<128x16xf32, #tpu.memory_space<vmem>>) offsets(%dma_start3A_280 : memref<128xi32, #tpu.memory_space<vmem>>) semaphore(%arg23 : memref<!tpu.dma_semaphore, #tpu.memory_space<semaphore_mem>>)
        %dma_start3A_284 = arith.constant 768 : i32
        %dma_start3A_285 = arith.constant 0 : i32
        %dma_start3A_286 = tpu.memref_slice %arg19[%dma_start3A_284, %dma_start3A_285] : memref<2048x16xf32, #tpu.memory_space<vmem>> -> memref<128x16xf32, #tpu.memory_space<vmem>>
        %dma_start3A_287 = arith.constant 768 : i32
        %dma_start3A_288 = tpu.memref_slice %arg11[%dma_start3A_287] : memref<2048xi32, #tpu.memory_space<vmem>> -> memref<128xi32, #tpu.memory_space<vmem>>
        %dma_start3A_289 = arith.constant 0 : i32
        %dma_start3A_290 = arith.constant 0 : i32
        %dma_start3A_291 = tpu.memref_slice %arg2[%dma_start3A_289, %dma_start3A_290] : memref<6553600x16xf32, #tpu.memory_space<hbm>> -> memref<6553600x16xf32, #tpu.memory_space<hbm>>
        tpu.enqueue_indirect_dma source(%dma_start3A_291 : memref<6553600x16xf32, #tpu.memory_space<hbm>>) target(%dma_start3A_286 : memref<128x16xf32, #tpu.memory_space<vmem>>) offsets(%dma_start3A_288 : memref<128xi32, #tpu.memory_space<vmem>>) semaphore(%arg23 : memref<!tpu.dma_semaphore, #tpu.memory_space<semaphore_mem>>)
        %dma_start3A_292 = arith.constant 896 : i32
        %dma_start3A_293 = arith.constant 0 : i32
        %dma_start3A_294 = tpu.memref_slice %arg19[%dma_start3A_292, %dma_start3A_293] : memref<2048x16xf32, #tpu.memory_space<vmem>> -> memref<128x16xf32, #tpu.memory_space<vmem>>
        %dma_start3A_295 = arith.constant 896 : i32
        %dma_start3A_296 = tpu.memref_slice %arg11[%dma_start3A_295] : memref<2048xi32, #tpu.memory_space<vmem>> -> memref<128xi32, #tpu.memory_space<vmem>>
        %dma_start3A_297 = arith.constant 0 : i32
        %dma_start3A_298 = arith.constant 0 : i32
        %dma_start3A_299 = tpu.memref_slice %arg2[%dma_start3A_297, %dma_start3A_298] : memref<6553600x16xf32, #tpu.memory_space<hbm>> -> memref<6553600x16xf32, #tpu.memory_space<hbm>>
        tpu.enqueue_indirect_dma source(%dma_start3A_299 : memref<6553600x16xf32, #tpu.memory_space<hbm>>) target(%dma_start3A_294 : memref<128x16xf32, #tpu.memory_space<vmem>>) offsets(%dma_start3A_296 : memref<128xi32, #tpu.memory_space<vmem>>) semaphore(%arg23 : memref<!tpu.dma_semaphore, #tpu.memory_space<semaphore_mem>>)
        %dma_start3A_300 = arith.constant 1024 : i32
        %dma_start3A_301 = arith.constant 0 : i32
        %dma_start3A_302 = tpu.memref_slice %arg19[%dma_start3A_300, %dma_start3A_301] : memref<2048x16xf32, #tpu.memory_space<vmem>> -> memref<128x16xf32, #tpu.memory_space<vmem>>
        %dma_start3A_303 = arith.constant 1024 : i32
        %dma_start3A_304 = tpu.memref_slice %arg11[%dma_start3A_303] : memref<2048xi32, #tpu.memory_space<vmem>> -> memref<128xi32, #tpu.memory_space<vmem>>
        %dma_start3A_305 = arith.constant 0 : i32
        %dma_start3A_306 = arith.constant 0 : i32
        %dma_start3A_307 = tpu.memref_slice %arg2[%dma_start3A_305, %dma_start3A_306] : memref<6553600x16xf32, #tpu.memory_space<hbm>> -> memref<6553600x16xf32, #tpu.memory_space<hbm>>
        tpu.enqueue_indirect_dma source(%dma_start3A_307 : memref<6553600x16xf32, #tpu.memory_space<hbm>>) target(%dma_start3A_302 : memref<128x16xf32, #tpu.memory_space<vmem>>) offsets(%dma_start3A_304 : memref<128xi32, #tpu.memory_space<vmem>>) semaphore(%arg23 : memref<!tpu.dma_semaphore, #tpu.memory_space<semaphore_mem>>)
        %dma_start3A_308 = arith.constant 1152 : i32
        %dma_start3A_309 = arith.constant 0 : i32
        %dma_start3A_310 = tpu.memref_slice %arg19[%dma_start3A_308, %dma_start3A_309] : memref<2048x16xf32, #tpu.memory_space<vmem>> -> memref<128x16xf32, #tpu.memory_space<vmem>>
        %dma_start3A_311 = arith.constant 1152 : i32
        %dma_start3A_312 = tpu.memref_slice %arg11[%dma_start3A_311] : memref<2048xi32, #tpu.memory_space<vmem>> -> memref<128xi32, #tpu.memory_space<vmem>>
        %dma_start3A_313 = arith.constant 0 : i32
        %dma_start3A_314 = arith.constant 0 : i32
        %dma_start3A_315 = tpu.memref_slice %arg2[%dma_start3A_313, %dma_start3A_314] : memref<6553600x16xf32, #tpu.memory_space<hbm>> -> memref<6553600x16xf32, #tpu.memory_space<hbm>>
        tpu.enqueue_indirect_dma source(%dma_start3A_315 : memref<6553600x16xf32, #tpu.memory_space<hbm>>) target(%dma_start3A_310 : memref<128x16xf32, #tpu.memory_space<vmem>>) offsets(%dma_start3A_312 : memref<128xi32, #tpu.memory_space<vmem>>) semaphore(%arg23 : memref<!tpu.dma_semaphore, #tpu.memory_space<semaphore_mem>>)
        %dma_start3A_316 = arith.constant 1280 : i32
        %dma_start3A_317 = arith.constant 0 : i32
        %dma_start3A_318 = tpu.memref_slice %arg19[%dma_start3A_316, %dma_start3A_317] : memref<2048x16xf32, #tpu.memory_space<vmem>> -> memref<128x16xf32, #tpu.memory_space<vmem>>
        %dma_start3A_319 = arith.constant 1280 : i32
        %dma_start3A_320 = tpu.memref_slice %arg11[%dma_start3A_319] : memref<2048xi32, #tpu.memory_space<vmem>> -> memref<128xi32, #tpu.memory_space<vmem>>
        %dma_start3A_321 = arith.constant 0 : i32
        %dma_start3A_322 = arith.constant 0 : i32
        %dma_start3A_323 = tpu.memref_slice %arg2[%dma_start3A_321, %dma_start3A_322] : memref<6553600x16xf32, #tpu.memory_space<hbm>> -> memref<6553600x16xf32, #tpu.memory_space<hbm>>
        tpu.enqueue_indirect_dma source(%dma_start3A_323 : memref<6553600x16xf32, #tpu.memory_space<hbm>>) target(%dma_start3A_318 : memref<128x16xf32, #tpu.memory_space<vmem>>) offsets(%dma_start3A_320 : memref<128xi32, #tpu.memory_space<vmem>>) semaphore(%arg23 : memref<!tpu.dma_semaphore, #tpu.memory_space<semaphore_mem>>)
        %dma_start3A_324 = arith.constant 1408 : i32
        %dma_start3A_325 = arith.constant 0 : i32
        %dma_start3A_326 = tpu.memref_slice %arg19[%dma_start3A_324, %dma_start3A_325] : memref<2048x16xf32, #tpu.memory_space<vmem>> -> memref<128x16xf32, #tpu.memory_space<vmem>>
        %dma_start3A_327 = arith.constant 1408 : i32
        %dma_start3A_328 = tpu.memref_slice %arg11[%dma_start3A_327] : memref<2048xi32, #tpu.memory_space<vmem>> -> memref<128xi32, #tpu.memory_space<vmem>>
        %dma_start3A_329 = arith.constant 0 : i32
        %dma_start3A_330 = arith.constant 0 : i32
        %dma_start3A_331 = tpu.memref_slice %arg2[%dma_start3A_329, %dma_start3A_330] : memref<6553600x16xf32, #tpu.memory_space<hbm>> -> memref<6553600x16xf32, #tpu.memory_space<hbm>>
        tpu.enqueue_indirect_dma source(%dma_start3A_331 : memref<6553600x16xf32, #tpu.memory_space<hbm>>) target(%dma_start3A_326 : memref<128x16xf32, #tpu.memory_space<vmem>>) offsets(%dma_start3A_328 : memref<128xi32, #tpu.memory_space<vmem>>) semaphore(%arg23 : memref<!tpu.dma_semaphore, #tpu.memory_space<semaphore_mem>>)
        %dma_start3A_332 = arith.constant 1536 : i32
        %dma_start3A_333 = arith.constant 0 : i32
        %dma_start3A_334 = tpu.memref_slice %arg19[%dma_start3A_332, %dma_start3A_333] : memref<2048x16xf32, #tpu.memory_space<vmem>> -> memref<128x16xf32, #tpu.memory_space<vmem>>
        %dma_start3A_335 = arith.constant 1536 : i32
        %dma_start3A_336 = tpu.memref_slice %arg11[%dma_start3A_335] : memref<2048xi32, #tpu.memory_space<vmem>> -> memref<128xi32, #tpu.memory_space<vmem>>
        %dma_start3A_337 = arith.constant 0 : i32
        %dma_start3A_338 = arith.constant 0 : i32
        %dma_start3A_339 = tpu.memref_slice %arg2[%dma_start3A_337, %dma_start3A_338] : memref<6553600x16xf32, #tpu.memory_space<hbm>> -> memref<6553600x16xf32, #tpu.memory_space<hbm>>
        tpu.enqueue_indirect_dma source(%dma_start3A_339 : memref<6553600x16xf32, #tpu.memory_space<hbm>>) target(%dma_start3A_334 : memref<128x16xf32, #tpu.memory_space<vmem>>) offsets(%dma_start3A_336 : memref<128xi32, #tpu.memory_space<vmem>>) semaphore(%arg23 : memref<!tpu.dma_semaphore, #tpu.memory_space<semaphore_mem>>)
        %dma_start3A_340 = arith.constant 1664 : i32
        %dma_start3A_341 = arith.constant 0 : i32
        %dma_start3A_342 = tpu.memref_slice %arg19[%dma_start3A_340, %dma_start3A_341] : memref<2048x16xf32, #tpu.memory_space<vmem>> -> memref<128x16xf32, #tpu.memory_space<vmem>>
        %dma_start3A_343 = arith.constant 1664 : i32
        %dma_start3A_344 = tpu.memref_slice %arg11[%dma_start3A_343] : memref<2048xi32, #tpu.memory_space<vmem>> -> memref<128xi32, #tpu.memory_space<vmem>>
        %dma_start3A_345 = arith.constant 0 : i32
        %dma_start3A_346 = arith.constant 0 : i32
        %dma_start3A_347 = tpu.memref_slice %arg2[%dma_start3A_345, %dma_start3A_346] : memref<6553600x16xf32, #tpu.memory_space<hbm>> -> memref<6553600x16xf32, #tpu.memory_space<hbm>>
        tpu.enqueue_indirect_dma source(%dma_start3A_347 : memref<6553600x16xf32, #tpu.memory_space<hbm>>) target(%dma_start3A_342 : memref<128x16xf32, #tpu.memory_space<vmem>>) offsets(%dma_start3A_344 : memref<128xi32, #tpu.memory_space<vmem>>) semaphore(%arg23 : memref<!tpu.dma_semaphore, #tpu.memory_space<semaphore_mem>>)
        %dma_start3A_348 = arith.constant 1792 : i32
        %dma_start3A_349 = arith.constant 0 : i32
        %dma_start3A_350 = tpu.memref_slice %arg19[%dma_start3A_348, %dma_start3A_349] : memref<2048x16xf32, #tpu.memory_space<vmem>> -> memref<128x16xf32, #tpu.memory_space<vmem>>
        %dma_start3A_351 = arith.constant 1792 : i32
        %dma_start3A_352 = tpu.memref_slice %arg11[%dma_start3A_351] : memref<2048xi32, #tpu.memory_space<vmem>> -> memref<128xi32, #tpu.memory_space<vmem>>
        %dma_start3A_353 = arith.constant 0 : i32
        %dma_start3A_354 = arith.constant 0 : i32
        %dma_start3A_355 = tpu.memref_slice %arg2[%dma_start3A_353, %dma_start3A_354] : memref<6553600x16xf32, #tpu.memory_space<hbm>> -> memref<6553600x16xf32, #tpu.memory_space<hbm>>
        tpu.enqueue_indirect_dma source(%dma_start3A_355 : memref<6553600x16xf32, #tpu.memory_space<hbm>>) target(%dma_start3A_350 : memref<128x16xf32, #tpu.memory_space<vmem>>) offsets(%dma_start3A_352 : memref<128xi32, #tpu.memory_space<vmem>>) semaphore(%arg23 : memref<!tpu.dma_semaphore, #tpu.memory_space<semaphore_mem>>)
        %dma_start3A_356 = arith.constant 1920 : i32
        %dma_start3A_357 = arith.constant 0 : i32
        %dma_start3A_358 = tpu.memref_slice %arg19[%dma_start3A_356, %dma_start3A_357] : memref<2048x16xf32, #tpu.memory_space<vmem>> -> memref<128x16xf32, #tpu.memory_space<vmem>>
        %dma_start3A_359 = arith.constant 1920 : i32
        %dma_start3A_360 = tpu.memref_slice %arg11[%dma_start3A_359] : memref<2048xi32, #tpu.memory_space<vmem>> -> memref<128xi32, #tpu.memory_space<vmem>>
        %dma_start3A_361 = arith.constant 0 : i32
        %dma_start3A_362 = arith.constant 0 : i32
        %dma_start3A_363 = tpu.memref_slice %arg2[%dma_start3A_361, %dma_start3A_362] : memref<6553600x16xf32, #tpu.memory_space<hbm>> -> memref<6553600x16xf32, #tpu.memory_space<hbm>>
        tpu.enqueue_indirect_dma source(%dma_start3A_363 : memref<6553600x16xf32, #tpu.memory_space<hbm>>) target(%dma_start3A_358 : memref<128x16xf32, #tpu.memory_space<vmem>>) offsets(%dma_start3A_360 : memref<128xi32, #tpu.memory_space<vmem>>) semaphore(%arg23 : memref<!tpu.dma_semaphore, #tpu.memory_space<semaphore_mem>>)
      } else {
      }
      %dma_wait3A_165 = arith.constant 0 : i32
      %dma_wait3A_166 = arith.constant 0 : i32
      %dma_wait3A_167 = tpu.memref_slice %arg2[%dma_wait3A_165, %dma_wait3A_166] : memref<6553600x16xf32, #tpu.memory_space<hbm>> -> memref<2048x16xf32, #tpu.memory_space<hbm>>
      %dma_wait3A_168 = arith.constant 0 : i32
      %dma_wait3A_169 = arith.constant 0 : i32
      %dma_wait3A_170 = tpu.memref_slice %arg2[%dma_wait3A_168, %dma_wait3A_169] : memref<6553600x16xf32, #tpu.memory_space<hbm>> -> memref<2048x16xf32, #tpu.memory_space<hbm>>
      tpu.wait_dma2 semaphore(%arg22 : memref<!tpu.dma_semaphore, #tpu.memory_space<semaphore_mem>>) src(%dma_wait3A_170 : memref<2048x16xf32, #tpu.memory_space<hbm>>) dst(%arg18 : memref<2048x16xf32, #tpu.memory_space<vmem>>)
      %gt3A = arith.constant 0 : i32
      %gt3A_171 = arith.cmpi sgt, %scan3A_158, %gt3A : i32
      %convert_element_type3A_172 = arith.extui %gt3A_171 : i1 to i32
      %cond3A_173 = arith.constant 0 : i32
      %cond3A_174 = arith.cmpi ne, %convert_element_type3A_172, %cond3A_173 : i32
      scf.if %cond3A_174 {
        %sub3A = arith.constant 2 : i32
        %sub3A_225 = arith.subi %mul3A_160, %sub3A : i32
        %mul3A_226 = arith.constant 256 : i32
        %mul3A_227 = arith.muli %sub3A_225, %mul3A_226 : i32
        %add3A_228 = arith.addi %multiple_of3A, %mul3A_227 : i32
        %multiple_of3A_229 = tpu.assume_multiple %add3A_228, 256 : i32
        %dma_wait3A_230 = arith.constant 0 : i32
        %dma_wait3A_231 = tpu.memref_slice %arg6[%dma_wait3A_230, %multiple_of3A_229] : memref<16x262144xf32, #tpu.memory_space<hbm>> -> memref<16x256xf32, #tpu.memory_space<hbm>>
        %dma_wait3A_232 = arith.constant 0 : i32
        %dma_wait3A_233 = tpu.memref_slice %arg6[%dma_wait3A_232, %multiple_of3A_229] : memref<16x262144xf32, #tpu.memory_space<hbm>> -> memref<16x256xf32, #tpu.memory_space<hbm>>
        tpu.wait_dma2 semaphore(%arg24 : memref<!tpu.dma_semaphore, #tpu.memory_space<semaphore_mem>>) src(%arg20 : memref<16x256xf32, #tpu.memory_space<vmem>>) dst(%dma_wait3A_233 : memref<16x256xf32, #tpu.memory_space<hbm>>)
      } else {
      }
      %scan3A_175 = arith.constant 0 : i32
      %scan3A_176 = arith.constant 0 : i32
      %scan3A_177 = arith.constant 16 : i32
      %scan3A_178 = arith.addi %scan3A_176, %scan3A_177 : i32
      %scan3A_179 = arith.constant 1 : i32
      scf.for %scan3A_225 = %scan3A_176 to %scan3A_178 step %scan3A_179  : i32 {
        %mul3A_226 = arith.constant 16 : i32
        %mul3A_227 = arith.muli %scan3A_225, %mul3A_226 : i32
        %multiple_of3A_228 = tpu.assume_multiple %mul3A_227, 16 : i32
        %iota3A = tpu.iota {dimensions = array<i32: 0>} : vector<16xi32>
        %add3A_229 = vector.broadcast %multiple_of3A_228 : i32 to vector<16xi32>
        %add3A_230 = arith.addi %add3A_229, %iota3A : vector<16xi32>
        %get3A = arith.index_cast %multiple_of3A_228 : i32 to index
        %get3A_231 = tpu.vector_load %arg12[%get3A] {strides = array<i32>} : memref<256xf32, #tpu.memory_space<vmem>>, vector<16xf32>,
        %get3A_232 = arith.index_cast %multiple_of3A_228 : i32 to index
        %get3A_233 = tpu.vector_load %arg14[%get3A_232] {strides = array<i32>} : memref<256xf32, #tpu.memory_space<vmem>>, vector<16xf32>,
        %get3A_234 = arith.index_cast %multiple_of3A_228 : i32 to index
        %get3A_235 = tpu.vector_load %arg16[%get3A_234] {strides = array<i32>} : memref<256xf32, #tpu.memory_space<vmem>>, vector<16xf32>,
        %sub3A = arith.constant 1.000000e+00 : f32
        %sub3A_236 = vector.broadcast %sub3A : f32 to vector<16xf32>
        %sub3A_237 = arith.subf %sub3A_236, %get3A_231 : vector<16xf32>
        %sub3A_238 = arith.constant 1.000000e+00 : f32
        %sub3A_239 = vector.broadcast %sub3A_238 : f32 to vector<16xf32>
        %sub3A_240 = arith.subf %sub3A_239, %get3A_233 : vector<16xf32>
        %sub3A_241 = arith.constant 1.000000e+00 : f32
        %sub3A_242 = vector.broadcast %sub3A_241 : f32 to vector<16xf32>
        %sub3A_243 = arith.subf %sub3A_242, %get3A_235 : vector<16xf32>
        %mul3A_244 = arith.mulf %sub3A_243, %sub3A_240 : vector<16xf32>
        %mul3A_245 = arith.mulf %sub3A_243, %get3A_233 : vector<16xf32>
        %mul3A_246 = arith.mulf %get3A_235, %sub3A_240 : vector<16xf32>
        %mul3A_247 = arith.mulf %get3A_235, %get3A_233 : vector<16xf32>
        %mul3A_248 = arith.mulf %mul3A_244, %sub3A_237 : vector<16xf32>
        %mul3A_249 = arith.mulf %mul3A_244, %get3A_231 : vector<16xf32>
        %mul3A_250 = arith.mulf %mul3A_245, %sub3A_237 : vector<16xf32>
        %mul3A_251 = arith.mulf %mul3A_245, %get3A_231 : vector<16xf32>
        %mul3A_252 = arith.mulf %mul3A_246, %sub3A_237 : vector<16xf32>
        %mul3A_253 = arith.mulf %mul3A_246, %get3A_231 : vector<16xf32>
        %mul3A_254 = arith.mulf %mul3A_247, %sub3A_237 : vector<16xf32>
        %mul3A_255 = arith.mulf %mul3A_247, %get3A_231 : vector<16xf32>
        %add3A_256 = arith.constant 0 : i32
        %add3A_257 = vector.broadcast %add3A_256 : i32 to vector<16xi32>
        %add3A_258 = arith.addi %add3A_230, %add3A_257 : vector<16xi32>
        %add3A_259 = arith.constant 256 : i32
        %add3A_260 = vector.broadcast %add3A_259 : i32 to vector<16xi32>
        %add3A_261 = arith.addi %add3A_230, %add3A_260 : vector<16xi32>
        %add3A_262 = arith.constant 512 : i32
        %add3A_263 = vector.broadcast %add3A_262 : i32 to vector<16xi32>
        %add3A_264 = arith.addi %add3A_230, %add3A_263 : vector<16xi32>
        %add3A_265 = arith.constant 768 : i32
        %add3A_266 = vector.broadcast %add3A_265 : i32 to vector<16xi32>
        %add3A_267 = arith.addi %add3A_230, %add3A_266 : vector<16xi32>
        %add3A_268 = arith.constant 1024 : i32
        %add3A_269 = vector.broadcast %add3A_268 : i32 to vector<16xi32>
        %add3A_270 = arith.addi %add3A_230, %add3A_269 : vector<16xi32>
        %add3A_271 = arith.constant 1280 : i32
        %add3A_272 = vector.broadcast %add3A_271 : i32 to vector<16xi32>
        %add3A_273 = arith.addi %add3A_230, %add3A_272 : vector<16xi32>
        %add3A_274 = arith.constant 1536 : i32
        %add3A_275 = vector.broadcast %add3A_274 : i32 to vector<16xi32>
        %add3A_276 = arith.addi %add3A_230, %add3A_275 : vector<16xi32>
        %add3A_277 = arith.constant 1792 : i32
        %add3A_278 = vector.broadcast %add3A_277 : i32 to vector<16xi32>
        %add3A_279 = arith.addi %add3A_230, %add3A_278 : vector<16xi32>
        %broadcast_in_dim3A = arith.constant 0 : i32
        %broadcast_in_dim3A_280 = vector.broadcast %broadcast_in_dim3A : i32 to vector<16xi32>
        %gather3A = tpu.vector_load_idx %arg18[%add3A_258, %broadcast_in_dim3A_280] : memref<2048x16xf32, #tpu.memory_space<vmem>>[vector<16xi32>, vector<16xi32>], vector<16xf32>,
        %mul3A_281 = arith.mulf %mul3A_248, %gather3A : vector<16xf32>
        %gather3A_282 = tpu.vector_load_idx %arg18[%add3A_261, %broadcast_in_dim3A_280] : memref<2048x16xf32, #tpu.memory_space<vmem>>[vector<16xi32>, vector<16xi32>], vector<16xf32>,
        %mul3A_283 = arith.mulf %mul3A_249, %gather3A_282 : vector<16xf32>
        %add3A_284 = arith.addf %mul3A_281, %mul3A_283 : vector<16xf32>
        %gather3A_285 = tpu.vector_load_idx %arg18[%add3A_264, %broadcast_in_dim3A_280] : memref<2048x16xf32, #tpu.memory_space<vmem>>[vector<16xi32>, vector<16xi32>], vector<16xf32>,
        %mul3A_286 = arith.mulf %mul3A_250, %gather3A_285 : vector<16xf32>
        %add3A_287 = arith.addf %add3A_284, %mul3A_286 : vector<16xf32>
        %gather3A_288 = tpu.vector_load_idx %arg18[%add3A_267, %broadcast_in_dim3A_280] : memref<2048x16xf32, #tpu.memory_space<vmem>>[vector<16xi32>, vector<16xi32>], vector<16xf32>,
        %mul3A_289 = arith.mulf %mul3A_251, %gather3A_288 : vector<16xf32>
        %add3A_290 = arith.addf %add3A_287, %mul3A_289 : vector<16xf32>
        %gather3A_291 = tpu.vector_load_idx %arg18[%add3A_270, %broadcast_in_dim3A_280] : memref<2048x16xf32, #tpu.memory_space<vmem>>[vector<16xi32>, vector<16xi32>], vector<16xf32>,
        %mul3A_292 = arith.mulf %mul3A_252, %gather3A_291 : vector<16xf32>
        %add3A_293 = arith.addf %add3A_290, %mul3A_292 : vector<16xf32>
        %gather3A_294 = tpu.vector_load_idx %arg18[%add3A_273, %broadcast_in_dim3A_280] : memref<2048x16xf32, #tpu.memory_space<vmem>>[vector<16xi32>, vector<16xi32>], vector<16xf32>,
        %mul3A_295 = arith.mulf %mul3A_253, %gather3A_294 : vector<16xf32>
        %add3A_296 = arith.addf %add3A_293, %mul3A_295 : vector<16xf32>
        %gather3A_297 = tpu.vector_load_idx %arg18[%add3A_276, %broadcast_in_dim3A_280] : memref<2048x16xf32, #tpu.memory_space<vmem>>[vector<16xi32>, vector<16xi32>], vector<16xf32>,
        %mul3A_298 = arith.mulf %mul3A_254, %gather3A_297 : vector<16xf32>
        %add3A_299 = arith.addf %add3A_296, %mul3A_298 : vector<16xf32>
        %gather3A_300 = tpu.vector_load_idx %arg18[%add3A_279, %broadcast_in_dim3A_280] : memref<2048x16xf32, #tpu.memory_space<vmem>>[vector<16xi32>, vector<16xi32>], vector<16xf32>,
        %mul3A_301 = arith.mulf %mul3A_255, %gather3A_300 : vector<16xf32>
        %add3A_302 = arith.addf %add3A_299, %mul3A_301 : vector<16xf32>
        %swap3A = arith.constant 0 : i32
        %swap3A_303 = arith.index_cast %swap3A : i32 to index
        %swap3A_304 = arith.index_cast %multiple_of3A_228 : i32 to index
        %swap3A_305 = tpu.vector_load %arg20[%swap3A_303, %swap3A_304] {strides = array<i32>} : memref<16x256xf32, #tpu.memory_space<vmem>>, vector<16xf32>,
        tpu.vector_store %arg20[%swap3A_303, %swap3A_304], %add3A_302 {strides = array<i32>} : memref<16x256xf32, #tpu.memory_space<vmem>>, vector<16xf32>,
        %broadcast_in_dim3A_306 = arith.constant 1 : i32
        %broadcast_in_dim3A_307 = vector.broadcast %broadcast_in_dim3A_306 : i32 to vector<16xi32>
        %gather3A_308 = tpu.vector_load_idx %arg18[%add3A_258, %broadcast_in_dim3A_307] : memref<2048x16xf32, #tpu.memory_space<vmem>>[vector<16xi32>, vector<16xi32>], vector<16xf32>,
        %mul3A_309 = arith.mulf %mul3A_248, %gather3A_308 : vector<16xf32>
        %gather3A_310 = tpu.vector_load_idx %arg18[%add3A_261, %broadcast_in_dim3A_307] : memref<2048x16xf32, #tpu.memory_space<vmem>>[vector<16xi32>, vector<16xi32>], vector<16xf32>,
        %mul3A_311 = arith.mulf %mul3A_249, %gather3A_310 : vector<16xf32>
        %add3A_312 = arith.addf %mul3A_309, %mul3A_311 : vector<16xf32>
        %gather3A_313 = tpu.vector_load_idx %arg18[%add3A_264, %broadcast_in_dim3A_307] : memref<2048x16xf32, #tpu.memory_space<vmem>>[vector<16xi32>, vector<16xi32>], vector<16xf32>,
        %mul3A_314 = arith.mulf %mul3A_250, %gather3A_313 : vector<16xf32>
        %add3A_315 = arith.addf %add3A_312, %mul3A_314 : vector<16xf32>
        %gather3A_316 = tpu.vector_load_idx %arg18[%add3A_267, %broadcast_in_dim3A_307] : memref<2048x16xf32, #tpu.memory_space<vmem>>[vector<16xi32>, vector<16xi32>], vector<16xf32>,
        %mul3A_317 = arith.mulf %mul3A_251, %gather3A_316 : vector<16xf32>
        %add3A_318 = arith.addf %add3A_315, %mul3A_317 : vector<16xf32>
        %gather3A_319 = tpu.vector_load_idx %arg18[%add3A_270, %broadcast_in_dim3A_307] : memref<2048x16xf32, #tpu.memory_space<vmem>>[vector<16xi32>, vector<16xi32>], vector<16xf32>,
        %mul3A_320 = arith.mulf %mul3A_252, %gather3A_319 : vector<16xf32>
        %add3A_321 = arith.addf %add3A_318, %mul3A_320 : vector<16xf32>
        %gather3A_322 = tpu.vector_load_idx %arg18[%add3A_273, %broadcast_in_dim3A_307] : memref<2048x16xf32, #tpu.memory_space<vmem>>[vector<16xi32>, vector<16xi32>], vector<16xf32>,
        %mul3A_323 = arith.mulf %mul3A_253, %gather3A_322 : vector<16xf32>
        %add3A_324 = arith.addf %add3A_321, %mul3A_323 : vector<16xf32>
        %gather3A_325 = tpu.vector_load_idx %arg18[%add3A_276, %broadcast_in_dim3A_307] : memref<2048x16xf32, #tpu.memory_space<vmem>>[vector<16xi32>, vector<16xi32>], vector<16xf32>,
        %mul3A_326 = arith.mulf %mul3A_254, %gather3A_325 : vector<16xf32>
        %add3A_327 = arith.addf %add3A_324, %mul3A_326 : vector<16xf32>
        %gather3A_328 = tpu.vector_load_idx %arg18[%add3A_279, %broadcast_in_dim3A_307] : memref<2048x16xf32, #tpu.memory_space<vmem>>[vector<16xi32>, vector<16xi32>], vector<16xf32>,
        %mul3A_329 = arith.mulf %mul3A_255, %gather3A_328 : vector<16xf32>
        %add3A_330 = arith.addf %add3A_327, %mul3A_329 : vector<16xf32>
        %swap3A_331 = arith.constant 1 : i32
        %swap3A_332 = arith.index_cast %swap3A_331 : i32 to index
        %swap3A_333 = arith.index_cast %multiple_of3A_228 : i32 to index
        %swap3A_334 = tpu.vector_load %arg20[%swap3A_332, %swap3A_333] {strides = array<i32>} : memref<16x256xf32, #tpu.memory_space<vmem>>, vector<16xf32>,
        tpu.vector_store %arg20[%swap3A_332, %swap3A_333], %add3A_330 {strides = array<i32>} : memref<16x256xf32, #tpu.memory_space<vmem>>, vector<16xf32>,
        %broadcast_in_dim3A_335 = arith.constant 2 : i32
        %broadcast_in_dim3A_336 = vector.broadcast %broadcast_in_dim3A_335 : i32 to vector<16xi32>
        %gather3A_337 = tpu.vector_load_idx %arg18[%add3A_258, %broadcast_in_dim3A_336] : memref<2048x16xf32, #tpu.memory_space<vmem>>[vector<16xi32>, vector<16xi32>], vector<16xf32>,
        %mul3A_338 = arith.mulf %mul3A_248, %gather3A_337 : vector<16xf32>
        %gather3A_339 = tpu.vector_load_idx %arg18[%add3A_261, %broadcast_in_dim3A_336] : memref<2048x16xf32, #tpu.memory_space<vmem>>[vector<16xi32>, vector<16xi32>], vector<16xf32>,
        %mul3A_340 = arith.mulf %mul3A_249, %gather3A_339 : vector<16xf32>
        %add3A_341 = arith.addf %mul3A_338, %mul3A_340 : vector<16xf32>
        %gather3A_342 = tpu.vector_load_idx %arg18[%add3A_264, %broadcast_in_dim3A_336] : memref<2048x16xf32, #tpu.memory_space<vmem>>[vector<16xi32>, vector<16xi32>], vector<16xf32>,
        %mul3A_343 = arith.mulf %mul3A_250, %gather3A_342 : vector<16xf32>
        %add3A_344 = arith.addf %add3A_341, %mul3A_343 : vector<16xf32>
        %gather3A_345 = tpu.vector_load_idx %arg18[%add3A_267, %broadcast_in_dim3A_336] : memref<2048x16xf32, #tpu.memory_space<vmem>>[vector<16xi32>, vector<16xi32>], vector<16xf32>,
        %mul3A_346 = arith.mulf %mul3A_251, %gather3A_345 : vector<16xf32>
        %add3A_347 = arith.addf %add3A_344, %mul3A_346 : vector<16xf32>
        %gather3A_348 = tpu.vector_load_idx %arg18[%add3A_270, %broadcast_in_dim3A_336] : memref<2048x16xf32, #tpu.memory_space<vmem>>[vector<16xi32>, vector<16xi32>], vector<16xf32>,
        %mul3A_349 = arith.mulf %mul3A_252, %gather3A_348 : vector<16xf32>
        %add3A_350 = arith.addf %add3A_347, %mul3A_349 : vector<16xf32>
        %gather3A_351 = tpu.vector_load_idx %arg18[%add3A_273, %broadcast_in_dim3A_336] : memref<2048x16xf32, #tpu.memory_space<vmem>>[vector<16xi32>, vector<16xi32>], vector<16xf32>,
        %mul3A_352 = arith.mulf %mul3A_253, %gather3A_351 : vector<16xf32>
        %add3A_353 = arith.addf %add3A_350, %mul3A_352 : vector<16xf32>
        %gather3A_354 = tpu.vector_load_idx %arg18[%add3A_276, %broadcast_in_dim3A_336] : memref<2048x16xf32, #tpu.memory_space<vmem>>[vector<16xi32>, vector<16xi32>], vector<16xf32>,
        %mul3A_355 = arith.mulf %mul3A_254, %gather3A_354 : vector<16xf32>
        %add3A_356 = arith.addf %add3A_353, %mul3A_355 : vector<16xf32>
        %gather3A_357 = tpu.vector_load_idx %arg18[%add3A_279, %broadcast_in_dim3A_336] : memref<2048x16xf32, #tpu.memory_space<vmem>>[vector<16xi32>, vector<16xi32>], vector<16xf32>,
        %mul3A_358 = arith.mulf %mul3A_255, %gather3A_357 : vector<16xf32>
        %add3A_359 = arith.addf %add3A_356, %mul3A_358 : vector<16xf32>
        %swap3A_360 = arith.constant 2 : i32
        %swap3A_361 = arith.index_cast %swap3A_360 : i32 to index
        %swap3A_362 = arith.index_cast %multiple_of3A_228 : i32 to index
        %swap3A_363 = tpu.vector_load %arg20[%swap3A_361, %swap3A_362] {strides = array<i32>} : memref<16x256xf32, #tpu.memory_space<vmem>>, vector<16xf32>,
        tpu.vector_store %arg20[%swap3A_361, %swap3A_362], %add3A_359 {strides = array<i32>} : memref<16x256xf32, #tpu.memory_space<vmem>>, vector<16xf32>,
        %broadcast_in_dim3A_364 = arith.constant 3 : i32
        %broadcast_in_dim3A_365 = vector.broadcast %broadcast_in_dim3A_364 : i32 to vector<16xi32>
        %gather3A_366 = tpu.vector_load_idx %arg18[%add3A_258, %broadcast_in_dim3A_365] : memref<2048x16xf32, #tpu.memory_space<vmem>>[vector<16xi32>, vector<16xi32>], vector<16xf32>,
        %mul3A_367 = arith.mulf %mul3A_248, %gather3A_366 : vector<16xf32>
        %gather3A_368 = tpu.vector_load_idx %arg18[%add3A_261, %broadcast_in_dim3A_365] : memref<2048x16xf32, #tpu.memory_space<vmem>>[vector<16xi32>, vector<16xi32>], vector<16xf32>,
        %mul3A_369 = arith.mulf %mul3A_249, %gather3A_368 : vector<16xf32>
        %add3A_370 = arith.addf %mul3A_367, %mul3A_369 : vector<16xf32>
        %gather3A_371 = tpu.vector_load_idx %arg18[%add3A_264, %broadcast_in_dim3A_365] : memref<2048x16xf32, #tpu.memory_space<vmem>>[vector<16xi32>, vector<16xi32>], vector<16xf32>,
        %mul3A_372 = arith.mulf %mul3A_250, %gather3A_371 : vector<16xf32>
        %add3A_373 = arith.addf %add3A_370, %mul3A_372 : vector<16xf32>
        %gather3A_374 = tpu.vector_load_idx %arg18[%add3A_267, %broadcast_in_dim3A_365] : memref<2048x16xf32, #tpu.memory_space<vmem>>[vector<16xi32>, vector<16xi32>], vector<16xf32>,
        %mul3A_375 = arith.mulf %mul3A_251, %gather3A_374 : vector<16xf32>
        %add3A_376 = arith.addf %add3A_373, %mul3A_375 : vector<16xf32>
        %gather3A_377 = tpu.vector_load_idx %arg18[%add3A_270, %broadcast_in_dim3A_365] : memref<2048x16xf32, #tpu.memory_space<vmem>>[vector<16xi32>, vector<16xi32>], vector<16xf32>,
        %mul3A_378 = arith.mulf %mul3A_252, %gather3A_377 : vector<16xf32>
        %add3A_379 = arith.addf %add3A_376, %mul3A_378 : vector<16xf32>
        %gather3A_380 = tpu.vector_load_idx %arg18[%add3A_273, %broadcast_in_dim3A_365] : memref<2048x16xf32, #tpu.memory_space<vmem>>[vector<16xi32>, vector<16xi32>], vector<16xf32>,
        %mul3A_381 = arith.mulf %mul3A_253, %gather3A_380 : vector<16xf32>
        %add3A_382 = arith.addf %add3A_379, %mul3A_381 : vector<16xf32>
        %gather3A_383 = tpu.vector_load_idx %arg18[%add3A_276, %broadcast_in_dim3A_365] : memref<2048x16xf32, #tpu.memory_space<vmem>>[vector<16xi32>, vector<16xi32>], vector<16xf32>,
        %mul3A_384 = arith.mulf %mul3A_254, %gather3A_383 : vector<16xf32>
        %add3A_385 = arith.addf %add3A_382, %mul3A_384 : vector<16xf32>
        %gather3A_386 = tpu.vector_load_idx %arg18[%add3A_279, %broadcast_in_dim3A_365] : memref<2048x16xf32, #tpu.memory_space<vmem>>[vector<16xi32>, vector<16xi32>], vector<16xf32>,
        %mul3A_387 = arith.mulf %mul3A_255, %gather3A_386 : vector<16xf32>
        %add3A_388 = arith.addf %add3A_385, %mul3A_387 : vector<16xf32>
        %swap3A_389 = arith.constant 3 : i32
        %swap3A_390 = arith.index_cast %swap3A_389 : i32 to index
        %swap3A_391 = arith.index_cast %multiple_of3A_228 : i32 to index
        %swap3A_392 = tpu.vector_load %arg20[%swap3A_390, %swap3A_391] {strides = array<i32>} : memref<16x256xf32, #tpu.memory_space<vmem>>, vector<16xf32>,
        tpu.vector_store %arg20[%swap3A_390, %swap3A_391], %add3A_388 {strides = array<i32>} : memref<16x256xf32, #tpu.memory_space<vmem>>, vector<16xf32>,
        %broadcast_in_dim3A_393 = arith.constant 4 : i32
        %broadcast_in_dim3A_394 = vector.broadcast %broadcast_in_dim3A_393 : i32 to vector<16xi32>
        %gather3A_395 = tpu.vector_load_idx %arg18[%add3A_258, %broadcast_in_dim3A_394] : memref<2048x16xf32, #tpu.memory_space<vmem>>[vector<16xi32>, vector<16xi32>], vector<16xf32>,
        %mul3A_396 = arith.mulf %mul3A_248, %gather3A_395 : vector<16xf32>
        %gather3A_397 = tpu.vector_load_idx %arg18[%add3A_261, %broadcast_in_dim3A_394] : memref<2048x16xf32, #tpu.memory_space<vmem>>[vector<16xi32>, vector<16xi32>], vector<16xf32>,
        %mul3A_398 = arith.mulf %mul3A_249, %gather3A_397 : vector<16xf32>
        %add3A_399 = arith.addf %mul3A_396, %mul3A_398 : vector<16xf32>
        %gather3A_400 = tpu.vector_load_idx %arg18[%add3A_264, %broadcast_in_dim3A_394] : memref<2048x16xf32, #tpu.memory_space<vmem>>[vector<16xi32>, vector<16xi32>], vector<16xf32>,
        %mul3A_401 = arith.mulf %mul3A_250, %gather3A_400 : vector<16xf32>
        %add3A_402 = arith.addf %add3A_399, %mul3A_401 : vector<16xf32>
        %gather3A_403 = tpu.vector_load_idx %arg18[%add3A_267, %broadcast_in_dim3A_394] : memref<2048x16xf32, #tpu.memory_space<vmem>>[vector<16xi32>, vector<16xi32>], vector<16xf32>,
        %mul3A_404 = arith.mulf %mul3A_251, %gather3A_403 : vector<16xf32>
        %add3A_405 = arith.addf %add3A_402, %mul3A_404 : vector<16xf32>
        %gather3A_406 = tpu.vector_load_idx %arg18[%add3A_270, %broadcast_in_dim3A_394] : memref<2048x16xf32, #tpu.memory_space<vmem>>[vector<16xi32>, vector<16xi32>], vector<16xf32>,
        %mul3A_407 = arith.mulf %mul3A_252, %gather3A_406 : vector<16xf32>
        %add3A_408 = arith.addf %add3A_405, %mul3A_407 : vector<16xf32>
        %gather3A_409 = tpu.vector_load_idx %arg18[%add3A_273, %broadcast_in_dim3A_394] : memref<2048x16xf32, #tpu.memory_space<vmem>>[vector<16xi32>, vector<16xi32>], vector<16xf32>,
        %mul3A_410 = arith.mulf %mul3A_253, %gather3A_409 : vector<16xf32>
        %add3A_411 = arith.addf %add3A_408, %mul3A_410 : vector<16xf32>
        %gather3A_412 = tpu.vector_load_idx %arg18[%add3A_276, %broadcast_in_dim3A_394] : memref<2048x16xf32, #tpu.memory_space<vmem>>[vector<16xi32>, vector<16xi32>], vector<16xf32>,
        %mul3A_413 = arith.mulf %mul3A_254, %gather3A_412 : vector<16xf32>
        %add3A_414 = arith.addf %add3A_411, %mul3A_413 : vector<16xf32>
        %gather3A_415 = tpu.vector_load_idx %arg18[%add3A_279, %broadcast_in_dim3A_394] : memref<2048x16xf32, #tpu.memory_space<vmem>>[vector<16xi32>, vector<16xi32>], vector<16xf32>,
        %mul3A_416 = arith.mulf %mul3A_255, %gather3A_415 : vector<16xf32>
        %add3A_417 = arith.addf %add3A_414, %mul3A_416 : vector<16xf32>
        %swap3A_418 = arith.constant 4 : i32
        %swap3A_419 = arith.index_cast %swap3A_418 : i32 to index
        %swap3A_420 = arith.index_cast %multiple_of3A_228 : i32 to index
        %swap3A_421 = tpu.vector_load %arg20[%swap3A_419, %swap3A_420] {strides = array<i32>} : memref<16x256xf32, #tpu.memory_space<vmem>>, vector<16xf32>,
        tpu.vector_store %arg20[%swap3A_419, %swap3A_420], %add3A_417 {strides = array<i32>} : memref<16x256xf32, #tpu.memory_space<vmem>>, vector<16xf32>,
        %broadcast_in_dim3A_422 = arith.constant 5 : i32
        %broadcast_in_dim3A_423 = vector.broadcast %broadcast_in_dim3A_422 : i32 to vector<16xi32>
        %gather3A_424 = tpu.vector_load_idx %arg18[%add3A_258, %broadcast_in_dim3A_423] : memref<2048x16xf32, #tpu.memory_space<vmem>>[vector<16xi32>, vector<16xi32>], vector<16xf32>,
        %mul3A_425 = arith.mulf %mul3A_248, %gather3A_424 : vector<16xf32>
        %gather3A_426 = tpu.vector_load_idx %arg18[%add3A_261, %broadcast_in_dim3A_423] : memref<2048x16xf32, #tpu.memory_space<vmem>>[vector<16xi32>, vector<16xi32>], vector<16xf32>,
        %mul3A_427 = arith.mulf %mul3A_249, %gather3A_426 : vector<16xf32>
        %add3A_428 = arith.addf %mul3A_425, %mul3A_427 : vector<16xf32>
        %gather3A_429 = tpu.vector_load_idx %arg18[%add3A_264, %broadcast_in_dim3A_423] : memref<2048x16xf32, #tpu.memory_space<vmem>>[vector<16xi32>, vector<16xi32>], vector<16xf32>,
        %mul3A_430 = arith.mulf %mul3A_250, %gather3A_429 : vector<16xf32>
        %add3A_431 = arith.addf %add3A_428, %mul3A_430 : vector<16xf32>
        %gather3A_432 = tpu.vector_load_idx %arg18[%add3A_267, %broadcast_in_dim3A_423] : memref<2048x16xf32, #tpu.memory_space<vmem>>[vector<16xi32>, vector<16xi32>], vector<16xf32>,
        %mul3A_433 = arith.mulf %mul3A_251, %gather3A_432 : vector<16xf32>
        %add3A_434 = arith.addf %add3A_431, %mul3A_433 : vector<16xf32>
        %gather3A_435 = tpu.vector_load_idx %arg18[%add3A_270, %broadcast_in_dim3A_423] : memref<2048x16xf32, #tpu.memory_space<vmem>>[vector<16xi32>, vector<16xi32>], vector<16xf32>,
        %mul3A_436 = arith.mulf %mul3A_252, %gather3A_435 : vector<16xf32>
        %add3A_437 = arith.addf %add3A_434, %mul3A_436 : vector<16xf32>
        %gather3A_438 = tpu.vector_load_idx %arg18[%add3A_273, %broadcast_in_dim3A_423] : memref<2048x16xf32, #tpu.memory_space<vmem>>[vector<16xi32>, vector<16xi32>], vector<16xf32>,
        %mul3A_439 = arith.mulf %mul3A_253, %gather3A_438 : vector<16xf32>
        %add3A_440 = arith.addf %add3A_437, %mul3A_439 : vector<16xf32>
        %gather3A_441 = tpu.vector_load_idx %arg18[%add3A_276, %broadcast_in_dim3A_423] : memref<2048x16xf32, #tpu.memory_space<vmem>>[vector<16xi32>, vector<16xi32>], vector<16xf32>,
        %mul3A_442 = arith.mulf %mul3A_254, %gather3A_441 : vector<16xf32>
        %add3A_443 = arith.addf %add3A_440, %mul3A_442 : vector<16xf32>
        %gather3A_444 = tpu.vector_load_idx %arg18[%add3A_279, %broadcast_in_dim3A_423] : memref<2048x16xf32, #tpu.memory_space<vmem>>[vector<16xi32>, vector<16xi32>], vector<16xf32>,
        %mul3A_445 = arith.mulf %mul3A_255, %gather3A_444 : vector<16xf32>
        %add3A_446 = arith.addf %add3A_443, %mul3A_445 : vector<16xf32>
        %swap3A_447 = arith.constant 5 : i32
        %swap3A_448 = arith.index_cast %swap3A_447 : i32 to index
        %swap3A_449 = arith.index_cast %multiple_of3A_228 : i32 to index
        %swap3A_450 = tpu.vector_load %arg20[%swap3A_448, %swap3A_449] {strides = array<i32>} : memref<16x256xf32, #tpu.memory_space<vmem>>, vector<16xf32>,
        tpu.vector_store %arg20[%swap3A_448, %swap3A_449], %add3A_446 {strides = array<i32>} : memref<16x256xf32, #tpu.memory_space<vmem>>, vector<16xf32>,
        %broadcast_in_dim3A_451 = arith.constant 6 : i32
        %broadcast_in_dim3A_452 = vector.broadcast %broadcast_in_dim3A_451 : i32 to vector<16xi32>
        %gather3A_453 = tpu.vector_load_idx %arg18[%add3A_258, %broadcast_in_dim3A_452] : memref<2048x16xf32, #tpu.memory_space<vmem>>[vector<16xi32>, vector<16xi32>], vector<16xf32>,
        %mul3A_454 = arith.mulf %mul3A_248, %gather3A_453 : vector<16xf32>
        %gather3A_455 = tpu.vector_load_idx %arg18[%add3A_261, %broadcast_in_dim3A_452] : memref<2048x16xf32, #tpu.memory_space<vmem>>[vector<16xi32>, vector<16xi32>], vector<16xf32>,
        %mul3A_456 = arith.mulf %mul3A_249, %gather3A_455 : vector<16xf32>
        %add3A_457 = arith.addf %mul3A_454, %mul3A_456 : vector<16xf32>
        %gather3A_458 = tpu.vector_load_idx %arg18[%add3A_264, %broadcast_in_dim3A_452] : memref<2048x16xf32, #tpu.memory_space<vmem>>[vector<16xi32>, vector<16xi32>], vector<16xf32>,
        %mul3A_459 = arith.mulf %mul3A_250, %gather3A_458 : vector<16xf32>
        %add3A_460 = arith.addf %add3A_457, %mul3A_459 : vector<16xf32>
        %gather3A_461 = tpu.vector_load_idx %arg18[%add3A_267, %broadcast_in_dim3A_452] : memref<2048x16xf32, #tpu.memory_space<vmem>>[vector<16xi32>, vector<16xi32>], vector<16xf32>,
        %mul3A_462 = arith.mulf %mul3A_251, %gather3A_461 : vector<16xf32>
        %add3A_463 = arith.addf %add3A_460, %mul3A_462 : vector<16xf32>
        %gather3A_464 = tpu.vector_load_idx %arg18[%add3A_270, %broadcast_in_dim3A_452] : memref<2048x16xf32, #tpu.memory_space<vmem>>[vector<16xi32>, vector<16xi32>], vector<16xf32>,
        %mul3A_465 = arith.mulf %mul3A_252, %gather3A_464 : vector<16xf32>
        %add3A_466 = arith.addf %add3A_463, %mul3A_465 : vector<16xf32>
        %gather3A_467 = tpu.vector_load_idx %arg18[%add3A_273, %broadcast_in_dim3A_452] : memref<2048x16xf32, #tpu.memory_space<vmem>>[vector<16xi32>, vector<16xi32>], vector<16xf32>,
        %mul3A_468 = arith.mulf %mul3A_253, %gather3A_467 : vector<16xf32>
        %add3A_469 = arith.addf %add3A_466, %mul3A_468 : vector<16xf32>
        %gather3A_470 = tpu.vector_load_idx %arg18[%add3A_276, %broadcast_in_dim3A_452] : memref<2048x16xf32, #tpu.memory_space<vmem>>[vector<16xi32>, vector<16xi32>], vector<16xf32>,
        %mul3A_471 = arith.mulf %mul3A_254, %gather3A_470 : vector<16xf32>
        %add3A_472 = arith.addf %add3A_469, %mul3A_471 : vector<16xf32>
        %gather3A_473 = tpu.vector_load_idx %arg18[%add3A_279, %broadcast_in_dim3A_452] : memref<2048x16xf32, #tpu.memory_space<vmem>>[vector<16xi32>, vector<16xi32>], vector<16xf32>,
        %mul3A_474 = arith.mulf %mul3A_255, %gather3A_473 : vector<16xf32>
        %add3A_475 = arith.addf %add3A_472, %mul3A_474 : vector<16xf32>
        %swap3A_476 = arith.constant 6 : i32
        %swap3A_477 = arith.index_cast %swap3A_476 : i32 to index
        %swap3A_478 = arith.index_cast %multiple_of3A_228 : i32 to index
        %swap3A_479 = tpu.vector_load %arg20[%swap3A_477, %swap3A_478] {strides = array<i32>} : memref<16x256xf32, #tpu.memory_space<vmem>>, vector<16xf32>,
        tpu.vector_store %arg20[%swap3A_477, %swap3A_478], %add3A_475 {strides = array<i32>} : memref<16x256xf32, #tpu.memory_space<vmem>>, vector<16xf32>,
        %broadcast_in_dim3A_480 = arith.constant 7 : i32
        %broadcast_in_dim3A_481 = vector.broadcast %broadcast_in_dim3A_480 : i32 to vector<16xi32>
        %gather3A_482 = tpu.vector_load_idx %arg18[%add3A_258, %broadcast_in_dim3A_481] : memref<2048x16xf32, #tpu.memory_space<vmem>>[vector<16xi32>, vector<16xi32>], vector<16xf32>,
        %mul3A_483 = arith.mulf %mul3A_248, %gather3A_482 : vector<16xf32>
        %gather3A_484 = tpu.vector_load_idx %arg18[%add3A_261, %broadcast_in_dim3A_481] : memref<2048x16xf32, #tpu.memory_space<vmem>>[vector<16xi32>, vector<16xi32>], vector<16xf32>,
        %mul3A_485 = arith.mulf %mul3A_249, %gather3A_484 : vector<16xf32>
        %add3A_486 = arith.addf %mul3A_483, %mul3A_485 : vector<16xf32>
        %gather3A_487 = tpu.vector_load_idx %arg18[%add3A_264, %broadcast_in_dim3A_481] : memref<2048x16xf32, #tpu.memory_space<vmem>>[vector<16xi32>, vector<16xi32>], vector<16xf32>,
        %mul3A_488 = arith.mulf %mul3A_250, %gather3A_487 : vector<16xf32>
        %add3A_489 = arith.addf %add3A_486, %mul3A_488 : vector<16xf32>
        %gather3A_490 = tpu.vector_load_idx %arg18[%add3A_267, %broadcast_in_dim3A_481] : memref<2048x16xf32, #tpu.memory_space<vmem>>[vector<16xi32>, vector<16xi32>], vector<16xf32>,
        %mul3A_491 = arith.mulf %mul3A_251, %gather3A_490 : vector<16xf32>
        %add3A_492 = arith.addf %add3A_489, %mul3A_491 : vector<16xf32>
        %gather3A_493 = tpu.vector_load_idx %arg18[%add3A_270, %broadcast_in_dim3A_481] : memref<2048x16xf32, #tpu.memory_space<vmem>>[vector<16xi32>, vector<16xi32>], vector<16xf32>,
        %mul3A_494 = arith.mulf %mul3A_252, %gather3A_493 : vector<16xf32>
        %add3A_495 = arith.addf %add3A_492, %mul3A_494 : vector<16xf32>
        %gather3A_496 = tpu.vector_load_idx %arg18[%add3A_273, %broadcast_in_dim3A_481] : memref<2048x16xf32, #tpu.memory_space<vmem>>[vector<16xi32>, vector<16xi32>], vector<16xf32>,
        %mul3A_497 = arith.mulf %mul3A_253, %gather3A_496 : vector<16xf32>
        %add3A_498 = arith.addf %add3A_495, %mul3A_497 : vector<16xf32>
        %gather3A_499 = tpu.vector_load_idx %arg18[%add3A_276, %broadcast_in_dim3A_481] : memref<2048x16xf32, #tpu.memory_space<vmem>>[vector<16xi32>, vector<16xi32>], vector<16xf32>,
        %mul3A_500 = arith.mulf %mul3A_254, %gather3A_499 : vector<16xf32>
        %add3A_501 = arith.addf %add3A_498, %mul3A_500 : vector<16xf32>
        %gather3A_502 = tpu.vector_load_idx %arg18[%add3A_279, %broadcast_in_dim3A_481] : memref<2048x16xf32, #tpu.memory_space<vmem>>[vector<16xi32>, vector<16xi32>], vector<16xf32>,
        %mul3A_503 = arith.mulf %mul3A_255, %gather3A_502 : vector<16xf32>
        %add3A_504 = arith.addf %add3A_501, %mul3A_503 : vector<16xf32>
        %swap3A_505 = arith.constant 7 : i32
        %swap3A_506 = arith.index_cast %swap3A_505 : i32 to index
        %swap3A_507 = arith.index_cast %multiple_of3A_228 : i32 to index
        %swap3A_508 = tpu.vector_load %arg20[%swap3A_506, %swap3A_507] {strides = array<i32>} : memref<16x256xf32, #tpu.memory_space<vmem>>, vector<16xf32>,
        tpu.vector_store %arg20[%swap3A_506, %swap3A_507], %add3A_504 {strides = array<i32>} : memref<16x256xf32, #tpu.memory_space<vmem>>, vector<16xf32>,
        %broadcast_in_dim3A_509 = arith.constant 8 : i32
        %broadcast_in_dim3A_510 = vector.broadcast %broadcast_in_dim3A_509 : i32 to vector<16xi32>
        %gather3A_511 = tpu.vector_load_idx %arg18[%add3A_258, %broadcast_in_dim3A_510] : memref<2048x16xf32, #tpu.memory_space<vmem>>[vector<16xi32>, vector<16xi32>], vector<16xf32>,
        %mul3A_512 = arith.mulf %mul3A_248, %gather3A_511 : vector<16xf32>
        %gather3A_513 = tpu.vector_load_idx %arg18[%add3A_261, %broadcast_in_dim3A_510] : memref<2048x16xf32, #tpu.memory_space<vmem>>[vector<16xi32>, vector<16xi32>], vector<16xf32>,
        %mul3A_514 = arith.mulf %mul3A_249, %gather3A_513 : vector<16xf32>
        %add3A_515 = arith.addf %mul3A_512, %mul3A_514 : vector<16xf32>
        %gather3A_516 = tpu.vector_load_idx %arg18[%add3A_264, %broadcast_in_dim3A_510] : memref<2048x16xf32, #tpu.memory_space<vmem>>[vector<16xi32>, vector<16xi32>], vector<16xf32>,
        %mul3A_517 = arith.mulf %mul3A_250, %gather3A_516 : vector<16xf32>
        %add3A_518 = arith.addf %add3A_515, %mul3A_517 : vector<16xf32>
        %gather3A_519 = tpu.vector_load_idx %arg18[%add3A_267, %broadcast_in_dim3A_510] : memref<2048x16xf32, #tpu.memory_space<vmem>>[vector<16xi32>, vector<16xi32>], vector<16xf32>,
        %mul3A_520 = arith.mulf %mul3A_251, %gather3A_519 : vector<16xf32>
        %add3A_521 = arith.addf %add3A_518, %mul3A_520 : vector<16xf32>
        %gather3A_522 = tpu.vector_load_idx %arg18[%add3A_270, %broadcast_in_dim3A_510] : memref<2048x16xf32, #tpu.memory_space<vmem>>[vector<16xi32>, vector<16xi32>], vector<16xf32>,
        %mul3A_523 = arith.mulf %mul3A_252, %gather3A_522 : vector<16xf32>
        %add3A_524 = arith.addf %add3A_521, %mul3A_523 : vector<16xf32>
        %gather3A_525 = tpu.vector_load_idx %arg18[%add3A_273, %broadcast_in_dim3A_510] : memref<2048x16xf32, #tpu.memory_space<vmem>>[vector<16xi32>, vector<16xi32>], vector<16xf32>,
        %mul3A_526 = arith.mulf %mul3A_253, %gather3A_525 : vector<16xf32>
        %add3A_527 = arith.addf %add3A_524, %mul3A_526 : vector<16xf32>
        %gather3A_528 = tpu.vector_load_idx %arg18[%add3A_276, %broadcast_in_dim3A_510] : memref<2048x16xf32, #tpu.memory_space<vmem>>[vector<16xi32>, vector<16xi32>], vector<16xf32>,
        %mul3A_529 = arith.mulf %mul3A_254, %gather3A_528 : vector<16xf32>
        %add3A_530 = arith.addf %add3A_527, %mul3A_529 : vector<16xf32>
        %gather3A_531 = tpu.vector_load_idx %arg18[%add3A_279, %broadcast_in_dim3A_510] : memref<2048x16xf32, #tpu.memory_space<vmem>>[vector<16xi32>, vector<16xi32>], vector<16xf32>,
        %mul3A_532 = arith.mulf %mul3A_255, %gather3A_531 : vector<16xf32>
        %add3A_533 = arith.addf %add3A_530, %mul3A_532 : vector<16xf32>
        %swap3A_534 = arith.constant 8 : i32
        %swap3A_535 = arith.index_cast %swap3A_534 : i32 to index
        %swap3A_536 = arith.index_cast %multiple_of3A_228 : i32 to index
        %swap3A_537 = tpu.vector_load %arg20[%swap3A_535, %swap3A_536] {strides = array<i32>} : memref<16x256xf32, #tpu.memory_space<vmem>>, vector<16xf32>,
        tpu.vector_store %arg20[%swap3A_535, %swap3A_536], %add3A_533 {strides = array<i32>} : memref<16x256xf32, #tpu.memory_space<vmem>>, vector<16xf32>,
        %broadcast_in_dim3A_538 = arith.constant 9 : i32
        %broadcast_in_dim3A_539 = vector.broadcast %broadcast_in_dim3A_538 : i32 to vector<16xi32>
        %gather3A_540 = tpu.vector_load_idx %arg18[%add3A_258, %broadcast_in_dim3A_539] : memref<2048x16xf32, #tpu.memory_space<vmem>>[vector<16xi32>, vector<16xi32>], vector<16xf32>,
        %mul3A_541 = arith.mulf %mul3A_248, %gather3A_540 : vector<16xf32>
        %gather3A_542 = tpu.vector_load_idx %arg18[%add3A_261, %broadcast_in_dim3A_539] : memref<2048x16xf32, #tpu.memory_space<vmem>>[vector<16xi32>, vector<16xi32>], vector<16xf32>,
        %mul3A_543 = arith.mulf %mul3A_249, %gather3A_542 : vector<16xf32>
        %add3A_544 = arith.addf %mul3A_541, %mul3A_543 : vector<16xf32>
        %gather3A_545 = tpu.vector_load_idx %arg18[%add3A_264, %broadcast_in_dim3A_539] : memref<2048x16xf32, #tpu.memory_space<vmem>>[vector<16xi32>, vector<16xi32>], vector<16xf32>,
        %mul3A_546 = arith.mulf %mul3A_250, %gather3A_545 : vector<16xf32>
        %add3A_547 = arith.addf %add3A_544, %mul3A_546 : vector<16xf32>
        %gather3A_548 = tpu.vector_load_idx %arg18[%add3A_267, %broadcast_in_dim3A_539] : memref<2048x16xf32, #tpu.memory_space<vmem>>[vector<16xi32>, vector<16xi32>], vector<16xf32>,
        %mul3A_549 = arith.mulf %mul3A_251, %gather3A_548 : vector<16xf32>
        %add3A_550 = arith.addf %add3A_547, %mul3A_549 : vector<16xf32>
        %gather3A_551 = tpu.vector_load_idx %arg18[%add3A_270, %broadcast_in_dim3A_539] : memref<2048x16xf32, #tpu.memory_space<vmem>>[vector<16xi32>, vector<16xi32>], vector<16xf32>,
        %mul3A_552 = arith.mulf %mul3A_252, %gather3A_551 : vector<16xf32>
        %add3A_553 = arith.addf %add3A_550, %mul3A_552 : vector<16xf32>
        %gather3A_554 = tpu.vector_load_idx %arg18[%add3A_273, %broadcast_in_dim3A_539] : memref<2048x16xf32, #tpu.memory_space<vmem>>[vector<16xi32>, vector<16xi32>], vector<16xf32>,
        %mul3A_555 = arith.mulf %mul3A_253, %gather3A_554 : vector<16xf32>
        %add3A_556 = arith.addf %add3A_553, %mul3A_555 : vector<16xf32>
        %gather3A_557 = tpu.vector_load_idx %arg18[%add3A_276, %broadcast_in_dim3A_539] : memref<2048x16xf32, #tpu.memory_space<vmem>>[vector<16xi32>, vector<16xi32>], vector<16xf32>,
        %mul3A_558 = arith.mulf %mul3A_254, %gather3A_557 : vector<16xf32>
        %add3A_559 = arith.addf %add3A_556, %mul3A_558 : vector<16xf32>
        %gather3A_560 = tpu.vector_load_idx %arg18[%add3A_279, %broadcast_in_dim3A_539] : memref<2048x16xf32, #tpu.memory_space<vmem>>[vector<16xi32>, vector<16xi32>], vector<16xf32>,
        %mul3A_561 = arith.mulf %mul3A_255, %gather3A_560 : vector<16xf32>
        %add3A_562 = arith.addf %add3A_559, %mul3A_561 : vector<16xf32>
        %swap3A_563 = arith.constant 9 : i32
        %swap3A_564 = arith.index_cast %swap3A_563 : i32 to index
        %swap3A_565 = arith.index_cast %multiple_of3A_228 : i32 to index
        %swap3A_566 = tpu.vector_load %arg20[%swap3A_564, %swap3A_565] {strides = array<i32>} : memref<16x256xf32, #tpu.memory_space<vmem>>, vector<16xf32>,
        tpu.vector_store %arg20[%swap3A_564, %swap3A_565], %add3A_562 {strides = array<i32>} : memref<16x256xf32, #tpu.memory_space<vmem>>, vector<16xf32>,
        %broadcast_in_dim3A_567 = arith.constant 10 : i32
        %broadcast_in_dim3A_568 = vector.broadcast %broadcast_in_dim3A_567 : i32 to vector<16xi32>
        %gather3A_569 = tpu.vector_load_idx %arg18[%add3A_258, %broadcast_in_dim3A_568] : memref<2048x16xf32, #tpu.memory_space<vmem>>[vector<16xi32>, vector<16xi32>], vector<16xf32>,
        %mul3A_570 = arith.mulf %mul3A_248, %gather3A_569 : vector<16xf32>
        %gather3A_571 = tpu.vector_load_idx %arg18[%add3A_261, %broadcast_in_dim3A_568] : memref<2048x16xf32, #tpu.memory_space<vmem>>[vector<16xi32>, vector<16xi32>], vector<16xf32>,
        %mul3A_572 = arith.mulf %mul3A_249, %gather3A_571 : vector<16xf32>
        %add3A_573 = arith.addf %mul3A_570, %mul3A_572 : vector<16xf32>
        %gather3A_574 = tpu.vector_load_idx %arg18[%add3A_264, %broadcast_in_dim3A_568] : memref<2048x16xf32, #tpu.memory_space<vmem>>[vector<16xi32>, vector<16xi32>], vector<16xf32>,
        %mul3A_575 = arith.mulf %mul3A_250, %gather3A_574 : vector<16xf32>
        %add3A_576 = arith.addf %add3A_573, %mul3A_575 : vector<16xf32>
        %gather3A_577 = tpu.vector_load_idx %arg18[%add3A_267, %broadcast_in_dim3A_568] : memref<2048x16xf32, #tpu.memory_space<vmem>>[vector<16xi32>, vector<16xi32>], vector<16xf32>,
        %mul3A_578 = arith.mulf %mul3A_251, %gather3A_577 : vector<16xf32>
        %add3A_579 = arith.addf %add3A_576, %mul3A_578 : vector<16xf32>
        %gather3A_580 = tpu.vector_load_idx %arg18[%add3A_270, %broadcast_in_dim3A_568] : memref<2048x16xf32, #tpu.memory_space<vmem>>[vector<16xi32>, vector<16xi32>], vector<16xf32>,
        %mul3A_581 = arith.mulf %mul3A_252, %gather3A_580 : vector<16xf32>
        %add3A_582 = arith.addf %add3A_579, %mul3A_581 : vector<16xf32>
        %gather3A_583 = tpu.vector_load_idx %arg18[%add3A_273, %broadcast_in_dim3A_568] : memref<2048x16xf32, #tpu.memory_space<vmem>>[vector<16xi32>, vector<16xi32>], vector<16xf32>,
        %mul3A_584 = arith.mulf %mul3A_253, %gather3A_583 : vector<16xf32>
        %add3A_585 = arith.addf %add3A_582, %mul3A_584 : vector<16xf32>
        %gather3A_586 = tpu.vector_load_idx %arg18[%add3A_276, %broadcast_in_dim3A_568] : memref<2048x16xf32, #tpu.memory_space<vmem>>[vector<16xi32>, vector<16xi32>], vector<16xf32>,
        %mul3A_587 = arith.mulf %mul3A_254, %gather3A_586 : vector<16xf32>
        %add3A_588 = arith.addf %add3A_585, %mul3A_587 : vector<16xf32>
        %gather3A_589 = tpu.vector_load_idx %arg18[%add3A_279, %broadcast_in_dim3A_568] : memref<2048x16xf32, #tpu.memory_space<vmem>>[vector<16xi32>, vector<16xi32>], vector<16xf32>,
        %mul3A_590 = arith.mulf %mul3A_255, %gather3A_589 : vector<16xf32>
        %add3A_591 = arith.addf %add3A_588, %mul3A_590 : vector<16xf32>
        %swap3A_592 = arith.constant 10 : i32
        %swap3A_593 = arith.index_cast %swap3A_592 : i32 to index
        %swap3A_594 = arith.index_cast %multiple_of3A_228 : i32 to index
        %swap3A_595 = tpu.vector_load %arg20[%swap3A_593, %swap3A_594] {strides = array<i32>} : memref<16x256xf32, #tpu.memory_space<vmem>>, vector<16xf32>,
        tpu.vector_store %arg20[%swap3A_593, %swap3A_594], %add3A_591 {strides = array<i32>} : memref<16x256xf32, #tpu.memory_space<vmem>>, vector<16xf32>,
        %broadcast_in_dim3A_596 = arith.constant 11 : i32
        %broadcast_in_dim3A_597 = vector.broadcast %broadcast_in_dim3A_596 : i32 to vector<16xi32>
        %gather3A_598 = tpu.vector_load_idx %arg18[%add3A_258, %broadcast_in_dim3A_597] : memref<2048x16xf32, #tpu.memory_space<vmem>>[vector<16xi32>, vector<16xi32>], vector<16xf32>,
        %mul3A_599 = arith.mulf %mul3A_248, %gather3A_598 : vector<16xf32>
        %gather3A_600 = tpu.vector_load_idx %arg18[%add3A_261, %broadcast_in_dim3A_597] : memref<2048x16xf32, #tpu.memory_space<vmem>>[vector<16xi32>, vector<16xi32>], vector<16xf32>,
        %mul3A_601 = arith.mulf %mul3A_249, %gather3A_600 : vector<16xf32>
        %add3A_602 = arith.addf %mul3A_599, %mul3A_601 : vector<16xf32>
        %gather3A_603 = tpu.vector_load_idx %arg18[%add3A_264, %broadcast_in_dim3A_597] : memref<2048x16xf32, #tpu.memory_space<vmem>>[vector<16xi32>, vector<16xi32>], vector<16xf32>,
        %mul3A_604 = arith.mulf %mul3A_250, %gather3A_603 : vector<16xf32>
        %add3A_605 = arith.addf %add3A_602, %mul3A_604 : vector<16xf32>
        %gather3A_606 = tpu.vector_load_idx %arg18[%add3A_267, %broadcast_in_dim3A_597] : memref<2048x16xf32, #tpu.memory_space<vmem>>[vector<16xi32>, vector<16xi32>], vector<16xf32>,
        %mul3A_607 = arith.mulf %mul3A_251, %gather3A_606 : vector<16xf32>
        %add3A_608 = arith.addf %add3A_605, %mul3A_607 : vector<16xf32>
        %gather3A_609 = tpu.vector_load_idx %arg18[%add3A_270, %broadcast_in_dim3A_597] : memref<2048x16xf32, #tpu.memory_space<vmem>>[vector<16xi32>, vector<16xi32>], vector<16xf32>,
        %mul3A_610 = arith.mulf %mul3A_252, %gather3A_609 : vector<16xf32>
        %add3A_611 = arith.addf %add3A_608, %mul3A_610 : vector<16xf32>
        %gather3A_612 = tpu.vector_load_idx %arg18[%add3A_273, %broadcast_in_dim3A_597] : memref<2048x16xf32, #tpu.memory_space<vmem>>[vector<16xi32>, vector<16xi32>], vector<16xf32>,
        %mul3A_613 = arith.mulf %mul3A_253, %gather3A_612 : vector<16xf32>
        %add3A_614 = arith.addf %add3A_611, %mul3A_613 : vector<16xf32>
        %gather3A_615 = tpu.vector_load_idx %arg18[%add3A_276, %broadcast_in_dim3A_597] : memref<2048x16xf32, #tpu.memory_space<vmem>>[vector<16xi32>, vector<16xi32>], vector<16xf32>,
        %mul3A_616 = arith.mulf %mul3A_254, %gather3A_615 : vector<16xf32>
        %add3A_617 = arith.addf %add3A_614, %mul3A_616 : vector<16xf32>
        %gather3A_618 = tpu.vector_load_idx %arg18[%add3A_279, %broadcast_in_dim3A_597] : memref<2048x16xf32, #tpu.memory_space<vmem>>[vector<16xi32>, vector<16xi32>], vector<16xf32>,
        %mul3A_619 = arith.mulf %mul3A_255, %gather3A_618 : vector<16xf32>
        %add3A_620 = arith.addf %add3A_617, %mul3A_619 : vector<16xf32>
        %swap3A_621 = arith.constant 11 : i32
        %swap3A_622 = arith.index_cast %swap3A_621 : i32 to index
        %swap3A_623 = arith.index_cast %multiple_of3A_228 : i32 to index
        %swap3A_624 = tpu.vector_load %arg20[%swap3A_622, %swap3A_623] {strides = array<i32>} : memref<16x256xf32, #tpu.memory_space<vmem>>, vector<16xf32>,
        tpu.vector_store %arg20[%swap3A_622, %swap3A_623], %add3A_620 {strides = array<i32>} : memref<16x256xf32, #tpu.memory_space<vmem>>, vector<16xf32>,
        %broadcast_in_dim3A_625 = arith.constant 12 : i32
        %broadcast_in_dim3A_626 = vector.broadcast %broadcast_in_dim3A_625 : i32 to vector<16xi32>
        %gather3A_627 = tpu.vector_load_idx %arg18[%add3A_258, %broadcast_in_dim3A_626] : memref<2048x16xf32, #tpu.memory_space<vmem>>[vector<16xi32>, vector<16xi32>], vector<16xf32>,
        %mul3A_628 = arith.mulf %mul3A_248, %gather3A_627 : vector<16xf32>
        %gather3A_629 = tpu.vector_load_idx %arg18[%add3A_261, %broadcast_in_dim3A_626] : memref<2048x16xf32, #tpu.memory_space<vmem>>[vector<16xi32>, vector<16xi32>], vector<16xf32>,
        %mul3A_630 = arith.mulf %mul3A_249, %gather3A_629 : vector<16xf32>
        %add3A_631 = arith.addf %mul3A_628, %mul3A_630 : vector<16xf32>
        %gather3A_632 = tpu.vector_load_idx %arg18[%add3A_264, %broadcast_in_dim3A_626] : memref<2048x16xf32, #tpu.memory_space<vmem>>[vector<16xi32>, vector<16xi32>], vector<16xf32>,
        %mul3A_633 = arith.mulf %mul3A_250, %gather3A_632 : vector<16xf32>
        %add3A_634 = arith.addf %add3A_631, %mul3A_633 : vector<16xf32>
        %gather3A_635 = tpu.vector_load_idx %arg18[%add3A_267, %broadcast_in_dim3A_626] : memref<2048x16xf32, #tpu.memory_space<vmem>>[vector<16xi32>, vector<16xi32>], vector<16xf32>,
        %mul3A_636 = arith.mulf %mul3A_251, %gather3A_635 : vector<16xf32>
        %add3A_637 = arith.addf %add3A_634, %mul3A_636 : vector<16xf32>
        %gather3A_638 = tpu.vector_load_idx %arg18[%add3A_270, %broadcast_in_dim3A_626] : memref<2048x16xf32, #tpu.memory_space<vmem>>[vector<16xi32>, vector<16xi32>], vector<16xf32>,
        %mul3A_639 = arith.mulf %mul3A_252, %gather3A_638 : vector<16xf32>
        %add3A_640 = arith.addf %add3A_637, %mul3A_639 : vector<16xf32>
        %gather3A_641 = tpu.vector_load_idx %arg18[%add3A_273, %broadcast_in_dim3A_626] : memref<2048x16xf32, #tpu.memory_space<vmem>>[vector<16xi32>, vector<16xi32>], vector<16xf32>,
        %mul3A_642 = arith.mulf %mul3A_253, %gather3A_641 : vector<16xf32>
        %add3A_643 = arith.addf %add3A_640, %mul3A_642 : vector<16xf32>
        %gather3A_644 = tpu.vector_load_idx %arg18[%add3A_276, %broadcast_in_dim3A_626] : memref<2048x16xf32, #tpu.memory_space<vmem>>[vector<16xi32>, vector<16xi32>], vector<16xf32>,
        %mul3A_645 = arith.mulf %mul3A_254, %gather3A_644 : vector<16xf32>
        %add3A_646 = arith.addf %add3A_643, %mul3A_645 : vector<16xf32>
        %gather3A_647 = tpu.vector_load_idx %arg18[%add3A_279, %broadcast_in_dim3A_626] : memref<2048x16xf32, #tpu.memory_space<vmem>>[vector<16xi32>, vector<16xi32>], vector<16xf32>,
        %mul3A_648 = arith.mulf %mul3A_255, %gather3A_647 : vector<16xf32>
        %add3A_649 = arith.addf %add3A_646, %mul3A_648 : vector<16xf32>
        %swap3A_650 = arith.constant 12 : i32
        %swap3A_651 = arith.index_cast %swap3A_650 : i32 to index
        %swap3A_652 = arith.index_cast %multiple_of3A_228 : i32 to index
        %swap3A_653 = tpu.vector_load %arg20[%swap3A_651, %swap3A_652] {strides = array<i32>} : memref<16x256xf32, #tpu.memory_space<vmem>>, vector<16xf32>,
        tpu.vector_store %arg20[%swap3A_651, %swap3A_652], %add3A_649 {strides = array<i32>} : memref<16x256xf32, #tpu.memory_space<vmem>>, vector<16xf32>,
        %broadcast_in_dim3A_654 = arith.constant 13 : i32
        %broadcast_in_dim3A_655 = vector.broadcast %broadcast_in_dim3A_654 : i32 to vector<16xi32>
        %gather3A_656 = tpu.vector_load_idx %arg18[%add3A_258, %broadcast_in_dim3A_655] : memref<2048x16xf32, #tpu.memory_space<vmem>>[vector<16xi32>, vector<16xi32>], vector<16xf32>,
        %mul3A_657 = arith.mulf %mul3A_248, %gather3A_656 : vector<16xf32>
        %gather3A_658 = tpu.vector_load_idx %arg18[%add3A_261, %broadcast_in_dim3A_655] : memref<2048x16xf32, #tpu.memory_space<vmem>>[vector<16xi32>, vector<16xi32>], vector<16xf32>,
        %mul3A_659 = arith.mulf %mul3A_249, %gather3A_658 : vector<16xf32>
        %add3A_660 = arith.addf %mul3A_657, %mul3A_659 : vector<16xf32>
        %gather3A_661 = tpu.vector_load_idx %arg18[%add3A_264, %broadcast_in_dim3A_655] : memref<2048x16xf32, #tpu.memory_space<vmem>>[vector<16xi32>, vector<16xi32>], vector<16xf32>,
        %mul3A_662 = arith.mulf %mul3A_250, %gather3A_661 : vector<16xf32>
        %add3A_663 = arith.addf %add3A_660, %mul3A_662 : vector<16xf32>
        %gather3A_664 = tpu.vector_load_idx %arg18[%add3A_267, %broadcast_in_dim3A_655] : memref<2048x16xf32, #tpu.memory_space<vmem>>[vector<16xi32>, vector<16xi32>], vector<16xf32>,
        %mul3A_665 = arith.mulf %mul3A_251, %gather3A_664 : vector<16xf32>
        %add3A_666 = arith.addf %add3A_663, %mul3A_665 : vector<16xf32>
        %gather3A_667 = tpu.vector_load_idx %arg18[%add3A_270, %broadcast_in_dim3A_655] : memref<2048x16xf32, #tpu.memory_space<vmem>>[vector<16xi32>, vector<16xi32>], vector<16xf32>,
        %mul3A_668 = arith.mulf %mul3A_252, %gather3A_667 : vector<16xf32>
        %add3A_669 = arith.addf %add3A_666, %mul3A_668 : vector<16xf32>
        %gather3A_670 = tpu.vector_load_idx %arg18[%add3A_273, %broadcast_in_dim3A_655] : memref<2048x16xf32, #tpu.memory_space<vmem>>[vector<16xi32>, vector<16xi32>], vector<16xf32>,
        %mul3A_671 = arith.mulf %mul3A_253, %gather3A_670 : vector<16xf32>
        %add3A_672 = arith.addf %add3A_669, %mul3A_671 : vector<16xf32>
        %gather3A_673 = tpu.vector_load_idx %arg18[%add3A_276, %broadcast_in_dim3A_655] : memref<2048x16xf32, #tpu.memory_space<vmem>>[vector<16xi32>, vector<16xi32>], vector<16xf32>,
        %mul3A_674 = arith.mulf %mul3A_254, %gather3A_673 : vector<16xf32>
        %add3A_675 = arith.addf %add3A_672, %mul3A_674 : vector<16xf32>
        %gather3A_676 = tpu.vector_load_idx %arg18[%add3A_279, %broadcast_in_dim3A_655] : memref<2048x16xf32, #tpu.memory_space<vmem>>[vector<16xi32>, vector<16xi32>], vector<16xf32>,
        %mul3A_677 = arith.mulf %mul3A_255, %gather3A_676 : vector<16xf32>
        %add3A_678 = arith.addf %add3A_675, %mul3A_677 : vector<16xf32>
        %swap3A_679 = arith.constant 13 : i32
        %swap3A_680 = arith.index_cast %swap3A_679 : i32 to index
        %swap3A_681 = arith.index_cast %multiple_of3A_228 : i32 to index
        %swap3A_682 = tpu.vector_load %arg20[%swap3A_680, %swap3A_681] {strides = array<i32>} : memref<16x256xf32, #tpu.memory_space<vmem>>, vector<16xf32>,
        tpu.vector_store %arg20[%swap3A_680, %swap3A_681], %add3A_678 {strides = array<i32>} : memref<16x256xf32, #tpu.memory_space<vmem>>, vector<16xf32>,
        %broadcast_in_dim3A_683 = arith.constant 14 : i32
        %broadcast_in_dim3A_684 = vector.broadcast %broadcast_in_dim3A_683 : i32 to vector<16xi32>
        %gather3A_685 = tpu.vector_load_idx %arg18[%add3A_258, %broadcast_in_dim3A_684] : memref<2048x16xf32, #tpu.memory_space<vmem>>[vector<16xi32>, vector<16xi32>], vector<16xf32>,
        %mul3A_686 = arith.mulf %mul3A_248, %gather3A_685 : vector<16xf32>
        %gather3A_687 = tpu.vector_load_idx %arg18[%add3A_261, %broadcast_in_dim3A_684] : memref<2048x16xf32, #tpu.memory_space<vmem>>[vector<16xi32>, vector<16xi32>], vector<16xf32>,
        %mul3A_688 = arith.mulf %mul3A_249, %gather3A_687 : vector<16xf32>
        %add3A_689 = arith.addf %mul3A_686, %mul3A_688 : vector<16xf32>
        %gather3A_690 = tpu.vector_load_idx %arg18[%add3A_264, %broadcast_in_dim3A_684] : memref<2048x16xf32, #tpu.memory_space<vmem>>[vector<16xi32>, vector<16xi32>], vector<16xf32>,
        %mul3A_691 = arith.mulf %mul3A_250, %gather3A_690 : vector<16xf32>
        %add3A_692 = arith.addf %add3A_689, %mul3A_691 : vector<16xf32>
        %gather3A_693 = tpu.vector_load_idx %arg18[%add3A_267, %broadcast_in_dim3A_684] : memref<2048x16xf32, #tpu.memory_space<vmem>>[vector<16xi32>, vector<16xi32>], vector<16xf32>,
        %mul3A_694 = arith.mulf %mul3A_251, %gather3A_693 : vector<16xf32>
        %add3A_695 = arith.addf %add3A_692, %mul3A_694 : vector<16xf32>
        %gather3A_696 = tpu.vector_load_idx %arg18[%add3A_270, %broadcast_in_dim3A_684] : memref<2048x16xf32, #tpu.memory_space<vmem>>[vector<16xi32>, vector<16xi32>], vector<16xf32>,
        %mul3A_697 = arith.mulf %mul3A_252, %gather3A_696 : vector<16xf32>
        %add3A_698 = arith.addf %add3A_695, %mul3A_697 : vector<16xf32>
        %gather3A_699 = tpu.vector_load_idx %arg18[%add3A_273, %broadcast_in_dim3A_684] : memref<2048x16xf32, #tpu.memory_space<vmem>>[vector<16xi32>, vector<16xi32>], vector<16xf32>,
        %mul3A_700 = arith.mulf %mul3A_253, %gather3A_699 : vector<16xf32>
        %add3A_701 = arith.addf %add3A_698, %mul3A_700 : vector<16xf32>
        %gather3A_702 = tpu.vector_load_idx %arg18[%add3A_276, %broadcast_in_dim3A_684] : memref<2048x16xf32, #tpu.memory_space<vmem>>[vector<16xi32>, vector<16xi32>], vector<16xf32>,
        %mul3A_703 = arith.mulf %mul3A_254, %gather3A_702 : vector<16xf32>
        %add3A_704 = arith.addf %add3A_701, %mul3A_703 : vector<16xf32>
        %gather3A_705 = tpu.vector_load_idx %arg18[%add3A_279, %broadcast_in_dim3A_684] : memref<2048x16xf32, #tpu.memory_space<vmem>>[vector<16xi32>, vector<16xi32>], vector<16xf32>,
        %mul3A_706 = arith.mulf %mul3A_255, %gather3A_705 : vector<16xf32>
        %add3A_707 = arith.addf %add3A_704, %mul3A_706 : vector<16xf32>
        %swap3A_708 = arith.constant 14 : i32
        %swap3A_709 = arith.index_cast %swap3A_708 : i32 to index
        %swap3A_710 = arith.index_cast %multiple_of3A_228 : i32 to index
        %swap3A_711 = tpu.vector_load %arg20[%swap3A_709, %swap3A_710] {strides = array<i32>} : memref<16x256xf32, #tpu.memory_space<vmem>>, vector<16xf32>,
        tpu.vector_store %arg20[%swap3A_709, %swap3A_710], %add3A_707 {strides = array<i32>} : memref<16x256xf32, #tpu.memory_space<vmem>>, vector<16xf32>,
        %broadcast_in_dim3A_712 = arith.constant 15 : i32
        %broadcast_in_dim3A_713 = vector.broadcast %broadcast_in_dim3A_712 : i32 to vector<16xi32>
        %gather3A_714 = tpu.vector_load_idx %arg18[%add3A_258, %broadcast_in_dim3A_713] : memref<2048x16xf32, #tpu.memory_space<vmem>>[vector<16xi32>, vector<16xi32>], vector<16xf32>,
        %mul3A_715 = arith.mulf %mul3A_248, %gather3A_714 : vector<16xf32>
        %gather3A_716 = tpu.vector_load_idx %arg18[%add3A_261, %broadcast_in_dim3A_713] : memref<2048x16xf32, #tpu.memory_space<vmem>>[vector<16xi32>, vector<16xi32>], vector<16xf32>,
        %mul3A_717 = arith.mulf %mul3A_249, %gather3A_716 : vector<16xf32>
        %add3A_718 = arith.addf %mul3A_715, %mul3A_717 : vector<16xf32>
        %gather3A_719 = tpu.vector_load_idx %arg18[%add3A_264, %broadcast_in_dim3A_713] : memref<2048x16xf32, #tpu.memory_space<vmem>>[vector<16xi32>, vector<16xi32>], vector<16xf32>,
        %mul3A_720 = arith.mulf %mul3A_250, %gather3A_719 : vector<16xf32>
        %add3A_721 = arith.addf %add3A_718, %mul3A_720 : vector<16xf32>
        %gather3A_722 = tpu.vector_load_idx %arg18[%add3A_267, %broadcast_in_dim3A_713] : memref<2048x16xf32, #tpu.memory_space<vmem>>[vector<16xi32>, vector<16xi32>], vector<16xf32>,
        %mul3A_723 = arith.mulf %mul3A_251, %gather3A_722 : vector<16xf32>
        %add3A_724 = arith.addf %add3A_721, %mul3A_723 : vector<16xf32>
        %gather3A_725 = tpu.vector_load_idx %arg18[%add3A_270, %broadcast_in_dim3A_713] : memref<2048x16xf32, #tpu.memory_space<vmem>>[vector<16xi32>, vector<16xi32>], vector<16xf32>,
        %mul3A_726 = arith.mulf %mul3A_252, %gather3A_725 : vector<16xf32>
        %add3A_727 = arith.addf %add3A_724, %mul3A_726 : vector<16xf32>
        %gather3A_728 = tpu.vector_load_idx %arg18[%add3A_273, %broadcast_in_dim3A_713] : memref<2048x16xf32, #tpu.memory_space<vmem>>[vector<16xi32>, vector<16xi32>], vector<16xf32>,
        %mul3A_729 = arith.mulf %mul3A_253, %gather3A_728 : vector<16xf32>
        %add3A_730 = arith.addf %add3A_727, %mul3A_729 : vector<16xf32>
        %gather3A_731 = tpu.vector_load_idx %arg18[%add3A_276, %broadcast_in_dim3A_713] : memref<2048x16xf32, #tpu.memory_space<vmem>>[vector<16xi32>, vector<16xi32>], vector<16xf32>,
        %mul3A_732 = arith.mulf %mul3A_254, %gather3A_731 : vector<16xf32>
        %add3A_733 = arith.addf %add3A_730, %mul3A_732 : vector<16xf32>
        %gather3A_734 = tpu.vector_load_idx %arg18[%add3A_279, %broadcast_in_dim3A_713] : memref<2048x16xf32, #tpu.memory_space<vmem>>[vector<16xi32>, vector<16xi32>], vector<16xf32>,
        %mul3A_735 = arith.mulf %mul3A_255, %gather3A_734 : vector<16xf32>
        %add3A_736 = arith.addf %add3A_733, %mul3A_735 : vector<16xf32>
        %swap3A_737 = arith.constant 15 : i32
        %swap3A_738 = arith.index_cast %swap3A_737 : i32 to index
        %swap3A_739 = arith.index_cast %multiple_of3A_228 : i32 to index
        %swap3A_740 = tpu.vector_load %arg20[%swap3A_738, %swap3A_739] {strides = array<i32>} : memref<16x256xf32, #tpu.memory_space<vmem>>, vector<16xf32>,
        tpu.vector_store %arg20[%swap3A_738, %swap3A_739], %add3A_736 {strides = array<i32>} : memref<16x256xf32, #tpu.memory_space<vmem>>, vector<16xf32>,
      }
      %scan3A_180 = arith.constant 16 : i32
      %mul3A_181 = arith.constant 256 : i32
      %mul3A_182 = arith.muli %mul3A_160, %mul3A_181 : i32
      %add3A_183 = arith.addi %multiple_of3A, %mul3A_182 : i32
      %multiple_of3A_184 = tpu.assume_multiple %add3A_183, 256 : i32
      %dma_start3A_185 = arith.constant 0 : i32
      %dma_start3A_186 = tpu.memref_slice %arg6[%dma_start3A_185, %multiple_of3A_184] : memref<16x262144xf32, #tpu.memory_space<hbm>> -> memref<16x256xf32, #tpu.memory_space<hbm>>
      %dma_start3A_187 = arith.constant 0 : i32
      %dma_start3A_188 = tpu.memref_slice %arg6[%dma_start3A_187, %multiple_of3A_184] : memref<16x262144xf32, #tpu.memory_space<hbm>> -> memref<16x256xf32, #tpu.memory_space<hbm>>
      tpu.enqueue_dma source(%arg20 : memref<16x256xf32, #tpu.memory_space<vmem>>) target(%dma_start3A_188 : memref<16x256xf32, #tpu.memory_space<hbm>>) target_semaphore(%arg24 : memref<!tpu.dma_semaphore, #tpu.memory_space<semaphore_mem>>)
      %mul3A_189 = arith.constant 2 : i32
      %mul3A_190 = arith.muli %mul3A_189, %scan3A_158 : i32
      %add3A_191 = arith.constant 1 : i32
      %add3A_192 = arith.addi %mul3A_190, %add3A_191 : i32
      %add3A_193 = arith.constant 1 : i32
      %add3A_194 = arith.addi %add3A_192, %add3A_193 : i32
      %lt3A_195 = arith.constant 32 : i32
      %lt3A_196 = arith.cmpi slt, %add3A_194, %lt3A_195 : i32
      %convert_element_type3A_197 = arith.extui %lt3A_196 : i1 to i32
      %cond3A_198 = arith.constant 0 : i32
      %cond3A_199 = arith.cmpi ne, %convert_element_type3A_197, %cond3A_198 : i32
      scf.if %cond3A_199 {
        %add3A_225 = arith.constant 1 : i32
        %add3A_226 = arith.addi %add3A_192, %add3A_225 : i32
        %mul3A_227 = arith.constant 256 : i32
        %mul3A_228 = arith.muli %add3A_226, %mul3A_227 : i32
        %multiple_of3A_229 = tpu.assume_multiple %mul3A_228, 256 : i32
        %scan3A_230 = arith.constant 0 : i32
        %scan3A_231 = arith.constant 0 : i32
        %scan3A_232 = arith.constant 16 : i32
        %scan3A_233 = arith.addi %scan3A_231, %scan3A_232 : i32
        %scan3A_234 = arith.constant 1 : i32
        scf.for %scan3A_364 = %scan3A_231 to %scan3A_233 step %scan3A_234  : i32 {
          %mul3A_365 = arith.constant 16 : i32
          %mul3A_366 = arith.muli %scan3A_364, %mul3A_365 : i32
          %multiple_of3A_367 = tpu.assume_multiple %mul3A_366, 16 : i32
          %add3A_368 = arith.addi %multiple_of3A_229, %multiple_of3A_367 : i32
          %iota3A = tpu.iota {dimensions = array<i32: 0>} : vector<16xi32>
          %add3A_369 = vector.broadcast %add3A_368 : i32 to vector<16xi32>
          %add3A_370 = arith.addi %add3A_369, %iota3A : vector<16xi32>
          %add3A_371 = arith.addi %add3A_370, %add3A_370 : vector<16xi32>
          %gather3A = tpu.vector_load_idx %arg7[%add3A_371] : memref<16384xf32, #tpu.memory_space<vmem>>[vector<16xi32>], vector<16xf32>,
          %add3A_372 = arith.constant 1 : i32
          %add3A_373 = vector.broadcast %add3A_372 : i32 to vector<16xi32>
          %add3A_374 = arith.addi %add3A_371, %add3A_373 : vector<16xi32>
          %gather3A_375 = tpu.vector_load_idx %arg7[%add3A_374] : memref<16384xf32, #tpu.memory_space<vmem>>[vector<16xi32>], vector<16xf32>,
          %add3A_376 = arith.addi %multiple_of3A_229, %multiple_of3A_367 : i32
          %get3A = arith.index_cast %add3A_376 : i32 to index
          %get3A_377 = tpu.vector_load %arg8[%get3A] {strides = array<i32>} : memref<8192xf32, #tpu.memory_space<vmem>>, vector<16xf32>,
          %add3A_378 = arith.addi %multiple_of3A_229, %multiple_of3A_367 : i32
          %get3A_379 = arith.index_cast %add3A_378 : i32 to index
          %get3A_380 = tpu.vector_load %arg9[%get3A_379] {strides = array<i32>} : memref<8192xi32, #tpu.memory_space<vmem>>, vector<16xi32>,
          %eq3A = arith.constant 2 : i32
          %eq3A_381 = vector.broadcast %eq3A : i32 to vector<16xi32>
          %eq3A_382 = arith.cmpi eq, %get3A_380, %eq3A_381 : vector<16xi32>
          %eq3A_383 = arith.constant 3 : i32
          %eq3A_384 = vector.broadcast %eq3A_383 : i32 to vector<16xi32>
          %eq3A_385 = arith.cmpi eq, %get3A_380, %eq3A_384 : vector<16xi32>
          %jit3A = arith.constant 2.560000e+02 : f32
          %jit3A_386 = arith.constant 5.120000e+02 : f32
          %broadcast_in_dim3A = vector.broadcast %jit3A : f32 to vector<16xf32>
          %broadcast_in_dim3A_387 = vector.broadcast %jit3A_386 : f32 to vector<16xf32>
          %select_n3A = arith.select %eq3A_385, %broadcast_in_dim3A, %broadcast_in_dim3A_387 : vector<16xi1>, vector<16xf32>
          %jit3A_388 = arith.constant 1.024000e+03 : f32
          %broadcast_in_dim3A_389 = vector.broadcast %jit3A_388 : f32 to vector<16xf32>
          %select_n3A_390 = arith.select %eq3A_382, %broadcast_in_dim3A_389, %select_n3A : vector<16xi1>, vector<16xf32>
          %jit3A_391 = arith.constant 256 : i32
          %jit3A_392 = arith.constant 512 : i32
          %broadcast_in_dim3A_393 = vector.broadcast %jit3A_391 : i32 to vector<16xi32>
          %broadcast_in_dim3A_394 = vector.broadcast %jit3A_392 : i32 to vector<16xi32>
          %select_n3A_395 = arith.select %eq3A_385, %broadcast_in_dim3A_393, %broadcast_in_dim3A_394 : vector<16xi1>, vector<16xi32>
          %jit3A_396 = arith.constant 1024 : i32
          %broadcast_in_dim3A_397 = vector.broadcast %jit3A_396 : i32 to vector<16xi32>
          %select_n3A_398 = arith.select %eq3A_382, %broadcast_in_dim3A_397, %select_n3A_395 : vector<16xi1>, vector<16xi32>
          %eq3A_399 = arith.constant 0 : i32
          %eq3A_400 = vector.broadcast %eq3A_399 : i32 to vector<16xi32>
          %eq3A_401 = arith.cmpi eq, %get3A_380, %eq3A_400 : vector<16xi32>
          %eq3A_402 = arith.constant 1 : i32
          %eq3A_403 = vector.broadcast %eq3A_402 : i32 to vector<16xi32>
          %eq3A_404 = arith.cmpi eq, %get3A_380, %eq3A_403 : vector<16xi32>
          %jit3A_405 = arith.constant 2097152 : i32
          %jit3A_406 = arith.constant 6291456 : i32
          %broadcast_in_dim3A_407 = vector.broadcast %jit3A_405 : i32 to vector<16xi32>
          %broadcast_in_dim3A_408 = vector.broadcast %jit3A_406 : i32 to vector<16xi32>
          %select_n3A_409 = arith.select %eq3A_382, %broadcast_in_dim3A_407, %broadcast_in_dim3A_408 : vector<16xi1>, vector<16xi32>
          %jit3A_410 = arith.constant 1048576 : i32
          %broadcast_in_dim3A_411 = vector.broadcast %jit3A_410 : i32 to vector<16xi32>
          %select_n3A_412 = arith.select %eq3A_404, %broadcast_in_dim3A_411, %select_n3A_409 : vector<16xi1>, vector<16xi32>
          %jit3A_413 = arith.constant 0 : i32
          %broadcast_in_dim3A_414 = vector.broadcast %jit3A_413 : i32 to vector<16xi32>
          %select_n3A_415 = arith.select %eq3A_401, %broadcast_in_dim3A_414, %select_n3A_412 : vector<16xi1>, vector<16xi32>
          %sub3A = arith.constant 1.000000e+00 : f32
          %sub3A_416 = vector.broadcast %sub3A : f32 to vector<16xf32>
          %sub3A_417 = arith.subf %select_n3A_390, %sub3A_416 : vector<16xf32>
          %add3A_418 = arith.constant 1.000000e+00 : f32
          %add3A_419 = vector.broadcast %add3A_418 : f32 to vector<16xf32>
          %add3A_420 = arith.addf %gather3A, %add3A_419 : vector<16xf32>
          %mul3A_421 = arith.constant 5.000000e-01 : f32
          %mul3A_422 = vector.broadcast %mul3A_421 : f32 to vector<16xf32>
          %mul3A_423 = arith.mulf %add3A_420, %mul3A_422 : vector<16xf32>
          %mul3A_424 = arith.mulf %mul3A_423, %sub3A_417 : vector<16xf32>
          %jit3A_425 = arith.constant 0.000000e+00 : f32
          %max3A = vector.broadcast %jit3A_425 : f32 to vector<16xf32>
          %max3A_426 = arith.maximumf %max3A, %mul3A_424 : vector<16xf32>
          %min3A = arith.minimumf %sub3A_417, %max3A_426 : vector<16xf32>
          %add3A_427 = arith.constant 1.000000e+00 : f32
          %add3A_428 = vector.broadcast %add3A_427 : f32 to vector<16xf32>
          %add3A_429 = arith.addf %gather3A_375, %add3A_428 : vector<16xf32>
          %mul3A_430 = arith.constant 5.000000e-01 : f32
          %mul3A_431 = vector.broadcast %mul3A_430 : f32 to vector<16xf32>
          %mul3A_432 = arith.mulf %add3A_429, %mul3A_431 : vector<16xf32>
          %mul3A_433 = arith.mulf %mul3A_432, %sub3A_417 : vector<16xf32>
          %jit3A_434 = arith.constant 0.000000e+00 : f32
          %max3A_435 = vector.broadcast %jit3A_434 : f32 to vector<16xf32>
          %max3A_436 = arith.maximumf %max3A_435, %mul3A_433 : vector<16xf32>
          %min3A_437 = arith.minimumf %sub3A_417, %max3A_436 : vector<16xf32>
          %add3A_438 = arith.constant 1.000000e+00 : f32
          %add3A_439 = vector.broadcast %add3A_438 : f32 to vector<16xf32>
          %add3A_440 = arith.addf %get3A_377, %add3A_439 : vector<16xf32>
          %mul3A_441 = arith.constant 1.500000e+00 : f32
          %mul3A_442 = vector.broadcast %mul3A_441 : f32 to vector<16xf32>
          %mul3A_443 = arith.mulf %add3A_440, %mul3A_442 : vector<16xf32>
          %jit3A_444 = arith.constant 0.000000e+00 : f32
          %jit3A_445 = arith.constant 3.000000e+00 : f32
          %max3A_446 = vector.broadcast %jit3A_444 : f32 to vector<16xf32>
          %max3A_447 = arith.maximumf %max3A_446, %mul3A_443 : vector<16xf32>
          %min3A_448 = vector.broadcast %jit3A_445 : f32 to vector<16xf32>
          %min3A_449 = arith.minimumf %min3A_448, %max3A_447 : vector<16xf32>
          %convert_element_type3A_450 = arith.fptosi %min3A : vector<16xf32> to vector<16xi32>
          %convert_element_type3A_451 = arith.fptosi %min3A_437 : vector<16xf32> to vector<16xi32>
          %convert_element_type3A_452 = arith.fptosi %min3A_449 : vector<16xf32> to vector<16xi32>
          %convert_element_type3A_453 = arith.sitofp %convert_element_type3A_450 : vector<16xi32> to vector<16xf32>
          %sub3A_454 = arith.subf %min3A, %convert_element_type3A_453 : vector<16xf32>
          %convert_element_type3A_455 = arith.sitofp %convert_element_type3A_451 : vector<16xi32> to vector<16xf32>
          %sub3A_456 = arith.subf %min3A_437, %convert_element_type3A_455 : vector<16xf32>
          %convert_element_type3A_457 = arith.sitofp %convert_element_type3A_452 : vector<16xi32> to vector<16xf32>
          %sub3A_458 = arith.subf %min3A_449, %convert_element_type3A_457 : vector<16xf32>
          %add3A_459 = arith.constant 1 : i32
          %add3A_460 = vector.broadcast %add3A_459 : i32 to vector<16xi32>
          %add3A_461 = arith.addi %convert_element_type3A_450, %add3A_460 : vector<16xi32>
          %sub3A_462 = arith.constant 1 : i32
          %sub3A_463 = vector.broadcast %sub3A_462 : i32 to vector<16xi32>
          %sub3A_464 = arith.subi %select_n3A_398, %sub3A_463 : vector<16xi32>
          %min3A_465 = arith.minsi %add3A_461, %sub3A_464 : vector<16xi32>
          %add3A_466 = arith.constant 1 : i32
          %add3A_467 = vector.broadcast %add3A_466 : i32 to vector<16xi32>
          %add3A_468 = arith.addi %convert_element_type3A_451, %add3A_467 : vector<16xi32>
          %sub3A_469 = arith.constant 1 : i32
          %sub3A_470 = vector.broadcast %sub3A_469 : i32 to vector<16xi32>
          %sub3A_471 = arith.subi %select_n3A_398, %sub3A_470 : vector<16xi32>
          %min3A_472 = arith.minsi %add3A_468, %sub3A_471 : vector<16xi32>
          %add3A_473 = arith.constant 1 : i32
          %add3A_474 = vector.broadcast %add3A_473 : i32 to vector<16xi32>
          %add3A_475 = arith.addi %convert_element_type3A_452, %add3A_474 : vector<16xi32>
          %min3A_476 = arith.constant 3 : i32
          %min3A_477 = vector.broadcast %min3A_476 : i32 to vector<16xi32>
          %min3A_478 = arith.minsi %add3A_475, %min3A_477 : vector<16xi32>
          %mul3A_479 = arith.muli %select_n3A_398, %select_n3A_398 : vector<16xi32>
          %mul3A_480 = arith.muli %convert_element_type3A_452, %mul3A_479 : vector<16xi32>
          %add3A_481 = arith.addi %select_n3A_415, %mul3A_480 : vector<16xi32>
          %mul3A_482 = arith.muli %convert_element_type3A_451, %select_n3A_398 : vector<16xi32>
          %add3A_483 = arith.addi %add3A_481, %mul3A_482 : vector<16xi32>
          %mul3A_484 = arith.muli %convert_element_type3A_452, %mul3A_479 : vector<16xi32>
          %add3A_485 = arith.addi %select_n3A_415, %mul3A_484 : vector<16xi32>
          %mul3A_486 = arith.muli %min3A_472, %select_n3A_398 : vector<16xi32>
          %add3A_487 = arith.addi %add3A_485, %mul3A_486 : vector<16xi32>
          %mul3A_488 = arith.muli %min3A_478, %mul3A_479 : vector<16xi32>
          %add3A_489 = arith.addi %select_n3A_415, %mul3A_488 : vector<16xi32>
          %mul3A_490 = arith.muli %convert_element_type3A_451, %select_n3A_398 : vector<16xi32>
          %add3A_491 = arith.addi %add3A_489, %mul3A_490 : vector<16xi32>
          %mul3A_492 = arith.muli %min3A_478, %mul3A_479 : vector<16xi32>
          %add3A_493 = arith.addi %select_n3A_415, %mul3A_492 : vector<16xi32>
          %mul3A_494 = arith.muli %min3A_472, %select_n3A_398 : vector<16xi32>
          %add3A_495 = arith.addi %add3A_493, %mul3A_494 : vector<16xi32>
          %add3A_496 = arith.addi %add3A_483, %convert_element_type3A_450 : vector<16xi32>
          %add3A_497 = arith.addi %add3A_483, %min3A_465 : vector<16xi32>
          %add3A_498 = arith.addi %add3A_487, %convert_element_type3A_450 : vector<16xi32>
          %add3A_499 = arith.addi %add3A_487, %min3A_465 : vector<16xi32>
          %add3A_500 = arith.addi %add3A_491, %convert_element_type3A_450 : vector<16xi32>
          %add3A_501 = arith.addi %add3A_491, %min3A_465 : vector<16xi32>
          %add3A_502 = arith.addi %add3A_495, %convert_element_type3A_450 : vector<16xi32>
          %add3A_503 = arith.addi %add3A_495, %min3A_465 : vector<16xi32>
          %add3A_504 = arith.constant 0 : i32
          %add3A_505 = arith.addi %multiple_of3A_367, %add3A_504 : i32
          %swap3A = arith.index_cast %add3A_505 : i32 to index
          %swap3A_506 = tpu.vector_load %arg10[%swap3A] {strides = array<i32>} : memref<2048xi32, #tpu.memory_space<vmem>>, vector<16xi32>,
          tpu.vector_store %arg10[%swap3A], %add3A_496 {strides = array<i32>} : memref<2048xi32, #tpu.memory_space<vmem>>, vector<16xi32>,
          %add3A_507 = arith.constant 256 : i32
          %add3A_508 = arith.addi %multiple_of3A_367, %add3A_507 : i32
          %swap3A_509 = arith.index_cast %add3A_508 : i32 to index
          %swap3A_510 = tpu.vector_load %arg10[%swap3A_509] {strides = array<i32>} : memref<2048xi32, #tpu.memory_space<vmem>>, vector<16xi32>,
          tpu.vector_store %arg10[%swap3A_509], %add3A_497 {strides = array<i32>} : memref<2048xi32, #tpu.memory_space<vmem>>, vector<16xi32>,
          %add3A_511 = arith.constant 512 : i32
          %add3A_512 = arith.addi %multiple_of3A_367, %add3A_511 : i32
          %swap3A_513 = arith.index_cast %add3A_512 : i32 to index
          %swap3A_514 = tpu.vector_load %arg10[%swap3A_513] {strides = array<i32>} : memref<2048xi32, #tpu.memory_space<vmem>>, vector<16xi32>,
          tpu.vector_store %arg10[%swap3A_513], %add3A_498 {strides = array<i32>} : memref<2048xi32, #tpu.memory_space<vmem>>, vector<16xi32>,
          %add3A_515 = arith.constant 768 : i32
          %add3A_516 = arith.addi %multiple_of3A_367, %add3A_515 : i32
          %swap3A_517 = arith.index_cast %add3A_516 : i32 to index
          %swap3A_518 = tpu.vector_load %arg10[%swap3A_517] {strides = array<i32>} : memref<2048xi32, #tpu.memory_space<vmem>>, vector<16xi32>,
          tpu.vector_store %arg10[%swap3A_517], %add3A_499 {strides = array<i32>} : memref<2048xi32, #tpu.memory_space<vmem>>, vector<16xi32>,
          %add3A_519 = arith.constant 1024 : i32
          %add3A_520 = arith.addi %multiple_of3A_367, %add3A_519 : i32
          %swap3A_521 = arith.index_cast %add3A_520 : i32 to index
          %swap3A_522 = tpu.vector_load %arg10[%swap3A_521] {strides = array<i32>} : memref<2048xi32, #tpu.memory_space<vmem>>, vector<16xi32>,
          tpu.vector_store %arg10[%swap3A_521], %add3A_500 {strides = array<i32>} : memref<2048xi32, #tpu.memory_space<vmem>>, vector<16xi32>,
          %add3A_523 = arith.constant 1280 : i32
          %add3A_524 = arith.addi %multiple_of3A_367, %add3A_523 : i32
          %swap3A_525 = arith.index_cast %add3A_524 : i32 to index
          %swap3A_526 = tpu.vector_load %arg10[%swap3A_525] {strides = array<i32>} : memref<2048xi32, #tpu.memory_space<vmem>>, vector<16xi32>,
          tpu.vector_store %arg10[%swap3A_525], %add3A_501 {strides = array<i32>} : memref<2048xi32, #tpu.memory_space<vmem>>, vector<16xi32>,
          %add3A_527 = arith.constant 1536 : i32
          %add3A_528 = arith.addi %multiple_of3A_367, %add3A_527 : i32
          %swap3A_529 = arith.index_cast %add3A_528 : i32 to index
          %swap3A_530 = tpu.vector_load %arg10[%swap3A_529] {strides = array<i32>} : memref<2048xi32, #tpu.memory_space<vmem>>, vector<16xi32>,
          tpu.vector_store %arg10[%swap3A_529], %add3A_502 {strides = array<i32>} : memref<2048xi32, #tpu.memory_space<vmem>>, vector<16xi32>,
          %add3A_531 = arith.constant 1792 : i32
          %add3A_532 = arith.addi %multiple_of3A_367, %add3A_531 : i32
          %swap3A_533 = arith.index_cast %add3A_532 : i32 to index
          %swap3A_534 = tpu.vector_load %arg10[%swap3A_533] {strides = array<i32>} : memref<2048xi32, #tpu.memory_space<vmem>>, vector<16xi32>,
          tpu.vector_store %arg10[%swap3A_533], %add3A_503 {strides = array<i32>} : memref<2048xi32, #tpu.memory_space<vmem>>, vector<16xi32>,
          %swap3A_535 = arith.index_cast %multiple_of3A_367 : i32 to index
          %swap3A_536 = tpu.vector_load %arg12[%swap3A_535] {strides = array<i32>} : memref<256xf32, #tpu.memory_space<vmem>>, vector<16xf32>,
          tpu.vector_store %arg12[%swap3A_535], %sub3A_454 {strides = array<i32>} : memref<256xf32, #tpu.memory_space<vmem>>, vector<16xf32>,
          %swap3A_537 = arith.index_cast %multiple_of3A_367 : i32 to index
          %swap3A_538 = tpu.vector_load %arg14[%swap3A_537] {strides = array<i32>} : memref<256xf32, #tpu.memory_space<vmem>>, vector<16xf32>,
          tpu.vector_store %arg14[%swap3A_537], %sub3A_456 {strides = array<i32>} : memref<256xf32, #tpu.memory_space<vmem>>, vector<16xf32>,
          %swap3A_539 = arith.index_cast %multiple_of3A_367 : i32 to index
          %swap3A_540 = tpu.vector_load %arg16[%swap3A_539] {strides = array<i32>} : memref<256xf32, #tpu.memory_space<vmem>>, vector<16xf32>,
          tpu.vector_store %arg16[%swap3A_539], %sub3A_458 {strides = array<i32>} : memref<256xf32, #tpu.memory_space<vmem>>, vector<16xf32>,
        }
        %scan3A_235 = arith.constant 16 : i32
        %dma_start3A_236 = arith.constant 0 : i32
        %dma_start3A_237 = arith.constant 0 : i32
        %dma_start3A_238 = tpu.memref_slice %arg18[%dma_start3A_236, %dma_start3A_237] : memref<2048x16xf32, #tpu.memory_space<vmem>> -> memref<128x16xf32, #tpu.memory_space<vmem>>
        %dma_start3A_239 = arith.constant 0 : i32
        %dma_start3A_240 = tpu.memref_slice %arg10[%dma_start3A_239] : memref<2048xi32, #tpu.memory_space<vmem>> -> memref<128xi32, #tpu.memory_space<vmem>>
        %dma_start3A_241 = arith.constant 0 : i32
        %dma_start3A_242 = arith.constant 0 : i32
        %dma_start3A_243 = tpu.memref_slice %arg2[%dma_start3A_241, %dma_start3A_242] : memref<6553600x16xf32, #tpu.memory_space<hbm>> -> memref<6553600x16xf32, #tpu.memory_space<hbm>>
        tpu.enqueue_indirect_dma source(%dma_start3A_243 : memref<6553600x16xf32, #tpu.memory_space<hbm>>) target(%dma_start3A_238 : memref<128x16xf32, #tpu.memory_space<vmem>>) offsets(%dma_start3A_240 : memref<128xi32, #tpu.memory_space<vmem>>) semaphore(%arg22 : memref<!tpu.dma_semaphore, #tpu.memory_space<semaphore_mem>>)
        %dma_start3A_244 = arith.constant 128 : i32
        %dma_start3A_245 = arith.constant 0 : i32
        %dma_start3A_246 = tpu.memref_slice %arg18[%dma_start3A_244, %dma_start3A_245] : memref<2048x16xf32, #tpu.memory_space<vmem>> -> memref<128x16xf32, #tpu.memory_space<vmem>>
        %dma_start3A_247 = arith.constant 128 : i32
        %dma_start3A_248 = tpu.memref_slice %arg10[%dma_start3A_247] : memref<2048xi32, #tpu.memory_space<vmem>> -> memref<128xi32, #tpu.memory_space<vmem>>
        %dma_start3A_249 = arith.constant 0 : i32
        %dma_start3A_250 = arith.constant 0 : i32
        %dma_start3A_251 = tpu.memref_slice %arg2[%dma_start3A_249, %dma_start3A_250] : memref<6553600x16xf32, #tpu.memory_space<hbm>> -> memref<6553600x16xf32, #tpu.memory_space<hbm>>
        tpu.enqueue_indirect_dma source(%dma_start3A_251 : memref<6553600x16xf32, #tpu.memory_space<hbm>>) target(%dma_start3A_246 : memref<128x16xf32, #tpu.memory_space<vmem>>) offsets(%dma_start3A_248 : memref<128xi32, #tpu.memory_space<vmem>>) semaphore(%arg22 : memref<!tpu.dma_semaphore, #tpu.memory_space<semaphore_mem>>)
        %dma_start3A_252 = arith.constant 256 : i32
        %dma_start3A_253 = arith.constant 0 : i32
        %dma_start3A_254 = tpu.memref_slice %arg18[%dma_start3A_252, %dma_start3A_253] : memref<2048x16xf32, #tpu.memory_space<vmem>> -> memref<128x16xf32, #tpu.memory_space<vmem>>
        %dma_start3A_255 = arith.constant 256 : i32
        %dma_start3A_256 = tpu.memref_slice %arg10[%dma_start3A_255] : memref<2048xi32, #tpu.memory_space<vmem>> -> memref<128xi32, #tpu.memory_space<vmem>>
        %dma_start3A_257 = arith.constant 0 : i32
        %dma_start3A_258 = arith.constant 0 : i32
        %dma_start3A_259 = tpu.memref_slice %arg2[%dma_start3A_257, %dma_start3A_258] : memref<6553600x16xf32, #tpu.memory_space<hbm>> -> memref<6553600x16xf32, #tpu.memory_space<hbm>>
        tpu.enqueue_indirect_dma source(%dma_start3A_259 : memref<6553600x16xf32, #tpu.memory_space<hbm>>) target(%dma_start3A_254 : memref<128x16xf32, #tpu.memory_space<vmem>>) offsets(%dma_start3A_256 : memref<128xi32, #tpu.memory_space<vmem>>) semaphore(%arg22 : memref<!tpu.dma_semaphore, #tpu.memory_space<semaphore_mem>>)
        %dma_start3A_260 = arith.constant 384 : i32
        %dma_start3A_261 = arith.constant 0 : i32
        %dma_start3A_262 = tpu.memref_slice %arg18[%dma_start3A_260, %dma_start3A_261] : memref<2048x16xf32, #tpu.memory_space<vmem>> -> memref<128x16xf32, #tpu.memory_space<vmem>>
        %dma_start3A_263 = arith.constant 384 : i32
        %dma_start3A_264 = tpu.memref_slice %arg10[%dma_start3A_263] : memref<2048xi32, #tpu.memory_space<vmem>> -> memref<128xi32, #tpu.memory_space<vmem>>
        %dma_start3A_265 = arith.constant 0 : i32
        %dma_start3A_266 = arith.constant 0 : i32
        %dma_start3A_267 = tpu.memref_slice %arg2[%dma_start3A_265, %dma_start3A_266] : memref<6553600x16xf32, #tpu.memory_space<hbm>> -> memref<6553600x16xf32, #tpu.memory_space<hbm>>
        tpu.enqueue_indirect_dma source(%dma_start3A_267 : memref<6553600x16xf32, #tpu.memory_space<hbm>>) target(%dma_start3A_262 : memref<128x16xf32, #tpu.memory_space<vmem>>) offsets(%dma_start3A_264 : memref<128xi32, #tpu.memory_space<vmem>>) semaphore(%arg22 : memref<!tpu.dma_semaphore, #tpu.memory_space<semaphore_mem>>)
        %dma_start3A_268 = arith.constant 512 : i32
        %dma_start3A_269 = arith.constant 0 : i32
        %dma_start3A_270 = tpu.memref_slice %arg18[%dma_start3A_268, %dma_start3A_269] : memref<2048x16xf32, #tpu.memory_space<vmem>> -> memref<128x16xf32, #tpu.memory_space<vmem>>
        %dma_start3A_271 = arith.constant 512 : i32
        %dma_start3A_272 = tpu.memref_slice %arg10[%dma_start3A_271] : memref<2048xi32, #tpu.memory_space<vmem>> -> memref<128xi32, #tpu.memory_space<vmem>>
        %dma_start3A_273 = arith.constant 0 : i32
        %dma_start3A_274 = arith.constant 0 : i32
        %dma_start3A_275 = tpu.memref_slice %arg2[%dma_start3A_273, %dma_start3A_274] : memref<6553600x16xf32, #tpu.memory_space<hbm>> -> memref<6553600x16xf32, #tpu.memory_space<hbm>>
        tpu.enqueue_indirect_dma source(%dma_start3A_275 : memref<6553600x16xf32, #tpu.memory_space<hbm>>) target(%dma_start3A_270 : memref<128x16xf32, #tpu.memory_space<vmem>>) offsets(%dma_start3A_272 : memref<128xi32, #tpu.memory_space<vmem>>) semaphore(%arg22 : memref<!tpu.dma_semaphore, #tpu.memory_space<semaphore_mem>>)
        %dma_start3A_276 = arith.constant 640 : i32
        %dma_start3A_277 = arith.constant 0 : i32
        %dma_start3A_278 = tpu.memref_slice %arg18[%dma_start3A_276, %dma_start3A_277] : memref<2048x16xf32, #tpu.memory_space<vmem>> -> memref<128x16xf32, #tpu.memory_space<vmem>>
        %dma_start3A_279 = arith.constant 640 : i32
        %dma_start3A_280 = tpu.memref_slice %arg10[%dma_start3A_279] : memref<2048xi32, #tpu.memory_space<vmem>> -> memref<128xi32, #tpu.memory_space<vmem>>
        %dma_start3A_281 = arith.constant 0 : i32
        %dma_start3A_282 = arith.constant 0 : i32
        %dma_start3A_283 = tpu.memref_slice %arg2[%dma_start3A_281, %dma_start3A_282] : memref<6553600x16xf32, #tpu.memory_space<hbm>> -> memref<6553600x16xf32, #tpu.memory_space<hbm>>
        tpu.enqueue_indirect_dma source(%dma_start3A_283 : memref<6553600x16xf32, #tpu.memory_space<hbm>>) target(%dma_start3A_278 : memref<128x16xf32, #tpu.memory_space<vmem>>) offsets(%dma_start3A_280 : memref<128xi32, #tpu.memory_space<vmem>>) semaphore(%arg22 : memref<!tpu.dma_semaphore, #tpu.memory_space<semaphore_mem>>)
        %dma_start3A_284 = arith.constant 768 : i32
        %dma_start3A_285 = arith.constant 0 : i32
        %dma_start3A_286 = tpu.memref_slice %arg18[%dma_start3A_284, %dma_start3A_285] : memref<2048x16xf32, #tpu.memory_space<vmem>> -> memref<128x16xf32, #tpu.memory_space<vmem>>
        %dma_start3A_287 = arith.constant 768 : i32
        %dma_start3A_288 = tpu.memref_slice %arg10[%dma_start3A_287] : memref<2048xi32, #tpu.memory_space<vmem>> -> memref<128xi32, #tpu.memory_space<vmem>>
        %dma_start3A_289 = arith.constant 0 : i32
        %dma_start3A_290 = arith.constant 0 : i32
        %dma_start3A_291 = tpu.memref_slice %arg2[%dma_start3A_289, %dma_start3A_290] : memref<6553600x16xf32, #tpu.memory_space<hbm>> -> memref<6553600x16xf32, #tpu.memory_space<hbm>>
        tpu.enqueue_indirect_dma source(%dma_start3A_291 : memref<6553600x16xf32, #tpu.memory_space<hbm>>) target(%dma_start3A_286 : memref<128x16xf32, #tpu.memory_space<vmem>>) offsets(%dma_start3A_288 : memref<128xi32, #tpu.memory_space<vmem>>) semaphore(%arg22 : memref<!tpu.dma_semaphore, #tpu.memory_space<semaphore_mem>>)
        %dma_start3A_292 = arith.constant 896 : i32
        %dma_start3A_293 = arith.constant 0 : i32
        %dma_start3A_294 = tpu.memref_slice %arg18[%dma_start3A_292, %dma_start3A_293] : memref<2048x16xf32, #tpu.memory_space<vmem>> -> memref<128x16xf32, #tpu.memory_space<vmem>>
        %dma_start3A_295 = arith.constant 896 : i32
        %dma_start3A_296 = tpu.memref_slice %arg10[%dma_start3A_295] : memref<2048xi32, #tpu.memory_space<vmem>> -> memref<128xi32, #tpu.memory_space<vmem>>
        %dma_start3A_297 = arith.constant 0 : i32
        %dma_start3A_298 = arith.constant 0 : i32
        %dma_start3A_299 = tpu.memref_slice %arg2[%dma_start3A_297, %dma_start3A_298] : memref<6553600x16xf32, #tpu.memory_space<hbm>> -> memref<6553600x16xf32, #tpu.memory_space<hbm>>
        tpu.enqueue_indirect_dma source(%dma_start3A_299 : memref<6553600x16xf32, #tpu.memory_space<hbm>>) target(%dma_start3A_294 : memref<128x16xf32, #tpu.memory_space<vmem>>) offsets(%dma_start3A_296 : memref<128xi32, #tpu.memory_space<vmem>>) semaphore(%arg22 : memref<!tpu.dma_semaphore, #tpu.memory_space<semaphore_mem>>)
        %dma_start3A_300 = arith.constant 1024 : i32
        %dma_start3A_301 = arith.constant 0 : i32
        %dma_start3A_302 = tpu.memref_slice %arg18[%dma_start3A_300, %dma_start3A_301] : memref<2048x16xf32, #tpu.memory_space<vmem>> -> memref<128x16xf32, #tpu.memory_space<vmem>>
        %dma_start3A_303 = arith.constant 1024 : i32
        %dma_start3A_304 = tpu.memref_slice %arg10[%dma_start3A_303] : memref<2048xi32, #tpu.memory_space<vmem>> -> memref<128xi32, #tpu.memory_space<vmem>>
        %dma_start3A_305 = arith.constant 0 : i32
        %dma_start3A_306 = arith.constant 0 : i32
        %dma_start3A_307 = tpu.memref_slice %arg2[%dma_start3A_305, %dma_start3A_306] : memref<6553600x16xf32, #tpu.memory_space<hbm>> -> memref<6553600x16xf32, #tpu.memory_space<hbm>>
        tpu.enqueue_indirect_dma source(%dma_start3A_307 : memref<6553600x16xf32, #tpu.memory_space<hbm>>) target(%dma_start3A_302 : memref<128x16xf32, #tpu.memory_space<vmem>>) offsets(%dma_start3A_304 : memref<128xi32, #tpu.memory_space<vmem>>) semaphore(%arg22 : memref<!tpu.dma_semaphore, #tpu.memory_space<semaphore_mem>>)
        %dma_start3A_308 = arith.constant 1152 : i32
        %dma_start3A_309 = arith.constant 0 : i32
        %dma_start3A_310 = tpu.memref_slice %arg18[%dma_start3A_308, %dma_start3A_309] : memref<2048x16xf32, #tpu.memory_space<vmem>> -> memref<128x16xf32, #tpu.memory_space<vmem>>
        %dma_start3A_311 = arith.constant 1152 : i32
        %dma_start3A_312 = tpu.memref_slice %arg10[%dma_start3A_311] : memref<2048xi32, #tpu.memory_space<vmem>> -> memref<128xi32, #tpu.memory_space<vmem>>
        %dma_start3A_313 = arith.constant 0 : i32
        %dma_start3A_314 = arith.constant 0 : i32
        %dma_start3A_315 = tpu.memref_slice %arg2[%dma_start3A_313, %dma_start3A_314] : memref<6553600x16xf32, #tpu.memory_space<hbm>> -> memref<6553600x16xf32, #tpu.memory_space<hbm>>
        tpu.enqueue_indirect_dma source(%dma_start3A_315 : memref<6553600x16xf32, #tpu.memory_space<hbm>>) target(%dma_start3A_310 : memref<128x16xf32, #tpu.memory_space<vmem>>) offsets(%dma_start3A_312 : memref<128xi32, #tpu.memory_space<vmem>>) semaphore(%arg22 : memref<!tpu.dma_semaphore, #tpu.memory_space<semaphore_mem>>)
        %dma_start3A_316 = arith.constant 1280 : i32
        %dma_start3A_317 = arith.constant 0 : i32
        %dma_start3A_318 = tpu.memref_slice %arg18[%dma_start3A_316, %dma_start3A_317] : memref<2048x16xf32, #tpu.memory_space<vmem>> -> memref<128x16xf32, #tpu.memory_space<vmem>>
        %dma_start3A_319 = arith.constant 1280 : i32
        %dma_start3A_320 = tpu.memref_slice %arg10[%dma_start3A_319] : memref<2048xi32, #tpu.memory_space<vmem>> -> memref<128xi32, #tpu.memory_space<vmem>>
        %dma_start3A_321 = arith.constant 0 : i32
        %dma_start3A_322 = arith.constant 0 : i32
        %dma_start3A_323 = tpu.memref_slice %arg2[%dma_start3A_321, %dma_start3A_322] : memref<6553600x16xf32, #tpu.memory_space<hbm>> -> memref<6553600x16xf32, #tpu.memory_space<hbm>>
        tpu.enqueue_indirect_dma source(%dma_start3A_323 : memref<6553600x16xf32, #tpu.memory_space<hbm>>) target(%dma_start3A_318 : memref<128x16xf32, #tpu.memory_space<vmem>>) offsets(%dma_start3A_320 : memref<128xi32, #tpu.memory_space<vmem>>) semaphore(%arg22 : memref<!tpu.dma_semaphore, #tpu.memory_space<semaphore_mem>>)
        %dma_start3A_324 = arith.constant 1408 : i32
        %dma_start3A_325 = arith.constant 0 : i32
        %dma_start3A_326 = tpu.memref_slice %arg18[%dma_start3A_324, %dma_start3A_325] : memref<2048x16xf32, #tpu.memory_space<vmem>> -> memref<128x16xf32, #tpu.memory_space<vmem>>
        %dma_start3A_327 = arith.constant 1408 : i32
        %dma_start3A_328 = tpu.memref_slice %arg10[%dma_start3A_327] : memref<2048xi32, #tpu.memory_space<vmem>> -> memref<128xi32, #tpu.memory_space<vmem>>
        %dma_start3A_329 = arith.constant 0 : i32
        %dma_start3A_330 = arith.constant 0 : i32
        %dma_start3A_331 = tpu.memref_slice %arg2[%dma_start3A_329, %dma_start3A_330] : memref<6553600x16xf32, #tpu.memory_space<hbm>> -> memref<6553600x16xf32, #tpu.memory_space<hbm>>
        tpu.enqueue_indirect_dma source(%dma_start3A_331 : memref<6553600x16xf32, #tpu.memory_space<hbm>>) target(%dma_start3A_326 : memref<128x16xf32, #tpu.memory_space<vmem>>) offsets(%dma_start3A_328 : memref<128xi32, #tpu.memory_space<vmem>>) semaphore(%arg22 : memref<!tpu.dma_semaphore, #tpu.memory_space<semaphore_mem>>)
        %dma_start3A_332 = arith.constant 1536 : i32
        %dma_start3A_333 = arith.constant 0 : i32
        %dma_start3A_334 = tpu.memref_slice %arg18[%dma_start3A_332, %dma_start3A_333] : memref<2048x16xf32, #tpu.memory_space<vmem>> -> memref<128x16xf32, #tpu.memory_space<vmem>>
        %dma_start3A_335 = arith.constant 1536 : i32
        %dma_start3A_336 = tpu.memref_slice %arg10[%dma_start3A_335] : memref<2048xi32, #tpu.memory_space<vmem>> -> memref<128xi32, #tpu.memory_space<vmem>>
        %dma_start3A_337 = arith.constant 0 : i32
        %dma_start3A_338 = arith.constant 0 : i32
        %dma_start3A_339 = tpu.memref_slice %arg2[%dma_start3A_337, %dma_start3A_338] : memref<6553600x16xf32, #tpu.memory_space<hbm>> -> memref<6553600x16xf32, #tpu.memory_space<hbm>>
        tpu.enqueue_indirect_dma source(%dma_start3A_339 : memref<6553600x16xf32, #tpu.memory_space<hbm>>) target(%dma_start3A_334 : memref<128x16xf32, #tpu.memory_space<vmem>>) offsets(%dma_start3A_336 : memref<128xi32, #tpu.memory_space<vmem>>) semaphore(%arg22 : memref<!tpu.dma_semaphore, #tpu.memory_space<semaphore_mem>>)
        %dma_start3A_340 = arith.constant 1664 : i32
        %dma_start3A_341 = arith.constant 0 : i32
        %dma_start3A_342 = tpu.memref_slice %arg18[%dma_start3A_340, %dma_start3A_341] : memref<2048x16xf32, #tpu.memory_space<vmem>> -> memref<128x16xf32, #tpu.memory_space<vmem>>
        %dma_start3A_343 = arith.constant 1664 : i32
        %dma_start3A_344 = tpu.memref_slice %arg10[%dma_start3A_343] : memref<2048xi32, #tpu.memory_space<vmem>> -> memref<128xi32, #tpu.memory_space<vmem>>
        %dma_start3A_345 = arith.constant 0 : i32
        %dma_start3A_346 = arith.constant 0 : i32
        %dma_start3A_347 = tpu.memref_slice %arg2[%dma_start3A_345, %dma_start3A_346] : memref<6553600x16xf32, #tpu.memory_space<hbm>> -> memref<6553600x16xf32, #tpu.memory_space<hbm>>
        tpu.enqueue_indirect_dma source(%dma_start3A_347 : memref<6553600x16xf32, #tpu.memory_space<hbm>>) target(%dma_start3A_342 : memref<128x16xf32, #tpu.memory_space<vmem>>) offsets(%dma_start3A_344 : memref<128xi32, #tpu.memory_space<vmem>>) semaphore(%arg22 : memref<!tpu.dma_semaphore, #tpu.memory_space<semaphore_mem>>)
        %dma_start3A_348 = arith.constant 1792 : i32
        %dma_start3A_349 = arith.constant 0 : i32
        %dma_start3A_350 = tpu.memref_slice %arg18[%dma_start3A_348, %dma_start3A_349] : memref<2048x16xf32, #tpu.memory_space<vmem>> -> memref<128x16xf32, #tpu.memory_space<vmem>>
        %dma_start3A_351 = arith.constant 1792 : i32
        %dma_start3A_352 = tpu.memref_slice %arg10[%dma_start3A_351] : memref<2048xi32, #tpu.memory_space<vmem>> -> memref<128xi32, #tpu.memory_space<vmem>>
        %dma_start3A_353 = arith.constant 0 : i32
        %dma_start3A_354 = arith.constant 0 : i32
        %dma_start3A_355 = tpu.memref_slice %arg2[%dma_start3A_353, %dma_start3A_354] : memref<6553600x16xf32, #tpu.memory_space<hbm>> -> memref<6553600x16xf32, #tpu.memory_space<hbm>>
        tpu.enqueue_indirect_dma source(%dma_start3A_355 : memref<6553600x16xf32, #tpu.memory_space<hbm>>) target(%dma_start3A_350 : memref<128x16xf32, #tpu.memory_space<vmem>>) offsets(%dma_start3A_352 : memref<128xi32, #tpu.memory_space<vmem>>) semaphore(%arg22 : memref<!tpu.dma_semaphore, #tpu.memory_space<semaphore_mem>>)
        %dma_start3A_356 = arith.constant 1920 : i32
        %dma_start3A_357 = arith.constant 0 : i32
        %dma_start3A_358 = tpu.memref_slice %arg18[%dma_start3A_356, %dma_start3A_357] : memref<2048x16xf32, #tpu.memory_space<vmem>> -> memref<128x16xf32, #tpu.memory_space<vmem>>
        %dma_start3A_359 = arith.constant 1920 : i32
        %dma_start3A_360 = tpu.memref_slice %arg10[%dma_start3A_359] : memref<2048xi32, #tpu.memory_space<vmem>> -> memref<128xi32, #tpu.memory_space<vmem>>
        %dma_start3A_361 = arith.constant 0 : i32
        %dma_start3A_362 = arith.constant 0 : i32
        %dma_start3A_363 = tpu.memref_slice %arg2[%dma_start3A_361, %dma_start3A_362] : memref<6553600x16xf32, #tpu.memory_space<hbm>> -> memref<6553600x16xf32, #tpu.memory_space<hbm>>
        tpu.enqueue_indirect_dma source(%dma_start3A_363 : memref<6553600x16xf32, #tpu.memory_space<hbm>>) target(%dma_start3A_358 : memref<128x16xf32, #tpu.memory_space<vmem>>) offsets(%dma_start3A_360 : memref<128xi32, #tpu.memory_space<vmem>>) semaphore(%arg22 : memref<!tpu.dma_semaphore, #tpu.memory_space<semaphore_mem>>)
      } else {
      }
      %dma_wait3A_200 = arith.constant 0 : i32
      %dma_wait3A_201 = arith.constant 0 : i32
      %dma_wait3A_202 = tpu.memref_slice %arg2[%dma_wait3A_200, %dma_wait3A_201] : memref<6553600x16xf32, #tpu.memory_space<hbm>> -> memref<2048x16xf32, #tpu.memory_space<hbm>>
      %dma_wait3A_203 = arith.constant 0 : i32
      %dma_wait3A_204 = arith.constant 0 : i32
      %dma_wait3A_205 = tpu.memref_slice %arg2[%dma_wait3A_203, %dma_wait3A_204] : memref<6553600x16xf32, #tpu.memory_space<hbm>> -> memref<2048x16xf32, #tpu.memory_space<hbm>>
      tpu.wait_dma2 semaphore(%arg23 : memref<!tpu.dma_semaphore, #tpu.memory_space<semaphore_mem>>) src(%dma_wait3A_205 : memref<2048x16xf32, #tpu.memory_space<hbm>>) dst(%arg19 : memref<2048x16xf32, #tpu.memory_space<vmem>>)
      %gt3A_206 = arith.constant 0 : i32
      %gt3A_207 = arith.cmpi sgt, %scan3A_158, %gt3A_206 : i32
      %convert_element_type3A_208 = arith.extui %gt3A_207 : i1 to i32
      %cond3A_209 = arith.constant 0 : i32
      %cond3A_210 = arith.cmpi ne, %convert_element_type3A_208, %cond3A_209 : i32
      scf.if %cond3A_210 {
        %sub3A = arith.constant 2 : i32
        %sub3A_225 = arith.subi %add3A_192, %sub3A : i32
        %mul3A_226 = arith.constant 256 : i32
        %mul3A_227 = arith.muli %sub3A_225, %mul3A_226 : i32
        %add3A_228 = arith.addi %multiple_of3A, %mul3A_227 : i32
        %multiple_of3A_229 = tpu.assume_multiple %add3A_228, 256 : i32
        %dma_wait3A_230 = arith.constant 0 : i32
        %dma_wait3A_231 = tpu.memref_slice %arg6[%dma_wait3A_230, %multiple_of3A_229] : memref<16x262144xf32, #tpu.memory_space<hbm>> -> memref<16x256xf32, #tpu.memory_space<hbm>>
        %dma_wait3A_232 = arith.constant 0 : i32
        %dma_wait3A_233 = tpu.memref_slice %arg6[%dma_wait3A_232, %multiple_of3A_229] : memref<16x262144xf32, #tpu.memory_space<hbm>> -> memref<16x256xf32, #tpu.memory_space<hbm>>
        tpu.wait_dma2 semaphore(%arg25 : memref<!tpu.dma_semaphore, #tpu.memory_space<semaphore_mem>>) src(%arg21 : memref<16x256xf32, #tpu.memory_space<vmem>>) dst(%dma_wait3A_233 : memref<16x256xf32, #tpu.memory_space<hbm>>)
      } else {
      }
      %scan3A_211 = arith.constant 0 : i32
      %scan3A_212 = arith.constant 0 : i32
      %scan3A_213 = arith.constant 16 : i32
      %scan3A_214 = arith.addi %scan3A_212, %scan3A_213 : i32
      %scan3A_215 = arith.constant 1 : i32
      scf.for %scan3A_225 = %scan3A_212 to %scan3A_214 step %scan3A_215  : i32 {
        %mul3A_226 = arith.constant 16 : i32
        %mul3A_227 = arith.muli %scan3A_225, %mul3A_226 : i32
        %multiple_of3A_228 = tpu.assume_multiple %mul3A_227, 16 : i32
        %iota3A = tpu.iota {dimensions = array<i32: 0>} : vector<16xi32>
        %add3A_229 = vector.broadcast %multiple_of3A_228 : i32 to vector<16xi32>
        %add3A_230 = arith.addi %add3A_229, %iota3A : vector<16xi32>
        %get3A = arith.index_cast %multiple_of3A_228 : i32 to index
        %get3A_231 = tpu.vector_load %arg13[%get3A] {strides = array<i32>} : memref<256xf32, #tpu.memory_space<vmem>>, vector<16xf32>,
        %get3A_232 = arith.index_cast %multiple_of3A_228 : i32 to index
        %get3A_233 = tpu.vector_load %arg15[%get3A_232] {strides = array<i32>} : memref<256xf32, #tpu.memory_space<vmem>>, vector<16xf32>,
        %get3A_234 = arith.index_cast %multiple_of3A_228 : i32 to index
        %get3A_235 = tpu.vector_load %arg17[%get3A_234] {strides = array<i32>} : memref<256xf32, #tpu.memory_space<vmem>>, vector<16xf32>,
        %sub3A = arith.constant 1.000000e+00 : f32
        %sub3A_236 = vector.broadcast %sub3A : f32 to vector<16xf32>
        %sub3A_237 = arith.subf %sub3A_236, %get3A_231 : vector<16xf32>
        %sub3A_238 = arith.constant 1.000000e+00 : f32
        %sub3A_239 = vector.broadcast %sub3A_238 : f32 to vector<16xf32>
        %sub3A_240 = arith.subf %sub3A_239, %get3A_233 : vector<16xf32>
        %sub3A_241 = arith.constant 1.000000e+00 : f32
        %sub3A_242 = vector.broadcast %sub3A_241 : f32 to vector<16xf32>
        %sub3A_243 = arith.subf %sub3A_242, %get3A_235 : vector<16xf32>
        %mul3A_244 = arith.mulf %sub3A_243, %sub3A_240 : vector<16xf32>
        %mul3A_245 = arith.mulf %sub3A_243, %get3A_233 : vector<16xf32>
        %mul3A_246 = arith.mulf %get3A_235, %sub3A_240 : vector<16xf32>
        %mul3A_247 = arith.mulf %get3A_235, %get3A_233 : vector<16xf32>
        %mul3A_248 = arith.mulf %mul3A_244, %sub3A_237 : vector<16xf32>
        %mul3A_249 = arith.mulf %mul3A_244, %get3A_231 : vector<16xf32>
        %mul3A_250 = arith.mulf %mul3A_245, %sub3A_237 : vector<16xf32>
        %mul3A_251 = arith.mulf %mul3A_245, %get3A_231 : vector<16xf32>
        %mul3A_252 = arith.mulf %mul3A_246, %sub3A_237 : vector<16xf32>
        %mul3A_253 = arith.mulf %mul3A_246, %get3A_231 : vector<16xf32>
        %mul3A_254 = arith.mulf %mul3A_247, %sub3A_237 : vector<16xf32>
        %mul3A_255 = arith.mulf %mul3A_247, %get3A_231 : vector<16xf32>
        %add3A_256 = arith.constant 0 : i32
        %add3A_257 = vector.broadcast %add3A_256 : i32 to vector<16xi32>
        %add3A_258 = arith.addi %add3A_230, %add3A_257 : vector<16xi32>
        %add3A_259 = arith.constant 256 : i32
        %add3A_260 = vector.broadcast %add3A_259 : i32 to vector<16xi32>
        %add3A_261 = arith.addi %add3A_230, %add3A_260 : vector<16xi32>
        %add3A_262 = arith.constant 512 : i32
        %add3A_263 = vector.broadcast %add3A_262 : i32 to vector<16xi32>
        %add3A_264 = arith.addi %add3A_230, %add3A_263 : vector<16xi32>
        %add3A_265 = arith.constant 768 : i32
        %add3A_266 = vector.broadcast %add3A_265 : i32 to vector<16xi32>
        %add3A_267 = arith.addi %add3A_230, %add3A_266 : vector<16xi32>
        %add3A_268 = arith.constant 1024 : i32
        %add3A_269 = vector.broadcast %add3A_268 : i32 to vector<16xi32>
        %add3A_270 = arith.addi %add3A_230, %add3A_269 : vector<16xi32>
        %add3A_271 = arith.constant 1280 : i32
        %add3A_272 = vector.broadcast %add3A_271 : i32 to vector<16xi32>
        %add3A_273 = arith.addi %add3A_230, %add3A_272 : vector<16xi32>
        %add3A_274 = arith.constant 1536 : i32
        %add3A_275 = vector.broadcast %add3A_274 : i32 to vector<16xi32>
        %add3A_276 = arith.addi %add3A_230, %add3A_275 : vector<16xi32>
        %add3A_277 = arith.constant 1792 : i32
        %add3A_278 = vector.broadcast %add3A_277 : i32 to vector<16xi32>
        %add3A_279 = arith.addi %add3A_230, %add3A_278 : vector<16xi32>
        %broadcast_in_dim3A = arith.constant 0 : i32
        %broadcast_in_dim3A_280 = vector.broadcast %broadcast_in_dim3A : i32 to vector<16xi32>
        %gather3A = tpu.vector_load_idx %arg19[%add3A_258, %broadcast_in_dim3A_280] : memref<2048x16xf32, #tpu.memory_space<vmem>>[vector<16xi32>, vector<16xi32>], vector<16xf32>,
        %mul3A_281 = arith.mulf %mul3A_248, %gather3A : vector<16xf32>
        %gather3A_282 = tpu.vector_load_idx %arg19[%add3A_261, %broadcast_in_dim3A_280] : memref<2048x16xf32, #tpu.memory_space<vmem>>[vector<16xi32>, vector<16xi32>], vector<16xf32>,
        %mul3A_283 = arith.mulf %mul3A_249, %gather3A_282 : vector<16xf32>
        %add3A_284 = arith.addf %mul3A_281, %mul3A_283 : vector<16xf32>
        %gather3A_285 = tpu.vector_load_idx %arg19[%add3A_264, %broadcast_in_dim3A_280] : memref<2048x16xf32, #tpu.memory_space<vmem>>[vector<16xi32>, vector<16xi32>], vector<16xf32>,
        %mul3A_286 = arith.mulf %mul3A_250, %gather3A_285 : vector<16xf32>
        %add3A_287 = arith.addf %add3A_284, %mul3A_286 : vector<16xf32>
        %gather3A_288 = tpu.vector_load_idx %arg19[%add3A_267, %broadcast_in_dim3A_280] : memref<2048x16xf32, #tpu.memory_space<vmem>>[vector<16xi32>, vector<16xi32>], vector<16xf32>,
        %mul3A_289 = arith.mulf %mul3A_251, %gather3A_288 : vector<16xf32>
        %add3A_290 = arith.addf %add3A_287, %mul3A_289 : vector<16xf32>
        %gather3A_291 = tpu.vector_load_idx %arg19[%add3A_270, %broadcast_in_dim3A_280] : memref<2048x16xf32, #tpu.memory_space<vmem>>[vector<16xi32>, vector<16xi32>], vector<16xf32>,
        %mul3A_292 = arith.mulf %mul3A_252, %gather3A_291 : vector<16xf32>
        %add3A_293 = arith.addf %add3A_290, %mul3A_292 : vector<16xf32>
        %gather3A_294 = tpu.vector_load_idx %arg19[%add3A_273, %broadcast_in_dim3A_280] : memref<2048x16xf32, #tpu.memory_space<vmem>>[vector<16xi32>, vector<16xi32>], vector<16xf32>,
        %mul3A_295 = arith.mulf %mul3A_253, %gather3A_294 : vector<16xf32>
        %add3A_296 = arith.addf %add3A_293, %mul3A_295 : vector<16xf32>
        %gather3A_297 = tpu.vector_load_idx %arg19[%add3A_276, %broadcast_in_dim3A_280] : memref<2048x16xf32, #tpu.memory_space<vmem>>[vector<16xi32>, vector<16xi32>], vector<16xf32>,
        %mul3A_298 = arith.mulf %mul3A_254, %gather3A_297 : vector<16xf32>
        %add3A_299 = arith.addf %add3A_296, %mul3A_298 : vector<16xf32>
        %gather3A_300 = tpu.vector_load_idx %arg19[%add3A_279, %broadcast_in_dim3A_280] : memref<2048x16xf32, #tpu.memory_space<vmem>>[vector<16xi32>, vector<16xi32>], vector<16xf32>,
        %mul3A_301 = arith.mulf %mul3A_255, %gather3A_300 : vector<16xf32>
        %add3A_302 = arith.addf %add3A_299, %mul3A_301 : vector<16xf32>
        %swap3A = arith.constant 0 : i32
        %swap3A_303 = arith.index_cast %swap3A : i32 to index
        %swap3A_304 = arith.index_cast %multiple_of3A_228 : i32 to index
        %swap3A_305 = tpu.vector_load %arg21[%swap3A_303, %swap3A_304] {strides = array<i32>} : memref<16x256xf32, #tpu.memory_space<vmem>>, vector<16xf32>,
        tpu.vector_store %arg21[%swap3A_303, %swap3A_304], %add3A_302 {strides = array<i32>} : memref<16x256xf32, #tpu.memory_space<vmem>>, vector<16xf32>,
        %broadcast_in_dim3A_306 = arith.constant 1 : i32
        %broadcast_in_dim3A_307 = vector.broadcast %broadcast_in_dim3A_306 : i32 to vector<16xi32>
        %gather3A_308 = tpu.vector_load_idx %arg19[%add3A_258, %broadcast_in_dim3A_307] : memref<2048x16xf32, #tpu.memory_space<vmem>>[vector<16xi32>, vector<16xi32>], vector<16xf32>,
        %mul3A_309 = arith.mulf %mul3A_248, %gather3A_308 : vector<16xf32>
        %gather3A_310 = tpu.vector_load_idx %arg19[%add3A_261, %broadcast_in_dim3A_307] : memref<2048x16xf32, #tpu.memory_space<vmem>>[vector<16xi32>, vector<16xi32>], vector<16xf32>,
        %mul3A_311 = arith.mulf %mul3A_249, %gather3A_310 : vector<16xf32>
        %add3A_312 = arith.addf %mul3A_309, %mul3A_311 : vector<16xf32>
        %gather3A_313 = tpu.vector_load_idx %arg19[%add3A_264, %broadcast_in_dim3A_307] : memref<2048x16xf32, #tpu.memory_space<vmem>>[vector<16xi32>, vector<16xi32>], vector<16xf32>,
        %mul3A_314 = arith.mulf %mul3A_250, %gather3A_313 : vector<16xf32>
        %add3A_315 = arith.addf %add3A_312, %mul3A_314 : vector<16xf32>
        %gather3A_316 = tpu.vector_load_idx %arg19[%add3A_267, %broadcast_in_dim3A_307] : memref<2048x16xf32, #tpu.memory_space<vmem>>[vector<16xi32>, vector<16xi32>], vector<16xf32>,
        %mul3A_317 = arith.mulf %mul3A_251, %gather3A_316 : vector<16xf32>
        %add3A_318 = arith.addf %add3A_315, %mul3A_317 : vector<16xf32>
        %gather3A_319 = tpu.vector_load_idx %arg19[%add3A_270, %broadcast_in_dim3A_307] : memref<2048x16xf32, #tpu.memory_space<vmem>>[vector<16xi32>, vector<16xi32>], vector<16xf32>,
        %mul3A_320 = arith.mulf %mul3A_252, %gather3A_319 : vector<16xf32>
        %add3A_321 = arith.addf %add3A_318, %mul3A_320 : vector<16xf32>
        %gather3A_322 = tpu.vector_load_idx %arg19[%add3A_273, %broadcast_in_dim3A_307] : memref<2048x16xf32, #tpu.memory_space<vmem>>[vector<16xi32>, vector<16xi32>], vector<16xf32>,
        %mul3A_323 = arith.mulf %mul3A_253, %gather3A_322 : vector<16xf32>
        %add3A_324 = arith.addf %add3A_321, %mul3A_323 : vector<16xf32>
        %gather3A_325 = tpu.vector_load_idx %arg19[%add3A_276, %broadcast_in_dim3A_307] : memref<2048x16xf32, #tpu.memory_space<vmem>>[vector<16xi32>, vector<16xi32>], vector<16xf32>,
        %mul3A_326 = arith.mulf %mul3A_254, %gather3A_325 : vector<16xf32>
        %add3A_327 = arith.addf %add3A_324, %mul3A_326 : vector<16xf32>
        %gather3A_328 = tpu.vector_load_idx %arg19[%add3A_279, %broadcast_in_dim3A_307] : memref<2048x16xf32, #tpu.memory_space<vmem>>[vector<16xi32>, vector<16xi32>], vector<16xf32>,
        %mul3A_329 = arith.mulf %mul3A_255, %gather3A_328 : vector<16xf32>
        %add3A_330 = arith.addf %add3A_327, %mul3A_329 : vector<16xf32>
        %swap3A_331 = arith.constant 1 : i32
        %swap3A_332 = arith.index_cast %swap3A_331 : i32 to index
        %swap3A_333 = arith.index_cast %multiple_of3A_228 : i32 to index
        %swap3A_334 = tpu.vector_load %arg21[%swap3A_332, %swap3A_333] {strides = array<i32>} : memref<16x256xf32, #tpu.memory_space<vmem>>, vector<16xf32>,
        tpu.vector_store %arg21[%swap3A_332, %swap3A_333], %add3A_330 {strides = array<i32>} : memref<16x256xf32, #tpu.memory_space<vmem>>, vector<16xf32>,
        %broadcast_in_dim3A_335 = arith.constant 2 : i32
        %broadcast_in_dim3A_336 = vector.broadcast %broadcast_in_dim3A_335 : i32 to vector<16xi32>
        %gather3A_337 = tpu.vector_load_idx %arg19[%add3A_258, %broadcast_in_dim3A_336] : memref<2048x16xf32, #tpu.memory_space<vmem>>[vector<16xi32>, vector<16xi32>], vector<16xf32>,
        %mul3A_338 = arith.mulf %mul3A_248, %gather3A_337 : vector<16xf32>
        %gather3A_339 = tpu.vector_load_idx %arg19[%add3A_261, %broadcast_in_dim3A_336] : memref<2048x16xf32, #tpu.memory_space<vmem>>[vector<16xi32>, vector<16xi32>], vector<16xf32>,
        %mul3A_340 = arith.mulf %mul3A_249, %gather3A_339 : vector<16xf32>
        %add3A_341 = arith.addf %mul3A_338, %mul3A_340 : vector<16xf32>
        %gather3A_342 = tpu.vector_load_idx %arg19[%add3A_264, %broadcast_in_dim3A_336] : memref<2048x16xf32, #tpu.memory_space<vmem>>[vector<16xi32>, vector<16xi32>], vector<16xf32>,
        %mul3A_343 = arith.mulf %mul3A_250, %gather3A_342 : vector<16xf32>
        %add3A_344 = arith.addf %add3A_341, %mul3A_343 : vector<16xf32>
        %gather3A_345 = tpu.vector_load_idx %arg19[%add3A_267, %broadcast_in_dim3A_336] : memref<2048x16xf32, #tpu.memory_space<vmem>>[vector<16xi32>, vector<16xi32>], vector<16xf32>,
        %mul3A_346 = arith.mulf %mul3A_251, %gather3A_345 : vector<16xf32>
        %add3A_347 = arith.addf %add3A_344, %mul3A_346 : vector<16xf32>
        %gather3A_348 = tpu.vector_load_idx %arg19[%add3A_270, %broadcast_in_dim3A_336] : memref<2048x16xf32, #tpu.memory_space<vmem>>[vector<16xi32>, vector<16xi32>], vector<16xf32>,
        %mul3A_349 = arith.mulf %mul3A_252, %gather3A_348 : vector<16xf32>
        %add3A_350 = arith.addf %add3A_347, %mul3A_349 : vector<16xf32>
        %gather3A_351 = tpu.vector_load_idx %arg19[%add3A_273, %broadcast_in_dim3A_336] : memref<2048x16xf32, #tpu.memory_space<vmem>>[vector<16xi32>, vector<16xi32>], vector<16xf32>,
        %mul3A_352 = arith.mulf %mul3A_253, %gather3A_351 : vector<16xf32>
        %add3A_353 = arith.addf %add3A_350, %mul3A_352 : vector<16xf32>
        %gather3A_354 = tpu.vector_load_idx %arg19[%add3A_276, %broadcast_in_dim3A_336] : memref<2048x16xf32, #tpu.memory_space<vmem>>[vector<16xi32>, vector<16xi32>], vector<16xf32>,
        %mul3A_355 = arith.mulf %mul3A_254, %gather3A_354 : vector<16xf32>
        %add3A_356 = arith.addf %add3A_353, %mul3A_355 : vector<16xf32>
        %gather3A_357 = tpu.vector_load_idx %arg19[%add3A_279, %broadcast_in_dim3A_336] : memref<2048x16xf32, #tpu.memory_space<vmem>>[vector<16xi32>, vector<16xi32>], vector<16xf32>,
        %mul3A_358 = arith.mulf %mul3A_255, %gather3A_357 : vector<16xf32>
        %add3A_359 = arith.addf %add3A_356, %mul3A_358 : vector<16xf32>
        %swap3A_360 = arith.constant 2 : i32
        %swap3A_361 = arith.index_cast %swap3A_360 : i32 to index
        %swap3A_362 = arith.index_cast %multiple_of3A_228 : i32 to index
        %swap3A_363 = tpu.vector_load %arg21[%swap3A_361, %swap3A_362] {strides = array<i32>} : memref<16x256xf32, #tpu.memory_space<vmem>>, vector<16xf32>,
        tpu.vector_store %arg21[%swap3A_361, %swap3A_362], %add3A_359 {strides = array<i32>} : memref<16x256xf32, #tpu.memory_space<vmem>>, vector<16xf32>,
        %broadcast_in_dim3A_364 = arith.constant 3 : i32
        %broadcast_in_dim3A_365 = vector.broadcast %broadcast_in_dim3A_364 : i32 to vector<16xi32>
        %gather3A_366 = tpu.vector_load_idx %arg19[%add3A_258, %broadcast_in_dim3A_365] : memref<2048x16xf32, #tpu.memory_space<vmem>>[vector<16xi32>, vector<16xi32>], vector<16xf32>,
        %mul3A_367 = arith.mulf %mul3A_248, %gather3A_366 : vector<16xf32>
        %gather3A_368 = tpu.vector_load_idx %arg19[%add3A_261, %broadcast_in_dim3A_365] : memref<2048x16xf32, #tpu.memory_space<vmem>>[vector<16xi32>, vector<16xi32>], vector<16xf32>,
        %mul3A_369 = arith.mulf %mul3A_249, %gather3A_368 : vector<16xf32>
        %add3A_370 = arith.addf %mul3A_367, %mul3A_369 : vector<16xf32>
        %gather3A_371 = tpu.vector_load_idx %arg19[%add3A_264, %broadcast_in_dim3A_365] : memref<2048x16xf32, #tpu.memory_space<vmem>>[vector<16xi32>, vector<16xi32>], vector<16xf32>,
        %mul3A_372 = arith.mulf %mul3A_250, %gather3A_371 : vector<16xf32>
        %add3A_373 = arith.addf %add3A_370, %mul3A_372 : vector<16xf32>
        %gather3A_374 = tpu.vector_load_idx %arg19[%add3A_267, %broadcast_in_dim3A_365] : memref<2048x16xf32, #tpu.memory_space<vmem>>[vector<16xi32>, vector<16xi32>], vector<16xf32>,
        %mul3A_375 = arith.mulf %mul3A_251, %gather3A_374 : vector<16xf32>
        %add3A_376 = arith.addf %add3A_373, %mul3A_375 : vector<16xf32>
        %gather3A_377 = tpu.vector_load_idx %arg19[%add3A_270, %broadcast_in_dim3A_365] : memref<2048x16xf32, #tpu.memory_space<vmem>>[vector<16xi32>, vector<16xi32>], vector<16xf32>,
        %mul3A_378 = arith.mulf %mul3A_252, %gather3A_377 : vector<16xf32>
        %add3A_379 = arith.addf %add3A_376, %mul3A_378 : vector<16xf32>
        %gather3A_380 = tpu.vector_load_idx %arg19[%add3A_273, %broadcast_in_dim3A_365] : memref<2048x16xf32, #tpu.memory_space<vmem>>[vector<16xi32>, vector<16xi32>], vector<16xf32>,
        %mul3A_381 = arith.mulf %mul3A_253, %gather3A_380 : vector<16xf32>
        %add3A_382 = arith.addf %add3A_379, %mul3A_381 : vector<16xf32>
        %gather3A_383 = tpu.vector_load_idx %arg19[%add3A_276, %broadcast_in_dim3A_365] : memref<2048x16xf32, #tpu.memory_space<vmem>>[vector<16xi32>, vector<16xi32>], vector<16xf32>,
        %mul3A_384 = arith.mulf %mul3A_254, %gather3A_383 : vector<16xf32>
        %add3A_385 = arith.addf %add3A_382, %mul3A_384 : vector<16xf32>
        %gather3A_386 = tpu.vector_load_idx %arg19[%add3A_279, %broadcast_in_dim3A_365] : memref<2048x16xf32, #tpu.memory_space<vmem>>[vector<16xi32>, vector<16xi32>], vector<16xf32>,
        %mul3A_387 = arith.mulf %mul3A_255, %gather3A_386 : vector<16xf32>
        %add3A_388 = arith.addf %add3A_385, %mul3A_387 : vector<16xf32>
        %swap3A_389 = arith.constant 3 : i32
        %swap3A_390 = arith.index_cast %swap3A_389 : i32 to index
        %swap3A_391 = arith.index_cast %multiple_of3A_228 : i32 to index
        %swap3A_392 = tpu.vector_load %arg21[%swap3A_390, %swap3A_391] {strides = array<i32>} : memref<16x256xf32, #tpu.memory_space<vmem>>, vector<16xf32>,
        tpu.vector_store %arg21[%swap3A_390, %swap3A_391], %add3A_388 {strides = array<i32>} : memref<16x256xf32, #tpu.memory_space<vmem>>, vector<16xf32>,
        %broadcast_in_dim3A_393 = arith.constant 4 : i32
        %broadcast_in_dim3A_394 = vector.broadcast %broadcast_in_dim3A_393 : i32 to vector<16xi32>
        %gather3A_395 = tpu.vector_load_idx %arg19[%add3A_258, %broadcast_in_dim3A_394] : memref<2048x16xf32, #tpu.memory_space<vmem>>[vector<16xi32>, vector<16xi32>], vector<16xf32>,
        %mul3A_396 = arith.mulf %mul3A_248, %gather3A_395 : vector<16xf32>
        %gather3A_397 = tpu.vector_load_idx %arg19[%add3A_261, %broadcast_in_dim3A_394] : memref<2048x16xf32, #tpu.memory_space<vmem>>[vector<16xi32>, vector<16xi32>], vector<16xf32>,
        %mul3A_398 = arith.mulf %mul3A_249, %gather3A_397 : vector<16xf32>
        %add3A_399 = arith.addf %mul3A_396, %mul3A_398 : vector<16xf32>
        %gather3A_400 = tpu.vector_load_idx %arg19[%add3A_264, %broadcast_in_dim3A_394] : memref<2048x16xf32, #tpu.memory_space<vmem>>[vector<16xi32>, vector<16xi32>], vector<16xf32>,
        %mul3A_401 = arith.mulf %mul3A_250, %gather3A_400 : vector<16xf32>
        %add3A_402 = arith.addf %add3A_399, %mul3A_401 : vector<16xf32>
        %gather3A_403 = tpu.vector_load_idx %arg19[%add3A_267, %broadcast_in_dim3A_394] : memref<2048x16xf32, #tpu.memory_space<vmem>>[vector<16xi32>, vector<16xi32>], vector<16xf32>,
        %mul3A_404 = arith.mulf %mul3A_251, %gather3A_403 : vector<16xf32>
        %add3A_405 = arith.addf %add3A_402, %mul3A_404 : vector<16xf32>
        %gather3A_406 = tpu.vector_load_idx %arg19[%add3A_270, %broadcast_in_dim3A_394] : memref<2048x16xf32, #tpu.memory_space<vmem>>[vector<16xi32>, vector<16xi32>], vector<16xf32>,
        %mul3A_407 = arith.mulf %mul3A_252, %gather3A_406 : vector<16xf32>
        %add3A_408 = arith.addf %add3A_405, %mul3A_407 : vector<16xf32>
        %gather3A_409 = tpu.vector_load_idx %arg19[%add3A_273, %broadcast_in_dim3A_394] : memref<2048x16xf32, #tpu.memory_space<vmem>>[vector<16xi32>, vector<16xi32>], vector<16xf32>,
        %mul3A_410 = arith.mulf %mul3A_253, %gather3A_409 : vector<16xf32>
        %add3A_411 = arith.addf %add3A_408, %mul3A_410 : vector<16xf32>
        %gather3A_412 = tpu.vector_load_idx %arg19[%add3A_276, %broadcast_in_dim3A_394] : memref<2048x16xf32, #tpu.memory_space<vmem>>[vector<16xi32>, vector<16xi32>], vector<16xf32>,
        %mul3A_413 = arith.mulf %mul3A_254, %gather3A_412 : vector<16xf32>
        %add3A_414 = arith.addf %add3A_411, %mul3A_413 : vector<16xf32>
        %gather3A_415 = tpu.vector_load_idx %arg19[%add3A_279, %broadcast_in_dim3A_394] : memref<2048x16xf32, #tpu.memory_space<vmem>>[vector<16xi32>, vector<16xi32>], vector<16xf32>,
        %mul3A_416 = arith.mulf %mul3A_255, %gather3A_415 : vector<16xf32>
        %add3A_417 = arith.addf %add3A_414, %mul3A_416 : vector<16xf32>
        %swap3A_418 = arith.constant 4 : i32
        %swap3A_419 = arith.index_cast %swap3A_418 : i32 to index
        %swap3A_420 = arith.index_cast %multiple_of3A_228 : i32 to index
        %swap3A_421 = tpu.vector_load %arg21[%swap3A_419, %swap3A_420] {strides = array<i32>} : memref<16x256xf32, #tpu.memory_space<vmem>>, vector<16xf32>,
        tpu.vector_store %arg21[%swap3A_419, %swap3A_420], %add3A_417 {strides = array<i32>} : memref<16x256xf32, #tpu.memory_space<vmem>>, vector<16xf32>,
        %broadcast_in_dim3A_422 = arith.constant 5 : i32
        %broadcast_in_dim3A_423 = vector.broadcast %broadcast_in_dim3A_422 : i32 to vector<16xi32>
        %gather3A_424 = tpu.vector_load_idx %arg19[%add3A_258, %broadcast_in_dim3A_423] : memref<2048x16xf32, #tpu.memory_space<vmem>>[vector<16xi32>, vector<16xi32>], vector<16xf32>,
        %mul3A_425 = arith.mulf %mul3A_248, %gather3A_424 : vector<16xf32>
        %gather3A_426 = tpu.vector_load_idx %arg19[%add3A_261, %broadcast_in_dim3A_423] : memref<2048x16xf32, #tpu.memory_space<vmem>>[vector<16xi32>, vector<16xi32>], vector<16xf32>,
        %mul3A_427 = arith.mulf %mul3A_249, %gather3A_426 : vector<16xf32>
        %add3A_428 = arith.addf %mul3A_425, %mul3A_427 : vector<16xf32>
        %gather3A_429 = tpu.vector_load_idx %arg19[%add3A_264, %broadcast_in_dim3A_423] : memref<2048x16xf32, #tpu.memory_space<vmem>>[vector<16xi32>, vector<16xi32>], vector<16xf32>,
        %mul3A_430 = arith.mulf %mul3A_250, %gather3A_429 : vector<16xf32>
        %add3A_431 = arith.addf %add3A_428, %mul3A_430 : vector<16xf32>
        %gather3A_432 = tpu.vector_load_idx %arg19[%add3A_267, %broadcast_in_dim3A_423] : memref<2048x16xf32, #tpu.memory_space<vmem>>[vector<16xi32>, vector<16xi32>], vector<16xf32>,
        %mul3A_433 = arith.mulf %mul3A_251, %gather3A_432 : vector<16xf32>
        %add3A_434 = arith.addf %add3A_431, %mul3A_433 : vector<16xf32>
        %gather3A_435 = tpu.vector_load_idx %arg19[%add3A_270, %broadcast_in_dim3A_423] : memref<2048x16xf32, #tpu.memory_space<vmem>>[vector<16xi32>, vector<16xi32>], vector<16xf32>,
        %mul3A_436 = arith.mulf %mul3A_252, %gather3A_435 : vector<16xf32>
        %add3A_437 = arith.addf %add3A_434, %mul3A_436 : vector<16xf32>
        %gather3A_438 = tpu.vector_load_idx %arg19[%add3A_273, %broadcast_in_dim3A_423] : memref<2048x16xf32, #tpu.memory_space<vmem>>[vector<16xi32>, vector<16xi32>], vector<16xf32>,
        %mul3A_439 = arith.mulf %mul3A_253, %gather3A_438 : vector<16xf32>
        %add3A_440 = arith.addf %add3A_437, %mul3A_439 : vector<16xf32>
        %gather3A_441 = tpu.vector_load_idx %arg19[%add3A_276, %broadcast_in_dim3A_423] : memref<2048x16xf32, #tpu.memory_space<vmem>>[vector<16xi32>, vector<16xi32>], vector<16xf32>,
        %mul3A_442 = arith.mulf %mul3A_254, %gather3A_441 : vector<16xf32>
        %add3A_443 = arith.addf %add3A_440, %mul3A_442 : vector<16xf32>
        %gather3A_444 = tpu.vector_load_idx %arg19[%add3A_279, %broadcast_in_dim3A_423] : memref<2048x16xf32, #tpu.memory_space<vmem>>[vector<16xi32>, vector<16xi32>], vector<16xf32>,
        %mul3A_445 = arith.mulf %mul3A_255, %gather3A_444 : vector<16xf32>
        %add3A_446 = arith.addf %add3A_443, %mul3A_445 : vector<16xf32>
        %swap3A_447 = arith.constant 5 : i32
        %swap3A_448 = arith.index_cast %swap3A_447 : i32 to index
        %swap3A_449 = arith.index_cast %multiple_of3A_228 : i32 to index
        %swap3A_450 = tpu.vector_load %arg21[%swap3A_448, %swap3A_449] {strides = array<i32>} : memref<16x256xf32, #tpu.memory_space<vmem>>, vector<16xf32>,
        tpu.vector_store %arg21[%swap3A_448, %swap3A_449], %add3A_446 {strides = array<i32>} : memref<16x256xf32, #tpu.memory_space<vmem>>, vector<16xf32>,
        %broadcast_in_dim3A_451 = arith.constant 6 : i32
        %broadcast_in_dim3A_452 = vector.broadcast %broadcast_in_dim3A_451 : i32 to vector<16xi32>
        %gather3A_453 = tpu.vector_load_idx %arg19[%add3A_258, %broadcast_in_dim3A_452] : memref<2048x16xf32, #tpu.memory_space<vmem>>[vector<16xi32>, vector<16xi32>], vector<16xf32>,
        %mul3A_454 = arith.mulf %mul3A_248, %gather3A_453 : vector<16xf32>
        %gather3A_455 = tpu.vector_load_idx %arg19[%add3A_261, %broadcast_in_dim3A_452] : memref<2048x16xf32, #tpu.memory_space<vmem>>[vector<16xi32>, vector<16xi32>], vector<16xf32>,
        %mul3A_456 = arith.mulf %mul3A_249, %gather3A_455 : vector<16xf32>
        %add3A_457 = arith.addf %mul3A_454, %mul3A_456 : vector<16xf32>
        %gather3A_458 = tpu.vector_load_idx %arg19[%add3A_264, %broadcast_in_dim3A_452] : memref<2048x16xf32, #tpu.memory_space<vmem>>[vector<16xi32>, vector<16xi32>], vector<16xf32>,
        %mul3A_459 = arith.mulf %mul3A_250, %gather3A_458 : vector<16xf32>
        %add3A_460 = arith.addf %add3A_457, %mul3A_459 : vector<16xf32>
        %gather3A_461 = tpu.vector_load_idx %arg19[%add3A_267, %broadcast_in_dim3A_452] : memref<2048x16xf32, #tpu.memory_space<vmem>>[vector<16xi32>, vector<16xi32>], vector<16xf32>,
        %mul3A_462 = arith.mulf %mul3A_251, %gather3A_461 : vector<16xf32>
        %add3A_463 = arith.addf %add3A_460, %mul3A_462 : vector<16xf32>
        %gather3A_464 = tpu.vector_load_idx %arg19[%add3A_270, %broadcast_in_dim3A_452] : memref<2048x16xf32, #tpu.memory_space<vmem>>[vector<16xi32>, vector<16xi32>], vector<16xf32>,
        %mul3A_465 = arith.mulf %mul3A_252, %gather3A_464 : vector<16xf32>
        %add3A_466 = arith.addf %add3A_463, %mul3A_465 : vector<16xf32>
        %gather3A_467 = tpu.vector_load_idx %arg19[%add3A_273, %broadcast_in_dim3A_452] : memref<2048x16xf32, #tpu.memory_space<vmem>>[vector<16xi32>, vector<16xi32>], vector<16xf32>,
        %mul3A_468 = arith.mulf %mul3A_253, %gather3A_467 : vector<16xf32>
        %add3A_469 = arith.addf %add3A_466, %mul3A_468 : vector<16xf32>
        %gather3A_470 = tpu.vector_load_idx %arg19[%add3A_276, %broadcast_in_dim3A_452] : memref<2048x16xf32, #tpu.memory_space<vmem>>[vector<16xi32>, vector<16xi32>], vector<16xf32>,
        %mul3A_471 = arith.mulf %mul3A_254, %gather3A_470 : vector<16xf32>
        %add3A_472 = arith.addf %add3A_469, %mul3A_471 : vector<16xf32>
        %gather3A_473 = tpu.vector_load_idx %arg19[%add3A_279, %broadcast_in_dim3A_452] : memref<2048x16xf32, #tpu.memory_space<vmem>>[vector<16xi32>, vector<16xi32>], vector<16xf32>,
        %mul3A_474 = arith.mulf %mul3A_255, %gather3A_473 : vector<16xf32>
        %add3A_475 = arith.addf %add3A_472, %mul3A_474 : vector<16xf32>
        %swap3A_476 = arith.constant 6 : i32
        %swap3A_477 = arith.index_cast %swap3A_476 : i32 to index
        %swap3A_478 = arith.index_cast %multiple_of3A_228 : i32 to index
        %swap3A_479 = tpu.vector_load %arg21[%swap3A_477, %swap3A_478] {strides = array<i32>} : memref<16x256xf32, #tpu.memory_space<vmem>>, vector<16xf32>,
        tpu.vector_store %arg21[%swap3A_477, %swap3A_478], %add3A_475 {strides = array<i32>} : memref<16x256xf32, #tpu.memory_space<vmem>>, vector<16xf32>,
        %broadcast_in_dim3A_480 = arith.constant 7 : i32
        %broadcast_in_dim3A_481 = vector.broadcast %broadcast_in_dim3A_480 : i32 to vector<16xi32>
        %gather3A_482 = tpu.vector_load_idx %arg19[%add3A_258, %broadcast_in_dim3A_481] : memref<2048x16xf32, #tpu.memory_space<vmem>>[vector<16xi32>, vector<16xi32>], vector<16xf32>,
        %mul3A_483 = arith.mulf %mul3A_248, %gather3A_482 : vector<16xf32>
        %gather3A_484 = tpu.vector_load_idx %arg19[%add3A_261, %broadcast_in_dim3A_481] : memref<2048x16xf32, #tpu.memory_space<vmem>>[vector<16xi32>, vector<16xi32>], vector<16xf32>,
        %mul3A_485 = arith.mulf %mul3A_249, %gather3A_484 : vector<16xf32>
        %add3A_486 = arith.addf %mul3A_483, %mul3A_485 : vector<16xf32>
        %gather3A_487 = tpu.vector_load_idx %arg19[%add3A_264, %broadcast_in_dim3A_481] : memref<2048x16xf32, #tpu.memory_space<vmem>>[vector<16xi32>, vector<16xi32>], vector<16xf32>,
        %mul3A_488 = arith.mulf %mul3A_250, %gather3A_487 : vector<16xf32>
        %add3A_489 = arith.addf %add3A_486, %mul3A_488 : vector<16xf32>
        %gather3A_490 = tpu.vector_load_idx %arg19[%add3A_267, %broadcast_in_dim3A_481] : memref<2048x16xf32, #tpu.memory_space<vmem>>[vector<16xi32>, vector<16xi32>], vector<16xf32>,
        %mul3A_491 = arith.mulf %mul3A_251, %gather3A_490 : vector<16xf32>
        %add3A_492 = arith.addf %add3A_489, %mul3A_491 : vector<16xf32>
        %gather3A_493 = tpu.vector_load_idx %arg19[%add3A_270, %broadcast_in_dim3A_481] : memref<2048x16xf32, #tpu.memory_space<vmem>>[vector<16xi32>, vector<16xi32>], vector<16xf32>,
        %mul3A_494 = arith.mulf %mul3A_252, %gather3A_493 : vector<16xf32>
        %add3A_495 = arith.addf %add3A_492, %mul3A_494 : vector<16xf32>
        %gather3A_496 = tpu.vector_load_idx %arg19[%add3A_273, %broadcast_in_dim3A_481] : memref<2048x16xf32, #tpu.memory_space<vmem>>[vector<16xi32>, vector<16xi32>], vector<16xf32>,
        %mul3A_497 = arith.mulf %mul3A_253, %gather3A_496 : vector<16xf32>
        %add3A_498 = arith.addf %add3A_495, %mul3A_497 : vector<16xf32>
        %gather3A_499 = tpu.vector_load_idx %arg19[%add3A_276, %broadcast_in_dim3A_481] : memref<2048x16xf32, #tpu.memory_space<vmem>>[vector<16xi32>, vector<16xi32>], vector<16xf32>,
        %mul3A_500 = arith.mulf %mul3A_254, %gather3A_499 : vector<16xf32>
        %add3A_501 = arith.addf %add3A_498, %mul3A_500 : vector<16xf32>
        %gather3A_502 = tpu.vector_load_idx %arg19[%add3A_279, %broadcast_in_dim3A_481] : memref<2048x16xf32, #tpu.memory_space<vmem>>[vector<16xi32>, vector<16xi32>], vector<16xf32>,
        %mul3A_503 = arith.mulf %mul3A_255, %gather3A_502 : vector<16xf32>
        %add3A_504 = arith.addf %add3A_501, %mul3A_503 : vector<16xf32>
        %swap3A_505 = arith.constant 7 : i32
        %swap3A_506 = arith.index_cast %swap3A_505 : i32 to index
        %swap3A_507 = arith.index_cast %multiple_of3A_228 : i32 to index
        %swap3A_508 = tpu.vector_load %arg21[%swap3A_506, %swap3A_507] {strides = array<i32>} : memref<16x256xf32, #tpu.memory_space<vmem>>, vector<16xf32>,
        tpu.vector_store %arg21[%swap3A_506, %swap3A_507], %add3A_504 {strides = array<i32>} : memref<16x256xf32, #tpu.memory_space<vmem>>, vector<16xf32>,
        %broadcast_in_dim3A_509 = arith.constant 8 : i32
        %broadcast_in_dim3A_510 = vector.broadcast %broadcast_in_dim3A_509 : i32 to vector<16xi32>
        %gather3A_511 = tpu.vector_load_idx %arg19[%add3A_258, %broadcast_in_dim3A_510] : memref<2048x16xf32, #tpu.memory_space<vmem>>[vector<16xi32>, vector<16xi32>], vector<16xf32>,
        %mul3A_512 = arith.mulf %mul3A_248, %gather3A_511 : vector<16xf32>
        %gather3A_513 = tpu.vector_load_idx %arg19[%add3A_261, %broadcast_in_dim3A_510] : memref<2048x16xf32, #tpu.memory_space<vmem>>[vector<16xi32>, vector<16xi32>], vector<16xf32>,
        %mul3A_514 = arith.mulf %mul3A_249, %gather3A_513 : vector<16xf32>
        %add3A_515 = arith.addf %mul3A_512, %mul3A_514 : vector<16xf32>
        %gather3A_516 = tpu.vector_load_idx %arg19[%add3A_264, %broadcast_in_dim3A_510] : memref<2048x16xf32, #tpu.memory_space<vmem>>[vector<16xi32>, vector<16xi32>], vector<16xf32>,
        %mul3A_517 = arith.mulf %mul3A_250, %gather3A_516 : vector<16xf32>
        %add3A_518 = arith.addf %add3A_515, %mul3A_517 : vector<16xf32>
        %gather3A_519 = tpu.vector_load_idx %arg19[%add3A_267, %broadcast_in_dim3A_510] : memref<2048x16xf32, #tpu.memory_space<vmem>>[vector<16xi32>, vector<16xi32>], vector<16xf32>,
        %mul3A_520 = arith.mulf %mul3A_251, %gather3A_519 : vector<16xf32>
        %add3A_521 = arith.addf %add3A_518, %mul3A_520 : vector<16xf32>
        %gather3A_522 = tpu.vector_load_idx %arg19[%add3A_270, %broadcast_in_dim3A_510] : memref<2048x16xf32, #tpu.memory_space<vmem>>[vector<16xi32>, vector<16xi32>], vector<16xf32>,
        %mul3A_523 = arith.mulf %mul3A_252, %gather3A_522 : vector<16xf32>
        %add3A_524 = arith.addf %add3A_521, %mul3A_523 : vector<16xf32>
        %gather3A_525 = tpu.vector_load_idx %arg19[%add3A_273, %broadcast_in_dim3A_510] : memref<2048x16xf32, #tpu.memory_space<vmem>>[vector<16xi32>, vector<16xi32>], vector<16xf32>,
        %mul3A_526 = arith.mulf %mul3A_253, %gather3A_525 : vector<16xf32>
        %add3A_527 = arith.addf %add3A_524, %mul3A_526 : vector<16xf32>
        %gather3A_528 = tpu.vector_load_idx %arg19[%add3A_276, %broadcast_in_dim3A_510] : memref<2048x16xf32, #tpu.memory_space<vmem>>[vector<16xi32>, vector<16xi32>], vector<16xf32>,
        %mul3A_529 = arith.mulf %mul3A_254, %gather3A_528 : vector<16xf32>
        %add3A_530 = arith.addf %add3A_527, %mul3A_529 : vector<16xf32>
        %gather3A_531 = tpu.vector_load_idx %arg19[%add3A_279, %broadcast_in_dim3A_510] : memref<2048x16xf32, #tpu.memory_space<vmem>>[vector<16xi32>, vector<16xi32>], vector<16xf32>,
        %mul3A_532 = arith.mulf %mul3A_255, %gather3A_531 : vector<16xf32>
        %add3A_533 = arith.addf %add3A_530, %mul3A_532 : vector<16xf32>
        %swap3A_534 = arith.constant 8 : i32
        %swap3A_535 = arith.index_cast %swap3A_534 : i32 to index
        %swap3A_536 = arith.index_cast %multiple_of3A_228 : i32 to index
        %swap3A_537 = tpu.vector_load %arg21[%swap3A_535, %swap3A_536] {strides = array<i32>} : memref<16x256xf32, #tpu.memory_space<vmem>>, vector<16xf32>,
        tpu.vector_store %arg21[%swap3A_535, %swap3A_536], %add3A_533 {strides = array<i32>} : memref<16x256xf32, #tpu.memory_space<vmem>>, vector<16xf32>,
        %broadcast_in_dim3A_538 = arith.constant 9 : i32
        %broadcast_in_dim3A_539 = vector.broadcast %broadcast_in_dim3A_538 : i32 to vector<16xi32>
        %gather3A_540 = tpu.vector_load_idx %arg19[%add3A_258, %broadcast_in_dim3A_539] : memref<2048x16xf32, #tpu.memory_space<vmem>>[vector<16xi32>, vector<16xi32>], vector<16xf32>,
        %mul3A_541 = arith.mulf %mul3A_248, %gather3A_540 : vector<16xf32>
        %gather3A_542 = tpu.vector_load_idx %arg19[%add3A_261, %broadcast_in_dim3A_539] : memref<2048x16xf32, #tpu.memory_space<vmem>>[vector<16xi32>, vector<16xi32>], vector<16xf32>,
        %mul3A_543 = arith.mulf %mul3A_249, %gather3A_542 : vector<16xf32>
        %add3A_544 = arith.addf %mul3A_541, %mul3A_543 : vector<16xf32>
        %gather3A_545 = tpu.vector_load_idx %arg19[%add3A_264, %broadcast_in_dim3A_539] : memref<2048x16xf32, #tpu.memory_space<vmem>>[vector<16xi32>, vector<16xi32>], vector<16xf32>,
        %mul3A_546 = arith.mulf %mul3A_250, %gather3A_545 : vector<16xf32>
        %add3A_547 = arith.addf %add3A_544, %mul3A_546 : vector<16xf32>
        %gather3A_548 = tpu.vector_load_idx %arg19[%add3A_267, %broadcast_in_dim3A_539] : memref<2048x16xf32, #tpu.memory_space<vmem>>[vector<16xi32>, vector<16xi32>], vector<16xf32>,
        %mul3A_549 = arith.mulf %mul3A_251, %gather3A_548 : vector<16xf32>
        %add3A_550 = arith.addf %add3A_547, %mul3A_549 : vector<16xf32>
        %gather3A_551 = tpu.vector_load_idx %arg19[%add3A_270, %broadcast_in_dim3A_539] : memref<2048x16xf32, #tpu.memory_space<vmem>>[vector<16xi32>, vector<16xi32>], vector<16xf32>,
        %mul3A_552 = arith.mulf %mul3A_252, %gather3A_551 : vector<16xf32>
        %add3A_553 = arith.addf %add3A_550, %mul3A_552 : vector<16xf32>
        %gather3A_554 = tpu.vector_load_idx %arg19[%add3A_273, %broadcast_in_dim3A_539] : memref<2048x16xf32, #tpu.memory_space<vmem>>[vector<16xi32>, vector<16xi32>], vector<16xf32>,
        %mul3A_555 = arith.mulf %mul3A_253, %gather3A_554 : vector<16xf32>
        %add3A_556 = arith.addf %add3A_553, %mul3A_555 : vector<16xf32>
        %gather3A_557 = tpu.vector_load_idx %arg19[%add3A_276, %broadcast_in_dim3A_539] : memref<2048x16xf32, #tpu.memory_space<vmem>>[vector<16xi32>, vector<16xi32>], vector<16xf32>,
        %mul3A_558 = arith.mulf %mul3A_254, %gather3A_557 : vector<16xf32>
        %add3A_559 = arith.addf %add3A_556, %mul3A_558 : vector<16xf32>
        %gather3A_560 = tpu.vector_load_idx %arg19[%add3A_279, %broadcast_in_dim3A_539] : memref<2048x16xf32, #tpu.memory_space<vmem>>[vector<16xi32>, vector<16xi32>], vector<16xf32>,
        %mul3A_561 = arith.mulf %mul3A_255, %gather3A_560 : vector<16xf32>
        %add3A_562 = arith.addf %add3A_559, %mul3A_561 : vector<16xf32>
        %swap3A_563 = arith.constant 9 : i32
        %swap3A_564 = arith.index_cast %swap3A_563 : i32 to index
        %swap3A_565 = arith.index_cast %multiple_of3A_228 : i32 to index
        %swap3A_566 = tpu.vector_load %arg21[%swap3A_564, %swap3A_565] {strides = array<i32>} : memref<16x256xf32, #tpu.memory_space<vmem>>, vector<16xf32>,
        tpu.vector_store %arg21[%swap3A_564, %swap3A_565], %add3A_562 {strides = array<i32>} : memref<16x256xf32, #tpu.memory_space<vmem>>, vector<16xf32>,
        %broadcast_in_dim3A_567 = arith.constant 10 : i32
        %broadcast_in_dim3A_568 = vector.broadcast %broadcast_in_dim3A_567 : i32 to vector<16xi32>
        %gather3A_569 = tpu.vector_load_idx %arg19[%add3A_258, %broadcast_in_dim3A_568] : memref<2048x16xf32, #tpu.memory_space<vmem>>[vector<16xi32>, vector<16xi32>], vector<16xf32>,
        %mul3A_570 = arith.mulf %mul3A_248, %gather3A_569 : vector<16xf32>
        %gather3A_571 = tpu.vector_load_idx %arg19[%add3A_261, %broadcast_in_dim3A_568] : memref<2048x16xf32, #tpu.memory_space<vmem>>[vector<16xi32>, vector<16xi32>], vector<16xf32>,
        %mul3A_572 = arith.mulf %mul3A_249, %gather3A_571 : vector<16xf32>
        %add3A_573 = arith.addf %mul3A_570, %mul3A_572 : vector<16xf32>
        %gather3A_574 = tpu.vector_load_idx %arg19[%add3A_264, %broadcast_in_dim3A_568] : memref<2048x16xf32, #tpu.memory_space<vmem>>[vector<16xi32>, vector<16xi32>], vector<16xf32>,
        %mul3A_575 = arith.mulf %mul3A_250, %gather3A_574 : vector<16xf32>
        %add3A_576 = arith.addf %add3A_573, %mul3A_575 : vector<16xf32>
        %gather3A_577 = tpu.vector_load_idx %arg19[%add3A_267, %broadcast_in_dim3A_568] : memref<2048x16xf32, #tpu.memory_space<vmem>>[vector<16xi32>, vector<16xi32>], vector<16xf32>,
        %mul3A_578 = arith.mulf %mul3A_251, %gather3A_577 : vector<16xf32>
        %add3A_579 = arith.addf %add3A_576, %mul3A_578 : vector<16xf32>
        %gather3A_580 = tpu.vector_load_idx %arg19[%add3A_270, %broadcast_in_dim3A_568] : memref<2048x16xf32, #tpu.memory_space<vmem>>[vector<16xi32>, vector<16xi32>], vector<16xf32>,
        %mul3A_581 = arith.mulf %mul3A_252, %gather3A_580 : vector<16xf32>
        %add3A_582 = arith.addf %add3A_579, %mul3A_581 : vector<16xf32>
        %gather3A_583 = tpu.vector_load_idx %arg19[%add3A_273, %broadcast_in_dim3A_568] : memref<2048x16xf32, #tpu.memory_space<vmem>>[vector<16xi32>, vector<16xi32>], vector<16xf32>,
        %mul3A_584 = arith.mulf %mul3A_253, %gather3A_583 : vector<16xf32>
        %add3A_585 = arith.addf %add3A_582, %mul3A_584 : vector<16xf32>
        %gather3A_586 = tpu.vector_load_idx %arg19[%add3A_276, %broadcast_in_dim3A_568] : memref<2048x16xf32, #tpu.memory_space<vmem>>[vector<16xi32>, vector<16xi32>], vector<16xf32>,
        %mul3A_587 = arith.mulf %mul3A_254, %gather3A_586 : vector<16xf32>
        %add3A_588 = arith.addf %add3A_585, %mul3A_587 : vector<16xf32>
        %gather3A_589 = tpu.vector_load_idx %arg19[%add3A_279, %broadcast_in_dim3A_568] : memref<2048x16xf32, #tpu.memory_space<vmem>>[vector<16xi32>, vector<16xi32>], vector<16xf32>,
        %mul3A_590 = arith.mulf %mul3A_255, %gather3A_589 : vector<16xf32>
        %add3A_591 = arith.addf %add3A_588, %mul3A_590 : vector<16xf32>
        %swap3A_592 = arith.constant 10 : i32
        %swap3A_593 = arith.index_cast %swap3A_592 : i32 to index
        %swap3A_594 = arith.index_cast %multiple_of3A_228 : i32 to index
        %swap3A_595 = tpu.vector_load %arg21[%swap3A_593, %swap3A_594] {strides = array<i32>} : memref<16x256xf32, #tpu.memory_space<vmem>>, vector<16xf32>,
        tpu.vector_store %arg21[%swap3A_593, %swap3A_594], %add3A_591 {strides = array<i32>} : memref<16x256xf32, #tpu.memory_space<vmem>>, vector<16xf32>,
        %broadcast_in_dim3A_596 = arith.constant 11 : i32
        %broadcast_in_dim3A_597 = vector.broadcast %broadcast_in_dim3A_596 : i32 to vector<16xi32>
        %gather3A_598 = tpu.vector_load_idx %arg19[%add3A_258, %broadcast_in_dim3A_597] : memref<2048x16xf32, #tpu.memory_space<vmem>>[vector<16xi32>, vector<16xi32>], vector<16xf32>,
        %mul3A_599 = arith.mulf %mul3A_248, %gather3A_598 : vector<16xf32>
        %gather3A_600 = tpu.vector_load_idx %arg19[%add3A_261, %broadcast_in_dim3A_597] : memref<2048x16xf32, #tpu.memory_space<vmem>>[vector<16xi32>, vector<16xi32>], vector<16xf32>,
        %mul3A_601 = arith.mulf %mul3A_249, %gather3A_600 : vector<16xf32>
        %add3A_602 = arith.addf %mul3A_599, %mul3A_601 : vector<16xf32>
        %gather3A_603 = tpu.vector_load_idx %arg19[%add3A_264, %broadcast_in_dim3A_597] : memref<2048x16xf32, #tpu.memory_space<vmem>>[vector<16xi32>, vector<16xi32>], vector<16xf32>,
        %mul3A_604 = arith.mulf %mul3A_250, %gather3A_603 : vector<16xf32>
        %add3A_605 = arith.addf %add3A_602, %mul3A_604 : vector<16xf32>
        %gather3A_606 = tpu.vector_load_idx %arg19[%add3A_267, %broadcast_in_dim3A_597] : memref<2048x16xf32, #tpu.memory_space<vmem>>[vector<16xi32>, vector<16xi32>], vector<16xf32>,
        %mul3A_607 = arith.mulf %mul3A_251, %gather3A_606 : vector<16xf32>
        %add3A_608 = arith.addf %add3A_605, %mul3A_607 : vector<16xf32>
        %gather3A_609 = tpu.vector_load_idx %arg19[%add3A_270, %broadcast_in_dim3A_597] : memref<2048x16xf32, #tpu.memory_space<vmem>>[vector<16xi32>, vector<16xi32>], vector<16xf32>,
        %mul3A_610 = arith.mulf %mul3A_252, %gather3A_609 : vector<16xf32>
        %add3A_611 = arith.addf %add3A_608, %mul3A_610 : vector<16xf32>
        %gather3A_612 = tpu.vector_load_idx %arg19[%add3A_273, %broadcast_in_dim3A_597] : memref<2048x16xf32, #tpu.memory_space<vmem>>[vector<16xi32>, vector<16xi32>], vector<16xf32>,
        %mul3A_613 = arith.mulf %mul3A_253, %gather3A_612 : vector<16xf32>
        %add3A_614 = arith.addf %add3A_611, %mul3A_613 : vector<16xf32>
        %gather3A_615 = tpu.vector_load_idx %arg19[%add3A_276, %broadcast_in_dim3A_597] : memref<2048x16xf32, #tpu.memory_space<vmem>>[vector<16xi32>, vector<16xi32>], vector<16xf32>,
        %mul3A_616 = arith.mulf %mul3A_254, %gather3A_615 : vector<16xf32>
        %add3A_617 = arith.addf %add3A_614, %mul3A_616 : vector<16xf32>
        %gather3A_618 = tpu.vector_load_idx %arg19[%add3A_279, %broadcast_in_dim3A_597] : memref<2048x16xf32, #tpu.memory_space<vmem>>[vector<16xi32>, vector<16xi32>], vector<16xf32>,
        %mul3A_619 = arith.mulf %mul3A_255, %gather3A_618 : vector<16xf32>
        %add3A_620 = arith.addf %add3A_617, %mul3A_619 : vector<16xf32>
        %swap3A_621 = arith.constant 11 : i32
        %swap3A_622 = arith.index_cast %swap3A_621 : i32 to index
        %swap3A_623 = arith.index_cast %multiple_of3A_228 : i32 to index
        %swap3A_624 = tpu.vector_load %arg21[%swap3A_622, %swap3A_623] {strides = array<i32>} : memref<16x256xf32, #tpu.memory_space<vmem>>, vector<16xf32>,
        tpu.vector_store %arg21[%swap3A_622, %swap3A_623], %add3A_620 {strides = array<i32>} : memref<16x256xf32, #tpu.memory_space<vmem>>, vector<16xf32>,
        %broadcast_in_dim3A_625 = arith.constant 12 : i32
        %broadcast_in_dim3A_626 = vector.broadcast %broadcast_in_dim3A_625 : i32 to vector<16xi32>
        %gather3A_627 = tpu.vector_load_idx %arg19[%add3A_258, %broadcast_in_dim3A_626] : memref<2048x16xf32, #tpu.memory_space<vmem>>[vector<16xi32>, vector<16xi32>], vector<16xf32>,
        %mul3A_628 = arith.mulf %mul3A_248, %gather3A_627 : vector<16xf32>
        %gather3A_629 = tpu.vector_load_idx %arg19[%add3A_261, %broadcast_in_dim3A_626] : memref<2048x16xf32, #tpu.memory_space<vmem>>[vector<16xi32>, vector<16xi32>], vector<16xf32>,
        %mul3A_630 = arith.mulf %mul3A_249, %gather3A_629 : vector<16xf32>
        %add3A_631 = arith.addf %mul3A_628, %mul3A_630 : vector<16xf32>
        %gather3A_632 = tpu.vector_load_idx %arg19[%add3A_264, %broadcast_in_dim3A_626] : memref<2048x16xf32, #tpu.memory_space<vmem>>[vector<16xi32>, vector<16xi32>], vector<16xf32>,
        %mul3A_633 = arith.mulf %mul3A_250, %gather3A_632 : vector<16xf32>
        %add3A_634 = arith.addf %add3A_631, %mul3A_633 : vector<16xf32>
        %gather3A_635 = tpu.vector_load_idx %arg19[%add3A_267, %broadcast_in_dim3A_626] : memref<2048x16xf32, #tpu.memory_space<vmem>>[vector<16xi32>, vector<16xi32>], vector<16xf32>,
        %mul3A_636 = arith.mulf %mul3A_251, %gather3A_635 : vector<16xf32>
        %add3A_637 = arith.addf %add3A_634, %mul3A_636 : vector<16xf32>
        %gather3A_638 = tpu.vector_load_idx %arg19[%add3A_270, %broadcast_in_dim3A_626] : memref<2048x16xf32, #tpu.memory_space<vmem>>[vector<16xi32>, vector<16xi32>], vector<16xf32>,
        %mul3A_639 = arith.mulf %mul3A_252, %gather3A_638 : vector<16xf32>
        %add3A_640 = arith.addf %add3A_637, %mul3A_639 : vector<16xf32>
        %gather3A_641 = tpu.vector_load_idx %arg19[%add3A_273, %broadcast_in_dim3A_626] : memref<2048x16xf32, #tpu.memory_space<vmem>>[vector<16xi32>, vector<16xi32>], vector<16xf32>,
        %mul3A_642 = arith.mulf %mul3A_253, %gather3A_641 : vector<16xf32>
        %add3A_643 = arith.addf %add3A_640, %mul3A_642 : vector<16xf32>
        %gather3A_644 = tpu.vector_load_idx %arg19[%add3A_276, %broadcast_in_dim3A_626] : memref<2048x16xf32, #tpu.memory_space<vmem>>[vector<16xi32>, vector<16xi32>], vector<16xf32>,
        %mul3A_645 = arith.mulf %mul3A_254, %gather3A_644 : vector<16xf32>
        %add3A_646 = arith.addf %add3A_643, %mul3A_645 : vector<16xf32>
        %gather3A_647 = tpu.vector_load_idx %arg19[%add3A_279, %broadcast_in_dim3A_626] : memref<2048x16xf32, #tpu.memory_space<vmem>>[vector<16xi32>, vector<16xi32>], vector<16xf32>,
        %mul3A_648 = arith.mulf %mul3A_255, %gather3A_647 : vector<16xf32>
        %add3A_649 = arith.addf %add3A_646, %mul3A_648 : vector<16xf32>
        %swap3A_650 = arith.constant 12 : i32
        %swap3A_651 = arith.index_cast %swap3A_650 : i32 to index
        %swap3A_652 = arith.index_cast %multiple_of3A_228 : i32 to index
        %swap3A_653 = tpu.vector_load %arg21[%swap3A_651, %swap3A_652] {strides = array<i32>} : memref<16x256xf32, #tpu.memory_space<vmem>>, vector<16xf32>,
        tpu.vector_store %arg21[%swap3A_651, %swap3A_652], %add3A_649 {strides = array<i32>} : memref<16x256xf32, #tpu.memory_space<vmem>>, vector<16xf32>,
        %broadcast_in_dim3A_654 = arith.constant 13 : i32
        %broadcast_in_dim3A_655 = vector.broadcast %broadcast_in_dim3A_654 : i32 to vector<16xi32>
        %gather3A_656 = tpu.vector_load_idx %arg19[%add3A_258, %broadcast_in_dim3A_655] : memref<2048x16xf32, #tpu.memory_space<vmem>>[vector<16xi32>, vector<16xi32>], vector<16xf32>,
        %mul3A_657 = arith.mulf %mul3A_248, %gather3A_656 : vector<16xf32>
        %gather3A_658 = tpu.vector_load_idx %arg19[%add3A_261, %broadcast_in_dim3A_655] : memref<2048x16xf32, #tpu.memory_space<vmem>>[vector<16xi32>, vector<16xi32>], vector<16xf32>,
        %mul3A_659 = arith.mulf %mul3A_249, %gather3A_658 : vector<16xf32>
        %add3A_660 = arith.addf %mul3A_657, %mul3A_659 : vector<16xf32>
        %gather3A_661 = tpu.vector_load_idx %arg19[%add3A_264, %broadcast_in_dim3A_655] : memref<2048x16xf32, #tpu.memory_space<vmem>>[vector<16xi32>, vector<16xi32>], vector<16xf32>,
        %mul3A_662 = arith.mulf %mul3A_250, %gather3A_661 : vector<16xf32>
        %add3A_663 = arith.addf %add3A_660, %mul3A_662 : vector<16xf32>
        %gather3A_664 = tpu.vector_load_idx %arg19[%add3A_267, %broadcast_in_dim3A_655] : memref<2048x16xf32, #tpu.memory_space<vmem>>[vector<16xi32>, vector<16xi32>], vector<16xf32>,
        %mul3A_665 = arith.mulf %mul3A_251, %gather3A_664 : vector<16xf32>
        %add3A_666 = arith.addf %add3A_663, %mul3A_665 : vector<16xf32>
        %gather3A_667 = tpu.vector_load_idx %arg19[%add3A_270, %broadcast_in_dim3A_655] : memref<2048x16xf32, #tpu.memory_space<vmem>>[vector<16xi32>, vector<16xi32>], vector<16xf32>,
        %mul3A_668 = arith.mulf %mul3A_252, %gather3A_667 : vector<16xf32>
        %add3A_669 = arith.addf %add3A_666, %mul3A_668 : vector<16xf32>
        %gather3A_670 = tpu.vector_load_idx %arg19[%add3A_273, %broadcast_in_dim3A_655] : memref<2048x16xf32, #tpu.memory_space<vmem>>[vector<16xi32>, vector<16xi32>], vector<16xf32>,
        %mul3A_671 = arith.mulf %mul3A_253, %gather3A_670 : vector<16xf32>
        %add3A_672 = arith.addf %add3A_669, %mul3A_671 : vector<16xf32>
        %gather3A_673 = tpu.vector_load_idx %arg19[%add3A_276, %broadcast_in_dim3A_655] : memref<2048x16xf32, #tpu.memory_space<vmem>>[vector<16xi32>, vector<16xi32>], vector<16xf32>,
        %mul3A_674 = arith.mulf %mul3A_254, %gather3A_673 : vector<16xf32>
        %add3A_675 = arith.addf %add3A_672, %mul3A_674 : vector<16xf32>
        %gather3A_676 = tpu.vector_load_idx %arg19[%add3A_279, %broadcast_in_dim3A_655] : memref<2048x16xf32, #tpu.memory_space<vmem>>[vector<16xi32>, vector<16xi32>], vector<16xf32>,
        %mul3A_677 = arith.mulf %mul3A_255, %gather3A_676 : vector<16xf32>
        %add3A_678 = arith.addf %add3A_675, %mul3A_677 : vector<16xf32>
        %swap3A_679 = arith.constant 13 : i32
        %swap3A_680 = arith.index_cast %swap3A_679 : i32 to index
        %swap3A_681 = arith.index_cast %multiple_of3A_228 : i32 to index
        %swap3A_682 = tpu.vector_load %arg21[%swap3A_680, %swap3A_681] {strides = array<i32>} : memref<16x256xf32, #tpu.memory_space<vmem>>, vector<16xf32>,
        tpu.vector_store %arg21[%swap3A_680, %swap3A_681], %add3A_678 {strides = array<i32>} : memref<16x256xf32, #tpu.memory_space<vmem>>, vector<16xf32>,
        %broadcast_in_dim3A_683 = arith.constant 14 : i32
        %broadcast_in_dim3A_684 = vector.broadcast %broadcast_in_dim3A_683 : i32 to vector<16xi32>
        %gather3A_685 = tpu.vector_load_idx %arg19[%add3A_258, %broadcast_in_dim3A_684] : memref<2048x16xf32, #tpu.memory_space<vmem>>[vector<16xi32>, vector<16xi32>], vector<16xf32>,
        %mul3A_686 = arith.mulf %mul3A_248, %gather3A_685 : vector<16xf32>
        %gather3A_687 = tpu.vector_load_idx %arg19[%add3A_261, %broadcast_in_dim3A_684] : memref<2048x16xf32, #tpu.memory_space<vmem>>[vector<16xi32>, vector<16xi32>], vector<16xf32>,
        %mul3A_688 = arith.mulf %mul3A_249, %gather3A_687 : vector<16xf32>
        %add3A_689 = arith.addf %mul3A_686, %mul3A_688 : vector<16xf32>
        %gather3A_690 = tpu.vector_load_idx %arg19[%add3A_264, %broadcast_in_dim3A_684] : memref<2048x16xf32, #tpu.memory_space<vmem>>[vector<16xi32>, vector<16xi32>], vector<16xf32>,
        %mul3A_691 = arith.mulf %mul3A_250, %gather3A_690 : vector<16xf32>
        %add3A_692 = arith.addf %add3A_689, %mul3A_691 : vector<16xf32>
        %gather3A_693 = tpu.vector_load_idx %arg19[%add3A_267, %broadcast_in_dim3A_684] : memref<2048x16xf32, #tpu.memory_space<vmem>>[vector<16xi32>, vector<16xi32>], vector<16xf32>,
        %mul3A_694 = arith.mulf %mul3A_251, %gather3A_693 : vector<16xf32>
        %add3A_695 = arith.addf %add3A_692, %mul3A_694 : vector<16xf32>
        %gather3A_696 = tpu.vector_load_idx %arg19[%add3A_270, %broadcast_in_dim3A_684] : memref<2048x16xf32, #tpu.memory_space<vmem>>[vector<16xi32>, vector<16xi32>], vector<16xf32>,
        %mul3A_697 = arith.mulf %mul3A_252, %gather3A_696 : vector<16xf32>
        %add3A_698 = arith.addf %add3A_695, %mul3A_697 : vector<16xf32>
        %gather3A_699 = tpu.vector_load_idx %arg19[%add3A_273, %broadcast_in_dim3A_684] : memref<2048x16xf32, #tpu.memory_space<vmem>>[vector<16xi32>, vector<16xi32>], vector<16xf32>,
        %mul3A_700 = arith.mulf %mul3A_253, %gather3A_699 : vector<16xf32>
        %add3A_701 = arith.addf %add3A_698, %mul3A_700 : vector<16xf32>
        %gather3A_702 = tpu.vector_load_idx %arg19[%add3A_276, %broadcast_in_dim3A_684] : memref<2048x16xf32, #tpu.memory_space<vmem>>[vector<16xi32>, vector<16xi32>], vector<16xf32>,
        %mul3A_703 = arith.mulf %mul3A_254, %gather3A_702 : vector<16xf32>
        %add3A_704 = arith.addf %add3A_701, %mul3A_703 : vector<16xf32>
        %gather3A_705 = tpu.vector_load_idx %arg19[%add3A_279, %broadcast_in_dim3A_684] : memref<2048x16xf32, #tpu.memory_space<vmem>>[vector<16xi32>, vector<16xi32>], vector<16xf32>,
        %mul3A_706 = arith.mulf %mul3A_255, %gather3A_705 : vector<16xf32>
        %add3A_707 = arith.addf %add3A_704, %mul3A_706 : vector<16xf32>
        %swap3A_708 = arith.constant 14 : i32
        %swap3A_709 = arith.index_cast %swap3A_708 : i32 to index
        %swap3A_710 = arith.index_cast %multiple_of3A_228 : i32 to index
        %swap3A_711 = tpu.vector_load %arg21[%swap3A_709, %swap3A_710] {strides = array<i32>} : memref<16x256xf32, #tpu.memory_space<vmem>>, vector<16xf32>,
        tpu.vector_store %arg21[%swap3A_709, %swap3A_710], %add3A_707 {strides = array<i32>} : memref<16x256xf32, #tpu.memory_space<vmem>>, vector<16xf32>,
        %broadcast_in_dim3A_712 = arith.constant 15 : i32
        %broadcast_in_dim3A_713 = vector.broadcast %broadcast_in_dim3A_712 : i32 to vector<16xi32>
        %gather3A_714 = tpu.vector_load_idx %arg19[%add3A_258, %broadcast_in_dim3A_713] : memref<2048x16xf32, #tpu.memory_space<vmem>>[vector<16xi32>, vector<16xi32>], vector<16xf32>,
        %mul3A_715 = arith.mulf %mul3A_248, %gather3A_714 : vector<16xf32>
        %gather3A_716 = tpu.vector_load_idx %arg19[%add3A_261, %broadcast_in_dim3A_713] : memref<2048x16xf32, #tpu.memory_space<vmem>>[vector<16xi32>, vector<16xi32>], vector<16xf32>,
        %mul3A_717 = arith.mulf %mul3A_249, %gather3A_716 : vector<16xf32>
        %add3A_718 = arith.addf %mul3A_715, %mul3A_717 : vector<16xf32>
        %gather3A_719 = tpu.vector_load_idx %arg19[%add3A_264, %broadcast_in_dim3A_713] : memref<2048x16xf32, #tpu.memory_space<vmem>>[vector<16xi32>, vector<16xi32>], vector<16xf32>,
        %mul3A_720 = arith.mulf %mul3A_250, %gather3A_719 : vector<16xf32>
        %add3A_721 = arith.addf %add3A_718, %mul3A_720 : vector<16xf32>
        %gather3A_722 = tpu.vector_load_idx %arg19[%add3A_267, %broadcast_in_dim3A_713] : memref<2048x16xf32, #tpu.memory_space<vmem>>[vector<16xi32>, vector<16xi32>], vector<16xf32>,
        %mul3A_723 = arith.mulf %mul3A_251, %gather3A_722 : vector<16xf32>
        %add3A_724 = arith.addf %add3A_721, %mul3A_723 : vector<16xf32>
        %gather3A_725 = tpu.vector_load_idx %arg19[%add3A_270, %broadcast_in_dim3A_713] : memref<2048x16xf32, #tpu.memory_space<vmem>>[vector<16xi32>, vector<16xi32>], vector<16xf32>,
        %mul3A_726 = arith.mulf %mul3A_252, %gather3A_725 : vector<16xf32>
        %add3A_727 = arith.addf %add3A_724, %mul3A_726 : vector<16xf32>
        %gather3A_728 = tpu.vector_load_idx %arg19[%add3A_273, %broadcast_in_dim3A_713] : memref<2048x16xf32, #tpu.memory_space<vmem>>[vector<16xi32>, vector<16xi32>], vector<16xf32>,
        %mul3A_729 = arith.mulf %mul3A_253, %gather3A_728 : vector<16xf32>
        %add3A_730 = arith.addf %add3A_727, %mul3A_729 : vector<16xf32>
        %gather3A_731 = tpu.vector_load_idx %arg19[%add3A_276, %broadcast_in_dim3A_713] : memref<2048x16xf32, #tpu.memory_space<vmem>>[vector<16xi32>, vector<16xi32>], vector<16xf32>,
        %mul3A_732 = arith.mulf %mul3A_254, %gather3A_731 : vector<16xf32>
        %add3A_733 = arith.addf %add3A_730, %mul3A_732 : vector<16xf32>
        %gather3A_734 = tpu.vector_load_idx %arg19[%add3A_279, %broadcast_in_dim3A_713] : memref<2048x16xf32, #tpu.memory_space<vmem>>[vector<16xi32>, vector<16xi32>], vector<16xf32>,
        %mul3A_735 = arith.mulf %mul3A_255, %gather3A_734 : vector<16xf32>
        %add3A_736 = arith.addf %add3A_733, %mul3A_735 : vector<16xf32>
        %swap3A_737 = arith.constant 15 : i32
        %swap3A_738 = arith.index_cast %swap3A_737 : i32 to index
        %swap3A_739 = arith.index_cast %multiple_of3A_228 : i32 to index
        %swap3A_740 = tpu.vector_load %arg21[%swap3A_738, %swap3A_739] {strides = array<i32>} : memref<16x256xf32, #tpu.memory_space<vmem>>, vector<16xf32>,
        tpu.vector_store %arg21[%swap3A_738, %swap3A_739], %add3A_736 {strides = array<i32>} : memref<16x256xf32, #tpu.memory_space<vmem>>, vector<16xf32>,
      }
      %scan3A_216 = arith.constant 16 : i32
      %mul3A_217 = arith.constant 256 : i32
      %mul3A_218 = arith.muli %add3A_192, %mul3A_217 : i32
      %add3A_219 = arith.addi %multiple_of3A, %mul3A_218 : i32
      %multiple_of3A_220 = tpu.assume_multiple %add3A_219, 256 : i32
      %dma_start3A_221 = arith.constant 0 : i32
      %dma_start3A_222 = tpu.memref_slice %arg6[%dma_start3A_221, %multiple_of3A_220] : memref<16x262144xf32, #tpu.memory_space<hbm>> -> memref<16x256xf32, #tpu.memory_space<hbm>>
      %dma_start3A_223 = arith.constant 0 : i32
      %dma_start3A_224 = tpu.memref_slice %arg6[%dma_start3A_223, %multiple_of3A_220] : memref<16x262144xf32, #tpu.memory_space<hbm>> -> memref<16x256xf32, #tpu.memory_space<hbm>>
      tpu.enqueue_dma source(%arg21 : memref<16x256xf32, #tpu.memory_space<vmem>>) target(%dma_start3A_224 : memref<16x256xf32, #tpu.memory_space<hbm>>) target_semaphore(%arg25 : memref<!tpu.dma_semaphore, #tpu.memory_space<semaphore_mem>>)
    }
    %scan3A_144 = arith.constant 16 : i32
    %add3A_145 = arith.constant 7680 : i32
    %add3A_146 = arith.addi %multiple_of3A, %add3A_145 : i32
    %multiple_of3A_147 = tpu.assume_multiple %add3A_146, 256 : i32
    %dma_wait3A = arith.constant 0 : i32
    %dma_wait3A_148 = tpu.memref_slice %arg6[%dma_wait3A, %multiple_of3A_147] : memref<16x262144xf32, #tpu.memory_space<hbm>> -> memref<16x256xf32, #tpu.memory_space<hbm>>
    %dma_wait3A_149 = arith.constant 0 : i32
    %dma_wait3A_150 = tpu.memref_slice %arg6[%dma_wait3A_149, %multiple_of3A_147] : memref<16x262144xf32, #tpu.memory_space<hbm>> -> memref<16x256xf32, #tpu.memory_space<hbm>>
    tpu.wait_dma2 semaphore(%arg24 : memref<!tpu.dma_semaphore, #tpu.memory_space<semaphore_mem>>) src(%arg20 : memref<16x256xf32, #tpu.memory_space<vmem>>) dst(%dma_wait3A_150 : memref<16x256xf32, #tpu.memory_space<hbm>>)
    %add3A_151 = arith.constant 7936 : i32
    %add3A_152 = arith.addi %multiple_of3A, %add3A_151 : i32
    %multiple_of3A_153 = tpu.assume_multiple %add3A_152, 256 : i32
    %dma_wait3A_154 = arith.constant 0 : i32
    %dma_wait3A_155 = tpu.memref_slice %arg6[%dma_wait3A_154, %multiple_of3A_153] : memref<16x262144xf32, #tpu.memory_space<hbm>> -> memref<16x256xf32, #tpu.memory_space<hbm>>
    %dma_wait3A_156 = arith.constant 0 : i32
    %dma_wait3A_157 = tpu.memref_slice %arg6[%dma_wait3A_156, %multiple_of3A_153] : memref<16x262144xf32, #tpu.memory_space<hbm>> -> memref<16x256xf32, #tpu.memory_space<hbm>>
    tpu.wait_dma2 semaphore(%arg25 : memref<!tpu.dma_semaphore, #tpu.memory_space<semaphore_mem>>) src(%arg21 : memref<16x256xf32, #tpu.memory_space<vmem>>) dst(%dma_wait3A_157 : memref<16x256xf32, #tpu.memory_space<hbm>>)
    return
  }
}

</mosaic_0001>

<sc_bundles>
// kernel: kernel.3.cloned.1.call-start
scs
__scs_entry_jumppad:
0x0: {  	(pc) =	sbr.rel $0x88, $3  }
0x1: {  	(tag) =	ssettag $0x0;
	lr =	simm.s32 $0x1  }
0x2: {  	[smem:$0x3F9A] =	sst lr;
	_ =	strace $0xD0000000  }
0x3: {  	_ = 	snop  }
0x4: {  	_ = 	snop  }
0x5: {  	_ = 	snop  }
0x6: {  	_ = 	snop  }
0x7: {  	_ = 	snop  }
__scs_overlays_trampoline_lowered:
0x8: {  	[smem:$0x3FA9] =	sst s0  }
0x9: {  	[smem:$0x3FAA] =	sst s1  }
0xa: {  	[smem:$0x3FAB] =	sst s2  }
0xb: {  	[smem:$0x3FAC] =	sst s3  }
0xc: {  	[smem:$0x3FAD] =	sst s4  }
0xd: {  	[smem:$0x3FAE] =	sst s5  }
0xe: {  	[smem:$0x3FAF] =	sst s6  }
0xf: {  	[smem:$0x3FB0] =	sst s7  }
0x10: {  	[smem:$0x3FB1] =	sst s8  }
0x11: {  	[smem:$0x3FB2] =	sst s9;
	s0 =	simm.s32 @!p0 $0x0  }
0x12: {  	s1 =	sld [smem:$0x3F98];
	s0 =	simm.s32 @p0 $0x1  }
0x13: {  	[smem:$0x3FB3] =	sst s0;
	s0 =	simm.s32 @!p1 $0x0  }
0x14: {  	s2 =	sld [smem:$0x3F97];
	s0 =	simm.s32 @p1 $0x1  }
0x15: {  	[smem:$0x3FB4] =	sst s0;
	s0 =	simm.s32 @!p2 $0x0  }
0x16: {  	s3 =	sld [smem:$0x3FDB];
	s0 =	simm.s32 @p2 $0x1  }
0x17: {  	s4 =	simm.s32 $0x1BF5;
	[smem:$0x3FB6] =	sst s0  }
0x18: {  	s0 =	sld [smem:$0x3F99];
	_ =	swait.ge [sflag:s4], $0x0  }
0x19: {  	s7 =	sld [smem:$0x3F9A]  }
0x1a: {  	s8 =	sadd.s32 $0xFFFFE003, lr  }
0x1b: {  	s9 =	sadd.s32 $0xFFFFFEF7, lr;
	s5 =	simm.s32 $0xFFFFFFFF;
	p2 =	slt.u32 s8, $0xFFFFF086  }
0x1c: {  	p1 =	slt.u32 s9, $0xF7A;
	s5 =	simm.s32 @!p2 $0x0  }
0x1d: {  	s5 =	simm.s32 @p1 $0x1;
	p0 =	seq.s32 s7, s2  }
0x1e: {  	s7 =	smul.u32 @!p0 $0xF7A, s2;
	p2 =	seq.s32 @!p0 s5, $0x0  }
0x1f: {  	s9 =	smul.u32 $0xF7A, s1;
	s8 =	simm.s32 @!p0 $0x1BF5;
	p2 =	por !p2, p0  }
0x20: {  	[sflag:s8] =	ssyncset.s32 @!p0 $0xFFFFF086;
	s6 =	sadd.s32 @!p0 s3, s7;
	s7 =	simm.s32 @!p0 $0x108  }
0x21: {  	s3 =	sadd.s32 s3, s9;
	s6 =	sadd.s32 @!p0 $0x88, s6;
	s7 =	simm.s32 @p2 $0x1082  }
0x22: {  	[simem:s7], [sflag:s8] =	dma.local @!p0 [hbm:s6], $0xF7A  }
0x23: {  	s9 =	sor.u32 $0xD0000000, s2;
	s6 =	simm.s32 $0x108;
	_ =	swait.ge @!p0 [sflag:s8], $0x0  }
0x24: {  	s3 =	sadd.s32 $0x88, s3;
	s6 =	simm.s32 @!p1 $0x1082;
	[sflag:s4] =	ssyncset.s32 $0xFFFFF086  }
0x25: {  	[simem:s6], [sflag:s4] =	dma.local [hbm:s3], $0xF7A  }
0x26: {  	[smem:$0x3F9A] =	sst s1;
	(tag) =	ssettag s2;
	_ =	strace s9  }
0x27: {  	s1 =	sld [smem:$0x3FAA]  }
0x28: {  	s2 =	sld [smem:$0x3FAB]  }
0x29: {  	s4 =	sld [smem:$0x3FAD]  }
0x2a: {  	p0 =	seq.s32 s5, $0x0;
	s5 =	sld [smem:$0x3FAE]  }
0x2b: {  	s6 =	sld [smem:$0x3FAF]  }
0x2c: {  	s7 =	sld [smem:$0x3FB0]  }
0x2d: {  	s3 =	simm.s32 $0x108;
	s8 =	sld [smem:$0x3FB1]  }
0x2e: {  	s3 =	simm.s32 @!p0 $0x1082;
	s9 =	sld [smem:$0x3FB2]  }
0x2f: {  	lr =	sadd.s32 s0, s3;
	s0 =	sld [smem:$0x3FA9]  }
0x30: {  	s3 =	sld [smem:$0x3FAC]  }
0x31: {  	[smem:$0x3FB5] =	sst s10  }
0x32: {  	s10 =	sld [smem:$0x3FB3];
	_ =	sdelay $0x3  }
0x33: {  	p0 =	seq.s32 s10, $0x1;
	s10 =	sld [smem:$0x3FB5];
	_ =	sdelay $0x3  }
0x34: {  	[smem:$0x3FB5] =	sst s10  }
0x35: {  	s10 =	sld [smem:$0x3FB4];
	_ =	sdelay $0x3  }
0x36: {  	p1 =	seq.s32 s10, $0x1;
	s10 =	sld [smem:$0x3FB5];
	_ =	sdelay $0x3  }
0x37: {  	[smem:$0x3FB5] =	sst s10  }
0x38: {  	s10 =	sld [smem:$0x3FB6]  }
0x39: {  	_ = 	snop;
	(pc) =	sbr.ind lr, $3  }
0x3a: {  	_ = 	snop  }
0x3b: {  	_ = 	snop  }
0x3c: {  	p2 =	seq.s32 s10, $0x1;
	s10 =	sld [smem:$0x3FB5]  }
0x3d: {  	_ =	shalt  }
0x3e: {  	_ =	shalt  }
0x3f: {  	_ =	shalt  }
0x40: {  	_ =	shalt  }
0x41: {  	_ =	shalt  }
0x42: {  	_ =	shalt  }
0x43: {  	_ =	shalt  }
0x44: {  	_ =	shalt  }
0x45: {  	_ =	shalt  }
0x46: {  	_ =	shalt  }
0x47: {  	_ =	shalt  }
0x48: {  	_ =	shalt  }
0x49: {  	_ =	shalt  }
0x4a: {  	_ =	shalt  }
0x4b: {  	_ =	shalt  }
0x4c: {  	_ =	shalt  }
0x4d: {  	_ =	shalt  }
0x4e: {  	_ =	shalt  }
0x4f: {  	_ =	shalt  }
0x50: {  	_ =	shalt  }
0x51: {  	_ =	shalt  }
0x52: {  	_ =	shalt  }
0x53: {  	_ =	shalt  }
0x54: {  	_ =	shalt  }
0x55: {  	_ =	shalt  }
0x56: {  	_ =	shalt  }
0x57: {  	_ =	shalt  }
0x58: {  	_ =	shalt  }
0x59: {  	_ =	shalt  }
0x5a: {  	_ =	shalt  }
0x5b: {  	_ =	shalt  }
0x5c: {  	_ =	shalt  }
0x5d: {  	_ =	shalt  }
0x5e: {  	_ =	shalt  }
0x5f: {  	_ =	shalt  }
0x60: {  	_ =	shalt  }
0x61: {  	_ =	shalt  }
0x62: {  	_ =	shalt  }
0x63: {  	_ =	shalt  }
0x64: {  	_ =	shalt  }
0x65: {  	_ =	shalt  }
0x66: {  	_ =	shalt  }
0x67: {  	_ =	shalt  }
0x68: {  	_ =	shalt  }
0x69: {  	_ =	shalt  }
0x6a: {  	_ =	shalt  }
0x6b: {  	_ =	shalt  }
0x6c: {  	_ =	shalt  }
0x6d: {  	_ =	shalt  }
0x6e: {  	_ =	shalt  }
0x6f: {  	_ =	shalt  }
0x70: {  	_ =	shalt  }
0x71: {  	_ =	shalt  }
0x72: {  	_ =	shalt  }
0x73: {  	_ =	shalt  }
0x74: {  	_ =	shalt  }
0x75: {  	_ =	shalt  }
0x76: {  	_ =	shalt  }
0x77: {  	_ =	shalt  }
0x78: {  	_ =	shalt  }
0x79: {  	_ =	shalt  }
0x7a: {  	_ =	shalt  }
0x7b: {  	_ =	shalt  }
0x7c: {  	_ =	shalt  }
0x7d: {  	_ =	shalt  }
0x7e: {  	_ =	shalt  }
0x7f: {  	_ =	shalt  }
0x80: {  	_ =	shalt  }
0x81: {  	_ =	shalt  }
0x82: {  	_ =	shalt  }
0x83: {  	_ =	shalt  }
0x84: {  	_ =	shalt  }
0x85: {  	_ =	shalt  }
0x86: {  	_ =	shalt  }
0x87: {  	_ =	shalt  }
.Lfunc_end0:
.L_simem_size_0:
called_computation.7_lowered:
.L_overlay_start_0:
0x88: {  	s2 =	sld [smem:$0x3FD9]  }
0x89: {  	s3 =	sld [smem:$0x3FFE];
	_ =	sdelay $0x1  }
0x8a: {  	s1 =	srdreg.scid  }
0x8b: {  	s0 =	sand.u32 $0x1, s1  }
0x8c: {  	s17 =	sshll.u32 s0, $0xA;
	s2 =	sadd.s32 s3, s2  }
0x8d: {  	s2 =	sadd.s32 s2, s17  }
0x8e: {  	[smem:$0x3FC1] =	sst s2  }
0x8f: {  	_ = 	snop  }
0x90: {  	s2 =	sld [smem:$0x3FC8]  }
0x91: {  	s18 =	sld [smem:$0x3FC7]  }
0x92: {  	s4 =	sld [smem:$0x3FD0];
	(tm) =	ssettm $0x1  }
0x93: {  	s5 =	sld [smem:$0x3FFB];
	_ =	sdelay $0x3  }
0x94: {  	_ =	strace s5  }
0x95: {  	s5 =	sld [smem:$0x3FFC];
	_ =	sdelay $0x3  }
0x96: {  	_ =	strace s5  }
0x97: {  	s5 =	sld [smem:$0x3FFD];
	_ =	sdelay $0x3  }
0x98: {  	_ =	strace s5  }
0x99: {  	_ =	strace $0x8FFFFFFF  }
0x9a: {  	s19 =	sld [smem:$0x3FDB];
	_ =	sdelay $0x1  }
0x9b: {  	s6 =	simm.s32 $_scs_section_size  }
0x9c: {  	s7 =	simm.s32 $_size__tile_overlayer_lowered;
	s8 =	simm.s32 $_tile_overlayer_lowered  }
0x9d: {  	s22 =	simm.s32 $0x1BFF;
	s21 =	sshll.u32 s8, $0x1;
	s5 =	sadd.s32 s6, s19  }
0x9e: {  	s9 =	simm.s32 $0x0;
	s20 =	sshll.u32 s7, $0x1;
	s7 =	sadd.s32 s21, s5  }
0x9f: {  	[timem:s9], [sflag:s22] =	dma.local [hbm:s7], s20  }
0xa0: {  	_ =	swait.ge [sflag:s22], s20  }
0xa1: {  	s6 =	ssub.s32 $0x0, s20;
	[sflag:s22] =	ssyncset.done $0x0  }
0xa2: {  	[sflag:s22] =	ssyncadd.s32 s6;
	_ =	sdelay $0x1  }
0xa3: {  	s23 =	simm.s32 $0x1B8B  }
0xa4: {  	_ =	swait.ge [sflag:s23], $0x1  }
0xa5: {  	[sflag:s23] =	ssyncset.done $0x0  }
0xa6: {  	s25 =	simm.s32 $0x1B8E;
	s24 =	sld [smem:$0x3FFE];
	[sflag:s23] =	ssyncadd.s32 $0xFFFFFFFF  }
0xa7: {  	s26 =	simm.s32 $execute0_lowered;
	[smem:$0x3FD2] =	sst s25  }
0xa8: {  	s7 =	sshll.u32 s26, $0x1;
	_ =	strace $0x8000005B;
	[dreg:$0x1] =	wrdreg $0xFFFFFFFF  }
0xa9: {  	s28 =	simm.s32 $_size_execute0_lowered;
	s5 =	sadd.s32 s5, s7;
	[dreg:$0x0] =	wrdreg $0x0  }
0xaa: {  	s7 =	sshll.u32 s28, $0x1;
	[dreg:$0x2] =	wrdreg s5  }
0xab: {  	[dreg:$0x3] =	wrdreg s7  }
0xac: {  	[dreg:$0x4] =	wrdreg $0xC0  }
0xad: {  	_ =	task [dreg:s9], $0x5FFFF  }
0xae: {  	[dreg:$0x1] =	wrdreg $0xFFFFFFFF  }
0xaf: {  	[dreg:$0x0] =	wrdreg $0x60  }
0xb0: {  	[dreg:$0x2] =	wrdreg s24  }
0xb1: {  	[dreg:$0x3] =	wrdreg s4  }
0xb2: {  	[dreg:$0x4] =	wrdreg s18  }
0xb3: {  	[dreg:$0x5] =	wrdreg s2  }
0xb4: {  	[dreg:$0x6] =	wrdreg $0x9  }
0xb5: {  	_ =	task.clear_ibuf [dreg:s9], $0x7FFFF;
	_ =	strace $0x9000005B  }
0xb6: {  	s29 =	simm.s32 $0x9;
	_ =	strace $0x8000005D  }
0xb7: {  	_ =	swait.ge [sflag:s29], $0x1  }
0xb8: {  	[sflag:s29] =	ssyncadd.s32 $0xFFFFFFFF  }
0xb9: {  	_ =	strace $0x9000005D  }
0xba: {  	_ =	sfence  }
0xbb: {  	s30 =	sld [smem:$0x0];
	_ =	sdelay $0x2  }
0xbc: {  	s31 =	sshll.u32 s1, $0xD;
	s1 =	sshrl.u32 s1, $0x2  }
0xbd: {  	s3 =	sand.u32 $0x4000, s31;
	s1 =	sadd.s32 s1, s30  }
0xbe: {  	s0 =	sor.u32 s3, s0;
	s1 =	sshll.u32 s1, $0x11  }
0xbf: {  	s0 =	sor.u32 s1, s0  }
0xc0: {  	s0 =	sadd.s32 $0x8F2B, s0  }
0xc1: {  	[sflag:s0] =	ssyncadd.remote.s32 $0x1  }
0xc2: {  	_ =	sfence.sel $0xFFFF  }
0xc3: {  	[dreg:$0x0] =	wrdreg $0xFFFFFFFF;
	(pc) =	sbr.abs _section_cstart, $3  }
0xc4: {  	[dreg:$0x1] =	wrdreg $0xFFFFFFFF  }
0xc5: {  	_ =	task.clear_ibuf [dreg:s9], $0x2FFFF;
	_ =	strace $0x9FFFFFFF  }
0xc6: {  	(tm) =	ssettm $0x7FFFFFFF  }
0xc7: {  	_ =	shalt  }
tec
execute0_lowered:
.L_overlay_start_1:
0x0: {  	(tag) =	ssettag $0x1  }
0x1: {  	s0 =	rddreg [dreg:$0x0]  }
0x2: {  	s2 =	rddreg [dreg:$0x1]  }
0x3: {  	s6 =	rddreg [dreg:$0x2]  }
0x4: {  	s7 =	rddreg [dreg:$0x3];
	s1 =	simm.s32 $0x0;
	s4 =	srdreg.scid  }
0x5: {  	s5 =	stileid.u32;
	s13 =	simm.s32 $0x80;
	s15 =	simm.s32 $0x9600  }
0x6: {  	s22 =	simm.s32 $0x11600;
	s28 =	simm.s32 $0x8F80;
	s29 =	simm.s32 $0x18E00  }
0x7: {  	s30 =	simm.s32 $0x1;
	s31 =	simm.s32 $0x100;
	s4 =	sand.u32 $0x1, s4  }
0x8: {  	s11 =	simm.s32 $0x2;
	s5 =	sshll.u32 s5, $0xE;
	s9 =	sshll.u32 s4, $0xD  }
0x9: {  	[smem:$0x7FF] =	sst s1;
	s3 =	sadd.s32 $0x2400, s0;
	s5 =	sor.u32 s9, s5  }
0xa: {  	_ =	strace $0x8000005C;
	s8 =	ssub.s32 $0x2, s4;
	s24 =	sshrl.u32 s5, $0x2  }
0xb: {  	v1 =	vlaneseq.u32;
	s4 =	sadd.s32 $0xC82400, s0;
	s9 =	sshrl.u32 s5, $0x3;
	s2 =	sadd.s32 s2, s24  }
0xc: {  	v0 =	vmul.u32 $0x10, v1;
	s23 =	sshrl.u32 s8, $0x1;
	s25 =	sadd.s32 s6, s9;
	[dreg:$0x5] =	wrdreg s2  }
0xd: {  	v2 =	vimm.s32 $0x600000;
	v3 =	vimm.f32 $5.110000000e+02;
	v4 =	vimm.s32 $0x1FF;
	s0 =	ssub.s32 s8, s23;
	s26 =	sadd.s32 s7, s9;
	[dreg:$0x6] =	wrdreg s25  }
0xe: {  	v5 =	vimm.s32 $0x9;
	s12 =	simm.s32 $0x4;
	v1 =	vmul.u32 $0x2, v1;
	v6 =	vor.u32 $0x7000, v0;
	s0 =	smax.u32 s0, $0x1;
	[dreg:$0x7] =	wrdreg s26  }
0xf: {  	v7 =	vor.u32 $0x6000, v0;
	v8 =	vor.u32 $0x5000, v0;
	v9 =	vor.u32 $0x4000, v0;
	s8 =	simm.s32 $0x0;
	s6 =	simm.s32 $0x1A600;
	[dreg:$0x8] =	wrdreg s0  }
0x10: {  	v10 =	vor.u32 $0x3000, v0;
	v11 =	vor.u32 $0x2000, v0;
	v12 =	vor.u32 $0x1000, v0;
	s26 =	simm.s32 $0x18600;
	s0 =	simm.s32 $0x40000;
	s2 =	simm.s32 $0x19600  }
.LBB2_1:
0x11: {  	[dreg:$0x9] =	wrdreg s8  }
0x12: {  	s7 =	rddreg [dreg:$0x5];
	s20 =	simm.s32 $0x5  }
0x13: {  	[tilespmem:s1], [sflag:$0x5] =	stream.linear.gather [hbm4b:s7+s1], $0x4000, $0x38;
	[tilespmem:$0x1B600] =	vst v63  }
0x14: {  	_ =	swait.ge [sflag:s20], $0x4000  }
0x15: {  	[sflag:s20] =	ssyncset.done $0x0  }
0x16: {  	s9 =	simm.s32 $0x4000;
	s21 =	rddreg [dreg:$0x6];
	[sflag:s20] =	ssyncadd.s32 $0xFFFFC000  }
0x17: {  	[tilespmem:s9], [sflag:$0x5] =	stream.linear.gather [hbm4b:s21+s1], $0x2000, $0x38;
	[tilespmem:$0x1B600] =	vst v63  }
0x18: {  	_ =	swait.ge [sflag:s20], $0x2000  }
0x19: {  	[sflag:s20] =	ssyncset.done $0x0  }
0x1a: {  	s24 =	simm.s32 $0x6000;
	s23 =	rddreg [dreg:$0x7];
	[sflag:s20] =	ssyncadd.s32 $0xFFFFE000  }
0x1b: {  	[tilespmem:s24], [sflag:$0x5] =	stream.linear.gather [hbm4b:s23+s1], $0x2000, $0x38;
	[tilespmem:$0x1B600] =	vst v63  }
0x1c: {  	_ =	swait.ge [sflag:s20], $0x2000  }
0x1d: {  	v14 =	vmov s1;
	[sflag:s20] =	ssyncset.done $0x0  }
0x1e: {  	s8 =	simm.s32 $0x0;
	v14 =	vshll.u32 v14, $0x1;
	[sflag:s20] =	ssyncadd.s32 $0xFFFFE000  }
0x1f: {  	v14 =	vor.u32 v1, v14;
	v13 =	vld [tilespmem:s8+$0x4000]  }
0x20: {  	v15 =	vor.u32 $0x1, v14;
	_ =	sdelay $0x2  }
0x21: {  	v17 =	vld [tilespmem:s8+$0x6000]  }
0x22: {  	v14 =	vld.idx.msk [tilespmem:v14+s1+$0x0], $0xffff;
	v13 =	vadd.f32 $1.000000000e+00, v13  }
0x23: {  	v15 =	vld.idx.msk [tilespmem:v15+s1+$0x0], $0xffff  }
0x24: {  	v13 =	vmul.f32 $1.500000000e+00, v13;
	_ =	sdelay $0x1  }
0x25: {  	v13 =	vmax.f32 v13, $0.0e+00  }
0x26: {  	vm0 =	veq.s32 v17, $0x3;
	vm1 =	veq.s32 v17, $0x2;
	v16 =	vmin.f32 v13, $3.000000000e+00  }
0x27: {  	s7 =	simm.s32 $0x10;
	v14 =	vadd.f32 $1.000000000e+00, v14;
	v15 =	vadd.f32 $1.000000000e+00, v15;
	v13 =	vtrunc.f32 v16  }
0x28: {  	v18 =	vld [tilespmem:s7+$0x4000];
	vm4 =	veq.s32 v17, $0x1;
	v20 =	vsel vm0, $0x8, v5;
	v19 =	vcvt.f32.s32 v13  }
0x29: {  	vm3 =	vmmov vm0;
	v20 =	vsel vm1, $0xA, v20;
	v14 =	vmul.f32 $5.000000000e-01, v14;
	v13 =	vld [tilespmem:s7+$0x6000]  }
0x2a: {  	v24 =	vmul.f32 $5.000000000e-01, v15;
	v21 =	vadd.s32 $0x1, v19;
	v22 =	vcvt.s32.f32 v19  }
0x2b: {  	v31 =	vsel vm3, $0xFF, v4;
	v23 =	vshll.u32 v20, $0x1;
	vm2 =	vlt.s32 v21, $0x3  }
0x2c: {  	s25 =	simm.s32 $0x10;
	v19 =	vshll.u32 v19, v23;
	v21 =	vnsel vm2, $0x3, v21;
	v22 =	vsub.f32 v16, v22  }
0x2d: {  	vm2 =	vmmov vm1;
	v16 =	vadd.f32 $1.000000000e+00, v18;
	v18 =	vmov s25  }
0x2e: {  	v21 =	vshll.u32 v21, v23;
	vm0 =	veq.s32 v13, $0x2;
	v23 =	vsel vm3, $0x437F0000, v3  }
0x2f: {  	vm1 =	veq.s32 v13, $0x3;
	v15 =	vshll.u32 v18, $0x1;
	v28 =	vsel vm2, $0x200000, v2  }
0x30: {  	v16 =	vmul.f32 $1.500000000e+00, v16;
	v23 =	vsel vm2, $0x447FC000, v23;
	v15 =	vor.u32 v1, v15  }
0x31: {  	v56 =	vsel vm1, $0x8, v5;
	v28 =	vsel vm4, $0x100000, v28;
	v14 =	vmul.f32 v23, v14  }
0x32: {  	vm4 =	veq.s32 v17, $0x0;
	v24 =	vmul.f32 v23, v24;
	v18 =	vmax.f32 v16, $0.0e+00  }
0x33: {  	[tilespmem:s8+$0x9400] =	vst v22;
	v22 =	vsel vm2, $0x3FF, v31;
	v25 =	vmin.f32 v18, $3.000000000e+00;
	v14 =	vmax.f32 v14, $0.0e+00  }
0x34: {  	v24 =	vmax.f32 v24, $0.0e+00;
	v18 =	vtrunc.f32 v25;
	v14 =	vmin.f32 v23, v14  }
0x35: {  	v26 =	vcvt.f32.s32 v18;
	v18 =	vmin.f32 v23, v24;
	v23 =	vtrunc.f32 v14  }
0x36: {  	vm1 =	vmmov vm1;
	v23 =	vcvt.f32.s32 v23;
	v27 =	vtrunc.f32 v18  }
0x37: {  	v28 =	vsel vm4, $0x0, v28;
	v16 =	vor.u32 $0x1, v15;
	v27 =	vcvt.f32.s32 v27  }
0x38: {  	v19 =	vadd.s32 v28, v19;
	v21 =	vadd.s32 v28, v21;
	v17 =	vcvt.s32.f32 v23  }
0x39: {  	v29 =	vcvt.s32.f32 v26;
	v59 =	vadd.s32 $0x1, v23;
	v30 =	vcvt.s32.f32 v27  }
0x3a: {  	v57 =	vadd.s32 $0x1, v27;
	v27 =	vshll.u32 v27, v20;
	v14 =	vsub.f32 v14, v17  }
0x3b: {  	v17 =	vadd.s32 $0x1, v26;
	vm2 =	vlt.s32 v57, v22;
	v18 =	vsub.f32 v18, v30  }
0x3c: {  	v58 =	vadd.s32 v19, v27;
	[tilespmem:s8+$0x9000] =	vst v14;
	v14 =	vsel vm2, v57, v22;
	vm2 =	vlt.s32 v59, v22  }
0x3d: {  	s9 =	simm.s32 $0x20;
	[tilespmem:s8+$0x9200] =	vst v18;
	v32 =	vshll.u32 v14, v20;
	v14 =	vadd.s32 v23, v58;
	v60 =	vsel vm2, v59, v22  }
0x3e: {  	vm3 =	vlt.s32 v17, $0x3;
	v33 =	vld [tilespmem:s9+$0x4000];
	[tilespmem:s8+$0x8000] =	vst v14;
	v19 =	vadd.s32 v19, v32;
	v63 =	vadd.s32 v60, v58  }
0x3f: {  	v17 =	vnsel vm3, $0x3, v17;
	vm3 =	vmmov vm0;
	v22 =	vadd.s32 v23, v19;
	v14 =	vld [tilespmem:s9+$0x6000];
	[tilespmem:s8+$0x8100] =	vst v63  }
0x40: {  	v18 =	vsel vm0, $0xA, v56;
	v61 =	vadd.s32 v21, v32;
	v19 =	vadd.s32 v60, v19;
	[tilespmem:s8+$0x8200] =	vst v22  }
0x41: {  	v21 =	vadd.s32 v27, v21;
	v62 =	vadd.s32 v23, v61;
	v22 =	vshll.u32 v18, $0x1;
	[tilespmem:s8+$0x8300] =	vst v19  }
0x42: {  	[tilespmem:s8+$0x8600] =	vst v62;
	v19 =	vshll.u32 v26, v22;
	v17 =	vshll.u32 v17, v22;
	v22 =	vadd.s32 v60, v61  }
0x43: {  	[tilespmem:s8+$0x8700] =	vst v22;
	v22 =	vadd.s32 v23, v21;
	v23 =	vadd.s32 v60, v21;
	v21 =	vadd.f32 $1.000000000e+00, v33  }
0x44: {  	s14 =	simm.s32 $0xC0;
	s10 =	simm.s32 $0x20;
	v20 =	vsub.f32 v25, v29;
	[tilespmem:s8+$0x8500] =	vst v23;
	vm0 =	veq.s32 v14, $0x2;
	vm2 =	veq.s32 v14, $0x3  }
.LBB2_2:
0x45: {  	p0 =	sne.s32 s14, $0x3C0;
	v23 =	vmov s10;
	v21 =	vmul.f32 $1.500000000e+00, v21;
	[tilespmem:s8+$0x8400] =	vst v22;
	s16 =	smov.u32 s14;
	s14 =	sadd.s32 $0x40, s14  }
0x46: {  	s8 =	smov.u32 s7;
	s7 =	smov.u32 s9;
	v22 =	vshll.u32 v23, $0x1;
	v23 =	vld.idx.msk [tilespmem:v15+s1+$0x0], $0xffff  }
0x47: {  	v15 =	vor.u32 v1, v22;
	v21 =	vmax.f32 v21, $0.0e+00;
	v22 =	vld.idx.msk [tilespmem:v16+s1+$0x0], $0xffff  }
0x48: {  	v16 =	vor.u32 $0x1, v15;
	v21 =	vmin.f32 v21, $3.000000000e+00;
	[tilespmem:s8+$0x9400] =	vst v20  }
0x49: {  	v20 =	vtrunc.f32 v21  }
0x4a: {  	v24 =	vcvt.f32.s32 v20  }
0x4b: {  	v25 =	vsel vm1, $0x437F0000, v3;
	v20 =	vsel vm2, $0x8, v5  }
0x4c: {  	v23 =	vadd.f32 $1.000000000e+00, v23;
	v26 =	vcvt.s32.f32 v24;
	v27 =	vadd.s32 $0x1, v24  }
0x4d: {  	v28 =	vsel vm0, $0xA, v20;
	v22 =	vadd.f32 $1.000000000e+00, v22;
	vm4 =	vlt.s32 v27, $0x3  }
0x4e: {  	v23 =	vmul.f32 $5.000000000e-01, v23;
	v20 =	vsub.f32 v21, v26;
	v21 =	vnsel vm4, $0x3, v27  }
0x4f: {  	v25 =	vsel vm3, $0x447FC000, v25;
	v26 =	vshll.u32 v28, $0x1;
	v22 =	vmul.f32 $5.000000000e-01, v22  }
0x50: {  	v24 =	vshll.u32 v24, v26;
	v21 =	vshll.u32 v21, v26;
	v23 =	vmul.f32 v25, v23  }
0x51: {  	v26 =	vsel vm1, $0xFF, v4;
	vm1 =	vmmov vm2;
	v22 =	vmul.f32 v25, v22  }
0x52: {  	vm4 =	veq.s32 v13, $0x1;
	vm2 =	veq.s32 v13, $0x0;
	v13 =	vmovc v14;
	v23 =	vmax.f32 v23, $0.0e+00  }
0x53: {  	v14 =	vsel vm3, $0x200000, v2;
	v23 =	vmin.f32 v25, v23;
	v22 =	vmax.f32 v22, $0.0e+00  }
0x54: {  	v14 =	vsel vm4, $0x100000, v14;
	v22 =	vmin.f32 v25, v22;
	v25 =	vtrunc.f32 v23  }
0x55: {  	v14 =	vsel vm2, $0x0, v14;
	v25 =	vcvt.f32.s32 v25;
	v27 =	vtrunc.f32 v22  }
0x56: {  	v29 =	vadd.s32 v14, v19;
	v14 =	vadd.s32 v14, v17;
	v19 =	vmovc v24;
	v17 =	vmovc v21;
	v27 =	vcvt.f32.s32 v27  }
0x57: {  	v26 =	vsel vm3, $0x3FF, v26;
	v21 =	vcvt.s32.f32 v25;
	v24 =	vadd.s32 $0x1, v25  }
0x58: {  	v30 =	vcvt.s32.f32 v27;
	vm2 =	vlt.s32 v24, v26;
	v31 =	vadd.s32 $0x1, v27  }
0x59: {  	v21 =	vsub.f32 v23, v21;
	vm3 =	vlt.s32 v31, v26;
	v23 =	vshll.u32 v27, v18  }
0x5a: {  	v22 =	vsub.f32 v22, v30;
	v27 =	vsel vm3, v31, v26;
	v30 =	vadd.s32 v29, v23  }
0x5b: {  	v23 =	vadd.s32 v23, v14;
	v18 =	vshll.u32 v27, v18;
	v27 =	vadd.s32 v25, v30;
	[tilespmem:s8+$0x9000] =	vst v21  }
0x5c: {  	s9 =	sshra.s32 s16, $0x2;
	v21 =	vsel vm2, v24, v26;
	v24 =	vadd.s32 v29, v18;
	v18 =	vadd.s32 v14, v18;
	[tilespmem:s8+$0x9200] =	vst v22  }
0x5d: {  	v29 =	vadd.s32 v25, v24;
	v24 =	vadd.s32 v21, v24;
	v31 =	vadd.s32 v25, v18;
	v26 =	vld [tilespmem:s9+$0x4000];
	[tilespmem:s8+$0x8000] =	vst v27  }
0x5e: {  	v22 =	vadd.s32 v25, v23;
	v23 =	vadd.s32 v21, v23;
	v25 =	vadd.s32 v21, v18;
	v14 =	vld [tilespmem:s9+$0x6000];
	[tilespmem:s8+$0x8200] =	vst v29  }
.Ltmp0:
0x5f: {  	vm3 =	vmmov vm0;
	v27 =	vadd.s32 v21, v30;
	v18 =	vmov v28;
	[tilespmem:s8+$0x8300] =	vst v24;
	(pc) =	sbr.rel @p0 .LBB2_2-.Ltmp0, $4  }
0x60: {  	[tilespmem:s8+$0x8600] =	vst v31  }
0x61: {  	[tilespmem:s8+$0x8700] =	vst v25  }
0x62: {  	v21 =	vadd.f32 $1.000000000e+00, v26;
	[tilespmem:s8+$0x8100] =	vst v27  }
0x63: {  	s10 =	sadd.s32 $0x10, s10;
	vm0 =	veq.s32 v14, $0x2;
	vm2 =	veq.s32 v14, $0x3;
	[tilespmem:s8+$0x8500] =	vst v23  }
0x64: {  	_ =	sdelay $0x2  }
0x65: {  	[tilespmem:s8+$0x8400] =	vst v22  }
0x66: {  	v15 =	vld.idx.msk [tilespmem:v15+s1+$0x0], $0xffff  }
0x67: {  	v16 =	vld.idx.msk [tilespmem:v16+s1+$0x0], $0xffff;
	_ =	sdelay $0x3  }
0x68: {  	v15 =	vadd.f32 $1.000000000e+00, v15  }
0x69: {  	v16 =	vadd.f32 $1.000000000e+00, v16  }
0x6a: {  	v30 =	vsel vm1, $0x437F0000, v3;
	v15 =	vmul.f32 $5.000000000e-01, v15  }
0x6b: {  	v22 =	vsel vm3, $0x447FC000, v30;
	v16 =	vmul.f32 $5.000000000e-01, v16  }
0x6c: {  	v15 =	vmul.f32 v22, v15  }
0x6d: {  	v16 =	vmul.f32 v22, v16  }
0x6e: {  	v15 =	vmax.f32 v15, $0.0e+00  }
0x6f: {  	v16 =	vmax.f32 v16, $0.0e+00;
	v15 =	vmin.f32 v22, v15  }
0x70: {  	vm4 =	veq.s32 v13, $0x1;
	v16 =	vmin.f32 v22, v16;
	v31 =	vtrunc.f32 v15  }
0x71: {  	v23 =	vsel vm3, $0x200000, v2;
	v24 =	vtrunc.f32 v16;
	v22 =	vcvt.f32.s32 v31  }
0x72: {  	vm15 =	veq.s32 v13, $0x0;
	v23 =	vsel vm4, $0x100000, v23;
	v13 =	vcvt.f32.s32 v24  }
0x73: {  	v32 =	vsel vm1, $0xFF, v4;
	v23 =	vsel vm15, $0x0, v23;
	v25 =	vcvt.s32.f32 v22  }
0x74: {  	v19 =	vadd.s32 v23, v19;
	v24 =	vsel vm3, $0x3FF, v32;
	v26 =	vcvt.s32.f32 v13  }
0x75: {  	v27 =	vadd.s32 $0x1, v13;
	v34 =	vadd.s32 $0x1, v22;
	v15 =	vsub.f32 v15, v25  }
0x76: {  	[tilespmem:s7+$0x9400] =	vst v20;
	v13 =	vshll.u32 v13, v18;
	vm8 =	vlt.s32 v34, v24;
	v16 =	vsub.f32 v16, v26  }
0x77: {  	v35 =	vadd.s32 v19, v13;
	v38 =	vsel vm8, v34, v24;
	[tilespmem:s7+$0x9000] =	vst v15  }
0x78: {  	v37 =	vadd.s32 v23, v17;
	vm7 =	vlt.s32 v27, v24;
	v42 =	vadd.s32 v38, v35;
	[tilespmem:s7+$0x9200] =	vst v16  }
0x79: {  	v13 =	vadd.s32 v13, v37;
	v33 =	vsel vm7, v27, v24;
	v15 =	vadd.s32 v22, v35;
	[tilespmem:s7+$0x8100] =	vst v42  }
0x7a: {  	v36 =	vshll.u32 v33, v18;
	v17 =	vadd.s32 v38, v13;
	[tilespmem:s7+$0x8000] =	vst v15;
	v15 =	vmov s10  }
0x7b: {  	v13 =	vadd.s32 v22, v13;
	v19 =	vadd.s32 v19, v36;
	[tilespmem:s7+$0x8500] =	vst v17;
	v15 =	vshll.u32 v15, $0x1  }
0x7c: {  	[tilespmem:s7+$0x8400] =	vst v13;
	v39 =	vadd.s32 v22, v19;
	v15 =	vor.u32 v1, v15  }
0x7d: {  	v18 =	vadd.s32 v37, v36;
	v19 =	vadd.s32 v38, v19;
	[tilespmem:s7+$0x8200] =	vst v39;
	v41 =	vor.u32 $0x1, v15  }
0x7e: {  	v40 =	vadd.s32 v22, v18;
	[tilespmem:s7+$0x8300] =	vst v19  }
0x7f: {  	v18 =	vadd.s32 v38, v18;
	[tilespmem:s7+$0x8600] =	vst v40  }
0x80: {  	[tilespmem:s7+$0x8700] =	vst v18  }
0x81: {  	v13 =	vld.idx.msk [tilespmem:v15+s1+$0x0], $0xffff  }
0x82: {  	v44 =	vld.idx.msk [tilespmem:v41+s1+$0x0], $0xffff;
	_ =	sdelay $0x1  }
0x83: {  	v43 =	vmul.f32 $1.500000000e+00, v21;
	v46 =	vsel vm2, $0x8, v5;
	vm9 =	vmmov vm2  }
0x84: {  	vm10 =	vmmov vm0;
	vm12 =	veq.s32 v14, $0x1;
	vm13 =	veq.s32 v14, $0x0  }
0x85: {  	v48 =	vsel vm9, $0x437F0000, v3;
	v52 =	vsel vm10, $0x200000, v2;
	v13 =	vadd.f32 $1.000000000e+00, v13  }
0x86: {  	v55 =	vsel vm9, $0xFF, v4;
	v15 =	vmax.f32 v43, $0.0e+00;
	v16 =	vadd.f32 $1.000000000e+00, v44  }
0x87: {  	v20 =	vsel vm10, $0x447FC000, v48;
	v15 =	vmin.f32 v15, $3.000000000e+00;
	v13 =	vmul.f32 $5.000000000e-01, v13  }
0x88: {  	v14 =	vsel vm12, $0x100000, v52;
	v45 =	vtrunc.f32 v15;
	v16 =	vmul.f32 $5.000000000e-01, v16  }
0x89: {  	v14 =	vsel vm13, $0x0, v14;
	v17 =	vcvt.f32.s32 v45;
	v13 =	vmul.f32 v20, v13  }
0x8a: {  	v22 =	vsel vm10, $0x3FF, v55;
	v18 =	vsel vm0, $0xA, v46;
	v16 =	vmul.f32 v20, v16  }
0x8b: {  	v50 =	vshll.u32 v18, $0x1;
	v47 =	vcvt.s32.f32 v17;
	v13 =	vmax.f32 v13, $0.0e+00  }
0x8c: {  	v49 =	vadd.s32 $0x1, v17;
	v13 =	vmin.f32 v20, v13;
	v16 =	vmax.f32 v16, $0.0e+00  }
0x8d: {  	v17 =	vshll.u32 v17, v50;
	v16 =	vmin.f32 v20, v16;
	v51 =	vtrunc.f32 v13  }
0x8e: {  	vm11 =	vlt.s32 v49, $0x3;
	v20 =	vcvt.f32.s32 v51;
	v53 =	vtrunc.f32 v16  }
0x8f: {  	v17 =	vadd.s32 v14, v17;
	v21 =	vnsel vm11, $0x3, v49;
	v54 =	vcvt.f32.s32 v53  }
0x90: {  	v15 =	vsub.f32 v15, v47;
	v19 =	vshll.u32 v21, v50;
	v56 =	vcvt.s32.f32 v20  }
0x91: {  	v14 =	vadd.s32 v14, v19;
	v57 =	vcvt.s32.f32 v54;
	v58 =	vadd.s32 $0x1, v54  }
0x92: {  	v60 =	vadd.s32 $0x1, v20;
	v13 =	vsub.f32 v13, v56;
	vm14 =	vlt.s32 v58, v22  }
0x93: {  	[tilespmem:s9+$0x9400] =	vst v15;
	v15 =	vshll.u32 v54, v18;
	v16 =	vsub.f32 v16, v57;
	v59 =	vsel vm14, v58, v22  }
0x94: {  	vm15 =	vlt.s32 v60, v22;
	v61 =	vadd.s32 v17, v15;
	v18 =	vshll.u32 v59, v18;
	[tilespmem:s9+$0x9000] =	vst v13  }
0x95: {  	v62 =	vsel vm15, v60, v22;
	v13 =	vadd.s32 v20, v61;
	v17 =	vadd.s32 v17, v18;
	[tilespmem:s9+$0x9200] =	vst v16  }
0x96: {  	[tilespmem:s9+$0x8000] =	vst v13;
	v13 =	vadd.s32 v14, v18;
	v14 =	vadd.s32 v15, v14;
	v15 =	vadd.s32 v62, v61  }
0x97: {  	v63 =	vadd.s32 v20, v17;
	[tilespmem:s9+$0x8100] =	vst v15  }
0x98: {  	v17 =	vadd.s32 v62, v17;
	[tilespmem:s9+$0x8200] =	vst v63  }
0x99: {  	v18 =	vadd.s32 v20, v13;
	[tilespmem:s9+$0x8300] =	vst v17  }
0x9a: {  	v13 =	vadd.s32 v62, v13;
	[tilespmem:s9+$0x8600] =	vst v18  }
0x9b: {  	[tilespmem:s9+$0x8700] =	vst v13;
	v13 =	vadd.s32 v62, v14  }
0x9c: {  	v14 =	vadd.s32 v20, v14;
	[tilespmem:s9+$0x8500] =	vst v13  }
0x9d: {  	s18 =	simm.s32 $0x8000;
	[tilespmem:s9+$0x8400] =	vst v14  }
0x9e: {  	[tilespmem:s15], [sflag:$0x1] =	stream.indirect.gather [hbm4b:s3+s13], $0x10, s18, s13, $0xb8;
	[tilespmem:$0x1B600] =	vst v63  }
0x9f: {  	s19 =	simm.s32 $0x8080;
	s20 =	simm.s32 $0x9E00  }
0xa0: {  	[tilespmem:s20], [sflag:$0x1] =	stream.indirect.gather [hbm4b:s3+s13], $0x10, s19, s13, $0xb8;
	[tilespmem:$0x1B600] =	vst v63  }
0xa1: {  	s21 =	simm.s32 $0x8100;
	s23 =	simm.s32 $0xA600  }
0xa2: {  	[tilespmem:s23], [sflag:$0x1] =	stream.indirect.gather [hbm4b:s3+s13], $0x10, s21, s13, $0xb8;
	[tilespmem:$0x1B600] =	vst v63  }
0xa3: {  	s24 =	simm.s32 $0x8180;
	s25 =	simm.s32 $0xAE00  }
0xa4: {  	[tilespmem:s25], [sflag:$0x1] =	stream.indirect.gather [hbm4b:s3+s13], $0x10, s24, s13, $0xb8;
	[tilespmem:$0x1B600] =	vst v63  }
0xa5: {  	s10 =	simm.s32 $0xB600;
	s9 =	simm.s32 $0x8200  }
0xa6: {  	[tilespmem:s10], [sflag:$0x1] =	stream.indirect.gather [hbm4b:s3+s13], $0x10, s9, s13, $0xb8;
	[tilespmem:$0x1B600] =	vst v63  }
0xa7: {  	s14 =	simm.s32 $0x8280;
	s16 =	simm.s32 $0xBE00  }
0xa8: {  	[tilespmem:s16], [sflag:$0x1] =	stream.indirect.gather [hbm4b:s3+s13], $0x10, s14, s13, $0xb8;
	[tilespmem:$0x1B600] =	vst v63  }
0xa9: {  	s17 =	simm.s32 $0x8300;
	s18 =	simm.s32 $0xC600  }
0xaa: {  	[tilespmem:s18], [sflag:$0x1] =	stream.indirect.gather [hbm4b:s3+s13], $0x10, s17, s13, $0xb8;
	[tilespmem:$0x1B600] =	vst v63  }
0xab: {  	s19 =	simm.s32 $0x8380;
	s20 =	simm.s32 $0xCE00  }
0xac: {  	[tilespmem:s20], [sflag:$0x1] =	stream.indirect.gather [hbm4b:s3+s13], $0x10, s19, s13, $0xb8;
	[tilespmem:$0x1B600] =	vst v63  }
0xad: {  	s21 =	simm.s32 $0x8400;
	s23 =	simm.s32 $0xD600  }
0xae: {  	[tilespmem:s23], [sflag:$0x1] =	stream.indirect.gather [hbm4b:s3+s13], $0x10, s21, s13, $0xb8;
	[tilespmem:$0x1B600] =	vst v63  }
0xaf: {  	s8 =	simm.s32 $0x100;
	s24 =	simm.s32 $0x8480;
	s25 =	simm.s32 $0xDE00  }
0xb0: {  	[tilespmem:s25], [sflag:$0x1] =	stream.indirect.gather [hbm4b:s3+s13], $0x10, s24, s13, $0xb8;
	[tilespmem:$0x1B600] =	vst v63  }
0xb1: {  	s7 =	simm.s32 $0x0;
	s9 =	simm.s32 $0x8500;
	s10 =	simm.s32 $0xE600  }
0xb2: {  	[tilespmem:s10], [sflag:$0x1] =	stream.indirect.gather [hbm4b:s3+s13], $0x10, s9, s13, $0xb8;
	[tilespmem:$0x1B600] =	vst v63  }
0xb3: {  	s14 =	simm.s32 $0x8580;
	s16 =	simm.s32 $0xEE00;
	s17 =	simm.s32 $0x8600  }
0xb4: {  	[tilespmem:s16], [sflag:$0x1] =	stream.indirect.gather [hbm4b:s3+s13], $0x10, s14, s13, $0xb8;
	[tilespmem:$0x1B600] =	vst v63  }
0xb5: {  	s18 =	simm.s32 $0xF600;
	s19 =	simm.s32 $0x8680;
	s20 =	simm.s32 $0xFE00  }
0xb6: {  	[tilespmem:s18], [sflag:$0x1] =	stream.indirect.gather [hbm4b:s3+s13], $0x10, s17, s13, $0xb8;
	[tilespmem:$0x1B600] =	vst v63  }
0xb7: {  	s21 =	simm.s32 $0x8700;
	s23 =	simm.s32 $0x10600;
	s24 =	simm.s32 $0x8780  }
0xb8: {  	[tilespmem:s20], [sflag:$0x1] =	stream.indirect.gather [hbm4b:s3+s13], $0x10, s19, s13, $0xb8;
	[tilespmem:$0x1B600] =	vst v63  }
0xb9: {  	s25 =	simm.s32 $0x10E00;
	s9 =	simm.s32 $0x6100;
	s10 =	simm.s32 $0x4100  }
0xba: {  	[tilespmem:s23], [sflag:$0x1] =	stream.indirect.gather [hbm4b:s3+s13], $0x10, s21, s13, $0xb8;
	[tilespmem:$0x1B600] =	vst v63  }
0xbb: {  	s14 =	simm.s32 $0x4200;
	s16 =	simm.s32 $0x6200;
	s17 =	simm.s32 $0x200  }
0xbc: {  	[tilespmem:s25], [sflag:$0x1] =	stream.indirect.gather [hbm4b:s3+s13], $0x10, s24, s13, $0xb8;
	[tilespmem:$0x1B600] =	vst v63  }
.LBB2_4:
0xbd: {  	v13 =	vmov s8  }
0xbe: {  	v14 =	vmov s9;
	v13 =	vshll.u32 v13, $0x1  }
0xbf: {  	v15 =	vor.u32 v1, v13  }
0xc0: {  	v16 =	vor.u32 $0x1, v15  }
0xc1: {  	v13 =	vmov s10  }
0xc2: {  	s20 =	simm.s32 $0x0  }
0xc3: {  	v17 =	vld.idx.msk [tilespmem:v14+s20+$0x0 ss:$0x1], $0xffff  }
0xc4: {  	v15 =	vld.idx.msk [tilespmem:v15+s1+$0x0], $0xffff  }
0xc5: {  	v16 =	vld.idx.msk [tilespmem:v16+s1+$0x0], $0xffff  }
0xc6: {  	v18 =	vld.idx.msk [tilespmem:v13+s20+$0x0 ss:$0x1], $0xffff;
	_ =	sdelay $0x2  }
0xc7: {  	vm0 =	veq.s32 v17, $0x2  }
0xc8: {  	vm1 =	veq.s32 v17, $0x3;
	vm2 =	veq.s32 v17, $0x1;
	v16 =	vadd.f32 $1.000000000e+00, v16  }
0xc9: {  	vm3 =	veq.s32 v17, $0x0;
	v15 =	vadd.f32 $1.000000000e+00, v15;
	v18 =	vadd.f32 $1.000000000e+00, v18  }
0xca: {  	v19 =	vsel vm1, $0x437F0000, v3;
	v20 =	vsel vm1, $0xFF, v4;
	v16 =	vmul.f32 $5.000000000e-01, v16  }
0xcb: {  	v19 =	vsel vm0, $0x447FC000, v19;
	v15 =	vmul.f32 $5.000000000e-01, v15;
	v18 =	vmul.f32 $1.500000000e+00, v18  }
0xcc: {  	v21 =	vsel vm0, $0x200000, v2;
	v52 =	vsel vm1, $0x8, v5;
	v16 =	vmul.f32 v19, v16  }
0xcd: {  	v17 =	vsel vm2, $0x100000, v21;
	v15 =	vmul.f32 v19, v15;
	v18 =	vmax.f32 v18, $0.0e+00  }
0xce: {  	v20 =	vsel vm0, $0x3FF, v20;
	v18 =	vmin.f32 v18, $3.000000000e+00;
	v16 =	vmax.f32 v16, $0.0e+00  }
0xcf: {  	v15 =	vmax.f32 v15, $0.0e+00;
	v23 =	vtrunc.f32 v18;
	v16 =	vmin.f32 v19, v16  }
0xd0: {  	v15 =	vmin.f32 v19, v15;
	v53 =	vcvt.f32.s32 v23;
	v22 =	vtrunc.f32 v16  }
0xd1: {  	v21 =	vsel vm0, $0xA, v52;
	v54 =	vtrunc.f32 v15;
	v19 =	vcvt.f32.s32 v22  }
0xd2: {  	v17 =	vsel vm3, $0x0, v17;
	v25 =	vshll.u32 v21, $0x1;
	v23 =	vcvt.f32.s32 v54  }
0xd3: {  	v26 =	vadd.s32 $0x1, v53;
	v27 =	vshll.u32 v53, v25;
	v24 =	vadd.s32 $0x1, v19  }
0xd4: {  	vm14 =	vlt.s32 v26, $0x3;
	v61 =	vcvt.s32.f32 v23;
	vm13 =	vlt.s32 v24, v20  }
0xd5: {  	v27 =	vadd.s32 v17, v27;
	v26 =	vnsel vm14, $0x3, v26;
	v24 =	vsel vm13, v24, v20  }
0xd6: {  	v25 =	vshll.u32 v26, v25;
	v63 =	vsub.f32 v15, v61;
	v24 =	vshll.u32 v24, v21  }
0xd7: {  	v17 =	vadd.s32 v17, v25;
	v21 =	vshll.u32 v19, v21;
	v55 =	vadd.s32 v27, v24  }
0xd8: {  	v28 =	vadd.s32 $0x1, v23;
	[tilespmem:s20+$0x9100] =	vst v63;
	v29 =	vadd.s32 v21, v17;
	v56 =	vadd.s32 v23, v55  }
0xd9: {  	vm15 =	vlt.s32 v28, v20;
	v17 =	vadd.s32 v17, v24;
	v57 =	vadd.s32 v23, v29;
	[tilespmem:s20+$0x8A00] =	vst v56  }
0xda: {  	v20 =	vsel vm15, v28, v20;
	v21 =	vadd.s32 v27, v21;
	v58 =	vadd.s32 v23, v17;
	[tilespmem:s20+$0x8C00] =	vst v57  }
0xdb: {  	v19 =	vcvt.s32.f32 v19;
	v59 =	vadd.s32 v20, v21;
	[tilespmem:s20+$0x8E00] =	vst v58  }
0xdc: {  	s21 =	sadd.s32 $0x10, s8;
	v60 =	vadd.s32 v20, v55;
	[tilespmem:s20+$0x8900] =	vst v59  }
0xdd: {  	v62 =	vadd.s32 v20, v29;
	v16 =	vsub.f32 v16, v19;
	v19 =	vmov s21;
	[tilespmem:s20+$0x8B00] =	vst v60  }
0xde: {  	v17 =	vadd.s32 v20, v17;
	[tilespmem:s20+$0x8D00] =	vst v62;
	v15 =	vshll.u32 v19, $0x1  }
0xdf: {  	[tilespmem:s20+$0x8F00] =	vst v17;
	v17 =	vcvt.s32.f32 v53;
	v15 =	vor.u32 v1, v15  }
0xe0: {  	s19 =	sshll.u32 s7, $0x9;
	v19 =	vadd.s32 v23, v21;
	[tilespmem:s20+$0x9300] =	vst v16;
	v16 =	vor.u32 $0x1, v15  }
0xe1: {  	s23 =	simm.s32 $0x40;
	s24 =	simm.s32 $0x80;
	s18 =	sor.u32 $0x100, s19;
	[tilespmem:s20+$0x8800] =	vst v19;
	v17 =	vsub.f32 v18, v17  }
.LBB2_5:
0xe2: {  	p0 =	sne.s32 s24, $0x3C0  }
0xe3: {  	s21 =	sadd.s32 $0x10, s21;
	[tilespmem:s20+$0x9500] =	vst v17;
	s25 =	smov.u32 s24;
	s24 =	sadd.s32 $0x40, s24  }
0xe4: {  	_ = 	snop  }
0xe5: {  	s20 =	sshra.s32 s23, $0x2;
	s23 =	smov.u32 s25;
	v17 =	vld.idx.msk [tilespmem:v16+s1+$0x0], $0xffff  }
0xe6: {  	v18 =	vld.idx.msk [tilespmem:v14+s20+$0x0 ss:$0x1], $0xffff  }
0xe7: {  	v19 =	vld.idx.msk [tilespmem:v15+s1+$0x0], $0xffff  }
0xe8: {  	v15 =	vmov s21;
	v20 =	vld.idx.msk [tilespmem:v13+s20+$0x0 ss:$0x1], $0xffff  }
0xe9: {  	v15 =	vshll.u32 v15, $0x1  }
0xea: {  	v15 =	vor.u32 v1, v15  }
0xeb: {  	v16 =	vor.u32 $0x1, v15;
	v17 =	vadd.f32 $1.000000000e+00, v17  }
0xec: {  	vm0 =	veq.s32 v18, $0x2;
	vm1 =	veq.s32 v18, $0x3;
	vm2 =	veq.s32 v18, $0x1  }
0xed: {  	v21 =	vsel vm1, $0x437F0000, v3;
	v19 =	vadd.f32 $1.000000000e+00, v19;
	v17 =	vmul.f32 $5.000000000e-01, v17  }
0xee: {  	v22 =	vsel vm1, $0xFF, v4;
	v21 =	vsel vm0, $0x447FC000, v21;
	v20 =	vadd.f32 $1.000000000e+00, v20  }
0xef: {  	v23 =	vsel vm0, $0x200000, v2;
	v19 =	vmul.f32 $5.000000000e-01, v19;
	v17 =	vmul.f32 v21, v17  }
0xf0: {  	vm3 =	veq.s32 v18, $0x0;
	v18 =	vsel vm2, $0x100000, v23;
	v20 =	vmul.f32 $1.500000000e+00, v20  }
0xf1: {  	v22 =	vsel vm0, $0x3FF, v22;
	v19 =	vmul.f32 v21, v19;
	v17 =	vmax.f32 v17, $0.0e+00  }
0xf2: {  	v23 =	vsel vm1, $0x8, v5;
	v17 =	vmin.f32 v21, v17;
	v20 =	vmax.f32 v20, $0.0e+00  }
0xf3: {  	v19 =	vmax.f32 v19, $0.0e+00;
	v20 =	vmin.f32 v20, $3.000000000e+00;
	v24 =	vtrunc.f32 v17  }
0xf4: {  	v19 =	vmin.f32 v21, v19;
	v21 =	vcvt.f32.s32 v24;
	v24 =	vtrunc.f32 v20  }
0xf5: {  	v23 =	vsel vm0, $0xA, v23;
	v25 =	vtrunc.f32 v19;
	v24 =	vcvt.f32.s32 v24  }
0xf6: {  	v18 =	vsel vm3, $0x0, v18;
	v27 =	vshll.u32 v23, $0x1;
	v26 =	vadd.s32 $0x1, v21  }
0xf7: {  	vm0 =	vlt.s32 v26, v22;
	v28 =	vadd.s32 $0x1, v24;
	v29 =	vshll.u32 v24, v27  }
0xf8: {  	v26 =	vsel vm0, v26, v22;
	vm0 =	vlt.s32 v28, $0x3;
	v29 =	vadd.s32 v18, v29  }
0xf9: {  	v25 =	vcvt.f32.s32 v25;
	v28 =	vnsel vm0, $0x3, v28;
	v26 =	vshll.u32 v26, v23  }
0xfa: {  	v23 =	vshll.u32 v21, v23;
	v30 =	vadd.s32 v29, v26;
	v27 =	vshll.u32 v28, v27  }
0xfb: {  	v28 =	vcvt.s32.f32 v25;
	v18 =	vadd.s32 v18, v27;
	v27 =	vadd.s32 v25, v30  }
0xfc: {  	v31 =	vadd.s32 $0x1, v25;
	v32 =	vadd.s32 v23, v18;
	v18 =	vadd.s32 v18, v26;
	[tilespmem:s20+$0x8A00] =	vst v27  }
0xfd: {  	vm0 =	vlt.s32 v31, v22;
	v26 =	vadd.s32 v25, v32;
	v27 =	vadd.s32 v25, v18  }
0xfe: {  	v22 =	vsel vm0, v31, v22;
	v19 =	vsub.f32 v19, v28;
	v23 =	vadd.s32 v29, v23;
	[tilespmem:s20+$0x8C00] =	vst v26  }
0xff: {  	v28 =	vadd.s32 v22, v30;
	v29 =	vadd.s32 v22, v32;
	v26 =	vadd.s32 v22, v23;
	[tilespmem:s20+$0x8E00] =	vst v27  }
0x100: {  	v21 =	vcvt.s32.f32 v21;
	v18 =	vadd.s32 v22, v18;
	v23 =	vadd.s32 v25, v23;
	[tilespmem:s20+$0x8900] =	vst v26  }
0x101: {  	v22 =	vcvt.s32.f32 v24;
	[tilespmem:s20+$0x8B00] =	vst v28  }
.Ltmp1:
0x102: {  	v21 =	vsub.f32 v17, v21;
	[tilespmem:s20+$0x8D00] =	vst v29;
	(pc) =	sbr.rel @p0 .LBB2_5-.Ltmp1, $4  }
0x103: {  	v17 =	vsub.f32 v20, v22;
	[tilespmem:s20+$0x8F00] =	vst v18  }
0x104: {  	[tilespmem:s20+$0x9300] =	vst v21  }
0x105: {  	[tilespmem:s20+$0x9100] =	vst v19  }
0x106: {  	[tilespmem:s20+$0x8800] =	vst v23  }
0x107: {  	_ =	sdelay $0x2  }
0x108: {  	[tilespmem:s20+$0x9500] =	vst v17  }
0x109: {  	s25 =	sshra.s32 s23, $0x2;
	v16 =	vld.idx.msk [tilespmem:v16+s1+$0x0], $0xffff  }
0x10a: {  	v14 =	vld.idx.msk [tilespmem:v14+s25+$0x0 ss:$0x1], $0xffff  }
0x10b: {  	v15 =	vld.idx.msk [tilespmem:v15+s1+$0x0], $0xffff  }
0x10c: {  	v13 =	vld.idx.msk [tilespmem:v13+s25+$0x0 ss:$0x1], $0xffff;
	_ =	sdelay $0x2  }
0x10d: {  	v16 =	vadd.f32 $1.000000000e+00, v16;
	vm0 =	veq.s32 v14, $0x2  }
0x10e: {  	vm1 =	veq.s32 v14, $0x3;
	vm2 =	veq.s32 v14, $0x1;
	v15 =	vadd.f32 $1.000000000e+00, v15  }
0x10f: {  	v13 =	vadd.f32 $1.000000000e+00, v13;
	vm3 =	veq.s32 v14, $0x0;
	v50 =	vsel vm1, $0x437F0000, v3  }
0x110: {  	v18 =	vsel vm1, $0xFF, v4;
	v19 =	vsel vm0, $0x200000, v2;
	v16 =	vmul.f32 $5.000000000e-01, v16  }
0x111: {  	v51 =	vsel vm1, $0x8, v5;
	v15 =	vmul.f32 $5.000000000e-01, v15;
	v13 =	vmul.f32 $1.500000000e+00, v13  }
0x112: {  	v17 =	vsel vm0, $0x447FC000, v50;
	v14 =	vsel vm2, $0x100000, v19;
	v18 =	vsel vm0, $0x3FF, v18  }
0x113: {  	v16 =	vmul.f32 v17, v16;
	v15 =	vmul.f32 v17, v15;
	v13 =	vmax.f32 v13, $0.0e+00  }
0x114: {  	v19 =	vsel vm0, $0xA, v51;
	v14 =	vsel vm3, $0x0, v14;
	v13 =	vmin.f32 v13, $3.000000000e+00  }
0x115: {  	v16 =	vmax.f32 v16, $0.0e+00;
	v15 =	vmax.f32 v15, $0.0e+00;
	v21 =	vtrunc.f32 v13  }
0x116: {  	v16 =	vmin.f32 v17, v16;
	v15 =	vmin.f32 v17, v15;
	v53 =	vcvt.f32.s32 v21  }
0x117: {  	v23 =	vshll.u32 v19, $0x1;
	v20 =	vtrunc.f32 v16;
	v54 =	vtrunc.f32 v15  }
0x118: {  	v52 =	vcvt.f32.s32 v20;
	v24 =	vadd.s32 $0x1, v53;
	v25 =	vshll.u32 v53, v23  }
0x119: {  	v21 =	vcvt.f32.s32 v54;
	v63 =	vcvt.s32.f32 v53;
	vm14 =	vlt.s32 v24, $0x3  }
0x11a: {  	v25 =	vadd.s32 v14, v25;
	v22 =	vadd.s32 $0x1, v52;
	v17 =	vcvt.s32.f32 v52  }
0x11b: {  	v61 =	vcvt.s32.f32 v21;
	v13 =	vsub.f32 v13, v63;
	vm13 =	vlt.s32 v22, v18  }
0x11c: {  	v24 =	vnsel vm14, $0x3, v24;
	v22 =	vsel vm13, v22, v18;
	v16 =	vsub.f32 v16, v17  }
0x11d: {  	v23 =	vshll.u32 v24, v23;
	v15 =	vsub.f32 v15, v61;
	[tilespmem:s25+$0x9500] =	vst v13;
	v22 =	vshll.u32 v22, v19  }
0x11e: {  	v14 =	vadd.s32 v14, v23;
	v19 =	vshll.u32 v52, v19;
	v55 =	vadd.s32 v25, v22;
	[tilespmem:s25+$0x9300] =	vst v16  }
0x11f: {  	v26 =	vadd.s32 $0x1, v21;
	v27 =	vadd.s32 v19, v14;
	[tilespmem:s25+$0x9100] =	vst v15;
	v56 =	vadd.s32 v21, v55  }
0x120: {  	vm15 =	vlt.s32 v26, v18;
	v14 =	vadd.s32 v14, v22;
	v57 =	vadd.s32 v21, v27;
	[tilespmem:s25+$0x8A00] =	vst v56  }
0x121: {  	v18 =	vsel vm15, v26, v18;
	v19 =	vadd.s32 v25, v19;
	v58 =	vadd.s32 v21, v14;
	[tilespmem:s25+$0x8C00] =	vst v57  }
0x122: {  	v59 =	vadd.s32 v18, v19;
	[tilespmem:s25+$0x8E00] =	vst v58  }
0x123: {  	v60 =	vadd.s32 v18, v55;
	[tilespmem:s25+$0x8900] =	vst v59  }
0x124: {  	v62 =	vadd.s32 v18, v27;
	[tilespmem:s25+$0x8B00] =	vst v60  }
0x125: {  	v14 =	vadd.s32 v18, v14;
	[tilespmem:s25+$0x8D00] =	vst v62  }
0x126: {  	[tilespmem:s25+$0x8F00] =	vst v14;
	v14 =	vadd.s32 v21, v19  }
0x127: {  	s21 =	simm.s32 $0x8800;
	[tilespmem:s25+$0x8800] =	vst v14  }
0x128: {  	[tilespmem:s22], [sflag:$0x2] =	stream.indirect.gather [hbm4b:s3+s13], $0x10, s21, s13, $0xb8;
	[tilespmem:$0x1B600] =	vst v63  }
0x129: {  	s23 =	simm.s32 $0x8880;
	s21 =	simm.s32 $0x11E00  }
0x12a: {  	[tilespmem:s21], [sflag:$0x2] =	stream.indirect.gather [hbm4b:s3+s13], $0x10, s23, s13, $0xb8;
	[tilespmem:$0x1B600] =	vst v63  }
0x12b: {  	s24 =	simm.s32 $0x8900;
	s25 =	simm.s32 $0x12600  }
0x12c: {  	[tilespmem:s25], [sflag:$0x2] =	stream.indirect.gather [hbm4b:s3+s13], $0x10, s24, s13, $0xb8;
	[tilespmem:$0x1B600] =	vst v63  }
0x12d: {  	s21 =	simm.s32 $0x8980;
	s23 =	simm.s32 $0x12E00  }
0x12e: {  	[tilespmem:s23], [sflag:$0x2] =	stream.indirect.gather [hbm4b:s3+s13], $0x10, s21, s13, $0xb8;
	[tilespmem:$0x1B600] =	vst v63  }
0x12f: {  	s24 =	simm.s32 $0x8A00;
	s25 =	simm.s32 $0x13600  }
0x130: {  	[tilespmem:s25], [sflag:$0x2] =	stream.indirect.gather [hbm4b:s3+s13], $0x10, s24, s13, $0xb8;
	[tilespmem:$0x1B600] =	vst v63  }
0x131: {  	s21 =	simm.s32 $0x8A80;
	s23 =	simm.s32 $0x13E00  }
0x132: {  	[tilespmem:s23], [sflag:$0x2] =	stream.indirect.gather [hbm4b:s3+s13], $0x10, s21, s13, $0xb8;
	[tilespmem:$0x1B600] =	vst v63  }
0x133: {  	s24 =	simm.s32 $0x8B00;
	s25 =	simm.s32 $0x14600  }
0x134: {  	[tilespmem:s25], [sflag:$0x2] =	stream.indirect.gather [hbm4b:s3+s13], $0x10, s24, s13, $0xb8;
	[tilespmem:$0x1B600] =	vst v63  }
0x135: {  	s21 =	simm.s32 $0x8B80;
	s23 =	simm.s32 $0x14E00  }
0x136: {  	[tilespmem:s23], [sflag:$0x2] =	stream.indirect.gather [hbm4b:s3+s13], $0x10, s21, s13, $0xb8;
	[tilespmem:$0x1B600] =	vst v63  }
0x137: {  	s24 =	simm.s32 $0x8C00;
	s25 =	simm.s32 $0x15600  }
0x138: {  	[tilespmem:s25], [sflag:$0x2] =	stream.indirect.gather [hbm4b:s3+s13], $0x10, s24, s13, $0xb8;
	[tilespmem:$0x1B600] =	vst v63  }
0x139: {  	s21 =	simm.s32 $0x8C80;
	s23 =	simm.s32 $0x15E00  }
0x13a: {  	[tilespmem:s23], [sflag:$0x2] =	stream.indirect.gather [hbm4b:s3+s13], $0x10, s21, s13, $0xb8;
	[tilespmem:$0x1B600] =	vst v63  }
0x13b: {  	s24 =	simm.s32 $0x8D00;
	s25 =	simm.s32 $0x16600  }
0x13c: {  	[tilespmem:s25], [sflag:$0x2] =	stream.indirect.gather [hbm4b:s3+s13], $0x10, s24, s13, $0xb8;
	[tilespmem:$0x1B600] =	vst v63  }
0x13d: {  	s21 =	simm.s32 $0x8D80;
	s23 =	simm.s32 $0x16E00  }
0x13e: {  	[tilespmem:s23], [sflag:$0x2] =	stream.indirect.gather [hbm4b:s3+s13], $0x10, s21, s13, $0xb8;
	[tilespmem:$0x1B600] =	vst v63  }
0x13f: {  	s24 =	simm.s32 $0x8E00;
	s25 =	simm.s32 $0x17600  }
0x140: {  	[tilespmem:s25], [sflag:$0x2] =	stream.indirect.gather [hbm4b:s3+s13], $0x10, s24, s13, $0xb8;
	[tilespmem:$0x1B600] =	vst v63  }
0x141: {  	s23 =	simm.s32 $0x8E80;
	s24 =	simm.s32 $0x17E00  }
0x142: {  	[tilespmem:s24], [sflag:$0x2] =	stream.indirect.gather [hbm4b:s3+s13], $0x10, s23, s13, $0xb8;
	[tilespmem:$0x1B600] =	vst v63  }
0x143: {  	s25 =	simm.s32 $0x8F00  }
0x144: {  	[tilespmem:s26], [sflag:$0x2] =	stream.indirect.gather [hbm4b:s3+s13], $0x10, s25, s13, $0xb8;
	[tilespmem:$0x1B600] =	vst v63  }
0x145: {  	_ = 	snop  }
0x146: {  	[tilespmem:s29], [sflag:$0x2] =	stream.indirect.gather [hbm4b:s3+s13], $0x10, s28, s13, $0xb8;
	[tilespmem:$0x1B600] =	vst v63  }
0x147: {  	_ =	swait.ge [sflag:s30], $0x8000  }
0x148: {  	p0 =	seq.s32 s7, $0x0;
	[sflag:s30] =	ssyncset.done $0x0  }
0x149: {  	s20 =	simm.s32 @!p0 $0x3;
	[sflag:s30] =	ssyncadd.s32 $0xFFFF8000  }
0x14a: {  	s21 =	simm.s32 $0x9000;
	_ =	swait.ge @!p0 [sflag:s20], $0x1000  }
0x14b: {  	s23 =	simm.s32 $0x9200;
	s24 =	simm.s32 $0x9400;
	[sflag:s20] =	ssyncset.done @!p0 $0x0  }
0x14c: {  	s25 =	simm.s32 $0x19E00;
	[sflag:s20] =	ssyncadd.s32 @!p0 $0xFFFFF000;
	s20 =	simm.s32 $0x0  }
.LBB2_7:
0x14d: {  	v13 =	vmov s20  }
0x14e: {  	v24 =	vld [tilespmem:s23+$0x0];
	v22 =	vshll.u32 v13, $0x4  }
0x14f: {  	v26 =	vld [tilespmem:s24+$0x0];
	v14 =	vor.u32 v0, v22  }
0x150: {  	v15 =	vor.u32 v12, v22  }
0x151: {  	v28 =	vld [tilespmem:s21+$0x0]  }
0x152: {  	v16 =	vor.u32 v11, v22;
	_ =	sdelay $0x1  }
0x153: {  	v17 =	vor.u32 v10, v22;
	v20 =	vsub.f32 $1.000000000e+00, v24;
	v13 =	vsub.f32 $1.000000000e+00, v26;
	v25 =	vld.idx.msk [tilespmem:v14+s15+$0x0], $0xffff  }
0x154: {  	v27 =	vld.idx.msk [tilespmem:v15+s15+$0x0], $0xffff  }
0x155: {  	v21 =	vor.u32 v9, v22;
	v29 =	vsub.f32 $1.000000000e+00, v28;
	v19 =	vmul.f32 v13, v20  }
0x156: {  	v30 =	vmul.f32 v13, v24;
	v31 =	vld.idx.msk [tilespmem:v16+s15+$0x0], $0xffff  }
0x157: {  	v23 =	vor.u32 v8, v22;
	v18 =	vmul.f32 v19, v29;
	v19 =	vmul.f32 v19, v28  }
0x158: {  	v32 =	vld.idx.msk [tilespmem:v17+s15+$0x0], $0xffff;
	v13 =	vmul.f32 v30, v29  }
0x159: {  	v33 =	vmul.f32 v18, v25;
	v27 =	vmul.f32 v19, v27;
	v25 =	vor.u32 v7, v22  }
0x15a: {  	v34 =	vmul.f32 v20, v26;
	v53 =	vld.idx.msk [tilespmem:v21+s15+$0x0], $0xffff;
	v20 =	vmul.f32 v30, v28  }
0x15b: {  	v31 =	vmul.f32 v31, v13;
	v33 =	vadd.f32 v27, v33;
	v27 =	vor.u32 v6, v22  }
0x15c: {  	v35 =	vld.idx.msk [tilespmem:v23+s15+$0x0], $0xffff  }
0x15d: {  	v32 =	vmul.f32 v32, v20;
	v22 =	vmul.f32 v34, v29;
	v31 =	vadd.f32 v33, v31  }
0x15e: {  	v54 =	vmul.f32 v26, v24;
	v36 =	vld.idx.msk [tilespmem:v25+s15+$0x0], $0xffff  }
0x15f: {  	v24 =	vmul.f32 v34, v28;
	v30 =	vmul.f32 v53, v22;
	v31 =	vadd.f32 v31, v32  }
0x160: {  	v55 =	vld.idx.msk [tilespmem:v27+s15+$0x0], $0xffff  }
0x161: {  	v26 =	vmul.f32 v54, v29;
	v57 =	vmul.f32 v35, v24;
	v56 =	vadd.f32 v31, v30;
	_ =	sdelay $0x1  }
0x162: {  	v28 =	vmul.f32 v54, v28;
	v29 =	vadd.f32 v56, v57;
	v58 =	vmul.f32 v36, v26;
	_ =	sdelay $0x1  }
0x163: {  	v60 =	vor.u32 $0x1, v14;
	v29 =	vadd.f32 v29, v58;
	v59 =	vmul.f32 v55, v28  }
0x164: {  	v61 =	vor.u32 $0x1, v15  }
0x165: {  	v29 =	vadd.f32 v29, v59  }
0x166: {  	v62 =	vor.u32 $0x1, v16  }
0x167: {  	[tilespmem:s25+$0xFFFFF800] =	vst v29  }
0x168: {  	v63 =	vor.u32 $0x1, v17;
	v29 =	vld.idx.msk [tilespmem:v60+s15+$0x0], $0xffff  }
0x169: {  	v32 =	vld.idx.msk [tilespmem:v61+s15+$0x0], $0xffff  }
0x16a: {  	v36 =	vor.u32 $0x1, v21  }
0x16b: {  	v30 =	vld.idx.msk [tilespmem:v62+s15+$0x0], $0xffff  }
0x16c: {  	v37 =	vor.u32 $0x1, v23  }
0x16d: {  	v31 =	vld.idx.msk [tilespmem:v63+s15+$0x0], $0xffff  }
0x16e: {  	v38 =	vor.u32 $0x1, v25;
	v29 =	vmul.f32 v29, v18;
	v32 =	vmul.f32 v32, v19  }
0x16f: {  	v33 =	vld.idx.msk [tilespmem:v36+s15+$0x0], $0xffff  }
0x170: {  	v39 =	vor.u32 $0x1, v27;
	v30 =	vmul.f32 v30, v13;
	v29 =	vadd.f32 v32, v29  }
0x171: {  	v34 =	vld.idx.msk [tilespmem:v37+s15+$0x0], $0xffff  }
0x172: {  	v40 =	vmul.f32 v31, v20;
	v29 =	vadd.f32 v30, v29  }
0x173: {  	v41 =	vld.idx.msk [tilespmem:v38+s15+$0x0], $0xffff  }
0x174: {  	v42 =	vmul.f32 v33, v22;
	v29 =	vadd.f32 v40, v29  }
0x175: {  	v32 =	vld.idx.msk [tilespmem:v39+s15+$0x0], $0xffff  }
0x176: {  	v43 =	vmul.f32 v34, v24;
	v29 =	vadd.f32 v42, v29;
	_ =	sdelay $0x1  }
0x177: {  	v44 =	vmul.f32 v41, v26;
	v29 =	vadd.f32 v43, v29;
	_ =	sdelay $0x1  }
0x178: {  	v46 =	vor.u32 $0x2, v14;
	v45 =	vmul.f32 v32, v28;
	v29 =	vadd.f32 v44, v29  }
0x179: {  	v47 =	vor.u32 $0x2, v15  }
0x17a: {  	v29 =	vadd.f32 v45, v29  }
0x17b: {  	v48 =	vor.u32 $0x2, v16  }
0x17c: {  	[tilespmem:s25+$0xFFFFF900] =	vst v29  }
0x17d: {  	v49 =	vor.u32 $0x2, v17;
	v29 =	vld.idx.msk [tilespmem:v46+s15+$0x0], $0xffff  }
0x17e: {  	v32 =	vld.idx.msk [tilespmem:v47+s15+$0x0], $0xffff  }
0x17f: {  	v50 =	vor.u32 $0x2, v21  }
0x180: {  	v30 =	vld.idx.msk [tilespmem:v48+s15+$0x0], $0xffff  }
0x181: {  	v51 =	vor.u32 $0x2, v23  }
0x182: {  	v31 =	vld.idx.msk [tilespmem:v49+s15+$0x0], $0xffff  }
0x183: {  	v52 =	vor.u32 $0x2, v25;
	v29 =	vmul.f32 v29, v18;
	v32 =	vmul.f32 v32, v19  }
0x184: {  	v33 =	vld.idx.msk [tilespmem:v50+s15+$0x0], $0xffff  }
0x185: {  	v53 =	vor.u32 $0x2, v27;
	v30 =	vmul.f32 v30, v13;
	v29 =	vadd.f32 v32, v29  }
0x186: {  	v34 =	vld.idx.msk [tilespmem:v51+s15+$0x0], $0xffff  }
0x187: {  	v54 =	vmul.f32 v31, v20;
	v29 =	vadd.f32 v30, v29  }
0x188: {  	v55 =	vld.idx.msk [tilespmem:v52+s15+$0x0], $0xffff  }
0x189: {  	v56 =	vmul.f32 v33, v22;
	v29 =	vadd.f32 v54, v29  }
0x18a: {  	v32 =	vld.idx.msk [tilespmem:v53+s15+$0x0], $0xffff  }
0x18b: {  	v57 =	vmul.f32 v34, v24;
	v29 =	vadd.f32 v56, v29;
	_ =	sdelay $0x1  }
0x18c: {  	v58 =	vmul.f32 v55, v26;
	v29 =	vadd.f32 v57, v29;
	_ =	sdelay $0x1  }
0x18d: {  	v60 =	vor.u32 $0x3, v14;
	v59 =	vmul.f32 v32, v28;
	v29 =	vadd.f32 v58, v29  }
0x18e: {  	v61 =	vor.u32 $0x3, v15  }
0x18f: {  	v29 =	vadd.f32 v59, v29  }
0x190: {  	v62 =	vor.u32 $0x3, v16  }
0x191: {  	[tilespmem:s25+$0xFFFFFA00] =	vst v29  }
0x192: {  	v63 =	vor.u32 $0x3, v17;
	v29 =	vld.idx.msk [tilespmem:v60+s15+$0x0], $0xffff  }
0x193: {  	v32 =	vld.idx.msk [tilespmem:v61+s15+$0x0], $0xffff  }
0x194: {  	v36 =	vor.u32 $0x3, v21  }
0x195: {  	v30 =	vld.idx.msk [tilespmem:v62+s15+$0x0], $0xffff  }
0x196: {  	v37 =	vor.u32 $0x3, v23  }
0x197: {  	v31 =	vld.idx.msk [tilespmem:v63+s15+$0x0], $0xffff  }
0x198: {  	v38 =	vor.u32 $0x3, v25;
	v29 =	vmul.f32 v29, v18;
	v32 =	vmul.f32 v32, v19  }
0x199: {  	v33 =	vld.idx.msk [tilespmem:v36+s15+$0x0], $0xffff  }
0x19a: {  	v39 =	vor.u32 $0x3, v27;
	v30 =	vmul.f32 v30, v13;
	v29 =	vadd.f32 v32, v29  }
0x19b: {  	v34 =	vld.idx.msk [tilespmem:v37+s15+$0x0], $0xffff  }
0x19c: {  	v40 =	vmul.f32 v31, v20;
	v29 =	vadd.f32 v30, v29  }
0x19d: {  	v41 =	vld.idx.msk [tilespmem:v38+s15+$0x0], $0xffff  }
0x19e: {  	v42 =	vmul.f32 v33, v22;
	v29 =	vadd.f32 v40, v29  }
0x19f: {  	v32 =	vld.idx.msk [tilespmem:v39+s15+$0x0], $0xffff  }
0x1a0: {  	v43 =	vmul.f32 v34, v24;
	v29 =	vadd.f32 v42, v29;
	_ =	sdelay $0x1  }
0x1a1: {  	v44 =	vmul.f32 v41, v26;
	v29 =	vadd.f32 v43, v29;
	_ =	sdelay $0x1  }
0x1a2: {  	v46 =	vor.u32 $0x4, v14;
	v45 =	vmul.f32 v32, v28;
	v29 =	vadd.f32 v44, v29  }
0x1a3: {  	v47 =	vor.u32 $0x4, v15  }
0x1a4: {  	v29 =	vadd.f32 v45, v29  }
0x1a5: {  	v48 =	vor.u32 $0x4, v16  }
0x1a6: {  	[tilespmem:s25+$0xFFFFFB00] =	vst v29  }
0x1a7: {  	v49 =	vor.u32 $0x4, v17;
	v29 =	vld.idx.msk [tilespmem:v46+s15+$0x0], $0xffff  }
0x1a8: {  	v32 =	vld.idx.msk [tilespmem:v47+s15+$0x0], $0xffff  }
0x1a9: {  	v50 =	vor.u32 $0x4, v21  }
0x1aa: {  	v30 =	vld.idx.msk [tilespmem:v48+s15+$0x0], $0xffff  }
0x1ab: {  	v51 =	vor.u32 $0x4, v23  }
0x1ac: {  	v31 =	vld.idx.msk [tilespmem:v49+s15+$0x0], $0xffff  }
0x1ad: {  	v52 =	vor.u32 $0x4, v25;
	v29 =	vmul.f32 v29, v18;
	v32 =	vmul.f32 v32, v19  }
0x1ae: {  	v33 =	vld.idx.msk [tilespmem:v50+s15+$0x0], $0xffff  }
0x1af: {  	v53 =	vor.u32 $0x4, v27;
	v30 =	vmul.f32 v30, v13;
	v29 =	vadd.f32 v32, v29  }
0x1b0: {  	v34 =	vld.idx.msk [tilespmem:v51+s15+$0x0], $0xffff  }
0x1b1: {  	v54 =	vmul.f32 v31, v20;
	v29 =	vadd.f32 v30, v29  }
0x1b2: {  	v55 =	vld.idx.msk [tilespmem:v52+s15+$0x0], $0xffff  }
0x1b3: {  	v56 =	vmul.f32 v33, v22;
	v29 =	vadd.f32 v54, v29  }
0x1b4: {  	v32 =	vld.idx.msk [tilespmem:v53+s15+$0x0], $0xffff  }
0x1b5: {  	v57 =	vmul.f32 v34, v24;
	v29 =	vadd.f32 v56, v29;
	_ =	sdelay $0x1  }
0x1b6: {  	v58 =	vmul.f32 v55, v26;
	v29 =	vadd.f32 v57, v29;
	_ =	sdelay $0x1  }
0x1b7: {  	v60 =	vor.u32 $0x5, v14;
	v59 =	vmul.f32 v32, v28;
	v29 =	vadd.f32 v58, v29  }
0x1b8: {  	v61 =	vor.u32 $0x5, v15  }
0x1b9: {  	v29 =	vadd.f32 v59, v29  }
0x1ba: {  	v62 =	vor.u32 $0x5, v16  }
0x1bb: {  	[tilespmem:s25+$0xFFFFFC00] =	vst v29  }
0x1bc: {  	v63 =	vor.u32 $0x5, v17;
	v29 =	vld.idx.msk [tilespmem:v60+s15+$0x0], $0xffff  }
0x1bd: {  	v32 =	vld.idx.msk [tilespmem:v61+s15+$0x0], $0xffff  }
0x1be: {  	v36 =	vor.u32 $0x5, v21  }
0x1bf: {  	v30 =	vld.idx.msk [tilespmem:v62+s15+$0x0], $0xffff  }
0x1c0: {  	v37 =	vor.u32 $0x5, v23  }
0x1c1: {  	v31 =	vld.idx.msk [tilespmem:v63+s15+$0x0], $0xffff  }
0x1c2: {  	v38 =	vor.u32 $0x5, v25;
	v29 =	vmul.f32 v29, v18;
	v32 =	vmul.f32 v32, v19  }
0x1c3: {  	v33 =	vld.idx.msk [tilespmem:v36+s15+$0x0], $0xffff  }
0x1c4: {  	v39 =	vor.u32 $0x5, v27;
	v30 =	vmul.f32 v30, v13;
	v29 =	vadd.f32 v32, v29  }
0x1c5: {  	v34 =	vld.idx.msk [tilespmem:v37+s15+$0x0], $0xffff  }
0x1c6: {  	v40 =	vmul.f32 v31, v20;
	v29 =	vadd.f32 v30, v29  }
0x1c7: {  	v41 =	vld.idx.msk [tilespmem:v38+s15+$0x0], $0xffff  }
0x1c8: {  	v42 =	vmul.f32 v33, v22;
	v29 =	vadd.f32 v40, v29  }
0x1c9: {  	v32 =	vld.idx.msk [tilespmem:v39+s15+$0x0], $0xffff  }
0x1ca: {  	v43 =	vmul.f32 v34, v24;
	v29 =	vadd.f32 v42, v29;
	_ =	sdelay $0x1  }
0x1cb: {  	v44 =	vmul.f32 v41, v26;
	v29 =	vadd.f32 v43, v29;
	_ =	sdelay $0x1  }
0x1cc: {  	v46 =	vor.u32 $0x6, v14;
	v45 =	vmul.f32 v32, v28;
	v29 =	vadd.f32 v44, v29  }
0x1cd: {  	v47 =	vor.u32 $0x6, v15  }
0x1ce: {  	v29 =	vadd.f32 v45, v29  }
0x1cf: {  	v48 =	vor.u32 $0x6, v16  }
0x1d0: {  	[tilespmem:s25+$0xFFFFFD00] =	vst v29  }
0x1d1: {  	v49 =	vor.u32 $0x6, v17;
	v29 =	vld.idx.msk [tilespmem:v46+s15+$0x0], $0xffff  }
0x1d2: {  	v32 =	vld.idx.msk [tilespmem:v47+s15+$0x0], $0xffff  }
0x1d3: {  	v50 =	vor.u32 $0x6, v21  }
0x1d4: {  	v30 =	vld.idx.msk [tilespmem:v48+s15+$0x0], $0xffff  }
0x1d5: {  	v51 =	vor.u32 $0x6, v23  }
0x1d6: {  	v31 =	vld.idx.msk [tilespmem:v49+s15+$0x0], $0xffff  }
0x1d7: {  	v52 =	vor.u32 $0x6, v25;
	v29 =	vmul.f32 v29, v18;
	v32 =	vmul.f32 v32, v19  }
0x1d8: {  	v33 =	vld.idx.msk [tilespmem:v50+s15+$0x0], $0xffff  }
0x1d9: {  	v53 =	vor.u32 $0x6, v27;
	v30 =	vmul.f32 v30, v13;
	v29 =	vadd.f32 v32, v29  }
0x1da: {  	v34 =	vld.idx.msk [tilespmem:v51+s15+$0x0], $0xffff  }
0x1db: {  	v54 =	vmul.f32 v31, v20;
	v29 =	vadd.f32 v30, v29  }
0x1dc: {  	v55 =	vld.idx.msk [tilespmem:v52+s15+$0x0], $0xffff  }
0x1dd: {  	v56 =	vmul.f32 v33, v22;
	v29 =	vadd.f32 v54, v29  }
0x1de: {  	v32 =	vld.idx.msk [tilespmem:v53+s15+$0x0], $0xffff  }
0x1df: {  	v57 =	vmul.f32 v34, v24;
	v29 =	vadd.f32 v56, v29;
	_ =	sdelay $0x1  }
0x1e0: {  	v58 =	vmul.f32 v55, v26;
	v29 =	vadd.f32 v57, v29;
	_ =	sdelay $0x1  }
0x1e1: {  	v60 =	vor.u32 $0x7, v14;
	v59 =	vmul.f32 v32, v28;
	v29 =	vadd.f32 v58, v29  }
0x1e2: {  	v61 =	vor.u32 $0x7, v15  }
0x1e3: {  	v29 =	vadd.f32 v59, v29  }
0x1e4: {  	v62 =	vor.u32 $0x7, v16  }
0x1e5: {  	[tilespmem:s25+$0xFFFFFE00] =	vst v29  }
0x1e6: {  	v63 =	vor.u32 $0x7, v17;
	v29 =	vld.idx.msk [tilespmem:v60+s15+$0x0], $0xffff  }
0x1e7: {  	v32 =	vld.idx.msk [tilespmem:v61+s15+$0x0], $0xffff  }
0x1e8: {  	v36 =	vor.u32 $0x7, v21  }
0x1e9: {  	v30 =	vld.idx.msk [tilespmem:v62+s15+$0x0], $0xffff  }
0x1ea: {  	v37 =	vor.u32 $0x7, v23  }
0x1eb: {  	v31 =	vld.idx.msk [tilespmem:v63+s15+$0x0], $0xffff  }
0x1ec: {  	v38 =	vor.u32 $0x7, v25;
	v29 =	vmul.f32 v29, v18;
	v32 =	vmul.f32 v32, v19  }
0x1ed: {  	v33 =	vld.idx.msk [tilespmem:v36+s15+$0x0], $0xffff  }
0x1ee: {  	v39 =	vor.u32 $0x7, v27;
	v30 =	vmul.f32 v30, v13;
	v29 =	vadd.f32 v32, v29  }
0x1ef: {  	v34 =	vld.idx.msk [tilespmem:v37+s15+$0x0], $0xffff  }
0x1f0: {  	v40 =	vmul.f32 v31, v20;
	v29 =	vadd.f32 v30, v29  }
0x1f1: {  	v41 =	vld.idx.msk [tilespmem:v38+s15+$0x0], $0xffff  }
0x1f2: {  	v42 =	vmul.f32 v33, v22;
	v29 =	vadd.f32 v40, v29  }
0x1f3: {  	v32 =	vld.idx.msk [tilespmem:v39+s15+$0x0], $0xffff  }
0x1f4: {  	v43 =	vmul.f32 v34, v24;
	v29 =	vadd.f32 v42, v29;
	_ =	sdelay $0x1  }
0x1f5: {  	v44 =	vmul.f32 v41, v26;
	v29 =	vadd.f32 v43, v29;
	_ =	sdelay $0x1  }
0x1f6: {  	v46 =	vor.u32 $0x8, v14;
	v45 =	vmul.f32 v32, v28;
	v29 =	vadd.f32 v44, v29  }
0x1f7: {  	v47 =	vor.u32 $0x8, v15  }
0x1f8: {  	v29 =	vadd.f32 v45, v29  }
0x1f9: {  	v48 =	vor.u32 $0x8, v16  }
0x1fa: {  	[tilespmem:s25+$0xFFFFFF00] =	vst v29  }
0x1fb: {  	v49 =	vor.u32 $0x8, v17;
	v29 =	vld.idx.msk [tilespmem:v46+s15+$0x0], $0xffff  }
0x1fc: {  	v32 =	vld.idx.msk [tilespmem:v47+s15+$0x0], $0xffff  }
0x1fd: {  	v50 =	vor.u32 $0x8, v21  }
0x1fe: {  	v30 =	vld.idx.msk [tilespmem:v48+s15+$0x0], $0xffff  }
0x1ff: {  	v51 =	vor.u32 $0x8, v23  }
0x200: {  	v31 =	vld.idx.msk [tilespmem:v49+s15+$0x0], $0xffff  }
0x201: {  	v52 =	vor.u32 $0x8, v25;
	v29 =	vmul.f32 v29, v18;
	v32 =	vmul.f32 v32, v19  }
0x202: {  	v33 =	vld.idx.msk [tilespmem:v50+s15+$0x0], $0xffff  }
0x203: {  	v53 =	vor.u32 $0x8, v27;
	v30 =	vmul.f32 v30, v13;
	v29 =	vadd.f32 v32, v29  }
0x204: {  	v34 =	vld.idx.msk [tilespmem:v51+s15+$0x0], $0xffff  }
0x205: {  	v54 =	vmul.f32 v31, v20;
	v29 =	vadd.f32 v30, v29  }
0x206: {  	v55 =	vld.idx.msk [tilespmem:v52+s15+$0x0], $0xffff  }
0x207: {  	v56 =	vmul.f32 v33, v22;
	v29 =	vadd.f32 v54, v29  }
0x208: {  	v32 =	vld.idx.msk [tilespmem:v53+s15+$0x0], $0xffff  }
0x209: {  	v57 =	vmul.f32 v34, v24;
	v29 =	vadd.f32 v56, v29;
	_ =	sdelay $0x1  }
0x20a: {  	v58 =	vmul.f32 v55, v26;
	v29 =	vadd.f32 v57, v29;
	_ =	sdelay $0x1  }
0x20b: {  	v60 =	vor.u32 $0x9, v14;
	v59 =	vmul.f32 v32, v28;
	v29 =	vadd.f32 v58, v29  }
0x20c: {  	v61 =	vor.u32 $0x9, v15  }
0x20d: {  	v29 =	vadd.f32 v59, v29  }
0x20e: {  	v62 =	vor.u32 $0x9, v16  }
0x20f: {  	[tilespmem:s25+$0x0] =	vst v29  }
0x210: {  	v63 =	vor.u32 $0x9, v17;
	v29 =	vld.idx.msk [tilespmem:v60+s15+$0x0], $0xffff  }
0x211: {  	v32 =	vld.idx.msk [tilespmem:v61+s15+$0x0], $0xffff  }
0x212: {  	v36 =	vor.u32 $0x9, v21  }
0x213: {  	v30 =	vld.idx.msk [tilespmem:v62+s15+$0x0], $0xffff  }
0x214: {  	v37 =	vor.u32 $0x9, v23  }
0x215: {  	v31 =	vld.idx.msk [tilespmem:v63+s15+$0x0], $0xffff  }
0x216: {  	v38 =	vor.u32 $0x9, v25;
	v29 =	vmul.f32 v29, v18;
	v32 =	vmul.f32 v32, v19  }
0x217: {  	v33 =	vld.idx.msk [tilespmem:v36+s15+$0x0], $0xffff  }
0x218: {  	v39 =	vor.u32 $0x9, v27;
	v30 =	vmul.f32 v30, v13;
	v29 =	vadd.f32 v32, v29  }
0x219: {  	v34 =	vld.idx.msk [tilespmem:v37+s15+$0x0], $0xffff  }
0x21a: {  	v40 =	vmul.f32 v31, v20;
	v29 =	vadd.f32 v30, v29  }
0x21b: {  	v41 =	vld.idx.msk [tilespmem:v38+s15+$0x0], $0xffff  }
0x21c: {  	v42 =	vmul.f32 v33, v22;
	v29 =	vadd.f32 v40, v29  }
0x21d: {  	v32 =	vld.idx.msk [tilespmem:v39+s15+$0x0], $0xffff  }
0x21e: {  	v43 =	vmul.f32 v34, v24;
	v29 =	vadd.f32 v42, v29;
	_ =	sdelay $0x1  }
0x21f: {  	v44 =	vmul.f32 v41, v26;
	v29 =	vadd.f32 v43, v29;
	_ =	sdelay $0x1  }
0x220: {  	v46 =	vor.u32 $0xA, v14;
	v45 =	vmul.f32 v32, v28;
	v29 =	vadd.f32 v44, v29  }
0x221: {  	v47 =	vor.u32 $0xA, v15  }
0x222: {  	v29 =	vadd.f32 v45, v29  }
0x223: {  	v48 =	vor.u32 $0xA, v16  }
0x224: {  	[tilespmem:s25+$0x100] =	vst v29  }
0x225: {  	v49 =	vor.u32 $0xA, v17;
	v29 =	vld.idx.msk [tilespmem:v46+s15+$0x0], $0xffff  }
0x226: {  	v32 =	vld.idx.msk [tilespmem:v47+s15+$0x0], $0xffff  }
0x227: {  	v50 =	vor.u32 $0xA, v21  }
0x228: {  	v30 =	vld.idx.msk [tilespmem:v48+s15+$0x0], $0xffff  }
0x229: {  	v51 =	vor.u32 $0xA, v23  }
0x22a: {  	v31 =	vld.idx.msk [tilespmem:v49+s15+$0x0], $0xffff  }
0x22b: {  	v52 =	vor.u32 $0xA, v25;
	v29 =	vmul.f32 v29, v18;
	v32 =	vmul.f32 v32, v19  }
0x22c: {  	v33 =	vld.idx.msk [tilespmem:v50+s15+$0x0], $0xffff  }
0x22d: {  	v53 =	vor.u32 $0xA, v27;
	v30 =	vmul.f32 v30, v13;
	v29 =	vadd.f32 v32, v29  }
0x22e: {  	v34 =	vld.idx.msk [tilespmem:v51+s15+$0x0], $0xffff  }
0x22f: {  	v54 =	vmul.f32 v31, v20;
	v29 =	vadd.f32 v30, v29  }
0x230: {  	v55 =	vld.idx.msk [tilespmem:v52+s15+$0x0], $0xffff  }
0x231: {  	v56 =	vmul.f32 v33, v22;
	v29 =	vadd.f32 v54, v29  }
0x232: {  	v32 =	vld.idx.msk [tilespmem:v53+s15+$0x0], $0xffff  }
0x233: {  	v57 =	vmul.f32 v34, v24;
	v29 =	vadd.f32 v56, v29;
	_ =	sdelay $0x1  }
0x234: {  	v58 =	vmul.f32 v55, v26;
	v29 =	vadd.f32 v57, v29;
	_ =	sdelay $0x1  }
0x235: {  	v60 =	vor.u32 $0xB, v14;
	v59 =	vmul.f32 v32, v28;
	v29 =	vadd.f32 v58, v29  }
0x236: {  	v61 =	vor.u32 $0xB, v15  }
0x237: {  	v29 =	vadd.f32 v59, v29  }
0x238: {  	v62 =	vor.u32 $0xB, v16  }
0x239: {  	[tilespmem:s25+$0x200] =	vst v29  }
0x23a: {  	v63 =	vor.u32 $0xB, v17;
	v29 =	vld.idx.msk [tilespmem:v60+s15+$0x0], $0xffff  }
0x23b: {  	v32 =	vld.idx.msk [tilespmem:v61+s15+$0x0], $0xffff  }
0x23c: {  	v36 =	vor.u32 $0xB, v21  }
0x23d: {  	v30 =	vld.idx.msk [tilespmem:v62+s15+$0x0], $0xffff  }
0x23e: {  	v37 =	vor.u32 $0xB, v23  }
0x23f: {  	v31 =	vld.idx.msk [tilespmem:v63+s15+$0x0], $0xffff  }
0x240: {  	v38 =	vor.u32 $0xB, v25;
	v29 =	vmul.f32 v29, v18;
	v32 =	vmul.f32 v32, v19  }
0x241: {  	v33 =	vld.idx.msk [tilespmem:v36+s15+$0x0], $0xffff  }
0x242: {  	v39 =	vor.u32 $0xB, v27;
	v30 =	vmul.f32 v30, v13;
	v29 =	vadd.f32 v32, v29  }
0x243: {  	v34 =	vld.idx.msk [tilespmem:v37+s15+$0x0], $0xffff  }
0x244: {  	v40 =	vmul.f32 v31, v20;
	v29 =	vadd.f32 v30, v29  }
0x245: {  	v41 =	vld.idx.msk [tilespmem:v38+s15+$0x0], $0xffff  }
0x246: {  	v42 =	vmul.f32 v33, v22;
	v29 =	vadd.f32 v40, v29  }
0x247: {  	v32 =	vld.idx.msk [tilespmem:v39+s15+$0x0], $0xffff  }
0x248: {  	v43 =	vmul.f32 v34, v24;
	v29 =	vadd.f32 v42, v29;
	_ =	sdelay $0x1  }
0x249: {  	v44 =	vmul.f32 v41, v26;
	v29 =	vadd.f32 v43, v29;
	_ =	sdelay $0x1  }
0x24a: {  	v46 =	vor.u32 $0xC, v14;
	v45 =	vmul.f32 v32, v28;
	v29 =	vadd.f32 v44, v29  }
0x24b: {  	v47 =	vor.u32 $0xC, v15  }
0x24c: {  	v29 =	vadd.f32 v45, v29  }
0x24d: {  	v48 =	vor.u32 $0xC, v16  }
0x24e: {  	[tilespmem:s25+$0x300] =	vst v29  }
0x24f: {  	v49 =	vor.u32 $0xC, v17;
	v29 =	vld.idx.msk [tilespmem:v46+s15+$0x0], $0xffff  }
0x250: {  	v32 =	vld.idx.msk [tilespmem:v47+s15+$0x0], $0xffff  }
0x251: {  	v50 =	vor.u32 $0xC, v21  }
0x252: {  	v30 =	vld.idx.msk [tilespmem:v48+s15+$0x0], $0xffff  }
0x253: {  	v51 =	vor.u32 $0xC, v23  }
0x254: {  	v31 =	vld.idx.msk [tilespmem:v49+s15+$0x0], $0xffff  }
0x255: {  	v52 =	vor.u32 $0xC, v25;
	v29 =	vmul.f32 v29, v18;
	v32 =	vmul.f32 v32, v19  }
0x256: {  	v33 =	vld.idx.msk [tilespmem:v50+s15+$0x0], $0xffff  }
0x257: {  	v53 =	vor.u32 $0xC, v27;
	v30 =	vmul.f32 v30, v13;
	v29 =	vadd.f32 v32, v29  }
0x258: {  	v34 =	vld.idx.msk [tilespmem:v51+s15+$0x0], $0xffff  }
0x259: {  	v54 =	vmul.f32 v31, v20;
	v29 =	vadd.f32 v30, v29  }
0x25a: {  	v55 =	vld.idx.msk [tilespmem:v52+s15+$0x0], $0xffff  }
0x25b: {  	v56 =	vmul.f32 v33, v22;
	v29 =	vadd.f32 v54, v29  }
0x25c: {  	v32 =	vld.idx.msk [tilespmem:v53+s15+$0x0], $0xffff  }
0x25d: {  	v57 =	vmul.f32 v34, v24;
	v29 =	vadd.f32 v56, v29;
	_ =	sdelay $0x1  }
0x25e: {  	v58 =	vmul.f32 v55, v26;
	v29 =	vadd.f32 v57, v29;
	_ =	sdelay $0x1  }
0x25f: {  	v60 =	vor.u32 $0xD, v14;
	v59 =	vmul.f32 v32, v28;
	v29 =	vadd.f32 v58, v29  }
0x260: {  	v61 =	vor.u32 $0xD, v15  }
0x261: {  	v29 =	vadd.f32 v59, v29  }
0x262: {  	v62 =	vor.u32 $0xD, v16  }
0x263: {  	[tilespmem:s25+$0x400] =	vst v29  }
0x264: {  	v63 =	vor.u32 $0xD, v17;
	v29 =	vld.idx.msk [tilespmem:v60+s15+$0x0], $0xffff  }
0x265: {  	v32 =	vld.idx.msk [tilespmem:v61+s15+$0x0], $0xffff  }
0x266: {  	v36 =	vor.u32 $0xD, v21  }
0x267: {  	v30 =	vld.idx.msk [tilespmem:v62+s15+$0x0], $0xffff  }
0x268: {  	v37 =	vor.u32 $0xD, v23  }
0x269: {  	v31 =	vld.idx.msk [tilespmem:v63+s15+$0x0], $0xffff  }
0x26a: {  	v38 =	vor.u32 $0xD, v25;
	v29 =	vmul.f32 v29, v18;
	v32 =	vmul.f32 v32, v19  }
0x26b: {  	v33 =	vld.idx.msk [tilespmem:v36+s15+$0x0], $0xffff  }
0x26c: {  	v39 =	vor.u32 $0xD, v27;
	v30 =	vmul.f32 v30, v13;
	v29 =	vadd.f32 v32, v29  }
0x26d: {  	v34 =	vld.idx.msk [tilespmem:v37+s15+$0x0], $0xffff  }
0x26e: {  	v40 =	vmul.f32 v31, v20;
	v29 =	vadd.f32 v30, v29  }
0x26f: {  	v41 =	vld.idx.msk [tilespmem:v38+s15+$0x0], $0xffff  }
0x270: {  	v42 =	vmul.f32 v33, v22;
	v29 =	vadd.f32 v40, v29  }
0x271: {  	v32 =	vld.idx.msk [tilespmem:v39+s15+$0x0], $0xffff  }
0x272: {  	v43 =	vmul.f32 v34, v24;
	v29 =	vadd.f32 v42, v29;
	_ =	sdelay $0x1  }
0x273: {  	v44 =	vmul.f32 v41, v26;
	v29 =	vadd.f32 v43, v29;
	_ =	sdelay $0x1  }
0x274: {  	v46 =	vor.u32 $0xE, v14;
	v45 =	vmul.f32 v32, v28;
	v29 =	vadd.f32 v44, v29  }
0x275: {  	v47 =	vor.u32 $0xE, v15  }
0x276: {  	v29 =	vadd.f32 v45, v29  }
0x277: {  	v48 =	vor.u32 $0xE, v16  }
0x278: {  	[tilespmem:s25+$0x500] =	vst v29  }
0x279: {  	v49 =	vor.u32 $0xE, v17;
	v29 =	vld.idx.msk [tilespmem:v46+s15+$0x0], $0xffff  }
0x27a: {  	v32 =	vld.idx.msk [tilespmem:v47+s15+$0x0], $0xffff  }
0x27b: {  	v50 =	vor.u32 $0xE, v21  }
0x27c: {  	v30 =	vld.idx.msk [tilespmem:v48+s15+$0x0], $0xffff  }
0x27d: {  	v51 =	vor.u32 $0xE, v23  }
0x27e: {  	v31 =	vld.idx.msk [tilespmem:v49+s15+$0x0], $0xffff  }
0x27f: {  	v52 =	vor.u32 $0xE, v25;
	v29 =	vmul.f32 v29, v18;
	v32 =	vmul.f32 v32, v19  }
0x280: {  	v33 =	vld.idx.msk [tilespmem:v50+s15+$0x0], $0xffff  }
0x281: {  	v53 =	vor.u32 $0xE, v27;
	v30 =	vmul.f32 v30, v13;
	v29 =	vadd.f32 v32, v29  }
0x282: {  	v34 =	vld.idx.msk [tilespmem:v51+s15+$0x0], $0xffff  }
0x283: {  	v54 =	vmul.f32 v31, v20;
	v29 =	vadd.f32 v30, v29  }
0x284: {  	v55 =	vld.idx.msk [tilespmem:v52+s15+$0x0], $0xffff  }
0x285: {  	v56 =	vmul.f32 v33, v22;
	v29 =	vadd.f32 v54, v29  }
0x286: {  	v32 =	vld.idx.msk [tilespmem:v53+s15+$0x0], $0xffff  }
0x287: {  	v57 =	vmul.f32 v34, v24;
	v29 =	vadd.f32 v56, v29;
	_ =	sdelay $0x1  }
0x288: {  	v58 =	vmul.f32 v55, v26;
	v29 =	vadd.f32 v57, v29;
	_ =	sdelay $0x1  }
0x289: {  	v14 =	vor.u32 $0xF, v14;
	v59 =	vmul.f32 v32, v28;
	v29 =	vadd.f32 v58, v29  }
0x28a: {  	v15 =	vor.u32 $0xF, v15  }
0x28b: {  	v29 =	vadd.f32 v59, v29  }
0x28c: {  	v16 =	vor.u32 $0xF, v16  }
0x28d: {  	[tilespmem:s25+$0x600] =	vst v29  }
0x28e: {  	v17 =	vor.u32 $0xF, v17;
	v14 =	vld.idx.msk [tilespmem:v14+s15+$0x0], $0xffff  }
0x28f: {  	v15 =	vld.idx.msk [tilespmem:v15+s15+$0x0], $0xffff  }
0x290: {  	v21 =	vor.u32 $0xF, v21  }
0x291: {  	v16 =	vld.idx.msk [tilespmem:v16+s15+$0x0], $0xffff  }
0x292: {  	v23 =	vor.u32 $0xF, v23  }
0x293: {  	v17 =	vld.idx.msk [tilespmem:v17+s15+$0x0], $0xffff  }
0x294: {  	v60 =	vor.u32 $0xF, v25;
	v14 =	vmul.f32 v14, v18;
	v15 =	vmul.f32 v15, v19  }
0x295: {  	v61 =	vld.idx.msk [tilespmem:v21+s15+$0x0], $0xffff  }
0x296: {  	v13 =	vmul.f32 v16, v13;
	v14 =	vadd.f32 v15, v14;
	v15 =	vor.u32 $0xF, v27  }
0x297: {  	v62 =	vld.idx.msk [tilespmem:v23+s15+$0x0], $0xffff  }
0x298: {  	v13 =	vadd.f32 v13, v14;
	v14 =	vmul.f32 v17, v20  }
0x299: {  	v63 =	vld.idx.msk [tilespmem:v60+s15+$0x0], $0xffff  }
0x29a: {  	v13 =	vadd.f32 v14, v13;
	v14 =	vmul.f32 v61, v22  }
0x29b: {  	v15 =	vld.idx.msk [tilespmem:v15+s15+$0x0], $0xffff  }
0x29c: {  	v13 =	vadd.f32 v14, v13;
	v14 =	vmul.f32 v62, v24;
	_ =	sdelay $0x1  }
0x29d: {  	v13 =	vadd.f32 v14, v13;
	v14 =	vmul.f32 v63, v26  }
0x29e: {  	p1 =	sne.s32 s20, $0xF0  }
.Ltmp2:
0x29f: {  	v13 =	vadd.f32 v14, v13;
	v14 =	vmul.f32 v15, v28;
	(pc) =	sbr.rel @p1 .LBB2_7-.Ltmp2, $4  }
0x2a0: {  	_ = 	snop  }
0x2a1: {  	v13 =	vadd.f32 v14, v13  }
0x2a2: {  	s21 =	sadd.s32 $0x10, s21;
	s23 =	sadd.s32 $0x10, s23  }
0x2a3: {  	s24 =	sadd.s32 $0x10, s24;
	s20 =	sadd.s32 $0x10, s20;
	[tilespmem:s25+$0x700] =	vst v13;
	s25 =	sadd.s32 $0x10, s25  }
0x2a4: {  	p1 =	sne.s32 s7, $0xF  }
.Ltmp3:
0x2a5: {  	_ = 	snop;
	(pc) =	sbr.rel @p1 .LBB2_10-.Ltmp3, $4  }
0x2a6: {  	s19 =	sor.u32 s5, s19  }
0x2a7: {  	s19 =	sshrl.u32 s19, $0x3  }
0x2a8: {  	s19 =	sadd.s32 s4, s19  }
0x2a9: {  	[hbm4b:s19+s31] =	stream.strided.scatter [tilespmem:s2], [sflag:$0x3], $0x1000, s0, s31, $0x38;
	[tilespmem:$0x1B600] =	vst v63  }
.Ltmp4:
0x2aa: {  	(pc) =	sbr.rel .LBB2_13-.Ltmp4, $4  }
0x2ab: {  	_ = 	snop  }
0x2ac: {  	_ =	swait.ge [sflag:s11], $0x8000  }
0x2ad: {  	[sflag:s11] =	ssyncset.done $0x0  }
0x2ae: {  	[sflag:s11] =	ssyncadd.s32 $0xFFFF8000  }
.LBB2_10:
0x2af: {  	v13 =	vmov s17  }
0x2b0: {  	v13 =	vshll.u32 v13, $0x1  }
0x2b1: {  	v13 =	vor.u32 v1, v13  }
0x2b2: {  	v14 =	vor.u32 $0x1, v13  }
0x2b3: {  	s25 =	sadd.s32 $0x0, s14  }
0x2b4: {  	s19 =	sadd.s32 $0x0, s16;
	v16 =	vld [tilespmem:s25+$0x0]  }
0x2b5: {  	v15 =	vld [tilespmem:s19+$0x0]  }
0x2b6: {  	v13 =	vld.idx.msk [tilespmem:v13+s1+$0x0], $0xffff  }
0x2b7: {  	v14 =	vld.idx.msk [tilespmem:v14+s1+$0x0], $0xffff;
	_ =	sdelay $0x1  }
0x2b8: {  	v16 =	vadd.f32 $1.000000000e+00, v16  }
0x2b9: {  	vm0 =	veq.s32 v15, $0x2;
	vm1 =	veq.s32 v15, $0x3  }
0x2ba: {  	vm2 =	veq.s32 v15, $0x1;
	vm3 =	veq.s32 v15, $0x0;
	v16 =	vmul.f32 $1.500000000e+00, v16  }
0x2bb: {  	v17 =	vsel vm1, $0x437F0000, v3;
	v13 =	vadd.f32 $1.000000000e+00, v13;
	v14 =	vadd.f32 $1.000000000e+00, v14  }
0x2bc: {  	v18 =	vsel vm1, $0xFF, v4;
	v19 =	vsel vm0, $0x200000, v2;
	v16 =	vmax.f32 v16, $0.0e+00  }
0x2bd: {  	v16 =	vmin.f32 v16, $3.000000000e+00;
	v13 =	vmul.f32 $5.000000000e-01, v13;
	v14 =	vmul.f32 $5.000000000e-01, v14  }
0x2be: {  	v20 =	vsel vm1, $0x8, v5;
	v17 =	vsel vm0, $0x447FC000, v17;
	v56 =	vtrunc.f32 v16  }
0x2bf: {  	v15 =	vsel vm2, $0x100000, v19;
	v13 =	vmul.f32 v17, v13;
	v14 =	vmul.f32 v17, v14  }
0x2c0: {  	v20 =	vsel vm0, $0xA, v20;
	v15 =	vsel vm3, $0x0, v15;
	v19 =	vcvt.f32.s32 v56  }
0x2c1: {  	v22 =	vshll.u32 v20, $0x1;
	v13 =	vmax.f32 v13, $0.0e+00;
	v14 =	vmax.f32 v14, $0.0e+00  }
0x2c2: {  	v23 =	vcvt.s32.f32 v19;
	v13 =	vmin.f32 v17, v13;
	v14 =	vmin.f32 v17, v14  }
0x2c3: {  	v24 =	vadd.s32 $0x1, v19;
	v17 =	vtrunc.f32 v13;
	v21 =	vtrunc.f32 v14  }
0x2c4: {  	v19 =	vshll.u32 v19, v22;
	v17 =	vcvt.f32.s32 v17;
	v21 =	vcvt.f32.s32 v21  }
0x2c5: {  	v18 =	vsel vm0, $0x3FF, v18;
	vm13 =	vlt.s32 v24, $0x3;
	v19 =	vadd.s32 v15, v19  }
0x2c6: {  	v16 =	vsub.f32 v16, v23;
	v61 =	vcvt.s32.f32 v17;
	v26 =	vadd.s32 $0x1, v21  }
0x2c7: {  	v27 =	vshll.u32 v21, v20;
	v21 =	vcvt.s32.f32 v21;
	vm14 =	vlt.s32 v26, v18  }
0x2c8: {  	s19 =	simm.s32 $0x0;
	v25 =	vadd.s32 $0x1, v17;
	v63 =	vsub.f32 v13, v61;
	v26 =	vsel vm14, v26, v18  }
0x2c9: {  	[tilespmem:s19+$0x9400] =	vst v16;
	vm15 =	vlt.s32 v25, v18;
	v14 =	vsub.f32 v14, v21;
	v20 =	vshll.u32 v26, v20  }
0x2ca: {  	v57 =	vnsel vm13, $0x3, v24;
	v18 =	vsel vm15, v25, v18;
	[tilespmem:s19+$0x9000] =	vst v63;
	v58 =	vadd.s32 v19, v20  }
0x2cb: {  	s20 =	sadd.s32 $0x10, s17;
	v22 =	vshll.u32 v57, v22;
	v19 =	vadd.s32 v19, v27;
	[tilespmem:s19+$0x9200] =	vst v14;
	v16 =	vadd.s32 v18, v58  }
0x2cc: {  	v62 =	vmov s20;
	v15 =	vadd.s32 v15, v22;
	v59 =	vadd.s32 v18, v19;
	[tilespmem:s19+$0x8300] =	vst v16  }
0x2cd: {  	v19 =	vadd.s32 v17, v19;
	v16 =	vadd.s32 v15, v20;
	[tilespmem:s19+$0x8100] =	vst v59;
	v15 =	vadd.s32 v27, v15  }
0x2ce: {  	[tilespmem:s19+$0x8000] =	vst v19;
	v20 =	vadd.s32 v17, v16;
	v60 =	vadd.s32 v17, v15;
	v17 =	vadd.s32 v17, v58  }
0x2cf: {  	[tilespmem:s19+$0x8200] =	vst v17;
	v17 =	vshll.u32 v62, $0x1  }
0x2d0: {  	[tilespmem:s19+$0x8600] =	vst v20;
	v13 =	vor.u32 v1, v17  }
0x2d1: {  	v15 =	vadd.s32 v18, v15;
	[tilespmem:s19+$0x8400] =	vst v60  }
0x2d2: {  	s21 =	simm.s32 $0x80;
	s24 =	simm.s32 $0x10;
	[tilespmem:s19+$0x8500] =	vst v15;
	v15 =	vadd.s32 v18, v16;
	v14 =	vor.u32 $0x1, v13  }
.LBB2_11:
0x2d3: {  	p1 =	sne.s32 s21, $0x3C0;
	s23 =	sadd.s32 s24, s16;
	s20 =	sadd.s32 $0x10, s20;
	[tilespmem:s19+$0x8700] =	vst v15  }
0x2d4: {  	s19 =	smov.u32 s24;
	v15 =	vld [tilespmem:s23+$0x0];
	s23 =	smov.u32 s21;
	s21 =	sadd.s32 $0x40, s21  }
0x2d5: {  	v16 =	vld.idx.msk [tilespmem:v13+s1+$0x0], $0xffff;
	_ =	sdelay $0x1  }
0x2d6: {  	s24 =	sadd.s32 s19, s14;
	v17 =	vld.idx.msk [tilespmem:v14+s1+$0x0], $0xffff  }
0x2d7: {  	v13 =	vmov s20;
	v18 =	vld [tilespmem:s24+$0x0]  }
0x2d8: {  	v13 =	vshll.u32 v13, $0x1;
	vm0 =	veq.s32 v15, $0x2;
	vm1 =	veq.s32 v15, $0x3  }
0x2d9: {  	v13 =	vor.u32 v1, v13;
	vm2 =	veq.s32 v15, $0x1;
	v19 =	vsel vm1, $0xFF, v4  }
0x2da: {  	v14 =	vor.u32 $0x1, v13;
	v20 =	vsel vm0, $0x200000, v2;
	v16 =	vadd.f32 $1.000000000e+00, v16  }
0x2db: {  	vm3 =	veq.s32 v15, $0x0;
	v15 =	vsel vm2, $0x100000, v20;
	v19 =	vsel vm0, $0x3FF, v19  }
0x2dc: {  	v15 =	vsel vm3, $0x0, v15;
	v17 =	vadd.f32 $1.000000000e+00, v17;
	v18 =	vadd.f32 $1.000000000e+00, v18  }
0x2dd: {  	v21 =	vsel vm1, $0x8, v5;
	v20 =	vsel vm1, $0x437F0000, v3;
	v16 =	vmul.f32 $5.000000000e-01, v16  }
0x2de: {  	v20 =	vsel vm0, $0x447FC000, v20;
	v17 =	vmul.f32 $5.000000000e-01, v17;
	v18 =	vmul.f32 $1.500000000e+00, v18  }
0x2df: {  	v21 =	vsel vm0, $0xA, v21;
	v16 =	vmul.f32 v20, v16  }
0x2e0: {  	v22 =	vshll.u32 v21, $0x1;
	v17 =	vmul.f32 v20, v17;
	v18 =	vmax.f32 v18, $0.0e+00  }
0x2e1: {  	v16 =	vmax.f32 v16, $0.0e+00;
	v18 =	vmin.f32 v18, $3.000000000e+00  }
0x2e2: {  	v16 =	vmin.f32 v20, v16;
	v17 =	vmax.f32 v17, $0.0e+00;
	v23 =	vtrunc.f32 v18  }
0x2e3: {  	v17 =	vmin.f32 v20, v17;
	v20 =	vtrunc.f32 v16;
	v23 =	vcvt.f32.s32 v23  }
0x2e4: {  	v20 =	vcvt.f32.s32 v20;
	v24 =	vtrunc.f32 v17  }
0x2e5: {  	v24 =	vcvt.f32.s32 v24;
	v25 =	vcvt.s32.f32 v23;
	v26 =	vadd.s32 $0x1, v23  }
0x2e6: {  	v27 =	vadd.s32 $0x1, v20;
	v23 =	vshll.u32 v23, v22;
	vm0 =	vlt.s32 v26, $0x3  }
0x2e7: {  	v28 =	vcvt.s32.f32 v20;
	v29 =	vadd.s32 $0x1, v24;
	v30 =	vshll.u32 v24, v21  }
0x2e8: {  	vm1 =	vlt.s32 v27, v19;
	v23 =	vadd.s32 v15, v23;
	vm2 =	vlt.s32 v29, v19  }
0x2e9: {  	v18 =	vsub.f32 v18, v25;
	v26 =	vnsel vm0, $0x3, v26;
	v25 =	vsel vm2, v29, v19  }
0x2ea: {  	v29 =	vadd.s32 v23, v30;
	v22 =	vshll.u32 v26, v22;
	v21 =	vshll.u32 v25, v21  }
0x2eb: {  	v19 =	vsel vm1, v27, v19;
	v15 =	vadd.s32 v15, v22;
	v23 =	vadd.s32 v23, v21;
	[tilespmem:s19+$0x9400] =	vst v18  }
0x2ec: {  	v18 =	vadd.s32 v30, v15;
	v22 =	vadd.s32 v20, v23;
	v23 =	vadd.s32 v19, v23  }
0x2ed: {  	v25 =	vadd.s32 v19, v29;
	v15 =	vadd.s32 v15, v21;
	v21 =	vadd.s32 v20, v29;
	[tilespmem:s19+$0x8300] =	vst v23  }
0x2ee: {  	v23 =	vadd.s32 v20, v18;
	v18 =	vadd.s32 v19, v18;
	v20 =	vadd.s32 v20, v15;
	[tilespmem:s19+$0x8100] =	vst v25  }
0x2ef: {  	v24 =	vcvt.s32.f32 v24;
	v16 =	vsub.f32 v16, v28;
	v15 =	vadd.s32 v19, v15;
	[tilespmem:s19+$0x8000] =	vst v21  }
0x2f0: {  	[tilespmem:s19+$0x8600] =	vst v20  }
.Ltmp5:
0x2f1: {  	v17 =	vsub.f32 v17, v24;
	[tilespmem:s19+$0x8400] =	vst v23;
	(pc) =	sbr.rel @p1 .LBB2_11-.Ltmp5, $4  }
0x2f2: {  	[tilespmem:s19+$0x8200] =	vst v22  }
0x2f3: {  	[tilespmem:s19+$0x9200] =	vst v17  }
0x2f4: {  	[tilespmem:s19+$0x8500] =	vst v18  }
0x2f5: {  	s24 =	sshra.s32 s23, $0x2;
	[tilespmem:s19+$0x9000] =	vst v16  }
0x2f6: {  	_ =	sdelay $0x1  }
0x2f7: {  	[tilespmem:s19+$0x8700] =	vst v15;
	s21 =	sadd.s32 s24, s16  }
0x2f8: {  	v15 =	vld [tilespmem:s21+$0x0]  }
0x2f9: {  	v13 =	vld.idx.msk [tilespmem:v13+s1+$0x0], $0xffff  }
0x2fa: {  	s23 =	sadd.s32 s24, s14;
	v14 =	vld.idx.msk [tilespmem:v14+s1+$0x0], $0xffff  }
0x2fb: {  	v16 =	vld [tilespmem:s23+$0x0];
	_ =	sdelay $0x3  }
0x2fc: {  	vm0 =	veq.s32 v15, $0x2;
	v13 =	vadd.f32 $1.000000000e+00, v13;
	vm1 =	veq.s32 v15, $0x3  }
0x2fd: {  	vm2 =	veq.s32 v15, $0x1;
	v14 =	vadd.f32 $1.000000000e+00, v14;
	v16 =	vadd.f32 $1.000000000e+00, v16  }
0x2fe: {  	vm3 =	veq.s32 v15, $0x0;
	v17 =	vsel vm1, $0x437F0000, v3;
	v18 =	vsel vm1, $0xFF, v4  }
0x2ff: {  	v19 =	vsel vm0, $0x200000, v2;
	v20 =	vsel vm1, $0x8, v5;
	v14 =	vmul.f32 $5.000000000e-01, v14  }
0x300: {  	v13 =	vmul.f32 $5.000000000e-01, v13;
	v17 =	vsel vm0, $0x447FC000, v17;
	v16 =	vmul.f32 $1.500000000e+00, v16  }
0x301: {  	v15 =	vsel vm2, $0x100000, v19;
	v18 =	vsel vm0, $0x3FF, v18;
	v14 =	vmul.f32 v17, v14  }
0x302: {  	v20 =	vsel vm0, $0xA, v20;
	v13 =	vmul.f32 v17, v13;
	v16 =	vmax.f32 v16, $0.0e+00  }
0x303: {  	v15 =	vsel vm3, $0x0, v15;
	v16 =	vmin.f32 v16, $3.000000000e+00;
	v14 =	vmax.f32 v14, $0.0e+00  }
0x304: {  	v13 =	vmax.f32 v13, $0.0e+00;
	v55 =	vtrunc.f32 v16;
	v14 =	vmin.f32 v17, v14  }
0x305: {  	v13 =	vmin.f32 v17, v13;
	v19 =	vcvt.f32.s32 v55;
	v21 =	vtrunc.f32 v14  }
0x306: {  	v22 =	vshll.u32 v20, $0x1;
	v56 =	vtrunc.f32 v13;
	v21 =	vcvt.f32.s32 v21  }
0x307: {  	v23 =	vcvt.s32.f32 v19;
	v24 =	vadd.s32 $0x1, v19;
	v19 =	vshll.u32 v19, v22  }
0x308: {  	v17 =	vcvt.f32.s32 v56;
	vm13 =	vlt.s32 v24, $0x3;
	v19 =	vadd.s32 v15, v19  }
0x309: {  	v26 =	vadd.s32 $0x1, v21;
	v27 =	vshll.u32 v21, v20;
	v21 =	vcvt.s32.f32 v21  }
0x30a: {  	v16 =	vsub.f32 v16, v23;
	v63 =	vcvt.s32.f32 v17;
	vm14 =	vlt.s32 v26, v18  }
0x30b: {  	v25 =	vadd.s32 $0x1, v17;
	v26 =	vsel vm14, v26, v18;
	v14 =	vsub.f32 v14, v21  }
0x30c: {  	vm15 =	vlt.s32 v25, v18;
	[tilespmem:s24+$0x9400] =	vst v16;
	v13 =	vsub.f32 v13, v63;
	v20 =	vshll.u32 v26, v20  }
0x30d: {  	v57 =	vnsel vm13, $0x3, v24;
	v18 =	vsel vm15, v25, v18;
	v58 =	vadd.s32 v19, v20;
	[tilespmem:s24+$0x9200] =	vst v14  }
0x30e: {  	v22 =	vshll.u32 v57, v22;
	v19 =	vadd.s32 v19, v27;
	[tilespmem:s24+$0x9000] =	vst v13;
	v59 =	vadd.s32 v18, v58  }
0x30f: {  	v15 =	vadd.s32 v15, v22;
	v60 =	vadd.s32 v18, v19;
	[tilespmem:s24+$0x8300] =	vst v59  }
0x310: {  	v61 =	vadd.s32 v15, v20;
	v19 =	vadd.s32 v17, v19;
	[tilespmem:s24+$0x8100] =	vst v60  }
0x311: {  	v15 =	vadd.s32 v27, v15;
	v20 =	vadd.s32 v17, v61;
	[tilespmem:s24+$0x8000] =	vst v19  }
0x312: {  	v62 =	vadd.s32 v17, v15;
	[tilespmem:s24+$0x8600] =	vst v20  }
0x313: {  	v17 =	vadd.s32 v17, v58;
	[tilespmem:s24+$0x8400] =	vst v62  }
0x314: {  	v15 =	vadd.s32 v18, v15;
	[tilespmem:s24+$0x8200] =	vst v17  }
0x315: {  	v14 =	vadd.s32 v18, v61;
	[tilespmem:s24+$0x8500] =	vst v15  }
0x316: {  	[tilespmem:s24+$0x8700] =	vst v14;
	s24 =	simm.s32 $0x8000  }
0x317: {  	[tilespmem:s15], [sflag:$0x1] =	stream.indirect.gather [hbm4b:s3+s13], $0x10, s24, s13, $0xb8;
	[tilespmem:$0x1B600] =	vst v63  }
0x318: {  	s25 =	simm.s32 $0x8080;
	s20 =	simm.s32 $0x9E00  }
0x319: {  	[tilespmem:s20], [sflag:$0x1] =	stream.indirect.gather [hbm4b:s3+s13], $0x10, s25, s13, $0xb8;
	[tilespmem:$0x1B600] =	vst v63  }
0x31a: {  	s21 =	simm.s32 $0x8100;
	s23 =	simm.s32 $0xA600  }
0x31b: {  	[tilespmem:s23], [sflag:$0x1] =	stream.indirect.gather [hbm4b:s3+s13], $0x10, s21, s13, $0xb8;
	[tilespmem:$0x1B600] =	vst v63  }
0x31c: {  	s24 =	simm.s32 $0x8180;
	s25 =	simm.s32 $0xAE00  }
0x31d: {  	[tilespmem:s25], [sflag:$0x1] =	stream.indirect.gather [hbm4b:s3+s13], $0x10, s24, s13, $0xb8;
	[tilespmem:$0x1B600] =	vst v63  }
0x31e: {  	s21 =	simm.s32 $0x8200;
	s23 =	simm.s32 $0xB600  }
0x31f: {  	[tilespmem:s23], [sflag:$0x1] =	stream.indirect.gather [hbm4b:s3+s13], $0x10, s21, s13, $0xb8;
	[tilespmem:$0x1B600] =	vst v63  }
0x320: {  	s24 =	simm.s32 $0x8280;
	s25 =	simm.s32 $0xBE00  }
0x321: {  	[tilespmem:s25], [sflag:$0x1] =	stream.indirect.gather [hbm4b:s3+s13], $0x10, s24, s13, $0xb8;
	[tilespmem:$0x1B600] =	vst v63  }
0x322: {  	s21 =	simm.s32 $0x8300;
	s23 =	simm.s32 $0xC600  }
0x323: {  	[tilespmem:s23], [sflag:$0x1] =	stream.indirect.gather [hbm4b:s3+s13], $0x10, s21, s13, $0xb8;
	[tilespmem:$0x1B600] =	vst v63  }
0x324: {  	s24 =	simm.s32 $0x8380;
	s25 =	simm.s32 $0xCE00  }
0x325: {  	[tilespmem:s25], [sflag:$0x1] =	stream.indirect.gather [hbm4b:s3+s13], $0x10, s24, s13, $0xb8;
	[tilespmem:$0x1B600] =	vst v63  }
0x326: {  	s21 =	simm.s32 $0x8400;
	s23 =	simm.s32 $0xD600  }
0x327: {  	[tilespmem:s23], [sflag:$0x1] =	stream.indirect.gather [hbm4b:s3+s13], $0x10, s21, s13, $0xb8;
	[tilespmem:$0x1B600] =	vst v63  }
0x328: {  	s24 =	simm.s32 $0x8480;
	s25 =	simm.s32 $0xDE00  }
0x329: {  	[tilespmem:s25], [sflag:$0x1] =	stream.indirect.gather [hbm4b:s3+s13], $0x10, s24, s13, $0xb8;
	[tilespmem:$0x1B600] =	vst v63  }
0x32a: {  	s21 =	simm.s32 $0x8500;
	s23 =	simm.s32 $0xE600  }
0x32b: {  	[tilespmem:s23], [sflag:$0x1] =	stream.indirect.gather [hbm4b:s3+s13], $0x10, s21, s13, $0xb8;
	[tilespmem:$0x1B600] =	vst v63  }
0x32c: {  	s24 =	simm.s32 $0x8580;
	s25 =	simm.s32 $0xEE00  }
0x32d: {  	[tilespmem:s25], [sflag:$0x1] =	stream.indirect.gather [hbm4b:s3+s13], $0x10, s24, s13, $0xb8;
	[tilespmem:$0x1B600] =	vst v63  }
0x32e: {  	s21 =	simm.s32 $0x8600;
	s23 =	simm.s32 $0xF600  }
0x32f: {  	[tilespmem:s23], [sflag:$0x1] =	stream.indirect.gather [hbm4b:s3+s13], $0x10, s21, s13, $0xb8;
	[tilespmem:$0x1B600] =	vst v63  }
0x330: {  	s24 =	simm.s32 $0x8680;
	s25 =	simm.s32 $0xFE00  }
0x331: {  	[tilespmem:s25], [sflag:$0x1] =	stream.indirect.gather [hbm4b:s3+s13], $0x10, s24, s13, $0xb8;
	[tilespmem:$0x1B600] =	vst v63  }
0x332: {  	s21 =	simm.s32 $0x8700;
	s23 =	simm.s32 $0x10600  }
0x333: {  	[tilespmem:s23], [sflag:$0x1] =	stream.indirect.gather [hbm4b:s3+s13], $0x10, s21, s13, $0xb8;
	[tilespmem:$0x1B600] =	vst v63  }
.Ltmp6:
0x334: {  	s24 =	simm.s32 $0x8780;
	s25 =	simm.s32 $0x10E00;
	(pc) =	sbr.rel @p0 .LBB2_14-.Ltmp6, $4  }
0x335: {  	[tilespmem:s25], [sflag:$0x1] =	stream.indirect.gather [hbm4b:s3+s13], $0x10, s24, s13, $0xb8;
	[tilespmem:$0x1B600] =	vst v63  }
0x336: {  	_ =	swait.ge [sflag:s11], $0x8000  }
0x337: {  	[sflag:s11] =	ssyncset.done $0x0  }
0x338: {  	[sflag:s11] =	ssyncadd.s32 $0xFFFF8000  }
.LBB2_13:
0x339: {  	_ =	swait.ge [sflag:s12], $0x1000  }
0x33a: {  	[sflag:s12] =	ssyncset.done $0x0  }
0x33b: {  	[sflag:s12] =	ssyncadd.s32 $0xFFFFF000  }
.LBB2_14:
0x33c: {  	s19 =	simm.s32 $0x0;
	s20 =	simm.s32 $0x9100  }
0x33d: {  	s21 =	simm.s32 $0x9300;
	s23 =	simm.s32 $0x9500;
	s24 =	simm.s32 $0x1AE00  }
.LBB2_15:
0x33e: {  	v13 =	vmov s19  }
0x33f: {  	v24 =	vld [tilespmem:s21+$0x0];
	v22 =	vshll.u32 v13, $0x4  }
0x340: {  	v26 =	vld [tilespmem:s23+$0x0];
	v14 =	vor.u32 v0, v22  }
0x341: {  	v15 =	vor.u32 v12, v22  }
0x342: {  	v28 =	vld [tilespmem:s20+$0x0]  }
0x343: {  	v16 =	vor.u32 v11, v22;
	_ =	sdelay $0x1  }
0x344: {  	v17 =	vor.u32 v10, v22;
	v20 =	vsub.f32 $1.000000000e+00, v24;
	v13 =	vsub.f32 $1.000000000e+00, v26;
	v25 =	vld.idx.msk [tilespmem:v14+s22+$0x0], $0xffff  }
0x345: {  	v27 =	vld.idx.msk [tilespmem:v15+s22+$0x0], $0xffff  }
0x346: {  	v21 =	vor.u32 v9, v22;
	v29 =	vsub.f32 $1.000000000e+00, v28;
	v19 =	vmul.f32 v13, v20  }
0x347: {  	v30 =	vmul.f32 v13, v24;
	v31 =	vld.idx.msk [tilespmem:v16+s22+$0x0], $0xffff  }
0x348: {  	v23 =	vor.u32 v8, v22;
	v18 =	vmul.f32 v19, v29;
	v19 =	vmul.f32 v19, v28  }
0x349: {  	v32 =	vld.idx.msk [tilespmem:v17+s22+$0x0], $0xffff;
	v13 =	vmul.f32 v30, v29  }
0x34a: {  	v33 =	vmul.f32 v18, v25;
	v27 =	vmul.f32 v19, v27;
	v25 =	vor.u32 v7, v22  }
0x34b: {  	v34 =	vmul.f32 v20, v26;
	v53 =	vld.idx.msk [tilespmem:v21+s22+$0x0], $0xffff;
	v20 =	vmul.f32 v30, v28  }
0x34c: {  	v31 =	vmul.f32 v31, v13;
	v33 =	vadd.f32 v27, v33;
	v27 =	vor.u32 v6, v22  }
0x34d: {  	v35 =	vld.idx.msk [tilespmem:v23+s22+$0x0], $0xffff  }
0x34e: {  	v32 =	vmul.f32 v32, v20;
	v22 =	vmul.f32 v34, v29;
	v31 =	vadd.f32 v33, v31  }
0x34f: {  	v54 =	vmul.f32 v26, v24;
	v36 =	vld.idx.msk [tilespmem:v25+s22+$0x0], $0xffff  }
0x350: {  	v24 =	vmul.f32 v34, v28;
	v30 =	vmul.f32 v53, v22;
	v31 =	vadd.f32 v31, v32  }
0x351: {  	v55 =	vld.idx.msk [tilespmem:v27+s22+$0x0], $0xffff  }
0x352: {  	v26 =	vmul.f32 v54, v29;
	v57 =	vmul.f32 v35, v24;
	v56 =	vadd.f32 v31, v30;
	_ =	sdelay $0x1  }
0x353: {  	v28 =	vmul.f32 v54, v28;
	v29 =	vadd.f32 v56, v57;
	v58 =	vmul.f32 v36, v26;
	_ =	sdelay $0x1  }
0x354: {  	v60 =	vor.u32 $0x1, v14;
	v29 =	vadd.f32 v29, v58;
	v59 =	vmul.f32 v55, v28  }
0x355: {  	v61 =	vor.u32 $0x1, v15  }
0x356: {  	v29 =	vadd.f32 v29, v59  }
0x357: {  	v62 =	vor.u32 $0x1, v16  }
0x358: {  	[tilespmem:s24+$0xFFFFF800] =	vst v29  }
0x359: {  	v63 =	vor.u32 $0x1, v17;
	v29 =	vld.idx.msk [tilespmem:v60+s22+$0x0], $0xffff  }
0x35a: {  	v32 =	vld.idx.msk [tilespmem:v61+s22+$0x0], $0xffff  }
0x35b: {  	v36 =	vor.u32 $0x1, v21  }
0x35c: {  	v30 =	vld.idx.msk [tilespmem:v62+s22+$0x0], $0xffff  }
0x35d: {  	v37 =	vor.u32 $0x1, v23  }
0x35e: {  	v31 =	vld.idx.msk [tilespmem:v63+s22+$0x0], $0xffff  }
0x35f: {  	v38 =	vor.u32 $0x1, v25;
	v29 =	vmul.f32 v29, v18;
	v32 =	vmul.f32 v32, v19  }
0x360: {  	v33 =	vld.idx.msk [tilespmem:v36+s22+$0x0], $0xffff  }
0x361: {  	v39 =	vor.u32 $0x1, v27;
	v30 =	vmul.f32 v30, v13;
	v29 =	vadd.f32 v32, v29  }
0x362: {  	v34 =	vld.idx.msk [tilespmem:v37+s22+$0x0], $0xffff  }
0x363: {  	v40 =	vmul.f32 v31, v20;
	v29 =	vadd.f32 v30, v29  }
0x364: {  	v41 =	vld.idx.msk [tilespmem:v38+s22+$0x0], $0xffff  }
0x365: {  	v42 =	vmul.f32 v33, v22;
	v29 =	vadd.f32 v40, v29  }
0x366: {  	v32 =	vld.idx.msk [tilespmem:v39+s22+$0x0], $0xffff  }
0x367: {  	v43 =	vmul.f32 v34, v24;
	v29 =	vadd.f32 v42, v29;
	_ =	sdelay $0x1  }
0x368: {  	v44 =	vmul.f32 v41, v26;
	v29 =	vadd.f32 v43, v29;
	_ =	sdelay $0x1  }
0x369: {  	v46 =	vor.u32 $0x2, v14;
	v45 =	vmul.f32 v32, v28;
	v29 =	vadd.f32 v44, v29  }
0x36a: {  	v47 =	vor.u32 $0x2, v15  }
0x36b: {  	v29 =	vadd.f32 v45, v29  }
0x36c: {  	v48 =	vor.u32 $0x2, v16  }
0x36d: {  	[tilespmem:s24+$0xFFFFF900] =	vst v29  }
0x36e: {  	v49 =	vor.u32 $0x2, v17;
	v29 =	vld.idx.msk [tilespmem:v46+s22+$0x0], $0xffff  }
0x36f: {  	v32 =	vld.idx.msk [tilespmem:v47+s22+$0x0], $0xffff  }
0x370: {  	v50 =	vor.u32 $0x2, v21  }
0x371: {  	v30 =	vld.idx.msk [tilespmem:v48+s22+$0x0], $0xffff  }
0x372: {  	v51 =	vor.u32 $0x2, v23  }
0x373: {  	v31 =	vld.idx.msk [tilespmem:v49+s22+$0x0], $0xffff  }
0x374: {  	v52 =	vor.u32 $0x2, v25;
	v29 =	vmul.f32 v29, v18;
	v32 =	vmul.f32 v32, v19  }
0x375: {  	v33 =	vld.idx.msk [tilespmem:v50+s22+$0x0], $0xffff  }
0x376: {  	v53 =	vor.u32 $0x2, v27;
	v30 =	vmul.f32 v30, v13;
	v29 =	vadd.f32 v32, v29  }
0x377: {  	v34 =	vld.idx.msk [tilespmem:v51+s22+$0x0], $0xffff  }
0x378: {  	v54 =	vmul.f32 v31, v20;
	v29 =	vadd.f32 v30, v29  }
0x379: {  	v55 =	vld.idx.msk [tilespmem:v52+s22+$0x0], $0xffff  }
0x37a: {  	v56 =	vmul.f32 v33, v22;
	v29 =	vadd.f32 v54, v29  }
0x37b: {  	v32 =	vld.idx.msk [tilespmem:v53+s22+$0x0], $0xffff  }
0x37c: {  	v57 =	vmul.f32 v34, v24;
	v29 =	vadd.f32 v56, v29;
	_ =	sdelay $0x1  }
0x37d: {  	v58 =	vmul.f32 v55, v26;
	v29 =	vadd.f32 v57, v29;
	_ =	sdelay $0x1  }
0x37e: {  	v60 =	vor.u32 $0x3, v14;
	v59 =	vmul.f32 v32, v28;
	v29 =	vadd.f32 v58, v29  }
0x37f: {  	v61 =	vor.u32 $0x3, v15  }
0x380: {  	v29 =	vadd.f32 v59, v29  }
0x381: {  	v62 =	vor.u32 $0x3, v16  }
0x382: {  	[tilespmem:s24+$0xFFFFFA00] =	vst v29  }
0x383: {  	v63 =	vor.u32 $0x3, v17;
	v29 =	vld.idx.msk [tilespmem:v60+s22+$0x0], $0xffff  }
0x384: {  	v32 =	vld.idx.msk [tilespmem:v61+s22+$0x0], $0xffff  }
0x385: {  	v36 =	vor.u32 $0x3, v21  }
0x386: {  	v30 =	vld.idx.msk [tilespmem:v62+s22+$0x0], $0xffff  }
0x387: {  	v37 =	vor.u32 $0x3, v23  }
0x388: {  	v31 =	vld.idx.msk [tilespmem:v63+s22+$0x0], $0xffff  }
0x389: {  	v38 =	vor.u32 $0x3, v25;
	v29 =	vmul.f32 v29, v18;
	v32 =	vmul.f32 v32, v19  }
0x38a: {  	v33 =	vld.idx.msk [tilespmem:v36+s22+$0x0], $0xffff  }
0x38b: {  	v39 =	vor.u32 $0x3, v27;
	v30 =	vmul.f32 v30, v13;
	v29 =	vadd.f32 v32, v29  }
0x38c: {  	v34 =	vld.idx.msk [tilespmem:v37+s22+$0x0], $0xffff  }
0x38d: {  	v40 =	vmul.f32 v31, v20;
	v29 =	vadd.f32 v30, v29  }
0x38e: {  	v41 =	vld.idx.msk [tilespmem:v38+s22+$0x0], $0xffff  }
0x38f: {  	v42 =	vmul.f32 v33, v22;
	v29 =	vadd.f32 v40, v29  }
0x390: {  	v32 =	vld.idx.msk [tilespmem:v39+s22+$0x0], $0xffff  }
0x391: {  	v43 =	vmul.f32 v34, v24;
	v29 =	vadd.f32 v42, v29;
	_ =	sdelay $0x1  }
0x392: {  	v44 =	vmul.f32 v41, v26;
	v29 =	vadd.f32 v43, v29;
	_ =	sdelay $0x1  }
0x393: {  	v46 =	vor.u32 $0x4, v14;
	v45 =	vmul.f32 v32, v28;
	v29 =	vadd.f32 v44, v29  }
0x394: {  	v47 =	vor.u32 $0x4, v15  }
0x395: {  	v29 =	vadd.f32 v45, v29  }
0x396: {  	v48 =	vor.u32 $0x4, v16  }
0x397: {  	[tilespmem:s24+$0xFFFFFB00] =	vst v29  }
0x398: {  	v49 =	vor.u32 $0x4, v17;
	v29 =	vld.idx.msk [tilespmem:v46+s22+$0x0], $0xffff  }
0x399: {  	v32 =	vld.idx.msk [tilespmem:v47+s22+$0x0], $0xffff  }
0x39a: {  	v50 =	vor.u32 $0x4, v21  }
0x39b: {  	v30 =	vld.idx.msk [tilespmem:v48+s22+$0x0], $0xffff  }
0x39c: {  	v51 =	vor.u32 $0x4, v23  }
0x39d: {  	v31 =	vld.idx.msk [tilespmem:v49+s22+$0x0], $0xffff  }
0x39e: {  	v52 =	vor.u32 $0x4, v25;
	v29 =	vmul.f32 v29, v18;
	v32 =	vmul.f32 v32, v19  }
0x39f: {  	v33 =	vld.idx.msk [tilespmem:v50+s22+$0x0], $0xffff  }
0x3a0: {  	v53 =	vor.u32 $0x4, v27;
	v30 =	vmul.f32 v30, v13;
	v29 =	vadd.f32 v32, v29  }
0x3a1: {  	v34 =	vld.idx.msk [tilespmem:v51+s22+$0x0], $0xffff  }
0x3a2: {  	v54 =	vmul.f32 v31, v20;
	v29 =	vadd.f32 v30, v29  }
0x3a3: {  	v55 =	vld.idx.msk [tilespmem:v52+s22+$0x0], $0xffff  }
0x3a4: {  	v56 =	vmul.f32 v33, v22;
	v29 =	vadd.f32 v54, v29  }
0x3a5: {  	v32 =	vld.idx.msk [tilespmem:v53+s22+$0x0], $0xffff  }
0x3a6: {  	v57 =	vmul.f32 v34, v24;
	v29 =	vadd.f32 v56, v29;
	_ =	sdelay $0x1  }
0x3a7: {  	v58 =	vmul.f32 v55, v26;
	v29 =	vadd.f32 v57, v29;
	_ =	sdelay $0x1  }
0x3a8: {  	v60 =	vor.u32 $0x5, v14;
	v59 =	vmul.f32 v32, v28;
	v29 =	vadd.f32 v58, v29  }
0x3a9: {  	v61 =	vor.u32 $0x5, v15  }
0x3aa: {  	v29 =	vadd.f32 v59, v29  }
0x3ab: {  	v62 =	vor.u32 $0x5, v16  }
0x3ac: {  	[tilespmem:s24+$0xFFFFFC00] =	vst v29  }
0x3ad: {  	v63 =	vor.u32 $0x5, v17;
	v29 =	vld.idx.msk [tilespmem:v60+s22+$0x0], $0xffff  }
0x3ae: {  	v32 =	vld.idx.msk [tilespmem:v61+s22+$0x0], $0xffff  }
0x3af: {  	v36 =	vor.u32 $0x5, v21  }
0x3b0: {  	v30 =	vld.idx.msk [tilespmem:v62+s22+$0x0], $0xffff  }
0x3b1: {  	v37 =	vor.u32 $0x5, v23  }
0x3b2: {  	v31 =	vld.idx.msk [tilespmem:v63+s22+$0x0], $0xffff  }
0x3b3: {  	v38 =	vor.u32 $0x5, v25;
	v29 =	vmul.f32 v29, v18;
	v32 =	vmul.f32 v32, v19  }
0x3b4: {  	v33 =	vld.idx.msk [tilespmem:v36+s22+$0x0], $0xffff  }
0x3b5: {  	v39 =	vor.u32 $0x5, v27;
	v30 =	vmul.f32 v30, v13;
	v29 =	vadd.f32 v32, v29  }
0x3b6: {  	v34 =	vld.idx.msk [tilespmem:v37+s22+$0x0], $0xffff  }
0x3b7: {  	v40 =	vmul.f32 v31, v20;
	v29 =	vadd.f32 v30, v29  }
0x3b8: {  	v41 =	vld.idx.msk [tilespmem:v38+s22+$0x0], $0xffff  }
0x3b9: {  	v42 =	vmul.f32 v33, v22;
	v29 =	vadd.f32 v40, v29  }
0x3ba: {  	v32 =	vld.idx.msk [tilespmem:v39+s22+$0x0], $0xffff  }
0x3bb: {  	v43 =	vmul.f32 v34, v24;
	v29 =	vadd.f32 v42, v29;
	_ =	sdelay $0x1  }
0x3bc: {  	v44 =	vmul.f32 v41, v26;
	v29 =	vadd.f32 v43, v29;
	_ =	sdelay $0x1  }
0x3bd: {  	v46 =	vor.u32 $0x6, v14;
	v45 =	vmul.f32 v32, v28;
	v29 =	vadd.f32 v44, v29  }
0x3be: {  	v47 =	vor.u32 $0x6, v15  }
0x3bf: {  	v29 =	vadd.f32 v45, v29  }
0x3c0: {  	v48 =	vor.u32 $0x6, v16  }
0x3c1: {  	[tilespmem:s24+$0xFFFFFD00] =	vst v29  }
0x3c2: {  	v49 =	vor.u32 $0x6, v17;
	v29 =	vld.idx.msk [tilespmem:v46+s22+$0x0], $0xffff  }
0x3c3: {  	v32 =	vld.idx.msk [tilespmem:v47+s22+$0x0], $0xffff  }
0x3c4: {  	v50 =	vor.u32 $0x6, v21  }
0x3c5: {  	v30 =	vld.idx.msk [tilespmem:v48+s22+$0x0], $0xffff  }
0x3c6: {  	v51 =	vor.u32 $0x6, v23  }
0x3c7: {  	v31 =	vld.idx.msk [tilespmem:v49+s22+$0x0], $0xffff  }
0x3c8: {  	v52 =	vor.u32 $0x6, v25;
	v29 =	vmul.f32 v29, v18;
	v32 =	vmul.f32 v32, v19  }
0x3c9: {  	v33 =	vld.idx.msk [tilespmem:v50+s22+$0x0], $0xffff  }
0x3ca: {  	v53 =	vor.u32 $0x6, v27;
	v30 =	vmul.f32 v30, v13;
	v29 =	vadd.f32 v32, v29  }
0x3cb: {  	v34 =	vld.idx.msk [tilespmem:v51+s22+$0x0], $0xffff  }
0x3cc: {  	v54 =	vmul.f32 v31, v20;
	v29 =	vadd.f32 v30, v29  }
0x3cd: {  	v55 =	vld.idx.msk [tilespmem:v52+s22+$0x0], $0xffff  }
0x3ce: {  	v56 =	vmul.f32 v33, v22;
	v29 =	vadd.f32 v54, v29  }
0x3cf: {  	v32 =	vld.idx.msk [tilespmem:v53+s22+$0x0], $0xffff  }
0x3d0: {  	v57 =	vmul.f32 v34, v24;
	v29 =	vadd.f32 v56, v29;
	_ =	sdelay $0x1  }
0x3d1: {  	v58 =	vmul.f32 v55, v26;
	v29 =	vadd.f32 v57, v29;
	_ =	sdelay $0x1  }
0x3d2: {  	v60 =	vor.u32 $0x7, v14;
	v59 =	vmul.f32 v32, v28;
	v29 =	vadd.f32 v58, v29  }
0x3d3: {  	v61 =	vor.u32 $0x7, v15  }
0x3d4: {  	v29 =	vadd.f32 v59, v29  }
0x3d5: {  	v62 =	vor.u32 $0x7, v16  }
0x3d6: {  	[tilespmem:s24+$0xFFFFFE00] =	vst v29  }
0x3d7: {  	v63 =	vor.u32 $0x7, v17;
	v29 =	vld.idx.msk [tilespmem:v60+s22+$0x0], $0xffff  }
0x3d8: {  	v32 =	vld.idx.msk [tilespmem:v61+s22+$0x0], $0xffff  }
0x3d9: {  	v36 =	vor.u32 $0x7, v21  }
0x3da: {  	v30 =	vld.idx.msk [tilespmem:v62+s22+$0x0], $0xffff  }
0x3db: {  	v37 =	vor.u32 $0x7, v23  }
0x3dc: {  	v31 =	vld.idx.msk [tilespmem:v63+s22+$0x0], $0xffff  }
0x3dd: {  	v38 =	vor.u32 $0x7, v25;
	v29 =	vmul.f32 v29, v18;
	v32 =	vmul.f32 v32, v19  }
0x3de: {  	v33 =	vld.idx.msk [tilespmem:v36+s22+$0x0], $0xffff  }
0x3df: {  	v39 =	vor.u32 $0x7, v27;
	v30 =	vmul.f32 v30, v13;
	v29 =	vadd.f32 v32, v29  }
0x3e0: {  	v34 =	vld.idx.msk [tilespmem:v37+s22+$0x0], $0xffff  }
0x3e1: {  	v40 =	vmul.f32 v31, v20;
	v29 =	vadd.f32 v30, v29  }
0x3e2: {  	v41 =	vld.idx.msk [tilespmem:v38+s22+$0x0], $0xffff  }
0x3e3: {  	v42 =	vmul.f32 v33, v22;
	v29 =	vadd.f32 v40, v29  }
0x3e4: {  	v32 =	vld.idx.msk [tilespmem:v39+s22+$0x0], $0xffff  }
0x3e5: {  	v43 =	vmul.f32 v34, v24;
	v29 =	vadd.f32 v42, v29;
	_ =	sdelay $0x1  }
0x3e6: {  	v44 =	vmul.f32 v41, v26;
	v29 =	vadd.f32 v43, v29;
	_ =	sdelay $0x1  }
0x3e7: {  	v46 =	vor.u32 $0x8, v14;
	v45 =	vmul.f32 v32, v28;
	v29 =	vadd.f32 v44, v29  }
0x3e8: {  	v47 =	vor.u32 $0x8, v15  }
0x3e9: {  	v29 =	vadd.f32 v45, v29  }
0x3ea: {  	v48 =	vor.u32 $0x8, v16  }
0x3eb: {  	[tilespmem:s24+$0xFFFFFF00] =	vst v29  }
0x3ec: {  	v49 =	vor.u32 $0x8, v17;
	v29 =	vld.idx.msk [tilespmem:v46+s22+$0x0], $0xffff  }
0x3ed: {  	v32 =	vld.idx.msk [tilespmem:v47+s22+$0x0], $0xffff  }
0x3ee: {  	v50 =	vor.u32 $0x8, v21  }
0x3ef: {  	v30 =	vld.idx.msk [tilespmem:v48+s22+$0x0], $0xffff  }
0x3f0: {  	v51 =	vor.u32 $0x8, v23  }
0x3f1: {  	v31 =	vld.idx.msk [tilespmem:v49+s22+$0x0], $0xffff  }
0x3f2: {  	v52 =	vor.u32 $0x8, v25;
	v29 =	vmul.f32 v29, v18;
	v32 =	vmul.f32 v32, v19  }
0x3f3: {  	v33 =	vld.idx.msk [tilespmem:v50+s22+$0x0], $0xffff  }
0x3f4: {  	v53 =	vor.u32 $0x8, v27;
	v30 =	vmul.f32 v30, v13;
	v29 =	vadd.f32 v32, v29  }
0x3f5: {  	v34 =	vld.idx.msk [tilespmem:v51+s22+$0x0], $0xffff  }
0x3f6: {  	v54 =	vmul.f32 v31, v20;
	v29 =	vadd.f32 v30, v29  }
0x3f7: {  	v55 =	vld.idx.msk [tilespmem:v52+s22+$0x0], $0xffff  }
0x3f8: {  	v56 =	vmul.f32 v33, v22;
	v29 =	vadd.f32 v54, v29  }
0x3f9: {  	v32 =	vld.idx.msk [tilespmem:v53+s22+$0x0], $0xffff  }
0x3fa: {  	v57 =	vmul.f32 v34, v24;
	v29 =	vadd.f32 v56, v29;
	_ =	sdelay $0x1  }
0x3fb: {  	v58 =	vmul.f32 v55, v26;
	v29 =	vadd.f32 v57, v29;
	_ =	sdelay $0x1  }
0x3fc: {  	v60 =	vor.u32 $0x9, v14;
	v59 =	vmul.f32 v32, v28;
	v29 =	vadd.f32 v58, v29  }
0x3fd: {  	v61 =	vor.u32 $0x9, v15  }
0x3fe: {  	v29 =	vadd.f32 v59, v29  }
0x3ff: {  	v62 =	vor.u32 $0x9, v16  }
0x400: {  	[tilespmem:s24+$0x0] =	vst v29  }
0x401: {  	v63 =	vor.u32 $0x9, v17;
	v29 =	vld.idx.msk [tilespmem:v60+s22+$0x0], $0xffff  }
0x402: {  	v32 =	vld.idx.msk [tilespmem:v61+s22+$0x0], $0xffff  }
0x403: {  	v36 =	vor.u32 $0x9, v21  }
0x404: {  	v30 =	vld.idx.msk [tilespmem:v62+s22+$0x0], $0xffff  }
0x405: {  	v37 =	vor.u32 $0x9, v23  }
0x406: {  	v31 =	vld.idx.msk [tilespmem:v63+s22+$0x0], $0xffff  }
0x407: {  	v38 =	vor.u32 $0x9, v25;
	v29 =	vmul.f32 v29, v18;
	v32 =	vmul.f32 v32, v19  }
0x408: {  	v33 =	vld.idx.msk [tilespmem:v36+s22+$0x0], $0xffff  }
0x409: {  	v39 =	vor.u32 $0x9, v27;
	v30 =	vmul.f32 v30, v13;
	v29 =	vadd.f32 v32, v29  }
0x40a: {  	v34 =	vld.idx.msk [tilespmem:v37+s22+$0x0], $0xffff  }
0x40b: {  	v40 =	vmul.f32 v31, v20;
	v29 =	vadd.f32 v30, v29  }
0x40c: {  	v41 =	vld.idx.msk [tilespmem:v38+s22+$0x0], $0xffff  }
0x40d: {  	v42 =	vmul.f32 v33, v22;
	v29 =	vadd.f32 v40, v29  }
0x40e: {  	v32 =	vld.idx.msk [tilespmem:v39+s22+$0x0], $0xffff  }
0x40f: {  	v43 =	vmul.f32 v34, v24;
	v29 =	vadd.f32 v42, v29;
	_ =	sdelay $0x1  }
0x410: {  	v44 =	vmul.f32 v41, v26;
	v29 =	vadd.f32 v43, v29;
	_ =	sdelay $0x1  }
0x411: {  	v46 =	vor.u32 $0xA, v14;
	v45 =	vmul.f32 v32, v28;
	v29 =	vadd.f32 v44, v29  }
0x412: {  	v47 =	vor.u32 $0xA, v15  }
0x413: {  	v29 =	vadd.f32 v45, v29  }
0x414: {  	v48 =	vor.u32 $0xA, v16  }
0x415: {  	[tilespmem:s24+$0x100] =	vst v29  }
0x416: {  	v49 =	vor.u32 $0xA, v17;
	v29 =	vld.idx.msk [tilespmem:v46+s22+$0x0], $0xffff  }
0x417: {  	v32 =	vld.idx.msk [tilespmem:v47+s22+$0x0], $0xffff  }
0x418: {  	v50 =	vor.u32 $0xA, v21  }
0x419: {  	v30 =	vld.idx.msk [tilespmem:v48+s22+$0x0], $0xffff  }
0x41a: {  	v51 =	vor.u32 $0xA, v23  }
0x41b: {  	v31 =	vld.idx.msk [tilespmem:v49+s22+$0x0], $0xffff  }
0x41c: {  	v52 =	vor.u32 $0xA, v25;
	v29 =	vmul.f32 v29, v18;
	v32 =	vmul.f32 v32, v19  }
0x41d: {  	v33 =	vld.idx.msk [tilespmem:v50+s22+$0x0], $0xffff  }
0x41e: {  	v53 =	vor.u32 $0xA, v27;
	v30 =	vmul.f32 v30, v13;
	v29 =	vadd.f32 v32, v29  }
0x41f: {  	v34 =	vld.idx.msk [tilespmem:v51+s22+$0x0], $0xffff  }
0x420: {  	v54 =	vmul.f32 v31, v20;
	v29 =	vadd.f32 v30, v29  }
0x421: {  	v55 =	vld.idx.msk [tilespmem:v52+s22+$0x0], $0xffff  }
0x422: {  	v56 =	vmul.f32 v33, v22;
	v29 =	vadd.f32 v54, v29  }
0x423: {  	v32 =	vld.idx.msk [tilespmem:v53+s22+$0x0], $0xffff  }
0x424: {  	v57 =	vmul.f32 v34, v24;
	v29 =	vadd.f32 v56, v29;
	_ =	sdelay $0x1  }
0x425: {  	v58 =	vmul.f32 v55, v26;
	v29 =	vadd.f32 v57, v29;
	_ =	sdelay $0x1  }
0x426: {  	v60 =	vor.u32 $0xB, v14;
	v59 =	vmul.f32 v32, v28;
	v29 =	vadd.f32 v58, v29  }
0x427: {  	v61 =	vor.u32 $0xB, v15  }
0x428: {  	v29 =	vadd.f32 v59, v29  }
0x429: {  	v62 =	vor.u32 $0xB, v16  }
0x42a: {  	[tilespmem:s24+$0x200] =	vst v29  }
0x42b: {  	v63 =	vor.u32 $0xB, v17;
	v29 =	vld.idx.msk [tilespmem:v60+s22+$0x0], $0xffff  }
0x42c: {  	v32 =	vld.idx.msk [tilespmem:v61+s22+$0x0], $0xffff  }
0x42d: {  	v36 =	vor.u32 $0xB, v21  }
0x42e: {  	v30 =	vld.idx.msk [tilespmem:v62+s22+$0x0], $0xffff  }
0x42f: {  	v37 =	vor.u32 $0xB, v23  }
0x430: {  	v31 =	vld.idx.msk [tilespmem:v63+s22+$0x0], $0xffff  }
0x431: {  	v38 =	vor.u32 $0xB, v25;
	v29 =	vmul.f32 v29, v18;
	v32 =	vmul.f32 v32, v19  }
0x432: {  	v33 =	vld.idx.msk [tilespmem:v36+s22+$0x0], $0xffff  }
0x433: {  	v39 =	vor.u32 $0xB, v27;
	v30 =	vmul.f32 v30, v13;
	v29 =	vadd.f32 v32, v29  }
0x434: {  	v34 =	vld.idx.msk [tilespmem:v37+s22+$0x0], $0xffff  }
0x435: {  	v40 =	vmul.f32 v31, v20;
	v29 =	vadd.f32 v30, v29  }
0x436: {  	v41 =	vld.idx.msk [tilespmem:v38+s22+$0x0], $0xffff  }
0x437: {  	v42 =	vmul.f32 v33, v22;
	v29 =	vadd.f32 v40, v29  }
0x438: {  	v32 =	vld.idx.msk [tilespmem:v39+s22+$0x0], $0xffff  }
0x439: {  	v43 =	vmul.f32 v34, v24;
	v29 =	vadd.f32 v42, v29;
	_ =	sdelay $0x1  }
0x43a: {  	v44 =	vmul.f32 v41, v26;
	v29 =	vadd.f32 v43, v29;
	_ =	sdelay $0x1  }
0x43b: {  	v46 =	vor.u32 $0xC, v14;
	v45 =	vmul.f32 v32, v28;
	v29 =	vadd.f32 v44, v29  }
0x43c: {  	v47 =	vor.u32 $0xC, v15  }
0x43d: {  	v29 =	vadd.f32 v45, v29  }
0x43e: {  	v48 =	vor.u32 $0xC, v16  }
0x43f: {  	[tilespmem:s24+$0x300] =	vst v29  }
0x440: {  	v49 =	vor.u32 $0xC, v17;
	v29 =	vld.idx.msk [tilespmem:v46+s22+$0x0], $0xffff  }
0x441: {  	v32 =	vld.idx.msk [tilespmem:v47+s22+$0x0], $0xffff  }
0x442: {  	v50 =	vor.u32 $0xC, v21  }
0x443: {  	v30 =	vld.idx.msk [tilespmem:v48+s22+$0x0], $0xffff  }
0x444: {  	v51 =	vor.u32 $0xC, v23  }
0x445: {  	v31 =	vld.idx.msk [tilespmem:v49+s22+$0x0], $0xffff  }
0x446: {  	v52 =	vor.u32 $0xC, v25;
	v29 =	vmul.f32 v29, v18;
	v32 =	vmul.f32 v32, v19  }
0x447: {  	v33 =	vld.idx.msk [tilespmem:v50+s22+$0x0], $0xffff  }
0x448: {  	v53 =	vor.u32 $0xC, v27;
	v30 =	vmul.f32 v30, v13;
	v29 =	vadd.f32 v32, v29  }
0x449: {  	v34 =	vld.idx.msk [tilespmem:v51+s22+$0x0], $0xffff  }
0x44a: {  	v54 =	vmul.f32 v31, v20;
	v29 =	vadd.f32 v30, v29  }
0x44b: {  	v55 =	vld.idx.msk [tilespmem:v52+s22+$0x0], $0xffff  }
0x44c: {  	v56 =	vmul.f32 v33, v22;
	v29 =	vadd.f32 v54, v29  }
0x44d: {  	v32 =	vld.idx.msk [tilespmem:v53+s22+$0x0], $0xffff  }
0x44e: {  	v57 =	vmul.f32 v34, v24;
	v29 =	vadd.f32 v56, v29;
	_ =	sdelay $0x1  }
0x44f: {  	v58 =	vmul.f32 v55, v26;
	v29 =	vadd.f32 v57, v29;
	_ =	sdelay $0x1  }
0x450: {  	v60 =	vor.u32 $0xD, v14;
	v59 =	vmul.f32 v32, v28;
	v29 =	vadd.f32 v58, v29  }
0x451: {  	v61 =	vor.u32 $0xD, v15  }
0x452: {  	v29 =	vadd.f32 v59, v29  }
0x453: {  	v62 =	vor.u32 $0xD, v16  }
0x454: {  	[tilespmem:s24+$0x400] =	vst v29  }
0x455: {  	v63 =	vor.u32 $0xD, v17;
	v29 =	vld.idx.msk [tilespmem:v60+s22+$0x0], $0xffff  }
0x456: {  	v32 =	vld.idx.msk [tilespmem:v61+s22+$0x0], $0xffff  }
0x457: {  	v36 =	vor.u32 $0xD, v21  }
0x458: {  	v30 =	vld.idx.msk [tilespmem:v62+s22+$0x0], $0xffff  }
0x459: {  	v37 =	vor.u32 $0xD, v23  }
0x45a: {  	v31 =	vld.idx.msk [tilespmem:v63+s22+$0x0], $0xffff  }
0x45b: {  	v38 =	vor.u32 $0xD, v25;
	v29 =	vmul.f32 v29, v18;
	v32 =	vmul.f32 v32, v19  }
0x45c: {  	v33 =	vld.idx.msk [tilespmem:v36+s22+$0x0], $0xffff  }
0x45d: {  	v39 =	vor.u32 $0xD, v27;
	v30 =	vmul.f32 v30, v13;
	v29 =	vadd.f32 v32, v29  }
0x45e: {  	v34 =	vld.idx.msk [tilespmem:v37+s22+$0x0], $0xffff  }
0x45f: {  	v40 =	vmul.f32 v31, v20;
	v29 =	vadd.f32 v30, v29  }
0x460: {  	v41 =	vld.idx.msk [tilespmem:v38+s22+$0x0], $0xffff  }
0x461: {  	v42 =	vmul.f32 v33, v22;
	v29 =	vadd.f32 v40, v29  }
0x462: {  	v32 =	vld.idx.msk [tilespmem:v39+s22+$0x0], $0xffff  }
0x463: {  	v43 =	vmul.f32 v34, v24;
	v29 =	vadd.f32 v42, v29;
	_ =	sdelay $0x1  }
0x464: {  	v44 =	vmul.f32 v41, v26;
	v29 =	vadd.f32 v43, v29;
	_ =	sdelay $0x1  }
0x465: {  	v46 =	vor.u32 $0xE, v14;
	v45 =	vmul.f32 v32, v28;
	v29 =	vadd.f32 v44, v29  }
0x466: {  	v47 =	vor.u32 $0xE, v15  }
0x467: {  	v29 =	vadd.f32 v45, v29  }
0x468: {  	v48 =	vor.u32 $0xE, v16  }
0x469: {  	[tilespmem:s24+$0x500] =	vst v29  }
0x46a: {  	v49 =	vor.u32 $0xE, v17;
	v29 =	vld.idx.msk [tilespmem:v46+s22+$0x0], $0xffff  }
0x46b: {  	v32 =	vld.idx.msk [tilespmem:v47+s22+$0x0], $0xffff  }
0x46c: {  	v50 =	vor.u32 $0xE, v21  }
0x46d: {  	v30 =	vld.idx.msk [tilespmem:v48+s22+$0x0], $0xffff  }
0x46e: {  	v51 =	vor.u32 $0xE, v23  }
0x46f: {  	v31 =	vld.idx.msk [tilespmem:v49+s22+$0x0], $0xffff  }
0x470: {  	v52 =	vor.u32 $0xE, v25;
	v29 =	vmul.f32 v29, v18;
	v32 =	vmul.f32 v32, v19  }
0x471: {  	v33 =	vld.idx.msk [tilespmem:v50+s22+$0x0], $0xffff  }
0x472: {  	v53 =	vor.u32 $0xE, v27;
	v30 =	vmul.f32 v30, v13;
	v29 =	vadd.f32 v32, v29  }
0x473: {  	v34 =	vld.idx.msk [tilespmem:v51+s22+$0x0], $0xffff  }
0x474: {  	v54 =	vmul.f32 v31, v20;
	v29 =	vadd.f32 v30, v29  }
0x475: {  	v55 =	vld.idx.msk [tilespmem:v52+s22+$0x0], $0xffff  }
0x476: {  	v56 =	vmul.f32 v33, v22;
	v29 =	vadd.f32 v54, v29  }
0x477: {  	v32 =	vld.idx.msk [tilespmem:v53+s22+$0x0], $0xffff  }
0x478: {  	v57 =	vmul.f32 v34, v24;
	v29 =	vadd.f32 v56, v29;
	_ =	sdelay $0x1  }
0x479: {  	v58 =	vmul.f32 v55, v26;
	v29 =	vadd.f32 v57, v29;
	_ =	sdelay $0x1  }
0x47a: {  	v14 =	vor.u32 $0xF, v14;
	v59 =	vmul.f32 v32, v28;
	v29 =	vadd.f32 v58, v29  }
0x47b: {  	v15 =	vor.u32 $0xF, v15  }
0x47c: {  	v29 =	vadd.f32 v59, v29  }
0x47d: {  	v16 =	vor.u32 $0xF, v16  }
0x47e: {  	[tilespmem:s24+$0x600] =	vst v29  }
0x47f: {  	v17 =	vor.u32 $0xF, v17;
	v14 =	vld.idx.msk [tilespmem:v14+s22+$0x0], $0xffff  }
0x480: {  	v15 =	vld.idx.msk [tilespmem:v15+s22+$0x0], $0xffff  }
0x481: {  	v21 =	vor.u32 $0xF, v21  }
0x482: {  	v16 =	vld.idx.msk [tilespmem:v16+s22+$0x0], $0xffff  }
0x483: {  	v23 =	vor.u32 $0xF, v23  }
0x484: {  	v17 =	vld.idx.msk [tilespmem:v17+s22+$0x0], $0xffff  }
0x485: {  	v60 =	vor.u32 $0xF, v25;
	v14 =	vmul.f32 v14, v18;
	v15 =	vmul.f32 v15, v19  }
0x486: {  	v61 =	vld.idx.msk [tilespmem:v21+s22+$0x0], $0xffff  }
0x487: {  	v13 =	vmul.f32 v16, v13;
	v14 =	vadd.f32 v15, v14;
	v15 =	vor.u32 $0xF, v27  }
0x488: {  	v62 =	vld.idx.msk [tilespmem:v23+s22+$0x0], $0xffff  }
0x489: {  	v13 =	vadd.f32 v13, v14;
	v14 =	vmul.f32 v17, v20  }
0x48a: {  	v63 =	vld.idx.msk [tilespmem:v60+s22+$0x0], $0xffff  }
0x48b: {  	v13 =	vadd.f32 v14, v13;
	v14 =	vmul.f32 v61, v22  }
0x48c: {  	v15 =	vld.idx.msk [tilespmem:v15+s22+$0x0], $0xffff  }
0x48d: {  	v13 =	vadd.f32 v14, v13;
	v14 =	vmul.f32 v62, v24;
	_ =	sdelay $0x1  }
0x48e: {  	v13 =	vadd.f32 v14, v13;
	v14 =	vmul.f32 v63, v26  }
0x48f: {  	p0 =	sne.s32 s19, $0xF0  }
.Ltmp7:
0x490: {  	v13 =	vadd.f32 v14, v13;
	v14 =	vmul.f32 v15, v28;
	(pc) =	sbr.rel @p0 .LBB2_15-.Ltmp7, $4  }
0x491: {  	_ = 	snop  }
0x492: {  	v13 =	vadd.f32 v14, v13  }
0x493: {  	s20 =	sadd.s32 $0x10, s20;
	s21 =	sadd.s32 $0x10, s21  }
0x494: {  	s23 =	sadd.s32 $0x10, s23;
	s19 =	sadd.s32 $0x10, s19;
	[tilespmem:s24+$0x700] =	vst v13;
	s24 =	sadd.s32 $0x10, s24  }
0x495: {  	s7 =	sadd.s32 $0x1, s7  }
0x496: {  	p0 =	sne.s32 s7, $0x10  }
.Ltmp8:
0x497: {  	_ = 	snop;
	(pc) =	sbr.rel @p0 .LBB2_4-.Ltmp8, $4  }
0x498: {  	s18 =	sor.u32 s5, s18;
	s8 =	sadd.s32 $0x200, s8;
	s9 =	sadd.s32 $0x200, s9  }
0x499: {  	s10 =	sadd.s32 $0x200, s10;
	s14 =	sadd.s32 $0x200, s14;
	s18 =	sshrl.u32 s18, $0x3  }
0x49a: {  	s16 =	sadd.s32 $0x200, s16;
	s17 =	sadd.s32 $0x200, s17;
	s18 =	sadd.s32 s4, s18  }
0x49b: {  	[hbm4b:s18+s31] =	stream.strided.scatter [tilespmem:s6], [sflag:$0x4], $0x1000, s0, s31, $0x38;
	[tilespmem:$0x1B600] =	vst v63  }
0x49c: {  	s7 =	simm.s32 $0x3  }
0x49d: {  	_ =	swait.ge [sflag:s7], $0x1000  }
0x49e: {  	[sflag:s7] =	ssyncset.done $0x0  }
0x49f: {  	[sflag:s7] =	ssyncadd.s32 $0xFFFFF000  }
0x4a0: {  	_ =	swait.ge [sflag:s12], $0x1000  }
0x4a1: {  	s8 =	rddreg [dreg:$0x9]  }
0x4a2: {  	s25 =	rddreg [dreg:$0x8];
	s8 =	sadd.s32 $0x1, s8  }
0x4a3: {  	p0 =	sne.s32 s8, s25  }
.Ltmp9:
0x4a4: {  	_ = 	snop;
	(pc) =	sbr.rel @p0 .LBB2_1-.Ltmp9, $3  }
0x4a5: {  	_ =	sdelay $0x1  }
0x4a6: {  	[sflag:s12] =	ssyncset.done $0x0  }
0x4a7: {  	[sflag:s12] =	ssyncadd.s32 $0xFFFFF000  }
0x4a8: {  	_ =	sfence.sel $0x180000  }
0x4a9: {  	[bflag:$0x0] =	sbarrier.arrive $0xFFFF  }
0x4aa: {  	_ =	strace $0x9000005C  }
0x4ab: {  	s0 =	stileid.u32;
	[bflag:$0x2] =	sbarrier.arrive $0xFFFF  }
0x4ac: {  	p0 =	sne.s32 s0, $0x0;
	s0 =	rddreg [dreg:$0x4]  }
0x4ad: {  	s0 =	sadd.s32 @!p0 $0x100000, s0  }
0x4ae: {  	[sflag:s0] =	ssyncadd.tile.s32 @!p0 $0x1;
	_ =	shalt  }
.Lfunc_end2:
_tile_overlayer_lowered:
.L_overlay_start_2:
0x4af: {  	(tag) =	ssettag $0x2  }
0x4b0: {  	s0 =	rddreg [dreg:$0x0];
	s2 =	stileid.u32  }
0x4b1: {  	s1 =	rddreg [dreg:$0x1];
	p0 =	sne.s32 s2, $0x0  }
0x4b2: {  	s3 =	rddreg [dreg:$0x2];
	[bflag:$0x3] =	sbarrier.arrive $0xFFFF;
	s2 =	simm.s32 @!p0 $0x1C05  }
0x4b3: {  	[timem:s3], [sflag:s2] =	dma.local @!p0 [hbm:s0], s1  }
0x4b4: {  	s0 =	simm.s32 @!p0 $0x5  }
0x4b5: {  	_ =	swait.ge @!p0 [sflag:s0], s1  }
0x4b6: {  	s1 =	ssub.s32 @!p0 $0x0, s1;
	[sflag:s0] =	ssyncset.done @!p0 $0x0  }
0x4b7: {  	[sflag:s0] =	ssyncadd.s32 @!p0 s1  }
0x4b8: {  	[bflag:$0x3] =	sbarrier.arrive $0xFFFF  }
0x4b9: {  	_ =	shalt  }

// kernel: sparse-core-data-format-call.1.cloned.1.call-start
scs
called_computation.1_lowered:
.L_overlay_start_0:
0x0: {  	s2 =	sld [smem:$0x3FD9]  }
0x1: {  	s3 =	sld [smem:$0x3FFE];
	_ =	sdelay $0x1  }
0x2: {  	s1 =	srdreg.scid  }
0x3: {  	s0 =	sand.u32 $0x1, s1  }
0x4: {  	s18 =	sshll.u32 s0, $0xA;
	s2 =	sadd.s32 s3, s2  }
0x5: {  	s2 =	sadd.s32 s2, s18  }
0x6: {  	[smem:$0x3FC1] =	sst s2  }
0x7: {  	_ = 	snop  }
0x8: {  	(tm) =	ssettm $0x1  }
0x9: {  	s19 =	sld [smem:$0x3FFB];
	_ =	sdelay $0x3  }
0xa: {  	_ =	strace s19  }
0xb: {  	s2 =	sld [smem:$0x3FFC];
	_ =	sdelay $0x3  }
0xc: {  	_ =	strace s2  }
0xd: {  	s2 =	sld [smem:$0x3FFD];
	_ =	sdelay $0x3  }
0xe: {  	_ =	strace s2  }
0xf: {  	_ =	strace $0x8FFFFFFF  }
0x10: {  	s20 =	sld [smem:$0x3FDB];
	_ =	sdelay $0x1  }
0x11: {  	s21 =	simm.s32 $_scs_section_size  }
0x12: {  	s4 =	simm.s32 $_size__tile_overlayer_lowered;
	s5 =	simm.s32 $_tile_overlayer_lowered  }
0x13: {  	s6 =	simm.s32 $0x1BFF;
	s22 =	sshll.u32 s5, $0x1;
	s3 =	sadd.s32 s21, s20  }
0x14: {  	s23 =	simm.s32 $0x0;
	s4 =	sshll.u32 s4, $0x1;
	s5 =	sadd.s32 s22, s3  }
0x15: {  	[timem:s23], [sflag:s6] =	dma.local [hbm:s5], s4  }
0x16: {  	_ =	swait.ge [sflag:s6], s4  }
0x17: {  	s4 =	ssub.s32 $0x0, s4;
	[sflag:s6] =	ssyncset.done $0x0  }
0x18: {  	[sflag:s6] =	ssyncadd.s32 s4;
	_ =	sdelay $0x1  }
0x19: {  	s24 =	simm.s32 $0x1B8B  }
0x1a: {  	_ =	swait.ge [sflag:s24], $0x1  }
0x1b: {  	[sflag:s24] =	ssyncset.done $0x0  }
0x1c: {  	[sflag:s24] =	ssyncadd.s32 $0xFFFFFFFF  }
0x1d: {  	s4 =	sld [smem:$0x0]  }
0x1e: {  	s5 =	sand.u32 $0xFFFFFFFE, s1  }
0x1f: {  	p0 =	sne.s32 s1, s5  }
0x20: {  	s5 =	sshll.u32 @p0 s5, $0xE  }
0x21: {  	s5 =	sadd.s32 @p0 $0x11B8D, s5;
	s6 =	sshll.u32 @p0 s4, $0x11  }
0x22: {  	s5 =	sor.u32 @p0 s6, s5  }
0x23: {  	[sflag:s5] =	ssyncadd.remote.s32 @p0 $0x1;
	_ =	sdelay $0x1  }
0x24: {  	s5 =	simm.s32 @p0 $0x1B8D  }
0x25: {  	_ =	swait.eq @p0 [sflag:s5], $0x1  }
0x26: {  	[sflag:s5] =	ssyncadd.s32 @p0 $0xFFFFFFFF  }
0x27: {  	s6 =	sshll.u32 @!p0 s1, $0xE  }
0x28: {  	s6 =	sor.u32 @!p0 $0x4000, s6;
	s5 =	simm.s32 @!p0 $0x1B8D  }
0x29: {  	s4 =	sshll.u32 @!p0 s4, $0x11;
	s6 =	sadd.s32 @!p0 $0x11B8D, s6;
	_ =	swait.eq @!p0 [sflag:s5], $0x1  }
0x2a: {  	s4 =	sor.u32 @!p0 s4, s6;
	[sflag:s5] =	ssyncadd.s32 @!p0 $0xFFFFFFFF  }
0x2b: {  	s26 =	simm.s32 $0x1B8E;
	s25 =	sld [smem:$0x3FFE];
	[sflag:s4] =	ssyncadd.remote.s32 @!p0 $0x1  }
0x2c: {  	s27 =	simm.s32 $execute0_lowered;
	[smem:$0x3FD2] =	sst s26  }
0x2d: {  	s5 =	sshll.u32 s27, $0x1;
	_ =	strace $0x8000004F;
	[dreg:$0x1] =	wrdreg $0xFFFFFFFF  }
0x2e: {  	s28 =	simm.s32 $_size_execute0_lowered;
	s3 =	sadd.s32 s3, s5;
	[dreg:$0x0] =	wrdreg $0x0  }
0x2f: {  	s5 =	sshll.u32 s28, $0x1;
	[dreg:$0x2] =	wrdreg s3  }
0x30: {  	[dreg:$0x3] =	wrdreg s5  }
0x31: {  	[dreg:$0x4] =	wrdreg $0xC0  }
0x32: {  	_ =	task [dreg:s23], $0x5FFFF  }
0x33: {  	[dreg:$0x1] =	wrdreg $0xFFFFFFFF  }
0x34: {  	[dreg:$0x0] =	wrdreg $0x60  }
0x35: {  	[dreg:$0x2] =	wrdreg s25  }
0x36: {  	[dreg:$0x3] =	wrdreg $0x9  }
0x37: {  	_ =	task.clear_ibuf [dreg:s23], $0x4FFFF;
	_ =	strace $0x9000004F  }
0x38: {  	s29 =	simm.s32 $0x9;
	_ =	strace $0x80000051  }
0x39: {  	_ =	swait.ge [sflag:s29], $0x1  }
0x3a: {  	[sflag:s29] =	ssyncadd.s32 $0xFFFFFFFF  }
0x3b: {  	_ =	strace $0x90000051  }
0x3c: {  	_ =	sfence  }
0x3d: {  	s30 =	sld [smem:$0x0];
	_ =	sdelay $0x2  }
0x3e: {  	s31 =	sshll.u32 s1, $0xD;
	s1 =	sshrl.u32 s1, $0x2  }
0x3f: {  	s4 =	sand.u32 $0x4000, s31;
	s1 =	sadd.s32 s1, s30  }
0x40: {  	s0 =	sor.u32 s4, s0;
	s1 =	sshll.u32 s1, $0x11  }
0x41: {  	s0 =	sor.u32 s1, s0  }
0x42: {  	s0 =	sadd.s32 $0x8F2B, s0  }
0x43: {  	[sflag:s0] =	ssyncadd.remote.s32 $0x1  }
0x44: {  	_ =	sfence.sel $0xFFFF  }
0x45: {  	[dreg:$0x0] =	wrdreg $0xFFFFFFFF;
	(pc) =	sbr.abs _section_cstart, $3  }
0x46: {  	[dreg:$0x1] =	wrdreg $0xFFFFFFFF  }
0x47: {  	_ =	task.clear_ibuf [dreg:s23], $0x2FFFF;
	_ =	strace $0x9FFFFFFF  }
0x48: {  	(tm) =	ssettm $0x7FFFFFFF  }
0x49: {  	_ =	shalt  }
tec
execute0_lowered:
.L_overlay_start_1:
0x0: {  	(tag) =	ssettag $0x1  }
0x1: {  	s1 =	srdreg.scid  }
0x2: {  	s0 =	stileid.u32;
	s6 =	rddreg [dreg:$0x0]  }
0x3: {  	s9 =	simm.s32 $0x2;
	s17 =	simm.s32 $0x0;
	s10 =	simm.s32 $0x1000  }
0x4: {  	s11 =	simm.s32 $0x0;
	s18 =	simm.s32 $0x0;
	s20 =	simm.s32 $0x0  }
0x5: {  	s19 =	simm.s32 $0x0;
	s12 =	simm.s32 $0x0;
	s1 =	sshll.u32 s1, $0x7  }
0x6: {  	s16 =	simm.s32 $0x0;
	s2 =	sand.u32 $0x1, s0;
	s3 =	sand.u32 $0x80, s1  }
0x7: {  	s4 =	ssub.s32 $0x2, s2;
	s1 =	rddreg [dreg:$0x1];
	s5 =	ssub.s32 $0x800, s3  }
0x8: {  	_ =	strace $0x80000050;
	s7 =	sshrl.u32 s4, $0x1;
	s8 =	sshrl.u32 s5, $0x7  }
0x9: {  	s4 =	sand.u32 $0x1, s4;
	s5 =	sshrl.u32 s5, $0x8;
	s8 =	sand.u32 $0x1, s8  }
.Ltmp0:
0xa: {  	s7 =	sadd.s32 s4, s7;
	s8 =	sadd.s32 s5, s8;
	(pc) =	sbr.rel .LBB1_1-.Ltmp0, $4  }
0xb: {  	s15 =	smov.u32 s2;
	s13 =	smov.u32 s3;
	s8 =	smul.u32 s8, s7  }
0xc: {  	s4 =	sadd.s32 $0x2400, s6;
	s6 =	sadd.s32 $0xC02400, s6;
	s5 =	simm.s32 $0x1  }
0xd: {  	[sflag:s5] =	ssyncpa.u1 $0x0;
	s7 =	sshrl.u32 s0, $0x1;
	s8 =	sshll.u32 s8, $0x2  }
0xe: {  	[sflag:s9] =	ssyncpa.u1 $0x0;
	s14 =	smov.u32 s7;
	s9 =	sor.u32 $0x1, s8  }
.LBB1_4:
0xf: {  	_ =	sdelay $0x3  }
0x10: {  	[tilespmem:v0+s23+$0xFFFFFFA0 ss:$0x1] =	vst.idx.msk $0xffff, v6  }
0x11: {  	v56 =	vld.idx.msk [tilespmem:v1+s22+$0x30 ss:$0x1], $0xffff;
	[tilespmem:v0+s23+$0xFFFFFFB0 ss:$0x1] =	vst.idx.msk $0xffff, v4  }
0x12: {  	v57 =	vld.idx.msk [tilespmem:v1+s22+$0xFFFFFFC0 ss:$0x1], $0xffff;
	[tilespmem:v0+s23+$0xFFFFFFC0 ss:$0x1] =	vst.idx.msk $0xffff, v2  }
0x13: {  	v58 =	vld.idx.msk [tilespmem:v1+s22+$0xFFFFFFD0 ss:$0x1], $0xffff;
	[tilespmem:v0+s23+$0xFFFFFFD0 ss:$0x1] =	vst.idx.msk $0xffff, v3  }
0x14: {  	v59 =	vld.idx.msk [tilespmem:v1+s22+$0xFFFFFFE0 ss:$0x1], $0xffff;
	[tilespmem:v0+s23+$0xFFFFFFE0 ss:$0x1] =	vst.idx.msk $0xffff, v5  }
0x15: {  	v60 =	vld.idx.msk [tilespmem:v1+s22+$0xFFFFFFF0 ss:$0x1], $0xffff;
	[tilespmem:v0+s23+$0xFFFFFFF0 ss:$0x1] =	vst.idx.msk $0xffff, v7  }
0x16: {  	v61 =	vld.idx.msk [tilespmem:v1+s22+$0x0 ss:$0x1], $0xffff;
	[tilespmem:v0+s22+$0x0 ss:$0x1] =	vst.idx.msk $0xffff, v56  }
0x17: {  	v62 =	vld.idx.msk [tilespmem:v1+s22+$0x10 ss:$0x1], $0xffff;
	[tilespmem:v0+s22+$0xFFFFFF90 ss:$0x1] =	vst.idx.msk $0xffff, v57  }
0x18: {  	s20 =	sshll.u32 s20, $0x7;
	v63 =	vld.idx.msk [tilespmem:v1+s22+$0x20 ss:$0x1], $0xffff;
	s29 =	sand.u32 $0x78, s17;
	[tilespmem:v0+s22+$0xFFFFFFA0 ss:$0x1] =	vst.idx.msk $0xffff, v58  }
0x19: {  	s30 =	sshll.u32 s17, $0x3;
	s19 =	sshll.u32 s19, $0x14;
	s20 =	sand.u32 $0x380, s20;
	[tilespmem:v0+s22+$0xFFFFFFB0 ss:$0x1] =	vst.idx.msk $0xffff, v59  }
0x1a: {  	s18 =	sshll.u32 s18, $0x9;
	s23 =	sand.u32 $0xC00, s30;
	s20 =	sor.u32 s29, s20;
	[tilespmem:v0+s22+$0xFFFFFFC0 ss:$0x1] =	vst.idx.msk $0xffff, v60  }
0x1b: {  	s31 =	sand.u32 $0x7, s17;
	s19 =	sadd.s32 s6, s19;
	s20 =	sor.u32 s23, s20;
	[tilespmem:v0+s22+$0xFFFFFFD0 ss:$0x1] =	vst.idx.msk $0xffff, v61  }
0x1c: {  	s17 =	sshll.u32 s31, $0x12;
	s18 =	sadd.s32 s18, s19;
	s20 =	sshrl.u32 s20, $0x3;
	[tilespmem:v0+s22+$0xFFFFFFE0 ss:$0x1] =	vst.idx.msk $0xffff, v62  }
0x1d: {  	s17 =	sor.u32 $0x80, s17;
	[tilespmem:v0+s22+$0xFFFFFFF0 ss:$0x1] =	vst.idx.msk $0xffff, v63;
	s18 =	sadd.s32 s20, s18  }
0x1e: {  	[hbm4b:s18+s17] =	stream.strided.scatter [tilespmem:s21], [sflag:$0x2], $0x4000, s10, s17, $0x38;
	[tilespmem:$0x10000] =	vst v63  }
.LBB1_5:
0x1f: {  	s21 =	sadd.s32 $0x80, s12  }
0x20: {  	s17 =	sadd.s32 $0x100, s13;
	s22 =	smov.u32 s13;
	p1 =	sgt.s32 s21, $0x1FF  }
0x21: {  	s22 =	smov.u32 @p1 s17  }
0x22: {  	s23 =	smov.u32 s14;
	s17 =	sadd.s32 $0x8, s14;
	p2 =	sgt.s32 s22, $0x7FF  }
0x23: {  	s23 =	smov.u32 @p2 s17  }
0x24: {  	s24 =	smov.u32 s15;
	s17 =	sadd.s32 $0x2, s15;
	p3 =	sgt.s32 s23, $0x7  }
0x25: {  	p0 =	slt.u32 s16, $0x2;
	s24 =	smov.u32 @p3 s17  }
0x26: {  	s18 =	smov.u32 s13;
	s21 =	simm.s32 @p1 $0x0;
	p1 =	sgt.s32 s24, $0x1  }
0x27: {  	s25 =	simm.s32 @!p0 $0x2;
	s24 =	smov.u32 @p1 s2;
	p1 =	sne.s32 s16, s9  }
.Ltmp1:
0x28: {  	s20 =	smov.u32 s14;
	_ =	swait.ge @!p0 [sflag:s25], $0x4000;
	(pc) =	sbr.rel @!p1 .LBB1_6-.Ltmp1, $4  }
0x29: {  	s19 =	smov.u32 s15;
	[sflag:s25] =	ssyncset.done @!p0 $0x0;
	s22 =	smov.u32 @p2 s3  }
0x2a: {  	s11 =	sadd.s32 $0x4000, s11;
	[sflag:s25] =	ssyncadd.s32 @!p0 $0xFFFFC000;
	s13 =	smov.u32 s22  }
0x2b: {  	s23 =	smov.u32 @p3 s7;
	s17 =	smov.u32 s12;
	s12 =	smov.u32 s21  }
0x2c: {  	s14 =	smov.u32 s23;
	s16 =	sadd.s32 $0x1, s16;
	s15 =	smov.u32 s24  }
.LBB1_1:
0x2d: {  	p0 =	sge.u32 s16, s8;
	s31 =	sadd.s32 $0xFFFFFFFF, s16  }
0x2e: {  	s21 =	sxor.u32 @!p0 $0xFFFFFFFF, s16;
	s22 =	sand.u32 @!p0 $0x78, s12;
	s23 =	sshll.u32 @!p0 s13, $0x9  }
0x2f: {  	s24 =	sshll.u32 @!p0 s12, $0x3;
	s25 =	sshll.u32 @!p0 s13, $0x7;
	s21 =	sshll.u32 @!p0 s21, $0xE  }
0x30: {  	s23 =	sand.u32 @!p0 $0xFF000, s23;
	s24 =	sand.u32 @!p0 $0xFFC00, s24;
	s21 =	sand.u32 @!p0 $0x4000, s21  }
0x31: {  	s23 =	sadd.s32 @!p0 s23, s24;
	s24 =	sand.u32 @!p0 $0x200, s25;
	s25 =	sand.u32 @!p0 $0x180, s25  }
0x32: {  	s23 =	sor.u32 @!p0 s24, s23;
	s22 =	sor.u32 @!p0 s22, s25;
	s24 =	sshll.u32 @!p0 s15, $0x14  }
0x33: {  	s25 =	sshll.u32 @!p0 s14, $0x11;
	s23 =	sshrl.u32 @!p0 s23, $0x3;
	s24 =	sadd.s32 @!p0 s4, s24  }
0x34: {  	s22 =	sshrl.u32 @!p0 s22, $0x3;
	s24 =	sadd.s32 @!p0 s25, s24;
	s25 =	sand.u32 @!p0 $0x7, s12  }
0x35: {  	s23 =	sand.u32 @!p0 $0x1FFC0, s23;
	s22 =	sadd.s32 @!p0 s22, s24;
	s24 =	sshll.u32 @!p0 s25, $0x12  }
0x36: {  	s22 =	sadd.s32 @!p0 s23, s22;
	s23 =	sor.u32 @!p0 $0x400, s24;
	s24 =	simm.s32 @!p0 $0x1000  }
0x37: {  	[tilespmem:s21], [sflag:$0x1] =	stream.strided.gather @!p0 [hbm4b:s22+s23], $0x4000, s24, s23, $0x38;
	[tilespmem:$0x10000] =	vst v63  }
0x38: {  	p0 =	sge.u32 s31, s8  }
.Ltmp2:
0x39: {  	_ = 	snop;
	(pc) =	sbr.rel @p0 .LBB1_5-.Ltmp2, $1  }
0x3a: {  	_ =	sdelay $0x3  }
0x3b: {  	s21 =	sand.u32 $0x4000, s11  }
0x3c: {  	s22 =	sor.u32 $0x40, s21  }
0x3d: {  	v1 =	vmov s22;
	_ =	sdelay $0x1  }
0x3e: {  	_ =	swait.ge [sflag:s5], $0x4000  }
0x3f: {  	[sflag:s5] =	ssyncset.done $0x0  }
0x40: {  	s23 =	simm.s32 $0x0;
	[sflag:s5] =	ssyncadd.s32 $0xFFFFC000  }
0x41: {  	s21 =	sor.u32 $0x8070, s21;
	v7 =	vld.idx.msk [tilespmem:v1+s23+$0x30 ss:$0x1], $0xffff  }
0x42: {  	v0 =	vmov s21;
	v8 =	vld.idx.msk [tilespmem:v1+s23+$0xFFFFFFC0 ss:$0x1], $0xffff  }
0x43: {  	v6 =	vld.idx.msk [tilespmem:v1+s23+$0xFFFFFFD0 ss:$0x1], $0xffff  }
0x44: {  	v4 =	vld.idx.msk [tilespmem:v1+s23+$0xFFFFFFE0 ss:$0x1], $0xffff  }
0x45: {  	v2 =	vld.idx.msk [tilespmem:v1+s23+$0xFFFFFFF0 ss:$0x1], $0xffff  }
0x46: {  	s31 =	sshll.u32 s16, $0xE;
	v3 =	vld.idx.msk [tilespmem:v1+s23+$0x0 ss:$0x1], $0xffff  }
0x47: {  	s21 =	sand.u32 $0x4000, s31;
	v5 =	vld.idx.msk [tilespmem:v1+s23+$0x10 ss:$0x1], $0xffff;
	[tilespmem:v0+s23+$0x0 ss:$0x1] =	vst.idx.msk $0xffff, v7  }
0x48: {  	s24 =	simm.s32 $0x400;
	s22 =	simm.s32 $0x80;
	s21 =	sor.u32 $0x8000, s21;
	[tilespmem:v0+s23+$0xFFFFFF90 ss:$0x1] =	vst.idx.msk $0xffff, v8;
	v7 =	vld.idx.msk [tilespmem:v1+s23+$0x20 ss:$0x1], $0xffff  }
.LBB1_3:
0x49: {  	p0 =	sne.s32 s24, $0xFE00;
	v8 =	vld.idx.msk [tilespmem:v1+s22+$0x30 ss:$0x1], $0xffff;
	[tilespmem:v0+s23+$0xFFFFFFA0 ss:$0x1] =	vst.idx.msk $0xffff, v6  }
0x4a: {  	v9 =	vld.idx.msk [tilespmem:v1+s22+$0xFFFFFFC0 ss:$0x1], $0xffff;
	[tilespmem:v0+s23+$0xFFFFFFB0 ss:$0x1] =	vst.idx.msk $0xffff, v4  }
0x4b: {  	v6 =	vld.idx.msk [tilespmem:v1+s22+$0xFFFFFFD0 ss:$0x1], $0xffff;
	[tilespmem:v0+s23+$0xFFFFFFC0 ss:$0x1] =	vst.idx.msk $0xffff, v2  }
.Ltmp3:
0x4c: {  	v4 =	vld.idx.msk [tilespmem:v1+s22+$0xFFFFFFE0 ss:$0x1], $0xffff;
	[tilespmem:v0+s23+$0xFFFFFFD0 ss:$0x1] =	vst.idx.msk $0xffff, v3;
	(pc) =	sbr.rel @p0 .LBB1_3-.Ltmp3, $4  }
0x4d: {  	v2 =	vld.idx.msk [tilespmem:v1+s22+$0xFFFFFFF0 ss:$0x1], $0xffff;
	[tilespmem:v0+s23+$0xFFFFFFE0 ss:$0x1] =	vst.idx.msk $0xffff, v5  }
0x4e: {  	v3 =	vld.idx.msk [tilespmem:v1+s22+$0x0 ss:$0x1], $0xffff;
	[tilespmem:v0+s23+$0xFFFFFFF0 ss:$0x1] =	vst.idx.msk $0xffff, v7;
	s23 =	smov.u32 s22  }
0x4f: {  	v5 =	vld.idx.msk [tilespmem:v1+s23+$0x10 ss:$0x1], $0xffff;
	[tilespmem:v0+s23+$0x0 ss:$0x1] =	vst.idx.msk $0xffff, v8  }
0x50: {  	s22 =	sshra.s32 s24, $0x2;
	s24 =	sadd.s32 $0x200, s24;
	[tilespmem:v0+s23+$0xFFFFFF90 ss:$0x1] =	vst.idx.msk $0xffff, v9;
	v7 =	vld.idx.msk [tilespmem:v1+s23+$0x20 ss:$0x1], $0xffff  }
.Ltmp4:
0x51: {  	_ = 	snop;
	(pc) =	sbr.rel .LBB1_4-.Ltmp4, $1  }
0x52: {  	_ =	sdelay $0x3  }
.LBB1_6:
0x53: {  	_ =	sfence.sel $0x180000  }
0x54: {  	s2 =	simm.s32 $0x1;
	[bflag:$0x0] =	sbarrier.arrive $0xFFFF  }
0x55: {  	s31 =	simm.s32 $0x2;
	[sflag:s2] =	ssyncpa.u1 $0x1  }
0x56: {  	[sflag:s31] =	ssyncpa.u1 $0x1  }
0x57: {  	p0 =	sne.s32 s0, $0x0;
	_ =	strace $0x90000050  }
0x58: {  	s0 =	sadd.s32 @!p0 $0x100000, s1;
	[bflag:$0x2] =	sbarrier.arrive $0xFFFF  }
0x59: {  	[sflag:s0] =	ssyncadd.tile.s32 @!p0 $0x1;
	_ =	shalt  }
.Lfunc_end1:
_tile_overlayer_lowered:
.L_overlay_start_2:
0x5a: {  	(tag) =	ssettag $0x2  }
0x5b: {  	s0 =	rddreg [dreg:$0x0];
	s2 =	stileid.u32  }
0x5c: {  	s1 =	rddreg [dreg:$0x1];
	p0 =	sne.s32 s2, $0x0  }
0x5d: {  	s3 =	rddreg [dreg:$0x2];
	[bflag:$0x3] =	sbarrier.arrive $0xFFFF;
	s2 =	simm.s32 @!p0 $0x1C01  }
0x5e: {  	[timem:s3], [sflag:s2] =	dma.local @!p0 [hbm:s0], s1  }
0x5f: {  	s0 =	simm.s32 @!p0 $0x1  }
0x60: {  	_ =	swait.ge @!p0 [sflag:s0], s1  }
0x61: {  	s1 =	ssub.s32 @!p0 $0x0, s1;
	[sflag:s0] =	ssyncset.done @!p0 $0x0  }
0x62: {  	[sflag:s0] =	ssyncadd.s32 @!p0 s1  }
0x63: {  	[bflag:$0x3] =	sbarrier.arrive $0xFFFF  }
0x64: {  	_ =	shalt  }

// kernel: sparse-core-data-format-call.2.cloned.1.call-start
scs
called_computation.2_lowered:
.L_overlay_start_0:
0x0: {  	s2 =	sld [smem:$0x3FD9]  }
0x1: {  	s3 =	sld [smem:$0x3FFE];
	_ =	sdelay $0x1  }
0x2: {  	s1 =	srdreg.scid  }
0x3: {  	s0 =	sand.u32 $0x1, s1  }
0x4: {  	s18 =	sshll.u32 s0, $0xA;
	s2 =	sadd.s32 s3, s2  }
0x5: {  	s2 =	sadd.s32 s2, s18  }
0x6: {  	[smem:$0x3FC1] =	sst s2  }
0x7: {  	_ = 	snop  }
0x8: {  	s2 =	sld [smem:$0x3FC6];
	(tm) =	ssettm $0x1  }
0x9: {  	s19 =	sld [smem:$0x3FFB];
	_ =	sdelay $0x3  }
0xa: {  	_ =	strace s19  }
0xb: {  	s3 =	sld [smem:$0x3FFC];
	_ =	sdelay $0x3  }
0xc: {  	_ =	strace s3  }
0xd: {  	s3 =	sld [smem:$0x3FFD];
	_ =	sdelay $0x3  }
0xe: {  	_ =	strace s3  }
0xf: {  	_ =	strace $0x8FFFFFFF  }
0x10: {  	s20 =	sld [smem:$0x3FDB];
	_ =	sdelay $0x1  }
0x11: {  	s4 =	simm.s32 $_scs_section_size  }
0x12: {  	s5 =	simm.s32 $_size__tile_overlayer_lowered;
	s6 =	simm.s32 $_tile_overlayer_lowered  }
0x13: {  	s23 =	simm.s32 $0x1BFF;
	s22 =	sshll.u32 s6, $0x1;
	s3 =	sadd.s32 s4, s20  }
0x14: {  	s7 =	simm.s32 $0x0;
	s21 =	sshll.u32 s5, $0x1;
	s5 =	sadd.s32 s22, s3  }
0x15: {  	[timem:s7], [sflag:s23] =	dma.local [hbm:s5], s21  }
0x16: {  	_ =	swait.ge [sflag:s23], s21  }
0x17: {  	s4 =	ssub.s32 $0x0, s21;
	[sflag:s23] =	ssyncset.done $0x0  }
0x18: {  	[sflag:s23] =	ssyncadd.s32 s4;
	_ =	sdelay $0x1  }
0x19: {  	s24 =	simm.s32 $0x1B8B  }
0x1a: {  	_ =	swait.ge [sflag:s24], $0x1  }
0x1b: {  	[sflag:s24] =	ssyncset.done $0x0  }
0x1c: {  	s26 =	simm.s32 $0x1B8E;
	s25 =	sld [smem:$0x3FFE];
	[sflag:s24] =	ssyncadd.s32 $0xFFFFFFFF  }
0x1d: {  	s27 =	simm.s32 $execute0_lowered;
	[smem:$0x3FD2] =	sst s26  }
0x1e: {  	s5 =	sshll.u32 s27, $0x1;
	_ =	strace $0x80000046;
	[dreg:$0x1] =	wrdreg $0xFFFFFFFF  }
0x1f: {  	s28 =	simm.s32 $_size_execute0_lowered;
	s3 =	sadd.s32 s3, s5;
	[dreg:$0x0] =	wrdreg $0x0  }
0x20: {  	s5 =	sshll.u32 s28, $0x1;
	[dreg:$0x2] =	wrdreg s3  }
0x21: {  	[dreg:$0x3] =	wrdreg s5  }
0x22: {  	[dreg:$0x4] =	wrdreg $0xC0  }
0x23: {  	_ =	task [dreg:s7], $0x5FFFF  }
0x24: {  	[dreg:$0x1] =	wrdreg $0xFFFFFFFF  }
0x25: {  	[dreg:$0x0] =	wrdreg $0x60  }
0x26: {  	[dreg:$0x2] =	wrdreg s2  }
0x27: {  	[dreg:$0x3] =	wrdreg s25  }
0x28: {  	[dreg:$0x4] =	wrdreg $0x9  }
0x29: {  	_ =	task.clear_ibuf [dreg:s7], $0x5FFFF;
	_ =	strace $0x90000046  }
0x2a: {  	s29 =	simm.s32 $0x9;
	_ =	strace $0x80000048  }
0x2b: {  	_ =	swait.ge [sflag:s29], $0x1  }
0x2c: {  	[sflag:s29] =	ssyncadd.s32 $0xFFFFFFFF  }
0x2d: {  	_ =	strace $0x90000048  }
0x2e: {  	_ =	sfence  }
0x2f: {  	s30 =	sld [smem:$0x0];
	_ =	sdelay $0x2  }
0x30: {  	s31 =	sshll.u32 s1, $0xD;
	s1 =	sshrl.u32 s1, $0x2  }
0x31: {  	s3 =	sand.u32 $0x4000, s31;
	s1 =	sadd.s32 s1, s30  }
0x32: {  	s0 =	sor.u32 s3, s0;
	s1 =	sshll.u32 s1, $0x11  }
0x33: {  	s0 =	sor.u32 s1, s0  }
0x34: {  	s0 =	sadd.s32 $0x8F2B, s0  }
0x35: {  	[sflag:s0] =	ssyncadd.remote.s32 $0x1  }
0x36: {  	_ =	sfence.sel $0xFFFF  }
0x37: {  	[dreg:$0x0] =	wrdreg $0xFFFFFFFF;
	(pc) =	sbr.abs _section_cstart, $3  }
0x38: {  	[dreg:$0x1] =	wrdreg $0xFFFFFFFF  }
0x39: {  	_ =	task.clear_ibuf [dreg:s7], $0x2FFFF;
	_ =	strace $0x9FFFFFFF  }
0x3a: {  	(tm) =	ssettm $0x7FFFFFFF  }
0x3b: {  	_ =	shalt  }
tec
execute0_lowered:
.L_overlay_start_1:
0x0: {  	(tag) =	ssettag $0x1  }
0x1: {  	s5 =	rddreg [dreg:$0x0]  }
0x2: {  	s0 =	rddreg [dreg:$0x1]  }
0x3: {  	s1 =	srdreg.scid;
	_ =	strace $0x80000047;
	s2 =	stileid.u32  }
0x4: {  	s30 =	simm.s32 $0x1;
	s31 =	simm.s32 $0x2;
	s13 =	simm.s32 $0x0  }
0x5: {  	s12 =	simm.s32 $0x0;
	s14 =	simm.s32 $0x0;
	s9 =	simm.s32 $0x0  }
.Ltmp0:
0x6: {  	s0 =	sadd.s32 $0x2400, s0;
	s29 =	sshll.u32 s1, $0x4;
	(pc) =	sbr.rel .LBB1_1-.Ltmp0, $4  }
0x7: {  	s8 =	simm.s32 $0x0;
	[dreg:$0x3] =	wrdreg s0;
	s0 =	sand.u32 $0x10, s29  }
0x8: {  	[sflag:s30] =	ssyncpa.u1 $0x0;
	s6 =	sand.u32 $0x3, s2;
	s0 =	sor.u32 s2, s0  }
0x9: {  	[sflag:s31] =	ssyncpa.u1 $0x0;
	[dreg:$0x4] =	wrdreg s6;
	s7 =	sshrl.u32 s0, $0x2  }
0xa: {  	s11 =	smov.u32 s6;
	s10 =	smov.u32 s7;
	[dreg:$0x5] =	wrdreg s7  }
.LBB1_5:
0xb: {  	s0 =	sadd.s32 $0x20, s9  }
0xc: {  	s1 =	sadd.s32 $0x8, s10;
	s2 =	smov.u32 s10;
	p1 =	sgt.s32 s0, $0x1FF  }
0xd: {  	s2 =	smov.u32 @p1 s1  }
0xe: {  	s3 =	sadd.s32 $0x4, s11;
	s4 =	smov.u32 s11;
	p2 =	sgt.s32 s2, $0xF  }
0xf: {  	p0 =	slt.u32 s8, $0x2;
	s4 =	smov.u32 @p2 s3  }
0x10: {  	s8 =	sadd.s32 $0x1, s8;
	s0 =	simm.s32 @p1 $0x0;
	p1 =	sgt.s32 s4, $0x3  }
0x11: {  	s4 =	smov.u32 @p1 s6;
	p1 =	sne.s32 s8, $0x22  }
.Ltmp1:
0x12: {  	_ = 	snop;
	(pc) =	sbr.rel @!p1 .LBB1_6-.Ltmp1, $4  }
0x13: {  	s13 =	smov.u32 s9;
	s1 =	simm.s32 @!p0 $0x2  }
0x14: {  	s12 =	smov.u32 s10;
	s14 =	smov.u32 s11;
	_ =	swait.ge @!p0 [sflag:s1], $0x4000  }
0x15: {  	s9 =	smov.u32 s0;
	s2 =	smov.u32 @p2 s7;
	[sflag:s1] =	ssyncset.done @!p0 $0x0  }
0x16: {  	[sflag:s1] =	ssyncadd.s32 @!p0 $0xFFFFC000;
	s10 =	smov.u32 s2;
	s11 =	smov.u32 s4  }
.LBB1_1:
0x17: {  	p0 =	sgt.u32 s8, $0x1F  }
0x18: {  	s0 =	sxor.u32 @!p0 $0xFFFFFFFF, s8;
	s1 =	sshll.u32 @!p0 s9, $0x9;
	s2 =	sshll.u32 @!p0 s9, $0x7  }
0x19: {  	s3 =	sshll.u32 @!p0 s11, $0x13;
	s1 =	sand.u32 @!p0 $0x3F000, s1;
	s2 =	sand.u32 @!p0 $0x380, s2  }
0x1a: {  	s4 =	sshll.u32 @!p0 s10, $0xF;
	s1 =	sor.u32 @!p0 s2, s1;
	s2 =	sadd.s32 @!p0 s5, s3  }
0x1b: {  	s0 =	sshll.u32 @!p0 s0, $0xE;
	s1 =	sshrl.u32 @!p0 s1, $0x3;
	s2 =	sadd.s32 @!p0 s4, s2  }
0x1c: {  	s0 =	sand.u32 @!p0 $0x4000, s0;
	s1 =	sadd.s32 @!p0 s1, s2;
	s2 =	simm.s32 @!p0 $0x0  }
0x1d: {  	[tilespmem:s0], [sflag:$0x1] =	stream.linear.gather @!p0 [hbm4b:s1+s2], $0x4000, $0x38;
	[tilespmem:$0x10000] =	vst v63  }
0x1e: {  	p0 =	seq.s32 s8, $0x0  }
0x1f: {  	p1 =	seq.s32 @!p0 s8, $0x21  }
0x20: {  	p0 =	por p0, p1  }
.Ltmp2:
0x21: {  	_ = 	snop;
	(pc) =	sbr.rel @p0 .LBB1_5-.Ltmp2, $1  }
0x22: {  	_ =	sdelay $0x3  }
0x23: {  	[dreg:$0xc] =	wrdreg s14  }
0x24: {  	[dreg:$0xb] =	wrdreg s13  }
0x25: {  	[dreg:$0xa] =	wrdreg s12  }
0x26: {  	[dreg:$0x9] =	wrdreg s11  }
0x27: {  	[dreg:$0x8] =	wrdreg s10;
	s0 =	sshll.u32 s8, $0xE  }
0x28: {  	[dreg:$0x7] =	wrdreg s9;
	s0 =	sand.u32 $0x4000, s0  }
0x29: {  	[dreg:$0x6] =	wrdreg s8;
	s4 =	simm.s32 $0x1;
	v1 =	vmov s0  }
0x2a: {  	s1 =	simm.s32 $0x0;
	_ =	swait.ge [sflag:s4], $0x4000  }
0x2b: {  	s2 =	sand.u32 $0x3000, s1;
	s3 =	sand.u32 $0x380, s1;
	s1 =	sand.u32 $0x180, s1  }
0x2c: {  	[sflag:s4] =	ssyncset.done $0x0;
	s16 =	sor.u32 s3, s2;
	s9 =	sor.u32 $0x8000, s0  }
0x2d: {  	[sflag:s4] =	ssyncadd.s32 $0xFFFFC000;
	s2 =	sand.u32 $0x3200, s16;
	s3 =	sor.u32 $0x410, s16  }
0x2e: {  	s10 =	sor.u32 s1, s2;
	v2 =	vld.idx.msk [tilespmem:v1+s3+$0x0 ss:$0x1], $0xffff;
	[dreg:$0xd] =	wrdreg s9  }
0x2f: {  	v0 =	vmov s9;
	s1 =	sor.u32 $0xC00, s10;
	v3 =	vld.idx.msk [tilespmem:v1+s10+$0x0 ss:$0x1], $0xffff  }
0x30: {  	s2 =	sor.u32 $0x10, s10;
	v4 =	vld.idx.msk [tilespmem:v1+s1+$0x0 ss:$0x1], $0xffff  }
0x31: {  	s11 =	sor.u32 $0x20, s10;
	v5 =	vld.idx.msk [tilespmem:v1+s2+$0x0 ss:$0x1], $0xffff  }
0x32: {  	s5 =	sor.u32 $0x30, s10;
	v6 =	vld.idx.msk [tilespmem:v1+s11+$0x0 ss:$0x1], $0xffff  }
0x33: {  	s7 =	sor.u32 $0x40, s10;
	v7 =	vld.idx.msk [tilespmem:v1+s5+$0x0 ss:$0x1], $0xffff  }
0x34: {  	s28 =	sor.u32 $0x840, s16;
	v8 =	vld.idx.msk [tilespmem:v1+s7+$0x0 ss:$0x1], $0xffff;
	[tilespmem:v0+s3+$0x0 ss:$0x1] =	vst.idx.msk $0xffff, v2  }
0x35: {  	s17 =	sor.u32 $0x50, s10;
	v9 =	vld.idx.msk [tilespmem:v1+s28+$0x0 ss:$0x1], $0xffff;
	[tilespmem:v0+s10+$0x0 ss:$0x1] =	vst.idx.msk $0xffff, v3  }
0x36: {  	s12 =	sor.u32 $0x60, s10;
	v2 =	vld.idx.msk [tilespmem:v1+s17+$0x0 ss:$0x1], $0xffff;
	[tilespmem:v0+s1+$0x0 ss:$0x1] =	vst.idx.msk $0xffff, v4  }
0x37: {  	s18 =	sor.u32 $0x70, s10;
	v3 =	vld.idx.msk [tilespmem:v1+s12+$0x0 ss:$0x1], $0xffff;
	[tilespmem:v0+s2+$0x0 ss:$0x1] =	vst.idx.msk $0xffff, v5  }
0x38: {  	s13 =	sor.u32 $0x400, s10;
	v4 =	vld.idx.msk [tilespmem:v1+s18+$0x0 ss:$0x1], $0xffff;
	[tilespmem:v0+s11+$0x0 ss:$0x1] =	vst.idx.msk $0xffff, v6  }
0x39: {  	s0 =	sor.u32 $0x800, s10;
	v5 =	vld.idx.msk [tilespmem:v1+s13+$0x0 ss:$0x1], $0xffff;
	[tilespmem:v0+s5+$0x0 ss:$0x1] =	vst.idx.msk $0xffff, v7  }
0x3a: {  	s14 =	sor.u32 $0x420, s16;
	v6 =	vld.idx.msk [tilespmem:v1+s0+$0x0 ss:$0x1], $0xffff;
	[tilespmem:v0+s7+$0x0 ss:$0x1] =	vst.idx.msk $0xffff, v8  }
0x3b: {  	s22 =	sor.u32 $0x470, s16;
	v7 =	vld.idx.msk [tilespmem:v1+s14+$0x0 ss:$0x1], $0xffff;
	[tilespmem:v0+s28+$0x0 ss:$0x1] =	vst.idx.msk $0xffff, v9  }
0x3c: {  	s15 =	sor.u32 $0x430, s16;
	v8 =	vld.idx.msk [tilespmem:v1+s22+$0x0 ss:$0x1], $0xffff;
	[tilespmem:v0+s17+$0x0 ss:$0x1] =	vst.idx.msk $0xffff, v2  }
0x3d: {  	s19 =	sor.u32 $0x440, s16;
	v2 =	vld.idx.msk [tilespmem:v1+s15+$0x0 ss:$0x1], $0xffff;
	[tilespmem:v0+s12+$0x0 ss:$0x1] =	vst.idx.msk $0xffff, v3  }
0x3e: {  	s20 =	sor.u32 $0x450, s16;
	v3 =	vld.idx.msk [tilespmem:v1+s19+$0x0 ss:$0x1], $0xffff;
	[tilespmem:v0+s18+$0x0 ss:$0x1] =	vst.idx.msk $0xffff, v4  }
0x3f: {  	s21 =	sor.u32 $0x460, s16;
	v4 =	vld.idx.msk [tilespmem:v1+s20+$0x0 ss:$0x1], $0xffff;
	[tilespmem:v0+s13+$0x0 ss:$0x1] =	vst.idx.msk $0xffff, v5  }
0x40: {  	s23 =	sor.u32 $0x810, s16;
	v5 =	vld.idx.msk [tilespmem:v1+s21+$0x0 ss:$0x1], $0xffff;
	[tilespmem:v0+s0+$0x0 ss:$0x1] =	vst.idx.msk $0xffff, v6  }
0x41: {  	s30 =	sor.u32 $0x860, s16;
	[tilespmem:v0+s14+$0x0 ss:$0x1] =	vst.idx.msk $0xffff, v7;
	v6 =	vld.idx.msk [tilespmem:v1+s23+$0x0 ss:$0x1], $0xffff  }
0x42: {  	s25 =	sor.u32 $0x870, s16;
	[tilespmem:v0+s22+$0x0 ss:$0x1] =	vst.idx.msk $0xffff, v8;
	v8 =	vld.idx.msk [tilespmem:v1+s30+$0x0 ss:$0x1], $0xffff  }
0x43: {  	s26 =	sor.u32 $0x820, s16;
	v7 =	vld.idx.msk [tilespmem:v1+s25+$0x0 ss:$0x1], $0xffff;
	[tilespmem:v0+s15+$0x0 ss:$0x1] =	vst.idx.msk $0xffff, v2  }
0x44: {  	s27 =	sor.u32 $0x830, s16;
	v2 =	vld.idx.msk [tilespmem:v1+s26+$0x0 ss:$0x1], $0xffff;
	[tilespmem:v0+s19+$0x0 ss:$0x1] =	vst.idx.msk $0xffff, v3  }
0x45: {  	s29 =	sor.u32 $0x850, s16;
	v3 =	vld.idx.msk [tilespmem:v1+s27+$0x0 ss:$0x1], $0xffff;
	[tilespmem:v0+s20+$0x0 ss:$0x1] =	vst.idx.msk $0xffff, v4  }
0x46: {  	s24 =	sor.u32 $0xC10, s16;
	[tilespmem:v0+s21+$0x0 ss:$0x1] =	vst.idx.msk $0xffff, v5;
	v5 =	vld.idx.msk [tilespmem:v1+s29+$0x0 ss:$0x1], $0xffff  }
0x47: {  	[tilespmem:v0+s23+$0x0 ss:$0x1] =	vst.idx.msk $0xffff, v6;
	s23 =	sor.u32 $0xC20, s16;
	v6 =	vld.idx.msk [tilespmem:v1+s24+$0x0 ss:$0x1], $0xffff  }
0x48: {  	s22 =	sor.u32 $0xC40, s16;
	[tilespmem:v0+s30+$0x0 ss:$0x1] =	vst.idx.msk $0xffff, v8;
	v4 =	vld.idx.msk [tilespmem:v1+s23+$0x0 ss:$0x1], $0xffff  }
0x49: {  	s31 =	simm.s32 $0x200;
	s17 =	sor.u32 $0xC70, s16;
	s21 =	sor.u32 $0xC30, s16;
	[tilespmem:v0+s26+$0x0 ss:$0x1] =	vst.idx.msk $0xffff, v2;
	v2 =	vld.idx.msk [tilespmem:v1+s22+$0x0 ss:$0x1], $0xffff  }
0x4a: {  	s20 =	sor.u32 $0xC50, s16;
	s19 =	sor.u32 $0xC60, s16;
	s16 =	simm.s32 $0x80;
	[tilespmem:v0+s27+$0x0 ss:$0x1] =	vst.idx.msk $0xffff, v3;
	v3 =	vld.idx.msk [tilespmem:v1+s21+$0x0 ss:$0x1], $0xffff  }
0x4b: {  	s0 =	sand.u32 $0x3000, s31;
	s18 =	simm.s32 $0x400;
	s1 =	sand.u32 $0x380, s16;
	[tilespmem:v0+s29+$0x0 ss:$0x1] =	vst.idx.msk $0xffff, v5;
	v5 =	vld.idx.msk [tilespmem:v1+s20+$0x0 ss:$0x1], $0xffff  }
.LBB1_3:
0x4c: {  	p0 =	sne.s32 s18, $0x3E00;
	s29 =	sor.u32 s1, s0;
	[tilespmem:v0+s25+$0x0 ss:$0x1] =	vst.idx.msk $0xffff, v7;
	v7 =	vld.idx.msk [tilespmem:v1+s19+$0x0 ss:$0x1], $0xffff  }
0x4d: {  	s0 =	sand.u32 $0x180, s16;
	s1 =	sand.u32 $0x3200, s29;
	s3 =	sor.u32 $0x410, s29;
	[tilespmem:v0+s24+$0x0 ss:$0x1] =	vst.idx.msk $0xffff, v6;
	v6 =	vld.idx.msk [tilespmem:v1+s17+$0x0 ss:$0x1], $0xffff  }
0x4e: {  	s27 =	sor.u32 $0x420, s29;
	s26 =	sor.u32 $0x430, s29;
	s24 =	sor.u32 s0, s1;
	v8 =	vld.idx.msk [tilespmem:v1+s3+$0x0 ss:$0x1], $0xffff;
	[tilespmem:v0+s23+$0x0 ss:$0x1] =	vst.idx.msk $0xffff, v4  }
0x4f: {  	v4 =	vld.idx.msk [tilespmem:v1+s24+$0x0 ss:$0x1], $0xffff;
	s6 =	sor.u32 $0x10, s24;
	s15 =	sor.u32 $0x20, s24;
	s23 =	sor.u32 $0xC00, s24;
	[tilespmem:v0+s21+$0x0 ss:$0x1] =	vst.idx.msk $0xffff, v3  }
0x50: {  	s12 =	sor.u32 $0x30, s24;
	s14 =	sor.u32 $0x40, s24;
	s13 =	sor.u32 $0x50, s24;
	v3 =	vld.idx.msk [tilespmem:v1+s23+$0x0 ss:$0x1], $0xffff;
	[tilespmem:v0+s22+$0x0 ss:$0x1] =	vst.idx.msk $0xffff, v2  }
0x51: {  	s9 =	sor.u32 $0x60, s24;
	s10 =	sor.u32 $0x70, s24;
	s11 =	sor.u32 $0x400, s24;
	v2 =	vld.idx.msk [tilespmem:v1+s6+$0x0 ss:$0x1], $0xffff;
	[tilespmem:v0+s20+$0x0 ss:$0x1] =	vst.idx.msk $0xffff, v5  }
0x52: {  	s4 =	sor.u32 $0x440, s29;
	s7 =	sor.u32 $0x450, s29;
	s8 =	sor.u32 $0x800, s24;
	v5 =	vld.idx.msk [tilespmem:v1+s15+$0x0 ss:$0x1], $0xffff;
	[tilespmem:v0+s19+$0x0 ss:$0x1] =	vst.idx.msk $0xffff, v7  }
0x53: {  	s5 =	sor.u32 $0x460, s29;
	s2 =	sor.u32 $0x470, s29;
	s0 =	sor.u32 $0x810, s29;
	v7 =	vld.idx.msk [tilespmem:v1+s12+$0x0 ss:$0x1], $0xffff;
	[tilespmem:v0+s17+$0x0 ss:$0x1] =	vst.idx.msk $0xffff, v6  }
0x54: {  	s30 =	sor.u32 $0x840, s29;
	s1 =	sor.u32 $0x830, s29;
	v6 =	vld.idx.msk [tilespmem:v1+s14+$0x0 ss:$0x1], $0xffff;
	[tilespmem:v0+s3+$0x0 ss:$0x1] =	vst.idx.msk $0xffff, v8;
	s3 =	sor.u32 $0x820, s29  }
0x55: {  	s31 =	sor.u32 $0x850, s29;
	s28 =	sor.u32 $0x860, s29;
	s25 =	sor.u32 $0x870, s29;
	[tilespmem:v0+s24+$0x0 ss:$0x1] =	vst.idx.msk $0xffff, v4;
	v4 =	vld.idx.msk [tilespmem:v1+s13+$0x0 ss:$0x1], $0xffff  }
0x56: {  	s21 =	sor.u32 $0xC30, s29;
	s24 =	sor.u32 $0xC10, s29;
	v8 =	vld.idx.msk [tilespmem:v1+s9+$0x0 ss:$0x1], $0xffff;
	[tilespmem:v0+s23+$0x0 ss:$0x1] =	vst.idx.msk $0xffff, v3;
	s23 =	sor.u32 $0xC20, s29  }
0x57: {  	s22 =	sor.u32 $0xC40, s29;
	s20 =	sor.u32 $0xC50, s29;
	s19 =	sor.u32 $0xC60, s29;
	[tilespmem:v0+s6+$0x0 ss:$0x1] =	vst.idx.msk $0xffff, v2;
	v2 =	vld.idx.msk [tilespmem:v1+s10+$0x0 ss:$0x1], $0xffff  }
0x58: {  	s17 =	sor.u32 $0xC70, s29;
	[tilespmem:v0+s15+$0x0 ss:$0x1] =	vst.idx.msk $0xffff, v5;
	v3 =	vld.idx.msk [tilespmem:v1+s11+$0x0 ss:$0x1], $0xffff  }
0x59: {  	[tilespmem:v0+s12+$0x0 ss:$0x1] =	vst.idx.msk $0xffff, v7;
	v5 =	vld.idx.msk [tilespmem:v1+s8+$0x0 ss:$0x1], $0xffff  }
0x5a: {  	[tilespmem:v0+s14+$0x0 ss:$0x1] =	vst.idx.msk $0xffff, v6;
	v6 =	vld.idx.msk [tilespmem:v1+s27+$0x0 ss:$0x1], $0xffff  }
0x5b: {  	[tilespmem:v0+s13+$0x0 ss:$0x1] =	vst.idx.msk $0xffff, v4;
	v4 =	vld.idx.msk [tilespmem:v1+s26+$0x0 ss:$0x1], $0xffff  }
0x5c: {  	[tilespmem:v0+s9+$0x0 ss:$0x1] =	vst.idx.msk $0xffff, v8;
	v7 =	vld.idx.msk [tilespmem:v1+s4+$0x0 ss:$0x1], $0xffff  }
0x5d: {  	[tilespmem:v0+s10+$0x0 ss:$0x1] =	vst.idx.msk $0xffff, v2;
	v2 =	vld.idx.msk [tilespmem:v1+s7+$0x0 ss:$0x1], $0xffff  }
0x5e: {  	[tilespmem:v0+s11+$0x0 ss:$0x1] =	vst.idx.msk $0xffff, v3;
	v3 =	vld.idx.msk [tilespmem:v1+s5+$0x0 ss:$0x1], $0xffff  }
0x5f: {  	v8 =	vld.idx.msk [tilespmem:v1+s2+$0x0 ss:$0x1], $0xffff;
	[tilespmem:v0+s8+$0x0 ss:$0x1] =	vst.idx.msk $0xffff, v5  }
0x60: {  	[tilespmem:v0+s27+$0x0 ss:$0x1] =	vst.idx.msk $0xffff, v6;
	v5 =	vld.idx.msk [tilespmem:v1+s0+$0x0 ss:$0x1], $0xffff  }
0x61: {  	[tilespmem:v0+s26+$0x0 ss:$0x1] =	vst.idx.msk $0xffff, v4;
	v4 =	vld.idx.msk [tilespmem:v1+s3+$0x0 ss:$0x1], $0xffff  }
0x62: {  	[tilespmem:v0+s4+$0x0 ss:$0x1] =	vst.idx.msk $0xffff, v7;
	v9 =	vld.idx.msk [tilespmem:v1+s1+$0x0 ss:$0x1], $0xffff  }
0x63: {  	[tilespmem:v0+s7+$0x0 ss:$0x1] =	vst.idx.msk $0xffff, v2;
	v2 =	vld.idx.msk [tilespmem:v1+s30+$0x0 ss:$0x1], $0xffff  }
0x64: {  	[tilespmem:v0+s5+$0x0 ss:$0x1] =	vst.idx.msk $0xffff, v3;
	v10 =	vld.idx.msk [tilespmem:v1+s31+$0x0 ss:$0x1], $0xffff  }
0x65: {  	[tilespmem:v0+s2+$0x0 ss:$0x1] =	vst.idx.msk $0xffff, v8;
	v8 =	vld.idx.msk [tilespmem:v1+s28+$0x0 ss:$0x1], $0xffff  }
0x66: {  	[tilespmem:v0+s0+$0x0 ss:$0x1] =	vst.idx.msk $0xffff, v5;
	v7 =	vld.idx.msk [tilespmem:v1+s25+$0x0 ss:$0x1], $0xffff  }
.Ltmp3:
0x67: {  	[tilespmem:v0+s3+$0x0 ss:$0x1] =	vst.idx.msk $0xffff, v4;
	v6 =	vld.idx.msk [tilespmem:v1+s24+$0x0 ss:$0x1], $0xffff;
	(pc) =	sbr.rel @p0 .LBB1_3-.Ltmp3, $4  }
0x68: {  	[tilespmem:v0+s1+$0x0 ss:$0x1] =	vst.idx.msk $0xffff, v9;
	v4 =	vld.idx.msk [tilespmem:v1+s23+$0x0 ss:$0x1], $0xffff  }
0x69: {  	[tilespmem:v0+s30+$0x0 ss:$0x1] =	vst.idx.msk $0xffff, v2;
	v3 =	vld.idx.msk [tilespmem:v1+s21+$0x0 ss:$0x1], $0xffff  }
0x6a: {  	s16 =	sadd.s32 $0x80, s16;
	[tilespmem:v0+s31+$0x0 ss:$0x1] =	vst.idx.msk $0xffff, v10;
	v2 =	vld.idx.msk [tilespmem:v1+s22+$0x0 ss:$0x1], $0xffff  }
0x6b: {  	s0 =	sand.u32 $0x3000, s18;
	s18 =	sadd.s32 $0x200, s18;
	s1 =	sand.u32 $0x380, s16;
	[tilespmem:v0+s28+$0x0 ss:$0x1] =	vst.idx.msk $0xffff, v8;
	v5 =	vld.idx.msk [tilespmem:v1+s20+$0x0 ss:$0x1], $0xffff  }
0x6c: {  	_ =	sdelay $0x3  }
0x6d: {  	[tilespmem:v0+s25+$0x0 ss:$0x1] =	vst.idx.msk $0xffff, v7  }
0x6e: {  	s18 =	sor.u32 s1, s0;
	v30 =	vld.idx.msk [tilespmem:v1+s19+$0x0 ss:$0x1], $0xffff;
	[tilespmem:v0+s24+$0x0 ss:$0x1] =	vst.idx.msk $0xffff, v6  }
0x6f: {  	v31 =	vld.idx.msk [tilespmem:v1+s17+$0x0 ss:$0x1], $0xffff;
	[tilespmem:v0+s23+$0x0 ss:$0x1] =	vst.idx.msk $0xffff, v4;
	s25 =	sor.u32 $0x410, s18  }
0x70: {  	s31 =	sor.u32 $0x420, s18;
	v32 =	vld.idx.msk [tilespmem:v1+s25+$0x0 ss:$0x1], $0xffff;
	[tilespmem:v0+s21+$0x0 ss:$0x1] =	vst.idx.msk $0xffff, v3  }
0x71: {  	s6 =	sor.u32 $0x430, s18;
	v44 =	vld.idx.msk [tilespmem:v1+s31+$0x0 ss:$0x1], $0xffff;
	[tilespmem:v0+s22+$0x0 ss:$0x1] =	vst.idx.msk $0xffff, v2  }
0x72: {  	s7 =	sor.u32 $0x440, s18;
	v45 =	vld.idx.msk [tilespmem:v1+s6+$0x0 ss:$0x1], $0xffff;
	[tilespmem:v0+s20+$0x0 ss:$0x1] =	vst.idx.msk $0xffff, v5  }
0x73: {  	s8 =	sor.u32 $0x450, s18;
	v46 =	vld.idx.msk [tilespmem:v1+s7+$0x0 ss:$0x1], $0xffff;
	[tilespmem:v0+s19+$0x0 ss:$0x1] =	vst.idx.msk $0xffff, v30  }
0x74: {  	s9 =	sor.u32 $0x460, s18;
	v47 =	vld.idx.msk [tilespmem:v1+s8+$0x0 ss:$0x1], $0xffff;
	[tilespmem:v0+s17+$0x0 ss:$0x1] =	vst.idx.msk $0xffff, v31  }
0x75: {  	s10 =	sor.u32 $0x470, s18;
	v48 =	vld.idx.msk [tilespmem:v1+s9+$0x0 ss:$0x1], $0xffff;
	[tilespmem:v0+s25+$0x0 ss:$0x1] =	vst.idx.msk $0xffff, v32  }
0x76: {  	s11 =	sor.u32 $0x810, s18;
	v49 =	vld.idx.msk [tilespmem:v1+s10+$0x0 ss:$0x1], $0xffff;
	[tilespmem:v0+s31+$0x0 ss:$0x1] =	vst.idx.msk $0xffff, v44  }
0x77: {  	s12 =	sor.u32 $0x820, s18;
	v50 =	vld.idx.msk [tilespmem:v1+s11+$0x0 ss:$0x1], $0xffff;
	[tilespmem:v0+s6+$0x0 ss:$0x1] =	vst.idx.msk $0xffff, v45  }
0x78: {  	s13 =	sor.u32 $0x830, s18;
	v51 =	vld.idx.msk [tilespmem:v1+s12+$0x0 ss:$0x1], $0xffff;
	[tilespmem:v0+s7+$0x0 ss:$0x1] =	vst.idx.msk $0xffff, v46  }
0x79: {  	s14 =	sor.u32 $0x840, s18;
	v52 =	vld.idx.msk [tilespmem:v1+s13+$0x0 ss:$0x1], $0xffff;
	[tilespmem:v0+s8+$0x0 ss:$0x1] =	vst.idx.msk $0xffff, v47  }
0x7a: {  	s16 =	sand.u32 $0x180, s16;
	s1 =	sand.u32 $0x3200, s18;
	s15 =	sor.u32 $0x850, s18;
	v53 =	vld.idx.msk [tilespmem:v1+s14+$0x0 ss:$0x1], $0xffff;
	[tilespmem:v0+s9+$0x0 ss:$0x1] =	vst.idx.msk $0xffff, v48  }
0x7b: {  	s0 =	sor.u32 s16, s1;
	v54 =	vld.idx.msk [tilespmem:v1+s15+$0x0 ss:$0x1], $0xffff;
	[tilespmem:v0+s10+$0x0 ss:$0x1] =	vst.idx.msk $0xffff, v49  }
0x7c: {  	s16 =	sor.u32 $0x860, s18;
	v37 =	vld.idx.msk [tilespmem:v1+s0+$0x0 ss:$0x1], $0xffff;
	[tilespmem:v0+s11+$0x0 ss:$0x1] =	vst.idx.msk $0xffff, v50  }
0x7d: {  	s21 =	sor.u32 $0xC30, s18;
	v55 =	vld.idx.msk [tilespmem:v1+s16+$0x0 ss:$0x1], $0xffff;
	[tilespmem:v0+s12+$0x0 ss:$0x1] =	vst.idx.msk $0xffff, v51  }
0x7e: {  	s2 =	sor.u32 $0xC00, s0;
	v59 =	vld.idx.msk [tilespmem:v1+s21+$0x0 ss:$0x1], $0xffff;
	[tilespmem:v0+s13+$0x0 ss:$0x1] =	vst.idx.msk $0xffff, v52  }
0x7f: {  	s3 =	sor.u32 $0x10, s0;
	v33 =	vld.idx.msk [tilespmem:v1+s2+$0x0 ss:$0x1], $0xffff;
	[tilespmem:v0+s14+$0x0 ss:$0x1] =	vst.idx.msk $0xffff, v53  }
0x80: {  	s4 =	sor.u32 $0x20, s0;
	v34 =	vld.idx.msk [tilespmem:v1+s3+$0x0 ss:$0x1], $0xffff;
	[tilespmem:v0+s15+$0x0 ss:$0x1] =	vst.idx.msk $0xffff, v54  }
0x81: {  	s5 =	sor.u32 $0x30, s0;
	v35 =	vld.idx.msk [tilespmem:v1+s4+$0x0 ss:$0x1], $0xffff;
	[tilespmem:v0+s0+$0x0 ss:$0x1] =	vst.idx.msk $0xffff, v37  }
0x82: {  	s26 =	sor.u32 $0x40, s0;
	v36 =	vld.idx.msk [tilespmem:v1+s5+$0x0 ss:$0x1], $0xffff;
	[tilespmem:v0+s16+$0x0 ss:$0x1] =	vst.idx.msk $0xffff, v55  }
0x83: {  	s27 =	sor.u32 $0x50, s0;
	v38 =	vld.idx.msk [tilespmem:v1+s26+$0x0 ss:$0x1], $0xffff;
	[tilespmem:v0+s21+$0x0 ss:$0x1] =	vst.idx.msk $0xffff, v59  }
0x84: {  	s28 =	sor.u32 $0x60, s0;
	v39 =	vld.idx.msk [tilespmem:v1+s27+$0x0 ss:$0x1], $0xffff;
	[tilespmem:v0+s2+$0x0 ss:$0x1] =	vst.idx.msk $0xffff, v33  }
0x85: {  	s29 =	sor.u32 $0x70, s0;
	v40 =	vld.idx.msk [tilespmem:v1+s28+$0x0 ss:$0x1], $0xffff;
	[tilespmem:v0+s3+$0x0 ss:$0x1] =	vst.idx.msk $0xffff, v34  }
0x86: {  	s30 =	sor.u32 $0x400, s0;
	v41 =	vld.idx.msk [tilespmem:v1+s29+$0x0 ss:$0x1], $0xffff;
	[tilespmem:v0+s4+$0x0 ss:$0x1] =	vst.idx.msk $0xffff, v35  }
0x87: {  	v42 =	vld.idx.msk [tilespmem:v1+s30+$0x0 ss:$0x1], $0xffff;
	s20 =	sor.u32 $0xC20, s18;
	[tilespmem:v0+s5+$0x0 ss:$0x1] =	vst.idx.msk $0xffff, v36  }
0x88: {  	s17 =	sor.u32 $0x870, s18;
	v58 =	vld.idx.msk [tilespmem:v1+s20+$0x0 ss:$0x1], $0xffff;
	[tilespmem:v0+s26+$0x0 ss:$0x1] =	vst.idx.msk $0xffff, v38  }
0x89: {  	s19 =	sor.u32 $0xC10, s18;
	v56 =	vld.idx.msk [tilespmem:v1+s17+$0x0 ss:$0x1], $0xffff;
	[tilespmem:v0+s27+$0x0 ss:$0x1] =	vst.idx.msk $0xffff, v39  }
0x8a: {  	v57 =	vld.idx.msk [tilespmem:v1+s19+$0x0 ss:$0x1], $0xffff;
	s0 =	sor.u32 $0x800, s0;
	[tilespmem:v0+s28+$0x0 ss:$0x1] =	vst.idx.msk $0xffff, v40  }
0x8b: {  	s22 =	sor.u32 $0xC40, s18;
	v43 =	vld.idx.msk [tilespmem:v1+s0+$0x0 ss:$0x1], $0xffff;
	[tilespmem:v0+s29+$0x0 ss:$0x1] =	vst.idx.msk $0xffff, v41  }
0x8c: {  	s23 =	sor.u32 $0xC50, s18;
	v60 =	vld.idx.msk [tilespmem:v1+s22+$0x0 ss:$0x1], $0xffff;
	[tilespmem:v0+s30+$0x0 ss:$0x1] =	vst.idx.msk $0xffff, v42  }
0x8d: {  	v61 =	vld.idx.msk [tilespmem:v1+s23+$0x0 ss:$0x1], $0xffff;
	[tilespmem:v0+s20+$0x0 ss:$0x1] =	vst.idx.msk $0xffff, v58  }
0x8e: {  	s24 =	sor.u32 $0xC60, s18;
	[tilespmem:v0+s17+$0x0 ss:$0x1] =	vst.idx.msk $0xffff, v56  }
0x8f: {  	v62 =	vld.idx.msk [tilespmem:v1+s24+$0x0 ss:$0x1], $0xffff;
	s25 =	sor.u32 $0xC70, s18;
	[tilespmem:v0+s19+$0x0 ss:$0x1] =	vst.idx.msk $0xffff, v57  }
0x90: {  	v63 =	vld.idx.msk [tilespmem:v1+s25+$0x0 ss:$0x1], $0xffff;
	[tilespmem:v0+s0+$0x0 ss:$0x1] =	vst.idx.msk $0xffff, v43  }
0x91: {  	s4 =	rddreg [dreg:$0xb];
	[tilespmem:v0+s22+$0x0 ss:$0x1] =	vst.idx.msk $0xffff, v60  }
0x92: {  	s5 =	rddreg [dreg:$0xc];
	[tilespmem:v0+s23+$0x0 ss:$0x1] =	vst.idx.msk $0xffff, v61  }
0x93: {  	s28 =	rddreg [dreg:$0xa]  }
0x94: {  	s26 =	sshll.u32 s4, $0x9;
	s29 =	rddreg [dreg:$0x3];
	[tilespmem:v0+s24+$0x0 ss:$0x1] =	vst.idx.msk $0xffff, v62  }
0x95: {  	s4 =	sshll.u32 s4, $0x7;
	s3 =	sand.u32 $0x3F000, s26;
	[tilespmem:v0+s25+$0x0 ss:$0x1] =	vst.idx.msk $0xffff, v63  }
0x96: {  	s5 =	sshll.u32 s5, $0xF;
	s4 =	sand.u32 $0x380, s4;
	s2 =	rddreg [dreg:$0xd]  }
0x97: {  	s27 =	sor.u32 s4, s3;
	s4 =	sadd.s32 s29, s5;
	s5 =	rddreg [dreg:$0x0]  }
0x98: {  	s6 =	rddreg [dreg:$0x4]  }
0x99: {  	s7 =	rddreg [dreg:$0x5]  }
.Ltmp4:
0x9a: {  	s8 =	rddreg [dreg:$0x6];
	(pc) =	sbr.rel .LBB1_5-.Ltmp4, $4  }
0x9b: {  	s3 =	sshll.u32 s28, $0x11;
	s9 =	rddreg [dreg:$0x7]  }
0x9c: {  	s10 =	rddreg [dreg:$0x8];
	s30 =	sadd.s32 s3, s4;
	s0 =	sshrl.u32 s27, $0x3  }
0x9d: {  	s31 =	simm.s32 $0x0;
	s11 =	rddreg [dreg:$0x9];
	s0 =	sadd.s32 s0, s30  }
0x9e: {  	[hbm4b:s0+s31] =	stream.linear.scatter [tilespmem:s2], [sflag:$0x2], $0x4000, $0x38;
	[tilespmem:$0x10000] =	vst v63  }
.LBB1_6:
0x9f: {  	_ =	sfence.sel $0x180000  }
0xa0: {  	s0 =	simm.s32 $0x1;
	[bflag:$0x0] =	sbarrier.arrive $0xFFFF  }
0xa1: {  	s30 =	simm.s32 $0x2;
	[sflag:s0] =	ssyncpa.u1 $0x1  }
0xa2: {  	[sflag:s30] =	ssyncpa.u1 $0x1  }
0xa3: {  	_ =	strace $0x90000047  }
0xa4: {  	s31 =	stileid.u32;
	[bflag:$0x2] =	sbarrier.arrive $0xFFFF  }
0xa5: {  	p0 =	sne.s32 s31, $0x0;
	s0 =	rddreg [dreg:$0x2]  }
0xa6: {  	s0 =	sadd.s32 @!p0 $0x100000, s0  }
0xa7: {  	[sflag:s0] =	ssyncadd.tile.s32 @!p0 $0x1;
	_ =	shalt  }
.Lfunc_end1:
_tile_overlayer_lowered:
.L_overlay_start_2:
0xa8: {  	(tag) =	ssettag $0x2  }
0xa9: {  	s0 =	rddreg [dreg:$0x0];
	s2 =	stileid.u32  }
0xaa: {  	s1 =	rddreg [dreg:$0x1];
	p0 =	sne.s32 s2, $0x0  }
0xab: {  	s3 =	rddreg [dreg:$0x2];
	[bflag:$0x3] =	sbarrier.arrive $0xFFFF;
	s2 =	simm.s32 @!p0 $0x1C01  }
0xac: {  	[timem:s3], [sflag:s2] =	dma.local @!p0 [hbm:s0], s1  }
0xad: {  	s0 =	simm.s32 @!p0 $0x1  }
0xae: {  	_ =	swait.ge @!p0 [sflag:s0], s1  }
0xaf: {  	s1 =	ssub.s32 @!p0 $0x0, s1;
	[sflag:s0] =	ssyncset.done @!p0 $0x0  }
0xb0: {  	[sflag:s0] =	ssyncadd.s32 @!p0 s1  }
0xb1: {  	[bflag:$0x3] =	sbarrier.arrive $0xFFFF  }
0xb2: {  	_ =	shalt  }

// kernel: sparse-core-data-format-call.3.cloned.1.call-start
scs
called_computation.3_lowered:
.L_overlay_start_0:
0x0: {  	s2 =	sld [smem:$0x3FD9]  }
0x1: {  	s3 =	sld [smem:$0x3FFE];
	_ =	sdelay $0x1  }
0x2: {  	s1 =	srdreg.scid  }
0x3: {  	s0 =	sand.u32 $0x1, s1  }
0x4: {  	s18 =	sshll.u32 s0, $0xA;
	s2 =	sadd.s32 s3, s2  }
0x5: {  	s2 =	sadd.s32 s2, s18  }
0x6: {  	[smem:$0x3FC1] =	sst s2  }
0x7: {  	_ = 	snop  }
0x8: {  	(tm) =	ssettm $0x1  }
0x9: {  	s19 =	sld [smem:$0x3FFB];
	_ =	sdelay $0x3  }
0xa: {  	_ =	strace s19  }
0xb: {  	s2 =	sld [smem:$0x3FFC];
	_ =	sdelay $0x3  }
0xc: {  	_ =	strace s2  }
0xd: {  	s2 =	sld [smem:$0x3FFD];
	_ =	sdelay $0x3  }
0xe: {  	_ =	strace s2  }
0xf: {  	_ =	strace $0x8FFFFFFF  }
0x10: {  	s20 =	sld [smem:$0x3FDB];
	_ =	sdelay $0x1  }
0x11: {  	s21 =	simm.s32 $_scs_section_size  }
0x12: {  	s4 =	simm.s32 $_size__tile_overlayer_lowered;
	s5 =	simm.s32 $_tile_overlayer_lowered  }
0x13: {  	s6 =	simm.s32 $0x1BFF;
	s22 =	sshll.u32 s5, $0x1;
	s3 =	sadd.s32 s21, s20  }
0x14: {  	s23 =	simm.s32 $0x0;
	s4 =	sshll.u32 s4, $0x1;
	s5 =	sadd.s32 s22, s3  }
0x15: {  	[timem:s23], [sflag:s6] =	dma.local [hbm:s5], s4  }
0x16: {  	_ =	swait.ge [sflag:s6], s4  }
0x17: {  	s4 =	ssub.s32 $0x0, s4;
	[sflag:s6] =	ssyncset.done $0x0  }
0x18: {  	[sflag:s6] =	ssyncadd.s32 s4;
	_ =	sdelay $0x1  }
0x19: {  	s24 =	simm.s32 $0x1B8B  }
0x1a: {  	_ =	swait.ge [sflag:s24], $0x1  }
0x1b: {  	[sflag:s24] =	ssyncset.done $0x0  }
0x1c: {  	[sflag:s24] =	ssyncadd.s32 $0xFFFFFFFF  }
0x1d: {  	s4 =	sld [smem:$0x0]  }
0x1e: {  	s5 =	sand.u32 $0xFFFFFFFE, s1  }
0x1f: {  	p0 =	sne.s32 s1, s5  }
0x20: {  	s5 =	sshll.u32 @p0 s5, $0xE  }
0x21: {  	s5 =	sadd.s32 @p0 $0x11B8D, s5;
	s6 =	sshll.u32 @p0 s4, $0x11  }
0x22: {  	s5 =	sor.u32 @p0 s6, s5  }
0x23: {  	[sflag:s5] =	ssyncadd.remote.s32 @p0 $0x1;
	_ =	sdelay $0x1  }
0x24: {  	s5 =	simm.s32 @p0 $0x1B8D  }
0x25: {  	_ =	swait.eq @p0 [sflag:s5], $0x1  }
0x26: {  	[sflag:s5] =	ssyncadd.s32 @p0 $0xFFFFFFFF  }
0x27: {  	s6 =	sshll.u32 @!p0 s1, $0xE  }
0x28: {  	s6 =	sor.u32 @!p0 $0x4000, s6;
	s5 =	simm.s32 @!p0 $0x1B8D  }
0x29: {  	s4 =	sshll.u32 @!p0 s4, $0x11;
	s6 =	sadd.s32 @!p0 $0x11B8D, s6;
	_ =	swait.eq @!p0 [sflag:s5], $0x1  }
0x2a: {  	s4 =	sor.u32 @!p0 s4, s6;
	[sflag:s5] =	ssyncadd.s32 @!p0 $0xFFFFFFFF  }
0x2b: {  	s26 =	simm.s32 $0x1B8E;
	s25 =	sld [smem:$0x3FFE];
	[sflag:s4] =	ssyncadd.remote.s32 @!p0 $0x1  }
0x2c: {  	s27 =	simm.s32 $execute0_lowered;
	[smem:$0x3FD2] =	sst s26  }
0x2d: {  	s5 =	sshll.u32 s27, $0x1;
	_ =	strace $0x80000052;
	[dreg:$0x1] =	wrdreg $0xFFFFFFFF  }
0x2e: {  	s28 =	simm.s32 $_size_execute0_lowered;
	s3 =	sadd.s32 s3, s5;
	[dreg:$0x0] =	wrdreg $0x0  }
0x2f: {  	s5 =	sshll.u32 s28, $0x1;
	[dreg:$0x2] =	wrdreg s3  }
0x30: {  	[dreg:$0x3] =	wrdreg s5  }
0x31: {  	[dreg:$0x4] =	wrdreg $0xC0  }
0x32: {  	_ =	task [dreg:s23], $0x5FFFF  }
0x33: {  	[dreg:$0x1] =	wrdreg $0xFFFFFFFF  }
0x34: {  	[dreg:$0x0] =	wrdreg $0x60  }
0x35: {  	[dreg:$0x2] =	wrdreg s25  }
0x36: {  	[dreg:$0x3] =	wrdreg $0xB  }
0x37: {  	_ =	task.clear_ibuf [dreg:s23], $0x4FFFF;
	_ =	strace $0x90000052  }
0x38: {  	s29 =	simm.s32 $0xB;
	_ =	strace $0x80000054  }
0x39: {  	_ =	swait.ge [sflag:s29], $0x1  }
0x3a: {  	[sflag:s29] =	ssyncadd.s32 $0xFFFFFFFF  }
0x3b: {  	_ =	strace $0x90000054  }
0x3c: {  	_ =	sfence  }
0x3d: {  	s30 =	sld [smem:$0x0];
	_ =	sdelay $0x2  }
0x3e: {  	s31 =	sshll.u32 s1, $0xD;
	s1 =	sshrl.u32 s1, $0x2  }
0x3f: {  	s4 =	sand.u32 $0x4000, s31;
	s1 =	sadd.s32 s1, s30  }
0x40: {  	s0 =	sor.u32 s4, s0;
	s1 =	sshll.u32 s1, $0x11  }
0x41: {  	s0 =	sor.u32 s1, s0  }
0x42: {  	s0 =	sadd.s32 $0x8F2B, s0  }
0x43: {  	[sflag:s0] =	ssyncadd.remote.s32 $0x1  }
0x44: {  	_ =	sfence.sel $0xFFFF  }
0x45: {  	[dreg:$0x0] =	wrdreg $0xFFFFFFFF;
	(pc) =	sbr.abs _section_cstart, $3  }
0x46: {  	[dreg:$0x1] =	wrdreg $0xFFFFFFFF  }
0x47: {  	_ =	task.clear_ibuf [dreg:s23], $0x2FFFF;
	_ =	strace $0x9FFFFFFF  }
0x48: {  	(tm) =	ssettm $0x7FFFFFFF  }
0x49: {  	_ =	shalt  }
tec
execute0_lowered:
.L_overlay_start_1:
0x0: {  	(tag) =	ssettag $0x1  }
0x1: {  	s1 =	srdreg.scid  }
0x2: {  	s0 =	stileid.u32;
	s6 =	rddreg [dreg:$0x0]  }
0x3: {  	s9 =	simm.s32 $0x2;
	s17 =	simm.s32 $0x0;
	s10 =	simm.s32 $0x1000  }
0x4: {  	s11 =	simm.s32 $0x0;
	s18 =	simm.s32 $0x0;
	s20 =	simm.s32 $0x0  }
0x5: {  	s19 =	simm.s32 $0x0;
	s12 =	simm.s32 $0x0;
	s1 =	sshll.u32 s1, $0x7  }
0x6: {  	s16 =	simm.s32 $0x0;
	s2 =	sand.u32 $0x1, s0;
	s3 =	sand.u32 $0x80, s1  }
0x7: {  	s4 =	ssub.s32 $0x2, s2;
	s1 =	rddreg [dreg:$0x1];
	s5 =	ssub.s32 $0x800, s3  }
0x8: {  	_ =	strace $0x80000053;
	s7 =	sshrl.u32 s4, $0x1;
	s8 =	sshrl.u32 s5, $0x7  }
0x9: {  	s4 =	sand.u32 $0x1, s4;
	s5 =	sshrl.u32 s5, $0x8;
	s8 =	sand.u32 $0x1, s8  }
.Ltmp0:
0xa: {  	s7 =	sadd.s32 s4, s7;
	s8 =	sadd.s32 s5, s8;
	(pc) =	sbr.rel .LBB1_1-.Ltmp0, $4  }
0xb: {  	s15 =	smov.u32 s2;
	s13 =	smov.u32 s3;
	s8 =	smul.u32 s8, s7  }
0xc: {  	s4 =	sadd.s32 $0x202400, s6;
	s6 =	sadd.s32 $0xE02400, s6;
	s5 =	simm.s32 $0x1  }
0xd: {  	[sflag:s5] =	ssyncpa.u1 $0x0;
	s7 =	sshrl.u32 s0, $0x1;
	s8 =	sshll.u32 s8, $0x2  }
0xe: {  	[sflag:s9] =	ssyncpa.u1 $0x0;
	s14 =	smov.u32 s7;
	s9 =	sor.u32 $0x1, s8  }
.LBB1_4:
0xf: {  	_ =	sdelay $0x3  }
0x10: {  	[tilespmem:v0+s23+$0xFFFFFFA0 ss:$0x1] =	vst.idx.msk $0xffff, v6  }
0x11: {  	v56 =	vld.idx.msk [tilespmem:v1+s22+$0x30 ss:$0x1], $0xffff;
	[tilespmem:v0+s23+$0xFFFFFFB0 ss:$0x1] =	vst.idx.msk $0xffff, v4  }
0x12: {  	v57 =	vld.idx.msk [tilespmem:v1+s22+$0xFFFFFFC0 ss:$0x1], $0xffff;
	[tilespmem:v0+s23+$0xFFFFFFC0 ss:$0x1] =	vst.idx.msk $0xffff, v2  }
0x13: {  	v58 =	vld.idx.msk [tilespmem:v1+s22+$0xFFFFFFD0 ss:$0x1], $0xffff;
	[tilespmem:v0+s23+$0xFFFFFFD0 ss:$0x1] =	vst.idx.msk $0xffff, v3  }
0x14: {  	v59 =	vld.idx.msk [tilespmem:v1+s22+$0xFFFFFFE0 ss:$0x1], $0xffff;
	[tilespmem:v0+s23+$0xFFFFFFE0 ss:$0x1] =	vst.idx.msk $0xffff, v5  }
0x15: {  	v60 =	vld.idx.msk [tilespmem:v1+s22+$0xFFFFFFF0 ss:$0x1], $0xffff;
	[tilespmem:v0+s23+$0xFFFFFFF0 ss:$0x1] =	vst.idx.msk $0xffff, v7  }
0x16: {  	v61 =	vld.idx.msk [tilespmem:v1+s22+$0x0 ss:$0x1], $0xffff;
	[tilespmem:v0+s22+$0x0 ss:$0x1] =	vst.idx.msk $0xffff, v56  }
0x17: {  	v62 =	vld.idx.msk [tilespmem:v1+s22+$0x10 ss:$0x1], $0xffff;
	[tilespmem:v0+s22+$0xFFFFFF90 ss:$0x1] =	vst.idx.msk $0xffff, v57  }
0x18: {  	s20 =	sshll.u32 s20, $0x7;
	v63 =	vld.idx.msk [tilespmem:v1+s22+$0x20 ss:$0x1], $0xffff;
	s29 =	sand.u32 $0x78, s17;
	[tilespmem:v0+s22+$0xFFFFFFA0 ss:$0x1] =	vst.idx.msk $0xffff, v58  }
0x19: {  	s30 =	sshll.u32 s17, $0x3;
	s19 =	sshll.u32 s19, $0x14;
	s20 =	sand.u32 $0x380, s20;
	[tilespmem:v0+s22+$0xFFFFFFB0 ss:$0x1] =	vst.idx.msk $0xffff, v59  }
0x1a: {  	s18 =	sshll.u32 s18, $0x9;
	s23 =	sand.u32 $0xC00, s30;
	s20 =	sor.u32 s29, s20;
	[tilespmem:v0+s22+$0xFFFFFFC0 ss:$0x1] =	vst.idx.msk $0xffff, v60  }
0x1b: {  	s31 =	sand.u32 $0x7, s17;
	s19 =	sadd.s32 s6, s19;
	s20 =	sor.u32 s23, s20;
	[tilespmem:v0+s22+$0xFFFFFFD0 ss:$0x1] =	vst.idx.msk $0xffff, v61  }
0x1c: {  	s17 =	sshll.u32 s31, $0x12;
	s18 =	sadd.s32 s18, s19;
	s20 =	sshrl.u32 s20, $0x3;
	[tilespmem:v0+s22+$0xFFFFFFE0 ss:$0x1] =	vst.idx.msk $0xffff, v62  }
0x1d: {  	s17 =	sor.u32 $0x80, s17;
	[tilespmem:v0+s22+$0xFFFFFFF0 ss:$0x1] =	vst.idx.msk $0xffff, v63;
	s18 =	sadd.s32 s20, s18  }
0x1e: {  	[hbm4b:s18+s17] =	stream.strided.scatter [tilespmem:s21], [sflag:$0x2], $0x4000, s10, s17, $0x38;
	[tilespmem:$0x10000] =	vst v63  }
.LBB1_5:
0x1f: {  	s21 =	sadd.s32 $0x80, s12  }
0x20: {  	s17 =	sadd.s32 $0x100, s13;
	s22 =	smov.u32 s13;
	p1 =	sgt.s32 s21, $0x1FF  }
0x21: {  	s22 =	smov.u32 @p1 s17  }
0x22: {  	s23 =	smov.u32 s14;
	s17 =	sadd.s32 $0x8, s14;
	p2 =	sgt.s32 s22, $0x7FF  }
0x23: {  	s23 =	smov.u32 @p2 s17  }
0x24: {  	s24 =	smov.u32 s15;
	s17 =	sadd.s32 $0x2, s15;
	p3 =	sgt.s32 s23, $0x7  }
0x25: {  	p0 =	slt.u32 s16, $0x2;
	s24 =	smov.u32 @p3 s17  }
0x26: {  	s18 =	smov.u32 s13;
	s21 =	simm.s32 @p1 $0x0;
	p1 =	sgt.s32 s24, $0x1  }
0x27: {  	s25 =	simm.s32 @!p0 $0x2;
	s24 =	smov.u32 @p1 s2;
	p1 =	sne.s32 s16, s9  }
.Ltmp1:
0x28: {  	s20 =	smov.u32 s14;
	_ =	swait.ge @!p0 [sflag:s25], $0x4000;
	(pc) =	sbr.rel @!p1 .LBB1_6-.Ltmp1, $4  }
0x29: {  	s19 =	smov.u32 s15;
	[sflag:s25] =	ssyncset.done @!p0 $0x0;
	s22 =	smov.u32 @p2 s3  }
0x2a: {  	s11 =	sadd.s32 $0x4000, s11;
	[sflag:s25] =	ssyncadd.s32 @!p0 $0xFFFFC000;
	s13 =	smov.u32 s22  }
0x2b: {  	s23 =	smov.u32 @p3 s7;
	s17 =	smov.u32 s12;
	s12 =	smov.u32 s21  }
0x2c: {  	s14 =	smov.u32 s23;
	s16 =	sadd.s32 $0x1, s16;
	s15 =	smov.u32 s24  }
.LBB1_1:
0x2d: {  	p0 =	sge.u32 s16, s8;
	s31 =	sadd.s32 $0xFFFFFFFF, s16  }
0x2e: {  	s21 =	sxor.u32 @!p0 $0xFFFFFFFF, s16;
	s22 =	sand.u32 @!p0 $0x78, s12;
	s23 =	sshll.u32 @!p0 s13, $0x9  }
0x2f: {  	s24 =	sshll.u32 @!p0 s12, $0x3;
	s25 =	sshll.u32 @!p0 s13, $0x7;
	s21 =	sshll.u32 @!p0 s21, $0xE  }
0x30: {  	s23 =	sand.u32 @!p0 $0xFF000, s23;
	s24 =	sand.u32 @!p0 $0xFFC00, s24;
	s21 =	sand.u32 @!p0 $0x4000, s21  }
0x31: {  	s23 =	sadd.s32 @!p0 s23, s24;
	s24 =	sand.u32 @!p0 $0x200, s25;
	s25 =	sand.u32 @!p0 $0x180, s25  }
0x32: {  	s23 =	sor.u32 @!p0 s24, s23;
	s22 =	sor.u32 @!p0 s22, s25;
	s24 =	sshll.u32 @!p0 s15, $0x14  }
0x33: {  	s25 =	sshll.u32 @!p0 s14, $0x11;
	s23 =	sshrl.u32 @!p0 s23, $0x3;
	s24 =	sadd.s32 @!p0 s4, s24  }
0x34: {  	s22 =	sshrl.u32 @!p0 s22, $0x3;
	s24 =	sadd.s32 @!p0 s25, s24;
	s25 =	sand.u32 @!p0 $0x7, s12  }
0x35: {  	s23 =	sand.u32 @!p0 $0x1FFC0, s23;
	s22 =	sadd.s32 @!p0 s22, s24;
	s24 =	sshll.u32 @!p0 s25, $0x12  }
0x36: {  	s22 =	sadd.s32 @!p0 s23, s22;
	s23 =	sor.u32 @!p0 $0x400, s24;
	s24 =	simm.s32 @!p0 $0x1000  }
0x37: {  	[tilespmem:s21], [sflag:$0x1] =	stream.strided.gather @!p0 [hbm4b:s22+s23], $0x4000, s24, s23, $0x38;
	[tilespmem:$0x10000] =	vst v63  }
0x38: {  	p0 =	sge.u32 s31, s8  }
.Ltmp2:
0x39: {  	_ = 	snop;
	(pc) =	sbr.rel @p0 .LBB1_5-.Ltmp2, $1  }
0x3a: {  	_ =	sdelay $0x3  }
0x3b: {  	s21 =	sand.u32 $0x4000, s11  }
0x3c: {  	s22 =	sor.u32 $0x40, s21  }
0x3d: {  	v1 =	vmov s22;
	_ =	sdelay $0x1  }
0x3e: {  	_ =	swait.ge [sflag:s5], $0x4000  }
0x3f: {  	[sflag:s5] =	ssyncset.done $0x0  }
0x40: {  	s23 =	simm.s32 $0x0;
	[sflag:s5] =	ssyncadd.s32 $0xFFFFC000  }
0x41: {  	s21 =	sor.u32 $0x8070, s21;
	v7 =	vld.idx.msk [tilespmem:v1+s23+$0x30 ss:$0x1], $0xffff  }
0x42: {  	v0 =	vmov s21;
	v8 =	vld.idx.msk [tilespmem:v1+s23+$0xFFFFFFC0 ss:$0x1], $0xffff  }
0x43: {  	v6 =	vld.idx.msk [tilespmem:v1+s23+$0xFFFFFFD0 ss:$0x1], $0xffff  }
0x44: {  	v4 =	vld.idx.msk [tilespmem:v1+s23+$0xFFFFFFE0 ss:$0x1], $0xffff  }
0x45: {  	v2 =	vld.idx.msk [tilespmem:v1+s23+$0xFFFFFFF0 ss:$0x1], $0xffff  }
0x46: {  	s31 =	sshll.u32 s16, $0xE;
	v3 =	vld.idx.msk [tilespmem:v1+s23+$0x0 ss:$0x1], $0xffff  }
0x47: {  	s21 =	sand.u32 $0x4000, s31;
	v5 =	vld.idx.msk [tilespmem:v1+s23+$0x10 ss:$0x1], $0xffff;
	[tilespmem:v0+s23+$0x0 ss:$0x1] =	vst.idx.msk $0xffff, v7  }
0x48: {  	s24 =	simm.s32 $0x400;
	s22 =	simm.s32 $0x80;
	s21 =	sor.u32 $0x8000, s21;
	[tilespmem:v0+s23+$0xFFFFFF90 ss:$0x1] =	vst.idx.msk $0xffff, v8;
	v7 =	vld.idx.msk [tilespmem:v1+s23+$0x20 ss:$0x1], $0xffff  }
.LBB1_3:
0x49: {  	p0 =	sne.s32 s24, $0xFE00;
	v8 =	vld.idx.msk [tilespmem:v1+s22+$0x30 ss:$0x1], $0xffff;
	[tilespmem:v0+s23+$0xFFFFFFA0 ss:$0x1] =	vst.idx.msk $0xffff, v6  }
0x4a: {  	v9 =	vld.idx.msk [tilespmem:v1+s22+$0xFFFFFFC0 ss:$0x1], $0xffff;
	[tilespmem:v0+s23+$0xFFFFFFB0 ss:$0x1] =	vst.idx.msk $0xffff, v4  }
0x4b: {  	v6 =	vld.idx.msk [tilespmem:v1+s22+$0xFFFFFFD0 ss:$0x1], $0xffff;
	[tilespmem:v0+s23+$0xFFFFFFC0 ss:$0x1] =	vst.idx.msk $0xffff, v2  }
.Ltmp3:
0x4c: {  	v4 =	vld.idx.msk [tilespmem:v1+s22+$0xFFFFFFE0 ss:$0x1], $0xffff;
	[tilespmem:v0+s23+$0xFFFFFFD0 ss:$0x1] =	vst.idx.msk $0xffff, v3;
	(pc) =	sbr.rel @p0 .LBB1_3-.Ltmp3, $4  }
0x4d: {  	v2 =	vld.idx.msk [tilespmem:v1+s22+$0xFFFFFFF0 ss:$0x1], $0xffff;
	[tilespmem:v0+s23+$0xFFFFFFE0 ss:$0x1] =	vst.idx.msk $0xffff, v5  }
0x4e: {  	v3 =	vld.idx.msk [tilespmem:v1+s22+$0x0 ss:$0x1], $0xffff;
	[tilespmem:v0+s23+$0xFFFFFFF0 ss:$0x1] =	vst.idx.msk $0xffff, v7;
	s23 =	smov.u32 s22  }
0x4f: {  	v5 =	vld.idx.msk [tilespmem:v1+s23+$0x10 ss:$0x1], $0xffff;
	[tilespmem:v0+s23+$0x0 ss:$0x1] =	vst.idx.msk $0xffff, v8  }
0x50: {  	s22 =	sshra.s32 s24, $0x2;
	s24 =	sadd.s32 $0x200, s24;
	[tilespmem:v0+s23+$0xFFFFFF90 ss:$0x1] =	vst.idx.msk $0xffff, v9;
	v7 =	vld.idx.msk [tilespmem:v1+s23+$0x20 ss:$0x1], $0xffff  }
.Ltmp4:
0x51: {  	_ = 	snop;
	(pc) =	sbr.rel .LBB1_4-.Ltmp4, $1  }
0x52: {  	_ =	sdelay $0x3  }
.LBB1_6:
0x53: {  	_ =	sfence.sel $0x180000  }
0x54: {  	s2 =	simm.s32 $0x1;
	[bflag:$0x0] =	sbarrier.arrive $0xFFFF  }
0x55: {  	s31 =	simm.s32 $0x2;
	[sflag:s2] =	ssyncpa.u1 $0x1  }
0x56: {  	[sflag:s31] =	ssyncpa.u1 $0x1  }
0x57: {  	p0 =	sne.s32 s0, $0x0;
	_ =	strace $0x90000053  }
0x58: {  	s0 =	sadd.s32 @!p0 $0x100000, s1;
	[bflag:$0x2] =	sbarrier.arrive $0xFFFF  }
0x59: {  	[sflag:s0] =	ssyncadd.tile.s32 @!p0 $0x1;
	_ =	shalt  }
.Lfunc_end1:
_tile_overlayer_lowered:
.L_overlay_start_2:
0x5a: {  	(tag) =	ssettag $0x2  }
0x5b: {  	s0 =	rddreg [dreg:$0x0];
	s2 =	stileid.u32  }
0x5c: {  	s1 =	rddreg [dreg:$0x1];
	p0 =	sne.s32 s2, $0x0  }
0x5d: {  	s3 =	rddreg [dreg:$0x2];
	[bflag:$0x3] =	sbarrier.arrive $0xFFFF;
	s2 =	simm.s32 @!p0 $0x1C01  }
0x5e: {  	[timem:s3], [sflag:s2] =	dma.local @!p0 [hbm:s0], s1  }
0x5f: {  	s0 =	simm.s32 @!p0 $0x1  }
0x60: {  	_ =	swait.ge @!p0 [sflag:s0], s1  }
0x61: {  	s1 =	ssub.s32 @!p0 $0x0, s1;
	[sflag:s0] =	ssyncset.done @!p0 $0x0  }
0x62: {  	[sflag:s0] =	ssyncadd.s32 @!p0 s1  }
0x63: {  	[bflag:$0x3] =	sbarrier.arrive $0xFFFF  }
0x64: {  	_ =	shalt  }

// kernel: sparse-core-data-format-call.4.cloned.1.call-start
scs
called_computation.4_lowered:
.L_overlay_start_0:
0x0: {  	s2 =	sld [smem:$0x3FD9]  }
0x1: {  	s3 =	sld [smem:$0x3FFE];
	_ =	sdelay $0x1  }
0x2: {  	s1 =	srdreg.scid  }
0x3: {  	s0 =	sand.u32 $0x1, s1  }
0x4: {  	s18 =	sshll.u32 s0, $0xA;
	s2 =	sadd.s32 s3, s2  }
0x5: {  	s2 =	sadd.s32 s2, s18  }
0x6: {  	[smem:$0x3FC1] =	sst s2  }
0x7: {  	_ = 	snop  }
0x8: {  	s19 =	sld [smem:$0x3FC5];
	(tm) =	ssettm $0x1  }
0x9: {  	s20 =	sld [smem:$0x3FFB];
	_ =	sdelay $0x3  }
0xa: {  	_ =	strace s20  }
0xb: {  	s2 =	sld [smem:$0x3FFC];
	_ =	sdelay $0x3  }
0xc: {  	_ =	strace s2  }
0xd: {  	s2 =	sld [smem:$0x3FFD];
	_ =	sdelay $0x3  }
0xe: {  	_ =	strace s2  }
0xf: {  	_ =	strace $0x8FFFFFFF  }
0x10: {  	s21 =	sld [smem:$0x3FDB];
	_ =	sdelay $0x1  }
0x11: {  	s4 =	simm.s32 $_scs_section_size  }
0x12: {  	s5 =	simm.s32 $_size__tile_overlayer_lowered;
	s6 =	simm.s32 $_tile_overlayer_lowered  }
0x13: {  	s7 =	simm.s32 $0x1BFF;
	s22 =	sshll.u32 s6, $0x1;
	s4 =	sadd.s32 s4, s21  }
0x14: {  	s23 =	simm.s32 $0x0;
	s5 =	sshll.u32 s5, $0x1;
	s6 =	sadd.s32 s22, s4  }
0x15: {  	[timem:s23], [sflag:s7] =	dma.local [hbm:s6], s5  }
0x16: {  	_ =	swait.ge [sflag:s7], s5  }
0x17: {  	s5 =	ssub.s32 $0x0, s5;
	[sflag:s7] =	ssyncset.done $0x0  }
0x18: {  	[sflag:s7] =	ssyncadd.s32 s5;
	_ =	sdelay $0x1  }
0x19: {  	s24 =	simm.s32 $0x1B8B  }
0x1a: {  	_ =	swait.ge [sflag:s24], $0x1  }
0x1b: {  	[sflag:s24] =	ssyncset.done $0x0  }
0x1c: {  	[sflag:s24] =	ssyncadd.s32 $0xFFFFFFFF  }
0x1d: {  	s5 =	sld [smem:$0x0]  }
0x1e: {  	s6 =	sand.u32 $0xFFFFFFFE, s1  }
0x1f: {  	p0 =	sne.s32 s1, s6  }
0x20: {  	s6 =	sshll.u32 @p0 s6, $0xE  }
0x21: {  	s6 =	sadd.s32 @p0 $0x11B8D, s6;
	s7 =	sshll.u32 @p0 s5, $0x11  }
0x22: {  	s6 =	sor.u32 @p0 s7, s6  }
0x23: {  	[sflag:s6] =	ssyncadd.remote.s32 @p0 $0x1;
	_ =	sdelay $0x1  }
0x24: {  	s6 =	simm.s32 @p0 $0x1B8D  }
0x25: {  	_ =	swait.eq @p0 [sflag:s6], $0x1  }
0x26: {  	[sflag:s6] =	ssyncadd.s32 @p0 $0xFFFFFFFF  }
0x27: {  	s7 =	sshll.u32 @!p0 s1, $0xE  }
0x28: {  	s7 =	sor.u32 @!p0 $0x4000, s7;
	s6 =	simm.s32 @!p0 $0x1B8D  }
0x29: {  	s5 =	sshll.u32 @!p0 s5, $0x11;
	s7 =	sadd.s32 @!p0 $0x11B8D, s7;
	_ =	swait.eq @!p0 [sflag:s6], $0x1  }
0x2a: {  	s5 =	sor.u32 @!p0 s5, s7;
	[sflag:s6] =	ssyncadd.s32 @!p0 $0xFFFFFFFF  }
0x2b: {  	s26 =	simm.s32 $0x1B8E;
	s25 =	sld [smem:$0x3FFE];
	[sflag:s5] =	ssyncadd.remote.s32 @!p0 $0x1  }
0x2c: {  	s27 =	simm.s32 $execute0_lowered;
	[smem:$0x3FD2] =	sst s26  }
0x2d: {  	s6 =	sshll.u32 s27, $0x1;
	_ =	strace $0x80000049;
	[dreg:$0x1] =	wrdreg $0xFFFFFFFF  }
0x2e: {  	s28 =	simm.s32 $_size_execute0_lowered;
	s4 =	sadd.s32 s4, s6;
	[dreg:$0x0] =	wrdreg $0x0  }
0x2f: {  	s6 =	sshll.u32 s28, $0x1;
	[dreg:$0x2] =	wrdreg s4  }
0x30: {  	[dreg:$0x3] =	wrdreg s6  }
0x31: {  	[dreg:$0x4] =	wrdreg $0xC0  }
0x32: {  	_ =	task [dreg:s23], $0x5FFFF  }
0x33: {  	[dreg:$0x1] =	wrdreg $0xFFFFFFFF  }
0x34: {  	[dreg:$0x0] =	wrdreg $0x60  }
0x35: {  	[dreg:$0x2] =	wrdreg s19  }
0x36: {  	[dreg:$0x3] =	wrdreg s25  }
0x37: {  	[dreg:$0x4] =	wrdreg $0xB  }
0x38: {  	_ =	task.clear_ibuf [dreg:s23], $0x5FFFF;
	_ =	strace $0x90000049  }
0x39: {  	s29 =	simm.s32 $0xB;
	_ =	strace $0x8000004B  }
0x3a: {  	_ =	swait.ge [sflag:s29], $0x1  }
0x3b: {  	[sflag:s29] =	ssyncadd.s32 $0xFFFFFFFF  }
0x3c: {  	_ =	strace $0x9000004B  }
0x3d: {  	_ =	sfence  }
0x3e: {  	s30 =	sld [smem:$0x0];
	_ =	sdelay $0x2  }
0x3f: {  	s31 =	sshll.u32 s1, $0xD;
	s1 =	sshrl.u32 s1, $0x2  }
0x40: {  	s4 =	sand.u32 $0x4000, s31;
	s1 =	sadd.s32 s1, s30  }
0x41: {  	s0 =	sor.u32 s4, s0;
	s1 =	sshll.u32 s1, $0x11  }
0x42: {  	s0 =	sor.u32 s1, s0  }
0x43: {  	s0 =	sadd.s32 $0x8F2B, s0  }
0x44: {  	[sflag:s0] =	ssyncadd.remote.s32 $0x1  }
0x45: {  	_ =	sfence.sel $0xFFFF  }
0x46: {  	[dreg:$0x0] =	wrdreg $0xFFFFFFFF;
	(pc) =	sbr.abs _section_cstart, $3  }
0x47: {  	[dreg:$0x1] =	wrdreg $0xFFFFFFFF  }
0x48: {  	_ =	task.clear_ibuf [dreg:s23], $0x2FFFF;
	_ =	strace $0x9FFFFFFF  }
0x49: {  	(tm) =	ssettm $0x7FFFFFFF  }
tec
execute0_lowered:
.L_overlay_start_1:
0x0: {  	(tag) =	ssettag $0x1  }
0x1: {  	s5 =	rddreg [dreg:$0x0]  }
0x2: {  	s0 =	rddreg [dreg:$0x1]  }
0x3: {  	s1 =	srdreg.scid;
	_ =	strace $0x8000004A;
	s2 =	stileid.u32  }
0x4: {  	s30 =	simm.s32 $0x1;
	s31 =	simm.s32 $0x2;
	s13 =	simm.s32 $0x0  }
0x5: {  	s12 =	simm.s32 $0x0;
	s14 =	simm.s32 $0x0;
	s9 =	simm.s32 $0x0  }
.Ltmp0:
0x6: {  	s0 =	sadd.s32 $0x202400, s0;
	s29 =	sshll.u32 s1, $0x4;
	(pc) =	sbr.rel .LBB1_1-.Ltmp0, $4  }
0x7: {  	s8 =	simm.s32 $0x0;
	[dreg:$0x3] =	wrdreg s0;
	s0 =	sand.u32 $0x10, s29  }
0x8: {  	[sflag:s30] =	ssyncpa.u1 $0x0;
	s6 =	sand.u32 $0x3, s2;
	s0 =	sor.u32 s2, s0  }
0x9: {  	[sflag:s31] =	ssyncpa.u1 $0x0;
	[dreg:$0x4] =	wrdreg s6;
	s7 =	sshrl.u32 s0, $0x2  }
0xa: {  	s11 =	smov.u32 s6;
	s10 =	smov.u32 s7;
	[dreg:$0x5] =	wrdreg s7  }
.LBB1_5:
0xb: {  	s0 =	sadd.s32 $0x20, s9  }
0xc: {  	s1 =	sadd.s32 $0x8, s10;
	s2 =	smov.u32 s10;
	p1 =	sgt.s32 s0, $0x1FF  }
0xd: {  	s2 =	smov.u32 @p1 s1  }
0xe: {  	s3 =	sadd.s32 $0x4, s11;
	s4 =	smov.u32 s11;
	p2 =	sgt.s32 s2, $0xF  }
0xf: {  	p0 =	slt.u32 s8, $0x2;
	s4 =	smov.u32 @p2 s3  }
0x10: {  	s8 =	sadd.s32 $0x1, s8;
	s0 =	simm.s32 @p1 $0x0;
	p1 =	sgt.s32 s4, $0x3  }
0x11: {  	s4 =	smov.u32 @p1 s6;
	p1 =	sne.s32 s8, $0x22  }
.Ltmp1:
0x12: {  	_ = 	snop;
	(pc) =	sbr.rel @!p1 .LBB1_6-.Ltmp1, $4  }
0x13: {  	s13 =	smov.u32 s9;
	s1 =	simm.s32 @!p0 $0x2  }
0x14: {  	s12 =	smov.u32 s10;
	s14 =	smov.u32 s11;
	_ =	swait.ge @!p0 [sflag:s1], $0x4000  }
0x15: {  	s9 =	smov.u32 s0;
	s2 =	smov.u32 @p2 s7;
	[sflag:s1] =	ssyncset.done @!p0 $0x0  }
0x16: {  	[sflag:s1] =	ssyncadd.s32 @!p0 $0xFFFFC000;
	s10 =	smov.u32 s2;
	s11 =	smov.u32 s4  }
.LBB1_1:
0x17: {  	p0 =	sgt.u32 s8, $0x1F  }
0x18: {  	s0 =	sxor.u32 @!p0 $0xFFFFFFFF, s8;
	s1 =	sshll.u32 @!p0 s9, $0x9;
	s2 =	sshll.u32 @!p0 s9, $0x7  }
0x19: {  	s3 =	sshll.u32 @!p0 s11, $0x13;
	s1 =	sand.u32 @!p0 $0x3F000, s1;
	s2 =	sand.u32 @!p0 $0x380, s2  }
0x1a: {  	s4 =	sshll.u32 @!p0 s10, $0xF;
	s1 =	sor.u32 @!p0 s2, s1;
	s2 =	sadd.s32 @!p0 s5, s3  }
0x1b: {  	s0 =	sshll.u32 @!p0 s0, $0xE;
	s1 =	sshrl.u32 @!p0 s1, $0x3;
	s2 =	sadd.s32 @!p0 s4, s2  }
0x1c: {  	s0 =	sand.u32 @!p0 $0x4000, s0;
	s1 =	sadd.s32 @!p0 s1, s2;
	s2 =	simm.s32 @!p0 $0x0  }
0x1d: {  	[tilespmem:s0], [sflag:$0x1] =	stream.linear.gather @!p0 [hbm4b:s1+s2], $0x4000, $0x38;
	[tilespmem:$0x10000] =	vst v63  }
0x1e: {  	p0 =	seq.s32 s8, $0x0  }
0x1f: {  	p1 =	seq.s32 @!p0 s8, $0x21  }
0x20: {  	p0 =	por p0, p1  }
.Ltmp2:
0x21: {  	_ = 	snop;
	(pc) =	sbr.rel @p0 .LBB1_5-.Ltmp2, $1  }
0x22: {  	_ =	sdelay $0x3  }
0x23: {  	[dreg:$0xc] =	wrdreg s14  }
0x24: {  	[dreg:$0xb] =	wrdreg s13  }
0x25: {  	[dreg:$0xa] =	wrdreg s12  }
0x26: {  	[dreg:$0x9] =	wrdreg s11  }
0x27: {  	[dreg:$0x8] =	wrdreg s10;
	s0 =	sshll.u32 s8, $0xE  }
0x28: {  	[dreg:$0x7] =	wrdreg s9;
	s0 =	sand.u32 $0x4000, s0  }
0x29: {  	[dreg:$0x6] =	wrdreg s8;
	s4 =	simm.s32 $0x1;
	v1 =	vmov s0  }
0x2a: {  	s1 =	simm.s32 $0x0;
	_ =	swait.ge [sflag:s4], $0x4000  }
0x2b: {  	s2 =	sand.u32 $0x3000, s1;
	s3 =	sand.u32 $0x380, s1;
	s1 =	sand.u32 $0x180, s1  }
0x2c: {  	[sflag:s4] =	ssyncset.done $0x0;
	s16 =	sor.u32 s3, s2;
	s9 =	sor.u32 $0x8000, s0  }
0x2d: {  	[sflag:s4] =	ssyncadd.s32 $0xFFFFC000;
	s2 =	sand.u32 $0x3200, s16;
	s3 =	sor.u32 $0x410, s16  }
0x2e: {  	s10 =	sor.u32 s1, s2;
	v2 =	vld.idx.msk [tilespmem:v1+s3+$0x0 ss:$0x1], $0xffff;
	[dreg:$0xd] =	wrdreg s9  }
0x2f: {  	v0 =	vmov s9;
	s1 =	sor.u32 $0xC00, s10;
	v3 =	vld.idx.msk [tilespmem:v1+s10+$0x0 ss:$0x1], $0xffff  }
0x30: {  	s2 =	sor.u32 $0x10, s10;
	v4 =	vld.idx.msk [tilespmem:v1+s1+$0x0 ss:$0x1], $0xffff  }
0x31: {  	s11 =	sor.u32 $0x20, s10;
	v5 =	vld.idx.msk [tilespmem:v1+s2+$0x0 ss:$0x1], $0xffff  }
0x32: {  	s5 =	sor.u32 $0x30, s10;
	v6 =	vld.idx.msk [tilespmem:v1+s11+$0x0 ss:$0x1], $0xffff  }
0x33: {  	s7 =	sor.u32 $0x40, s10;
	v7 =	vld.idx.msk [tilespmem:v1+s5+$0x0 ss:$0x1], $0xffff  }
0x34: {  	s28 =	sor.u32 $0x840, s16;
	v8 =	vld.idx.msk [tilespmem:v1+s7+$0x0 ss:$0x1], $0xffff;
	[tilespmem:v0+s3+$0x0 ss:$0x1] =	vst.idx.msk $0xffff, v2  }
0x35: {  	s17 =	sor.u32 $0x50, s10;
	v9 =	vld.idx.msk [tilespmem:v1+s28+$0x0 ss:$0x1], $0xffff;
	[tilespmem:v0+s10+$0x0 ss:$0x1] =	vst.idx.msk $0xffff, v3  }
0x36: {  	s12 =	sor.u32 $0x60, s10;
	v2 =	vld.idx.msk [tilespmem:v1+s17+$0x0 ss:$0x1], $0xffff;
	[tilespmem:v0+s1+$0x0 ss:$0x1] =	vst.idx.msk $0xffff, v4  }
0x37: {  	s18 =	sor.u32 $0x70, s10;
	v3 =	vld.idx.msk [tilespmem:v1+s12+$0x0 ss:$0x1], $0xffff;
	[tilespmem:v0+s2+$0x0 ss:$0x1] =	vst.idx.msk $0xffff, v5  }
0x38: {  	s13 =	sor.u32 $0x400, s10;
	v4 =	vld.idx.msk [tilespmem:v1+s18+$0x0 ss:$0x1], $0xffff;
	[tilespmem:v0+s11+$0x0 ss:$0x1] =	vst.idx.msk $0xffff, v6  }
0x39: {  	s0 =	sor.u32 $0x800, s10;
	v5 =	vld.idx.msk [tilespmem:v1+s13+$0x0 ss:$0x1], $0xffff;
	[tilespmem:v0+s5+$0x0 ss:$0x1] =	vst.idx.msk $0xffff, v7  }
0x3a: {  	s14 =	sor.u32 $0x420, s16;
	v6 =	vld.idx.msk [tilespmem:v1+s0+$0x0 ss:$0x1], $0xffff;
	[tilespmem:v0+s7+$0x0 ss:$0x1] =	vst.idx.msk $0xffff, v8  }
0x3b: {  	s22 =	sor.u32 $0x470, s16;
	v7 =	vld.idx.msk [tilespmem:v1+s14+$0x0 ss:$0x1], $0xffff;
	[tilespmem:v0+s28+$0x0 ss:$0x1] =	vst.idx.msk $0xffff, v9  }
0x3c: {  	s15 =	sor.u32 $0x430, s16;
	v8 =	vld.idx.msk [tilespmem:v1+s22+$0x0 ss:$0x1], $0xffff;
	[tilespmem:v0+s17+$0x0 ss:$0x1] =	vst.idx.msk $0xffff, v2  }
0x3d: {  	s19 =	sor.u32 $0x440, s16;
	v2 =	vld.idx.msk [tilespmem:v1+s15+$0x0 ss:$0x1], $0xffff;
	[tilespmem:v0+s12+$0x0 ss:$0x1] =	vst.idx.msk $0xffff, v3  }
0x3e: {  	s20 =	sor.u32 $0x450, s16;
	v3 =	vld.idx.msk [tilespmem:v1+s19+$0x0 ss:$0x1], $0xffff;
	[tilespmem:v0+s18+$0x0 ss:$0x1] =	vst.idx.msk $0xffff, v4  }
0x3f: {  	s21 =	sor.u32 $0x460, s16;
	v4 =	vld.idx.msk [tilespmem:v1+s20+$0x0 ss:$0x1], $0xffff;
	[tilespmem:v0+s13+$0x0 ss:$0x1] =	vst.idx.msk $0xffff, v5  }
0x40: {  	s23 =	sor.u32 $0x810, s16;
	v5 =	vld.idx.msk [tilespmem:v1+s21+$0x0 ss:$0x1], $0xffff;
	[tilespmem:v0+s0+$0x0 ss:$0x1] =	vst.idx.msk $0xffff, v6  }
0x41: {  	s30 =	sor.u32 $0x860, s16;
	[tilespmem:v0+s14+$0x0 ss:$0x1] =	vst.idx.msk $0xffff, v7;
	v6 =	vld.idx.msk [tilespmem:v1+s23+$0x0 ss:$0x1], $0xffff  }
0x42: {  	s25 =	sor.u32 $0x870, s16;
	[tilespmem:v0+s22+$0x0 ss:$0x1] =	vst.idx.msk $0xffff, v8;
	v8 =	vld.idx.msk [tilespmem:v1+s30+$0x0 ss:$0x1], $0xffff  }
0x43: {  	s26 =	sor.u32 $0x820, s16;
	v7 =	vld.idx.msk [tilespmem:v1+s25+$0x0 ss:$0x1], $0xffff;
	[tilespmem:v0+s15+$0x0 ss:$0x1] =	vst.idx.msk $0xffff, v2  }
0x44: {  	s27 =	sor.u32 $0x830, s16;
	v2 =	vld.idx.msk [tilespmem:v1+s26+$0x0 ss:$0x1], $0xffff;
	[tilespmem:v0+s19+$0x0 ss:$0x1] =	vst.idx.msk $0xffff, v3  }
0x45: {  	s29 =	sor.u32 $0x850, s16;
	v3 =	vld.idx.msk [tilespmem:v1+s27+$0x0 ss:$0x1], $0xffff;
	[tilespmem:v0+s20+$0x0 ss:$0x1] =	vst.idx.msk $0xffff, v4  }
0x46: {  	s24 =	sor.u32 $0xC10, s16;
	[tilespmem:v0+s21+$0x0 ss:$0x1] =	vst.idx.msk $0xffff, v5;
	v5 =	vld.idx.msk [tilespmem:v1+s29+$0x0 ss:$0x1], $0xffff  }
0x47: {  	[tilespmem:v0+s23+$0x0 ss:$0x1] =	vst.idx.msk $0xffff, v6;
	s23 =	sor.u32 $0xC20, s16;
	v6 =	vld.idx.msk [tilespmem:v1+s24+$0x0 ss:$0x1], $0xffff  }
0x48: {  	s22 =	sor.u32 $0xC40, s16;
	[tilespmem:v0+s30+$0x0 ss:$0x1] =	vst.idx.msk $0xffff, v8;
	v4 =	vld.idx.msk [tilespmem:v1+s23+$0x0 ss:$0x1], $0xffff  }
0x49: {  	s31 =	simm.s32 $0x200;
	s17 =	sor.u32 $0xC70, s16;
	s21 =	sor.u32 $0xC30, s16;
	[tilespmem:v0+s26+$0x0 ss:$0x1] =	vst.idx.msk $0xffff, v2;
	v2 =	vld.idx.msk [tilespmem:v1+s22+$0x0 ss:$0x1], $0xffff  }
0x4a: {  	s20 =	sor.u32 $0xC50, s16;
	s19 =	sor.u32 $0xC60, s16;
	s16 =	simm.s32 $0x80;
	[tilespmem:v0+s27+$0x0 ss:$0x1] =	vst.idx.msk $0xffff, v3;
	v3 =	vld.idx.msk [tilespmem:v1+s21+$0x0 ss:$0x1], $0xffff  }
0x4b: {  	s0 =	sand.u32 $0x3000, s31;
	s18 =	simm.s32 $0x400;
	s1 =	sand.u32 $0x380, s16;
	[tilespmem:v0+s29+$0x0 ss:$0x1] =	vst.idx.msk $0xffff, v5;
	v5 =	vld.idx.msk [tilespmem:v1+s20+$0x0 ss:$0x1], $0xffff  }
.LBB1_3:
0x4c: {  	p0 =	sne.s32 s18, $0x3E00;
	s29 =	sor.u32 s1, s0;
	[tilespmem:v0+s25+$0x0 ss:$0x1] =	vst.idx.msk $0xffff, v7;
	v7 =	vld.idx.msk [tilespmem:v1+s19+$0x0 ss:$0x1], $0xffff  }
0x4d: {  	s0 =	sand.u32 $0x180, s16;
	s1 =	sand.u32 $0x3200, s29;
	s3 =	sor.u32 $0x410, s29;
	[tilespmem:v0+s24+$0x0 ss:$0x1] =	vst.idx.msk $0xffff, v6;
	v6 =	vld.idx.msk [tilespmem:v1+s17+$0x0 ss:$0x1], $0xffff  }
0x4e: {  	s27 =	sor.u32 $0x420, s29;
	s26 =	sor.u32 $0x430, s29;
	s24 =	sor.u32 s0, s1;
	v8 =	vld.idx.msk [tilespmem:v1+s3+$0x0 ss:$0x1], $0xffff;
	[tilespmem:v0+s23+$0x0 ss:$0x1] =	vst.idx.msk $0xffff, v4  }
0x4f: {  	v4 =	vld.idx.msk [tilespmem:v1+s24+$0x0 ss:$0x1], $0xffff;
	s6 =	sor.u32 $0x10, s24;
	s15 =	sor.u32 $0x20, s24;
	s23 =	sor.u32 $0xC00, s24;
	[tilespmem:v0+s21+$0x0 ss:$0x1] =	vst.idx.msk $0xffff, v3  }
0x50: {  	s12 =	sor.u32 $0x30, s24;
	s14 =	sor.u32 $0x40, s24;
	s13 =	sor.u32 $0x50, s24;
	v3 =	vld.idx.msk [tilespmem:v1+s23+$0x0 ss:$0x1], $0xffff;
	[tilespmem:v0+s22+$0x0 ss:$0x1] =	vst.idx.msk $0xffff, v2  }
0x51: {  	s9 =	sor.u32 $0x60, s24;
	s10 =	sor.u32 $0x70, s24;
	s11 =	sor.u32 $0x400, s24;
	v2 =	vld.idx.msk [tilespmem:v1+s6+$0x0 ss:$0x1], $0xffff;
	[tilespmem:v0+s20+$0x0 ss:$0x1] =	vst.idx.msk $0xffff, v5  }
0x52: {  	s4 =	sor.u32 $0x440, s29;
	s7 =	sor.u32 $0x450, s29;
	s8 =	sor.u32 $0x800, s24;
	v5 =	vld.idx.msk [tilespmem:v1+s15+$0x0 ss:$0x1], $0xffff;
	[tilespmem:v0+s19+$0x0 ss:$0x1] =	vst.idx.msk $0xffff, v7  }
0x53: {  	s5 =	sor.u32 $0x460, s29;
	s2 =	sor.u32 $0x470, s29;
	s0 =	sor.u32 $0x810, s29;
	v7 =	vld.idx.msk [tilespmem:v1+s12+$0x0 ss:$0x1], $0xffff;
	[tilespmem:v0+s17+$0x0 ss:$0x1] =	vst.idx.msk $0xffff, v6  }
0x54: {  	s30 =	sor.u32 $0x840, s29;
	s1 =	sor.u32 $0x830, s29;
	v6 =	vld.idx.msk [tilespmem:v1+s14+$0x0 ss:$0x1], $0xffff;
	[tilespmem:v0+s3+$0x0 ss:$0x1] =	vst.idx.msk $0xffff, v8;
	s3 =	sor.u32 $0x820, s29  }
0x55: {  	s31 =	sor.u32 $0x850, s29;
	s28 =	sor.u32 $0x860, s29;
	s25 =	sor.u32 $0x870, s29;
	[tilespmem:v0+s24+$0x0 ss:$0x1] =	vst.idx.msk $0xffff, v4;
	v4 =	vld.idx.msk [tilespmem:v1+s13+$0x0 ss:$0x1], $0xffff  }
0x56: {  	s21 =	sor.u32 $0xC30, s29;
	s24 =	sor.u32 $0xC10, s29;
	v8 =	vld.idx.msk [tilespmem:v1+s9+$0x0 ss:$0x1], $0xffff;
	[tilespmem:v0+s23+$0x0 ss:$0x1] =	vst.idx.msk $0xffff, v3;
	s23 =	sor.u32 $0xC20, s29  }
0x57: {  	s22 =	sor.u32 $0xC40, s29;
	s20 =	sor.u32 $0xC50, s29;
	s19 =	sor.u32 $0xC60, s29;
	[tilespmem:v0+s6+$0x0 ss:$0x1] =	vst.idx.msk $0xffff, v2;
	v2 =	vld.idx.msk [tilespmem:v1+s10+$0x0 ss:$0x1], $0xffff  }
0x58: {  	s17 =	sor.u32 $0xC70, s29;
	[tilespmem:v0+s15+$0x0 ss:$0x1] =	vst.idx.msk $0xffff, v5;
	v3 =	vld.idx.msk [tilespmem:v1+s11+$0x0 ss:$0x1], $0xffff  }
0x59: {  	[tilespmem:v0+s12+$0x0 ss:$0x1] =	vst.idx.msk $0xffff, v7;
	v5 =	vld.idx.msk [tilespmem:v1+s8+$0x0 ss:$0x1], $0xffff  }
0x5a: {  	[tilespmem:v0+s14+$0x0 ss:$0x1] =	vst.idx.msk $0xffff, v6;
	v6 =	vld.idx.msk [tilespmem:v1+s27+$0x0 ss:$0x1], $0xffff  }
0x5b: {  	[tilespmem:v0+s13+$0x0 ss:$0x1] =	vst.idx.msk $0xffff, v4;
	v4 =	vld.idx.msk [tilespmem:v1+s26+$0x0 ss:$0x1], $0xffff  }
0x5c: {  	[tilespmem:v0+s9+$0x0 ss:$0x1] =	vst.idx.msk $0xffff, v8;
	v7 =	vld.idx.msk [tilespmem:v1+s4+$0x0 ss:$0x1], $0xffff  }
0x5d: {  	[tilespmem:v0+s10+$0x0 ss:$0x1] =	vst.idx.msk $0xffff, v2;
	v2 =	vld.idx.msk [tilespmem:v1+s7+$0x0 ss:$0x1], $0xffff  }
0x5e: {  	[tilespmem:v0+s11+$0x0 ss:$0x1] =	vst.idx.msk $0xffff, v3;
	v3 =	vld.idx.msk [tilespmem:v1+s5+$0x0 ss:$0x1], $0xffff  }
0x5f: {  	v8 =	vld.idx.msk [tilespmem:v1+s2+$0x0 ss:$0x1], $0xffff;
	[tilespmem:v0+s8+$0x0 ss:$0x1] =	vst.idx.msk $0xffff, v5  }
0x60: {  	[tilespmem:v0+s27+$0x0 ss:$0x1] =	vst.idx.msk $0xffff, v6;
	v5 =	vld.idx.msk [tilespmem:v1+s0+$0x0 ss:$0x1], $0xffff  }
0x61: {  	[tilespmem:v0+s26+$0x0 ss:$0x1] =	vst.idx.msk $0xffff, v4;
	v4 =	vld.idx.msk [tilespmem:v1+s3+$0x0 ss:$0x1], $0xffff  }
0x62: {  	[tilespmem:v0+s4+$0x0 ss:$0x1] =	vst.idx.msk $0xffff, v7;
	v9 =	vld.idx.msk [tilespmem:v1+s1+$0x0 ss:$0x1], $0xffff  }
0x63: {  	[tilespmem:v0+s7+$0x0 ss:$0x1] =	vst.idx.msk $0xffff, v2;
	v2 =	vld.idx.msk [tilespmem:v1+s30+$0x0 ss:$0x1], $0xffff  }
0x64: {  	[tilespmem:v0+s5+$0x0 ss:$0x1] =	vst.idx.msk $0xffff, v3;
	v10 =	vld.idx.msk [tilespmem:v1+s31+$0x0 ss:$0x1], $0xffff  }
0x65: {  	[tilespmem:v0+s2+$0x0 ss:$0x1] =	vst.idx.msk $0xffff, v8;
	v8 =	vld.idx.msk [tilespmem:v1+s28+$0x0 ss:$0x1], $0xffff  }
0x66: {  	[tilespmem:v0+s0+$0x0 ss:$0x1] =	vst.idx.msk $0xffff, v5;
	v7 =	vld.idx.msk [tilespmem:v1+s25+$0x0 ss:$0x1], $0xffff  }
.Ltmp3:
0x67: {  	[tilespmem:v0+s3+$0x0 ss:$0x1] =	vst.idx.msk $0xffff, v4;
	v6 =	vld.idx.msk [tilespmem:v1+s24+$0x0 ss:$0x1], $0xffff;
	(pc) =	sbr.rel @p0 .LBB1_3-.Ltmp3, $4  }
0x68: {  	[tilespmem:v0+s1+$0x0 ss:$0x1] =	vst.idx.msk $0xffff, v9;
	v4 =	vld.idx.msk [tilespmem:v1+s23+$0x0 ss:$0x1], $0xffff  }
0x69: {  	[tilespmem:v0+s30+$0x0 ss:$0x1] =	vst.idx.msk $0xffff, v2;
	v3 =	vld.idx.msk [tilespmem:v1+s21+$0x0 ss:$0x1], $0xffff  }
0x6a: {  	s16 =	sadd.s32 $0x80, s16;
	[tilespmem:v0+s31+$0x0 ss:$0x1] =	vst.idx.msk $0xffff, v10;
	v2 =	vld.idx.msk [tilespmem:v1+s22+$0x0 ss:$0x1], $0xffff  }
0x6b: {  	s0 =	sand.u32 $0x3000, s18;
	s18 =	sadd.s32 $0x200, s18;
	s1 =	sand.u32 $0x380, s16;
	[tilespmem:v0+s28+$0x0 ss:$0x1] =	vst.idx.msk $0xffff, v8;
	v5 =	vld.idx.msk [tilespmem:v1+s20+$0x0 ss:$0x1], $0xffff  }
0x6c: {  	_ =	sdelay $0x3  }
0x6d: {  	[tilespmem:v0+s25+$0x0 ss:$0x1] =	vst.idx.msk $0xffff, v7  }
0x6e: {  	s18 =	sor.u32 s1, s0;
	v30 =	vld.idx.msk [tilespmem:v1+s19+$0x0 ss:$0x1], $0xffff;
	[tilespmem:v0+s24+$0x0 ss:$0x1] =	vst.idx.msk $0xffff, v6  }
0x6f: {  	v31 =	vld.idx.msk [tilespmem:v1+s17+$0x0 ss:$0x1], $0xffff;
	[tilespmem:v0+s23+$0x0 ss:$0x1] =	vst.idx.msk $0xffff, v4;
	s25 =	sor.u32 $0x410, s18  }
0x70: {  	s31 =	sor.u32 $0x420, s18;
	v32 =	vld.idx.msk [tilespmem:v1+s25+$0x0 ss:$0x1], $0xffff;
	[tilespmem:v0+s21+$0x0 ss:$0x1] =	vst.idx.msk $0xffff, v3  }
0x71: {  	s6 =	sor.u32 $0x430, s18;
	v44 =	vld.idx.msk [tilespmem:v1+s31+$0x0 ss:$0x1], $0xffff;
	[tilespmem:v0+s22+$0x0 ss:$0x1] =	vst.idx.msk $0xffff, v2  }
0x72: {  	s7 =	sor.u32 $0x440, s18;
	v45 =	vld.idx.msk [tilespmem:v1+s6+$0x0 ss:$0x1], $0xffff;
	[tilespmem:v0+s20+$0x0 ss:$0x1] =	vst.idx.msk $0xffff, v5  }
0x73: {  	s8 =	sor.u32 $0x450, s18;
	v46 =	vld.idx.msk [tilespmem:v1+s7+$0x0 ss:$0x1], $0xffff;
	[tilespmem:v0+s19+$0x0 ss:$0x1] =	vst.idx.msk $0xffff, v30  }
0x74: {  	s9 =	sor.u32 $0x460, s18;
	v47 =	vld.idx.msk [tilespmem:v1+s8+$0x0 ss:$0x1], $0xffff;
	[tilespmem:v0+s17+$0x0 ss:$0x1] =	vst.idx.msk $0xffff, v31  }
0x75: {  	s10 =	sor.u32 $0x470, s18;
	v48 =	vld.idx.msk [tilespmem:v1+s9+$0x0 ss:$0x1], $0xffff;
	[tilespmem:v0+s25+$0x0 ss:$0x1] =	vst.idx.msk $0xffff, v32  }
0x76: {  	s11 =	sor.u32 $0x810, s18;
	v49 =	vld.idx.msk [tilespmem:v1+s10+$0x0 ss:$0x1], $0xffff;
	[tilespmem:v0+s31+$0x0 ss:$0x1] =	vst.idx.msk $0xffff, v44  }
0x77: {  	s12 =	sor.u32 $0x820, s18;
	v50 =	vld.idx.msk [tilespmem:v1+s11+$0x0 ss:$0x1], $0xffff;
	[tilespmem:v0+s6+$0x0 ss:$0x1] =	vst.idx.msk $0xffff, v45  }
0x78: {  	s13 =	sor.u32 $0x830, s18;
	v51 =	vld.idx.msk [tilespmem:v1+s12+$0x0 ss:$0x1], $0xffff;
	[tilespmem:v0+s7+$0x0 ss:$0x1] =	vst.idx.msk $0xffff, v46  }
0x79: {  	s14 =	sor.u32 $0x840, s18;
	v52 =	vld.idx.msk [tilespmem:v1+s13+$0x0 ss:$0x1], $0xffff;
	[tilespmem:v0+s8+$0x0 ss:$0x1] =	vst.idx.msk $0xffff, v47  }
0x7a: {  	s16 =	sand.u32 $0x180, s16;
	s1 =	sand.u32 $0x3200, s18;
	s15 =	sor.u32 $0x850, s18;
	v53 =	vld.idx.msk [tilespmem:v1+s14+$0x0 ss:$0x1], $0xffff;
	[tilespmem:v0+s9+$0x0 ss:$0x1] =	vst.idx.msk $0xffff, v48  }
0x7b: {  	s0 =	sor.u32 s16, s1;
	v54 =	vld.idx.msk [tilespmem:v1+s15+$0x0 ss:$0x1], $0xffff;
	[tilespmem:v0+s10+$0x0 ss:$0x1] =	vst.idx.msk $0xffff, v49  }
0x7c: {  	s16 =	sor.u32 $0x860, s18;
	v37 =	vld.idx.msk [tilespmem:v1+s0+$0x0 ss:$0x1], $0xffff;
	[tilespmem:v0+s11+$0x0 ss:$0x1] =	vst.idx.msk $0xffff, v50  }
0x7d: {  	s21 =	sor.u32 $0xC30, s18;
	v55 =	vld.idx.msk [tilespmem:v1+s16+$0x0 ss:$0x1], $0xffff;
	[tilespmem:v0+s12+$0x0 ss:$0x1] =	vst.idx.msk $0xffff, v51  }
0x7e: {  	s2 =	sor.u32 $0xC00, s0;
	v59 =	vld.idx.msk [tilespmem:v1+s21+$0x0 ss:$0x1], $0xffff;
	[tilespmem:v0+s13+$0x0 ss:$0x1] =	vst.idx.msk $0xffff, v52  }
0x7f: {  	s3 =	sor.u32 $0x10, s0;
	v33 =	vld.idx.msk [tilespmem:v1+s2+$0x0 ss:$0x1], $0xffff;
	[tilespmem:v0+s14+$0x0 ss:$0x1] =	vst.idx.msk $0xffff, v53  }
0x80: {  	s4 =	sor.u32 $0x20, s0;
	v34 =	vld.idx.msk [tilespmem:v1+s3+$0x0 ss:$0x1], $0xffff;
	[tilespmem:v0+s15+$0x0 ss:$0x1] =	vst.idx.msk $0xffff, v54  }
0x81: {  	s5 =	sor.u32 $0x30, s0;
	v35 =	vld.idx.msk [tilespmem:v1+s4+$0x0 ss:$0x1], $0xffff;
	[tilespmem:v0+s0+$0x0 ss:$0x1] =	vst.idx.msk $0xffff, v37  }
0x82: {  	s26 =	sor.u32 $0x40, s0;
	v36 =	vld.idx.msk [tilespmem:v1+s5+$0x0 ss:$0x1], $0xffff;
	[tilespmem:v0+s16+$0x0 ss:$0x1] =	vst.idx.msk $0xffff, v55  }
0x83: {  	s27 =	sor.u32 $0x50, s0;
	v38 =	vld.idx.msk [tilespmem:v1+s26+$0x0 ss:$0x1], $0xffff;
	[tilespmem:v0+s21+$0x0 ss:$0x1] =	vst.idx.msk $0xffff, v59  }
0x84: {  	s28 =	sor.u32 $0x60, s0;
	v39 =	vld.idx.msk [tilespmem:v1+s27+$0x0 ss:$0x1], $0xffff;
	[tilespmem:v0+s2+$0x0 ss:$0x1] =	vst.idx.msk $0xffff, v33  }
0x85: {  	s29 =	sor.u32 $0x70, s0;
	v40 =	vld.idx.msk [tilespmem:v1+s28+$0x0 ss:$0x1], $0xffff;
	[tilespmem:v0+s3+$0x0 ss:$0x1] =	vst.idx.msk $0xffff, v34  }
0x86: {  	s30 =	sor.u32 $0x400, s0;
	v41 =	vld.idx.msk [tilespmem:v1+s29+$0x0 ss:$0x1], $0xffff;
	[tilespmem:v0+s4+$0x0 ss:$0x1] =	vst.idx.msk $0xffff, v35  }
0x87: {  	v42 =	vld.idx.msk [tilespmem:v1+s30+$0x0 ss:$0x1], $0xffff;
	s20 =	sor.u32 $0xC20, s18;
	[tilespmem:v0+s5+$0x0 ss:$0x1] =	vst.idx.msk $0xffff, v36  }
0x88: {  	s17 =	sor.u32 $0x870, s18;
	v58 =	vld.idx.msk [tilespmem:v1+s20+$0x0 ss:$0x1], $0xffff;
	[tilespmem:v0+s26+$0x0 ss:$0x1] =	vst.idx.msk $0xffff, v38  }
0x89: {  	s19 =	sor.u32 $0xC10, s18;
	v56 =	vld.idx.msk [tilespmem:v1+s17+$0x0 ss:$0x1], $0xffff;
	[tilespmem:v0+s27+$0x0 ss:$0x1] =	vst.idx.msk $0xffff, v39  }
0x8a: {  	v57 =	vld.idx.msk [tilespmem:v1+s19+$0x0 ss:$0x1], $0xffff;
	s0 =	sor.u32 $0x800, s0;
	[tilespmem:v0+s28+$0x0 ss:$0x1] =	vst.idx.msk $0xffff, v40  }
0x8b: {  	s22 =	sor.u32 $0xC40, s18;
	v43 =	vld.idx.msk [tilespmem:v1+s0+$0x0 ss:$0x1], $0xffff;
	[tilespmem:v0+s29+$0x0 ss:$0x1] =	vst.idx.msk $0xffff, v41  }
0x8c: {  	s23 =	sor.u32 $0xC50, s18;
	v60 =	vld.idx.msk [tilespmem:v1+s22+$0x0 ss:$0x1], $0xffff;
	[tilespmem:v0+s30+$0x0 ss:$0x1] =	vst.idx.msk $0xffff, v42  }
0x8d: {  	v61 =	vld.idx.msk [tilespmem:v1+s23+$0x0 ss:$0x1], $0xffff;
	[tilespmem:v0+s20+$0x0 ss:$0x1] =	vst.idx.msk $0xffff, v58  }
0x8e: {  	s24 =	sor.u32 $0xC60, s18;
	[tilespmem:v0+s17+$0x0 ss:$0x1] =	vst.idx.msk $0xffff, v56  }
0x8f: {  	v62 =	vld.idx.msk [tilespmem:v1+s24+$0x0 ss:$0x1], $0xffff;
	s25 =	sor.u32 $0xC70, s18;
	[tilespmem:v0+s19+$0x0 ss:$0x1] =	vst.idx.msk $0xffff, v57  }
0x90: {  	v63 =	vld.idx.msk [tilespmem:v1+s25+$0x0 ss:$0x1], $0xffff;
	[tilespmem:v0+s0+$0x0 ss:$0x1] =	vst.idx.msk $0xffff, v43  }
0x91: {  	s4 =	rddreg [dreg:$0xb];
	[tilespmem:v0+s22+$0x0 ss:$0x1] =	vst.idx.msk $0xffff, v60  }
0x92: {  	s5 =	rddreg [dreg:$0xc];
	[tilespmem:v0+s23+$0x0 ss:$0x1] =	vst.idx.msk $0xffff, v61  }
0x93: {  	s28 =	rddreg [dreg:$0xa]  }
0x94: {  	s26 =	sshll.u32 s4, $0x9;
	s29 =	rddreg [dreg:$0x3];
	[tilespmem:v0+s24+$0x0 ss:$0x1] =	vst.idx.msk $0xffff, v62  }
0x95: {  	s4 =	sshll.u32 s4, $0x7;
	s3 =	sand.u32 $0x3F000, s26;
	[tilespmem:v0+s25+$0x0 ss:$0x1] =	vst.idx.msk $0xffff, v63  }
0x96: {  	s5 =	sshll.u32 s5, $0xF;
	s4 =	sand.u32 $0x380, s4;
	s2 =	rddreg [dreg:$0xd]  }
0x97: {  	s27 =	sor.u32 s4, s3;
	s4 =	sadd.s32 s29, s5;
	s5 =	rddreg [dreg:$0x0]  }
0x98: {  	s6 =	rddreg [dreg:$0x4]  }
0x99: {  	s7 =	rddreg [dreg:$0x5]  }
.Ltmp4:
0x9a: {  	s8 =	rddreg [dreg:$0x6];
	(pc) =	sbr.rel .LBB1_5-.Ltmp4, $4  }
0x9b: {  	s3 =	sshll.u32 s28, $0x11;
	s9 =	rddreg [dreg:$0x7]  }
0x9c: {  	s10 =	rddreg [dreg:$0x8];
	s30 =	sadd.s32 s3, s4;
	s0 =	sshrl.u32 s27, $0x3  }
0x9d: {  	s31 =	simm.s32 $0x0;
	s11 =	rddreg [dreg:$0x9];
	s0 =	sadd.s32 s0, s30  }
0x9e: {  	[hbm4b:s0+s31] =	stream.linear.scatter [tilespmem:s2], [sflag:$0x2], $0x4000, $0x38;
	[tilespmem:$0x10000] =	vst v63  }
.LBB1_6:
0x9f: {  	_ =	sfence.sel $0x180000  }
0xa0: {  	s0 =	simm.s32 $0x1;
	[bflag:$0x0] =	sbarrier.arrive $0xFFFF  }
0xa1: {  	s30 =	simm.s32 $0x2;
	[sflag:s0] =	ssyncpa.u1 $0x1  }
0xa2: {  	[sflag:s30] =	ssyncpa.u1 $0x1  }
0xa3: {  	_ =	strace $0x9000004A  }
0xa4: {  	s31 =	stileid.u32;
	[bflag:$0x2] =	sbarrier.arrive $0xFFFF  }
0xa5: {  	p0 =	sne.s32 s31, $0x0;
	s0 =	rddreg [dreg:$0x2]  }
0xa6: {  	s0 =	sadd.s32 @!p0 $0x100000, s0  }
0xa7: {  	[sflag:s0] =	ssyncadd.tile.s32 @!p0 $0x1;
	_ =	shalt  }
.Lfunc_end1:
_tile_overlayer_lowered:
.L_overlay_start_2:
0xa8: {  	(tag) =	ssettag $0x2  }
0xa9: {  	s0 =	rddreg [dreg:$0x0];
	s2 =	stileid.u32  }
0xaa: {  	s1 =	rddreg [dreg:$0x1];
	p0 =	sne.s32 s2, $0x0  }
0xab: {  	s3 =	rddreg [dreg:$0x2];
	[bflag:$0x3] =	sbarrier.arrive $0xFFFF;
	s2 =	simm.s32 @!p0 $0x1C01  }
0xac: {  	[timem:s3], [sflag:s2] =	dma.local @!p0 [hbm:s0], s1  }
0xad: {  	s0 =	simm.s32 @!p0 $0x1  }
0xae: {  	_ =	swait.ge @!p0 [sflag:s0], s1  }
0xaf: {  	s1 =	ssub.s32 @!p0 $0x0, s1;
	[sflag:s0] =	ssyncset.done @!p0 $0x0  }
0xb0: {  	[sflag:s0] =	ssyncadd.s32 @!p0 s1  }
0xb1: {  	[bflag:$0x3] =	sbarrier.arrive $0xFFFF  }
0xb2: {  	_ =	shalt  }

// kernel: sparse-core-data-format-call.5.cloned.1.call-start
scs
called_computation.5_lowered:
.L_overlay_start_0:
0x0: {  	s2 =	sld [smem:$0x3FD9]  }
0x1: {  	s3 =	sld [smem:$0x3FFE];
	_ =	sdelay $0x1  }
0x2: {  	s1 =	srdreg.scid  }
0x3: {  	s0 =	sand.u32 $0x1, s1  }
0x4: {  	s18 =	sshll.u32 s0, $0xA;
	s2 =	sadd.s32 s3, s2  }
0x5: {  	s2 =	sadd.s32 s2, s18  }
0x6: {  	[smem:$0x3FC1] =	sst s2  }
0x7: {  	_ = 	snop  }
0x8: {  	(tm) =	ssettm $0x1  }
0x9: {  	s19 =	sld [smem:$0x3FFB];
	_ =	sdelay $0x3  }
0xa: {  	_ =	strace s19  }
0xb: {  	s2 =	sld [smem:$0x3FFC];
	_ =	sdelay $0x3  }
0xc: {  	_ =	strace s2  }
0xd: {  	s2 =	sld [smem:$0x3FFD];
	_ =	sdelay $0x3  }
0xe: {  	_ =	strace s2  }
0xf: {  	_ =	strace $0x8FFFFFFF  }
0x10: {  	s20 =	sld [smem:$0x3FDB];
	_ =	sdelay $0x1  }
0x11: {  	s21 =	simm.s32 $_scs_section_size  }
0x12: {  	s4 =	simm.s32 $_size__tile_overlayer_lowered;
	s5 =	simm.s32 $_tile_overlayer_lowered  }
0x13: {  	s6 =	simm.s32 $0x1BFF;
	s22 =	sshll.u32 s5, $0x1;
	s3 =	sadd.s32 s21, s20  }
0x14: {  	s23 =	simm.s32 $0x0;
	s4 =	sshll.u32 s4, $0x1;
	s5 =	sadd.s32 s22, s3  }
0x15: {  	[timem:s23], [sflag:s6] =	dma.local [hbm:s5], s4  }
0x16: {  	_ =	swait.ge [sflag:s6], s4  }
0x17: {  	s4 =	ssub.s32 $0x0, s4;
	[sflag:s6] =	ssyncset.done $0x0  }
0x18: {  	[sflag:s6] =	ssyncadd.s32 s4;
	_ =	sdelay $0x1  }
0x19: {  	s24 =	simm.s32 $0x1B8B  }
0x1a: {  	_ =	swait.ge [sflag:s24], $0x1  }
0x1b: {  	[sflag:s24] =	ssyncset.done $0x0  }
0x1c: {  	[sflag:s24] =	ssyncadd.s32 $0xFFFFFFFF  }
0x1d: {  	s4 =	sld [smem:$0x0]  }
0x1e: {  	s5 =	sand.u32 $0xFFFFFFFE, s1  }
0x1f: {  	p0 =	sne.s32 s1, s5  }
0x20: {  	s5 =	sshll.u32 @p0 s5, $0xE  }
0x21: {  	s5 =	sadd.s32 @p0 $0x11B8D, s5;
	s6 =	sshll.u32 @p0 s4, $0x11  }
0x22: {  	s5 =	sor.u32 @p0 s6, s5  }
0x23: {  	[sflag:s5] =	ssyncadd.remote.s32 @p0 $0x1;
	_ =	sdelay $0x1  }
0x24: {  	s5 =	simm.s32 @p0 $0x1B8D  }
0x25: {  	_ =	swait.eq @p0 [sflag:s5], $0x1  }
0x26: {  	[sflag:s5] =	ssyncadd.s32 @p0 $0xFFFFFFFF  }
0x27: {  	s6 =	sshll.u32 @!p0 s1, $0xE  }
0x28: {  	s6 =	sor.u32 @!p0 $0x4000, s6;
	s5 =	simm.s32 @!p0 $0x1B8D  }
0x29: {  	s4 =	sshll.u32 @!p0 s4, $0x11;
	s6 =	sadd.s32 @!p0 $0x11B8D, s6;
	_ =	swait.eq @!p0 [sflag:s5], $0x1  }
0x2a: {  	s4 =	sor.u32 @!p0 s4, s6;
	[sflag:s5] =	ssyncadd.s32 @!p0 $0xFFFFFFFF  }
0x2b: {  	s26 =	simm.s32 $0x1B8E;
	s25 =	sld [smem:$0x3FFE];
	[sflag:s4] =	ssyncadd.remote.s32 @!p0 $0x1  }
0x2c: {  	s27 =	simm.s32 $execute0_lowered;
	[smem:$0x3FD2] =	sst s26  }
0x2d: {  	s5 =	sshll.u32 s27, $0x1;
	_ =	strace $0x80000055;
	[dreg:$0x1] =	wrdreg $0xFFFFFFFF  }
0x2e: {  	s28 =	simm.s32 $_size_execute0_lowered;
	s3 =	sadd.s32 s3, s5;
	[dreg:$0x0] =	wrdreg $0x0  }
0x2f: {  	s5 =	sshll.u32 s28, $0x1;
	[dreg:$0x2] =	wrdreg s3  }
0x30: {  	[dreg:$0x3] =	wrdreg s5  }
0x31: {  	[dreg:$0x4] =	wrdreg $0xC0  }
0x32: {  	_ =	task [dreg:s23], $0x5FFFF  }
0x33: {  	[dreg:$0x1] =	wrdreg $0xFFFFFFFF  }
0x34: {  	[dreg:$0x0] =	wrdreg $0x60  }
0x35: {  	[dreg:$0x2] =	wrdreg s25  }
0x36: {  	[dreg:$0x3] =	wrdreg $0xA  }
0x37: {  	_ =	task.clear_ibuf [dreg:s23], $0x4FFFF;
	_ =	strace $0x90000055  }
0x38: {  	s29 =	simm.s32 $0xA;
	_ =	strace $0x80000057  }
0x39: {  	_ =	swait.ge [sflag:s29], $0x1  }
0x3a: {  	[sflag:s29] =	ssyncadd.s32 $0xFFFFFFFF  }
0x3b: {  	_ =	strace $0x90000057  }
0x3c: {  	_ =	sfence  }
0x3d: {  	s30 =	sld [smem:$0x0];
	_ =	sdelay $0x2  }
0x3e: {  	s31 =	sshll.u32 s1, $0xD;
	s1 =	sshrl.u32 s1, $0x2  }
0x3f: {  	s4 =	sand.u32 $0x4000, s31;
	s1 =	sadd.s32 s1, s30  }
0x40: {  	s0 =	sor.u32 s4, s0;
	s1 =	sshll.u32 s1, $0x11  }
0x41: {  	s0 =	sor.u32 s1, s0  }
0x42: {  	s0 =	sadd.s32 $0x8F2B, s0  }
0x43: {  	[sflag:s0] =	ssyncadd.remote.s32 $0x1  }
0x44: {  	_ =	sfence.sel $0xFFFF  }
0x45: {  	[dreg:$0x0] =	wrdreg $0xFFFFFFFF;
	(pc) =	sbr.abs _section_cstart, $3  }
0x46: {  	[dreg:$0x1] =	wrdreg $0xFFFFFFFF  }
0x47: {  	_ =	task.clear_ibuf [dreg:s23], $0x2FFFF;
	_ =	strace $0x9FFFFFFF  }
0x48: {  	(tm) =	ssettm $0x7FFFFFFF  }
0x49: {  	_ =	shalt  }
tec
execute0_lowered:
.L_overlay_start_1:
0x0: {  	(tag) =	ssettag $0x1  }
0x1: {  	s1 =	srdreg.scid  }
0x2: {  	s0 =	stileid.u32;
	s6 =	rddreg [dreg:$0x0]  }
0x3: {  	s9 =	simm.s32 $0x2;
	s17 =	simm.s32 $0x0;
	s10 =	simm.s32 $0x2000  }
0x4: {  	s11 =	simm.s32 $0x0;
	s18 =	simm.s32 $0x0;
	s20 =	simm.s32 $0x0  }
0x5: {  	s19 =	simm.s32 $0x0;
	s12 =	simm.s32 $0x0;
	s1 =	sshll.u32 s1, $0x7  }
0x6: {  	s16 =	simm.s32 $0x0;
	s2 =	sand.u32 $0x1, s0;
	s3 =	sand.u32 $0x80, s1  }
0x7: {  	s4 =	ssub.s32 $0x2, s2;
	s1 =	rddreg [dreg:$0x1];
	s5 =	ssub.s32 $0x1000, s3  }
0x8: {  	_ =	strace $0x80000056;
	s7 =	sshrl.u32 s4, $0x1;
	s8 =	sshrl.u32 s5, $0x7  }
0x9: {  	s4 =	sand.u32 $0x1, s4;
	s5 =	sshrl.u32 s5, $0x8;
	s8 =	sand.u32 $0x1, s8  }
.Ltmp0:
0xa: {  	s7 =	sadd.s32 s4, s7;
	s8 =	sadd.s32 s5, s8;
	(pc) =	sbr.rel .LBB1_1-.Ltmp0, $4  }
0xb: {  	s15 =	smov.u32 s2;
	s13 =	smov.u32 s3;
	s8 =	smul.u32 s8, s7  }
0xc: {  	s4 =	sadd.s32 $0x402400, s6;
	s6 =	sadd.s32 $0x1002400, s6;
	s5 =	simm.s32 $0x1  }
0xd: {  	[sflag:s5] =	ssyncpa.u1 $0x0;
	s7 =	sshrl.u32 s0, $0x1;
	s8 =	sshll.u32 s8, $0x3  }
0xe: {  	[sflag:s9] =	ssyncpa.u1 $0x0;
	s14 =	smov.u32 s7;
	s9 =	sor.u32 $0x1, s8  }
.LBB1_4:
0xf: {  	_ =	sdelay $0x3  }
0x10: {  	[tilespmem:v0+s23+$0xFFFFFFA0 ss:$0x1] =	vst.idx.msk $0xffff, v6  }
0x11: {  	v56 =	vld.idx.msk [tilespmem:v1+s22+$0x30 ss:$0x1], $0xffff;
	[tilespmem:v0+s23+$0xFFFFFFB0 ss:$0x1] =	vst.idx.msk $0xffff, v4  }
0x12: {  	v57 =	vld.idx.msk [tilespmem:v1+s22+$0xFFFFFFC0 ss:$0x1], $0xffff;
	[tilespmem:v0+s23+$0xFFFFFFC0 ss:$0x1] =	vst.idx.msk $0xffff, v2  }
0x13: {  	v58 =	vld.idx.msk [tilespmem:v1+s22+$0xFFFFFFD0 ss:$0x1], $0xffff;
	[tilespmem:v0+s23+$0xFFFFFFD0 ss:$0x1] =	vst.idx.msk $0xffff, v3  }
0x14: {  	v59 =	vld.idx.msk [tilespmem:v1+s22+$0xFFFFFFE0 ss:$0x1], $0xffff;
	[tilespmem:v0+s23+$0xFFFFFFE0 ss:$0x1] =	vst.idx.msk $0xffff, v5  }
0x15: {  	v60 =	vld.idx.msk [tilespmem:v1+s22+$0xFFFFFFF0 ss:$0x1], $0xffff;
	[tilespmem:v0+s23+$0xFFFFFFF0 ss:$0x1] =	vst.idx.msk $0xffff, v7  }
0x16: {  	v61 =	vld.idx.msk [tilespmem:v1+s22+$0x0 ss:$0x1], $0xffff;
	[tilespmem:v0+s22+$0x0 ss:$0x1] =	vst.idx.msk $0xffff, v56  }
0x17: {  	v62 =	vld.idx.msk [tilespmem:v1+s22+$0x10 ss:$0x1], $0xffff;
	[tilespmem:v0+s22+$0xFFFFFF90 ss:$0x1] =	vst.idx.msk $0xffff, v57  }
0x18: {  	v63 =	vld.idx.msk [tilespmem:v1+s22+$0x20 ss:$0x1], $0xffff;
	s20 =	sshll.u32 s20, $0x7;
	[tilespmem:v0+s22+$0xFFFFFFA0 ss:$0x1] =	vst.idx.msk $0xffff, v58  }
0x19: {  	s28 =	sand.u32 $0x78, s17;
	s19 =	sshll.u32 s19, $0x16;
	s18 =	sshll.u32 s18, $0xA;
	[tilespmem:v0+s22+$0xFFFFFFB0 ss:$0x1] =	vst.idx.msk $0xffff, v59  }
0x1a: {  	s29 =	sand.u32 $0x380, s17;
	s20 =	sand.u32 $0x380, s20;
	s19 =	sadd.s32 s6, s19;
	[tilespmem:v0+s22+$0xFFFFFFC0 ss:$0x1] =	vst.idx.msk $0xffff, v60  }
0x1b: {  	s30 =	sand.u32 $0x7, s17;
	s20 =	sor.u32 s20, s28;
	s18 =	sadd.s32 s18, s19;
	[tilespmem:v0+s22+$0xFFFFFFD0 ss:$0x1] =	vst.idx.msk $0xffff, v61  }
0x1c: {  	s17 =	sshll.u32 s30, $0x12;
	s31 =	sshrl.u32 s20, $0x3;
	s18 =	sadd.s32 s29, s18;
	[tilespmem:v0+s22+$0xFFFFFFE0 ss:$0x1] =	vst.idx.msk $0xffff, v62  }
0x1d: {  	s17 =	sor.u32 $0x80, s17;
	s18 =	sadd.s32 s31, s18;
	[tilespmem:v0+s22+$0xFFFFFFF0 ss:$0x1] =	vst.idx.msk $0xffff, v63  }
0x1e: {  	[hbm4b:s18+s17] =	stream.strided.scatter [tilespmem:s21], [sflag:$0x2], $0x4000, s10, s17, $0x38;
	[tilespmem:$0x10000] =	vst v63  }
.LBB1_5:
0x1f: {  	s21 =	sadd.s32 $0x80, s12  }
0x20: {  	s17 =	sadd.s32 $0x100, s13;
	s22 =	smov.u32 s13;
	p1 =	sgt.s32 s21, $0x3FF  }
0x21: {  	s22 =	smov.u32 @p1 s17  }
0x22: {  	s23 =	smov.u32 s14;
	s17 =	sadd.s32 $0x8, s14;
	p2 =	sgt.s32 s22, $0xFFF  }
0x23: {  	s23 =	smov.u32 @p2 s17  }
0x24: {  	s24 =	smov.u32 s15;
	s17 =	sadd.s32 $0x2, s15;
	p3 =	sgt.s32 s23, $0x7  }
0x25: {  	p0 =	slt.u32 s16, $0x2;
	s24 =	smov.u32 @p3 s17  }
0x26: {  	s18 =	smov.u32 s13;
	s21 =	simm.s32 @p1 $0x0;
	p1 =	sgt.s32 s24, $0x1  }
0x27: {  	s25 =	simm.s32 @!p0 $0x2;
	s24 =	smov.u32 @p1 s2;
	p1 =	sne.s32 s16, s9  }
.Ltmp1:
0x28: {  	s20 =	smov.u32 s14;
	_ =	swait.ge @!p0 [sflag:s25], $0x4000;
	(pc) =	sbr.rel @!p1 .LBB1_6-.Ltmp1, $4  }
0x29: {  	s19 =	smov.u32 s15;
	[sflag:s25] =	ssyncset.done @!p0 $0x0;
	s22 =	smov.u32 @p2 s3  }
0x2a: {  	s11 =	sadd.s32 $0x4000, s11;
	[sflag:s25] =	ssyncadd.s32 @!p0 $0xFFFFC000;
	s13 =	smov.u32 s22  }
0x2b: {  	s23 =	smov.u32 @p3 s7;
	s17 =	smov.u32 s12;
	s12 =	smov.u32 s21  }
0x2c: {  	s14 =	smov.u32 s23;
	s16 =	sadd.s32 $0x1, s16;
	s15 =	smov.u32 s24  }
.LBB1_1:
0x2d: {  	p0 =	sge.u32 s16, s8;
	s31 =	sadd.s32 $0xFFFFFFFF, s16  }
0x2e: {  	s21 =	sxor.u32 @!p0 $0xFFFFFFFF, s16;
	s22 =	sshll.u32 @!p0 s13, $0x7;
	s23 =	sand.u32 @!p0 $0x78, s12  }
0x2f: {  	s25 =	sshll.u32 @!p0 s14, $0x13;
	s21 =	sshll.u32 @!p0 s21, $0xE;
	s24 =	sand.u32 @!p0 $0x380, s22  }
0x30: {  	s22 =	sand.u32 @!p0 $0x7FC00, s22;
	s23 =	sor.u32 @!p0 s23, s24;
	s24 =	sshll.u32 @!p0 s15, $0x16  }
0x31: {  	s21 =	sand.u32 @!p0 $0x4000, s21;
	s22 =	sadd.s32 @!p0 s12, s22;
	s24 =	sadd.s32 @!p0 s4, s24  }
0x32: {  	s23 =	sshrl.u32 @!p0 s23, $0x3;
	s24 =	sadd.s32 @!p0 s25, s24;
	s25 =	sand.u32 @!p0 $0x7, s12  }
0x33: {  	s22 =	sand.u32 @!p0 $0x7FF80, s22;
	s23 =	sadd.s32 @!p0 s23, s24;
	s24 =	sshll.u32 @!p0 s25, $0x12  }
0x34: {  	s22 =	sadd.s32 @!p0 s22, s23;
	s23 =	sor.u32 @!p0 $0x400, s24;
	s24 =	simm.s32 @!p0 $0x2000  }
0x35: {  	[tilespmem:s21], [sflag:$0x1] =	stream.strided.gather @!p0 [hbm4b:s22+s23], $0x4000, s24, s23, $0x38;
	[tilespmem:$0x10000] =	vst v63  }
0x36: {  	p0 =	sge.u32 s31, s8  }
.Ltmp2:
0x37: {  	_ = 	snop;
	(pc) =	sbr.rel @p0 .LBB1_5-.Ltmp2, $1  }
0x38: {  	_ =	sdelay $0x3  }
0x39: {  	s21 =	sand.u32 $0x4000, s11  }
0x3a: {  	s22 =	sor.u32 $0x40, s21  }
0x3b: {  	v1 =	vmov s22;
	_ =	sdelay $0x1  }
0x3c: {  	_ =	swait.ge [sflag:s5], $0x4000  }
0x3d: {  	[sflag:s5] =	ssyncset.done $0x0  }
0x3e: {  	s23 =	simm.s32 $0x0;
	[sflag:s5] =	ssyncadd.s32 $0xFFFFC000  }
0x3f: {  	s21 =	sor.u32 $0x8070, s21;
	v7 =	vld.idx.msk [tilespmem:v1+s23+$0x30 ss:$0x1], $0xffff  }
0x40: {  	v0 =	vmov s21;
	v8 =	vld.idx.msk [tilespmem:v1+s23+$0xFFFFFFC0 ss:$0x1], $0xffff  }
0x41: {  	v6 =	vld.idx.msk [tilespmem:v1+s23+$0xFFFFFFD0 ss:$0x1], $0xffff  }
0x42: {  	v4 =	vld.idx.msk [tilespmem:v1+s23+$0xFFFFFFE0 ss:$0x1], $0xffff  }
0x43: {  	v2 =	vld.idx.msk [tilespmem:v1+s23+$0xFFFFFFF0 ss:$0x1], $0xffff  }
0x44: {  	s31 =	sshll.u32 s16, $0xE;
	v3 =	vld.idx.msk [tilespmem:v1+s23+$0x0 ss:$0x1], $0xffff  }
0x45: {  	s21 =	sand.u32 $0x4000, s31;
	v5 =	vld.idx.msk [tilespmem:v1+s23+$0x10 ss:$0x1], $0xffff;
	[tilespmem:v0+s23+$0x0 ss:$0x1] =	vst.idx.msk $0xffff, v7  }
0x46: {  	s24 =	simm.s32 $0x400;
	s22 =	simm.s32 $0x80;
	s21 =	sor.u32 $0x8000, s21;
	[tilespmem:v0+s23+$0xFFFFFF90 ss:$0x1] =	vst.idx.msk $0xffff, v8;
	v7 =	vld.idx.msk [tilespmem:v1+s23+$0x20 ss:$0x1], $0xffff  }
.LBB1_3:
0x47: {  	p0 =	sne.s32 s24, $0xFE00;
	v8 =	vld.idx.msk [tilespmem:v1+s22+$0x30 ss:$0x1], $0xffff;
	[tilespmem:v0+s23+$0xFFFFFFA0 ss:$0x1] =	vst.idx.msk $0xffff, v6  }
0x48: {  	v9 =	vld.idx.msk [tilespmem:v1+s22+$0xFFFFFFC0 ss:$0x1], $0xffff;
	[tilespmem:v0+s23+$0xFFFFFFB0 ss:$0x1] =	vst.idx.msk $0xffff, v4  }
0x49: {  	v6 =	vld.idx.msk [tilespmem:v1+s22+$0xFFFFFFD0 ss:$0x1], $0xffff;
	[tilespmem:v0+s23+$0xFFFFFFC0 ss:$0x1] =	vst.idx.msk $0xffff, v2  }
.Ltmp3:
0x4a: {  	v4 =	vld.idx.msk [tilespmem:v1+s22+$0xFFFFFFE0 ss:$0x1], $0xffff;
	[tilespmem:v0+s23+$0xFFFFFFD0 ss:$0x1] =	vst.idx.msk $0xffff, v3;
	(pc) =	sbr.rel @p0 .LBB1_3-.Ltmp3, $4  }
0x4b: {  	v2 =	vld.idx.msk [tilespmem:v1+s22+$0xFFFFFFF0 ss:$0x1], $0xffff;
	[tilespmem:v0+s23+$0xFFFFFFE0 ss:$0x1] =	vst.idx.msk $0xffff, v5  }
0x4c: {  	v3 =	vld.idx.msk [tilespmem:v1+s22+$0x0 ss:$0x1], $0xffff;
	[tilespmem:v0+s23+$0xFFFFFFF0 ss:$0x1] =	vst.idx.msk $0xffff, v7;
	s23 =	smov.u32 s22  }
0x4d: {  	v5 =	vld.idx.msk [tilespmem:v1+s23+$0x10 ss:$0x1], $0xffff;
	[tilespmem:v0+s23+$0x0 ss:$0x1] =	vst.idx.msk $0xffff, v8  }
0x4e: {  	s22 =	sshra.s32 s24, $0x2;
	s24 =	sadd.s32 $0x200, s24;
	[tilespmem:v0+s23+$0xFFFFFF90 ss:$0x1] =	vst.idx.msk $0xffff, v9;
	v7 =	vld.idx.msk [tilespmem:v1+s23+$0x20 ss:$0x1], $0xffff  }
.Ltmp4:
0x4f: {  	_ = 	snop;
	(pc) =	sbr.rel .LBB1_4-.Ltmp4, $1  }
0x50: {  	_ =	sdelay $0x3  }
.LBB1_6:
0x51: {  	_ =	sfence.sel $0x180000  }
0x52: {  	s2 =	simm.s32 $0x1;
	[bflag:$0x0] =	sbarrier.arrive $0xFFFF  }
0x53: {  	s31 =	simm.s32 $0x2;
	[sflag:s2] =	ssyncpa.u1 $0x1  }
0x54: {  	[sflag:s31] =	ssyncpa.u1 $0x1  }
0x55: {  	p0 =	sne.s32 s0, $0x0;
	_ =	strace $0x90000056  }
0x56: {  	s0 =	sadd.s32 @!p0 $0x100000, s1;
	[bflag:$0x2] =	sbarrier.arrive $0xFFFF  }
0x57: {  	[sflag:s0] =	ssyncadd.tile.s32 @!p0 $0x1;
	_ =	shalt  }
.Lfunc_end1:
_tile_overlayer_lowered:
.L_overlay_start_2:
0x58: {  	(tag) =	ssettag $0x2  }
0x59: {  	s0 =	rddreg [dreg:$0x0];
	s2 =	stileid.u32  }
0x5a: {  	s1 =	rddreg [dreg:$0x1];
	p0 =	sne.s32 s2, $0x0  }
0x5b: {  	s3 =	rddreg [dreg:$0x2];
	[bflag:$0x3] =	sbarrier.arrive $0xFFFF;
	s2 =	simm.s32 @!p0 $0x1C01  }
0x5c: {  	[timem:s3], [sflag:s2] =	dma.local @!p0 [hbm:s0], s1  }
0x5d: {  	s0 =	simm.s32 @!p0 $0x1  }
0x5e: {  	_ =	swait.ge @!p0 [sflag:s0], s1  }
0x5f: {  	s1 =	ssub.s32 @!p0 $0x0, s1;
	[sflag:s0] =	ssyncset.done @!p0 $0x0  }
0x60: {  	[sflag:s0] =	ssyncadd.s32 @!p0 s1  }
0x61: {  	[bflag:$0x3] =	sbarrier.arrive $0xFFFF  }
0x62: {  	_ =	shalt  }

// kernel: sparse-core-data-format-call.6.cloned.1.call-start
scs
called_computation.6_lowered:
.L_overlay_start_0:
0x0: {  	s2 =	sld [smem:$0x3FD9]  }
0x1: {  	s3 =	sld [smem:$0x3FFE];
	_ =	sdelay $0x1  }
0x2: {  	s1 =	srdreg.scid  }
0x3: {  	s0 =	sand.u32 $0x1, s1  }
0x4: {  	s18 =	sshll.u32 s0, $0xA;
	s2 =	sadd.s32 s3, s2  }
0x5: {  	s2 =	sadd.s32 s2, s18  }
0x6: {  	[smem:$0x3FC1] =	sst s2  }
0x7: {  	_ = 	snop  }
0x8: {  	s19 =	sld [smem:$0x3FC4];
	(tm) =	ssettm $0x1  }
0x9: {  	s20 =	sld [smem:$0x3FFB];
	_ =	sdelay $0x3  }
0xa: {  	_ =	strace s20  }
0xb: {  	s2 =	sld [smem:$0x3FFC];
	_ =	sdelay $0x3  }
0xc: {  	_ =	strace s2  }
0xd: {  	s2 =	sld [smem:$0x3FFD];
	_ =	sdelay $0x3  }
0xe: {  	_ =	strace s2  }
0xf: {  	_ =	strace $0x8FFFFFFF  }
0x10: {  	s21 =	sld [smem:$0x3FDB];
	_ =	sdelay $0x1  }
0x11: {  	s4 =	simm.s32 $_scs_section_size  }
0x12: {  	s5 =	simm.s32 $_size__tile_overlayer_lowered;
	s6 =	simm.s32 $_tile_overlayer_lowered  }
0x13: {  	s7 =	simm.s32 $0x1BFF;
	s22 =	sshll.u32 s6, $0x1;
	s4 =	sadd.s32 s4, s21  }
0x14: {  	s23 =	simm.s32 $0x0;
	s5 =	sshll.u32 s5, $0x1;
	s6 =	sadd.s32 s22, s4  }
0x15: {  	[timem:s23], [sflag:s7] =	dma.local [hbm:s6], s5  }
0x16: {  	_ =	swait.ge [sflag:s7], s5  }
0x17: {  	s5 =	ssub.s32 $0x0, s5;
	[sflag:s7] =	ssyncset.done $0x0  }
0x18: {  	[sflag:s7] =	ssyncadd.s32 s5;
	_ =	sdelay $0x1  }
0x19: {  	s24 =	simm.s32 $0x1B8B  }
0x1a: {  	_ =	swait.ge [sflag:s24], $0x1  }
0x1b: {  	[sflag:s24] =	ssyncset.done $0x0  }
0x1c: {  	[sflag:s24] =	ssyncadd.s32 $0xFFFFFFFF  }
0x1d: {  	s5 =	sld [smem:$0x0]  }
0x1e: {  	s6 =	sand.u32 $0xFFFFFFFE, s1  }
0x1f: {  	p0 =	sne.s32 s1, s6  }
0x20: {  	s6 =	sshll.u32 @p0 s6, $0xE  }
0x21: {  	s6 =	sadd.s32 @p0 $0x11B8D, s6;
	s7 =	sshll.u32 @p0 s5, $0x11  }
0x22: {  	s6 =	sor.u32 @p0 s7, s6  }
0x23: {  	[sflag:s6] =	ssyncadd.remote.s32 @p0 $0x1;
	_ =	sdelay $0x1  }
0x24: {  	s6 =	simm.s32 @p0 $0x1B8D  }
0x25: {  	_ =	swait.eq @p0 [sflag:s6], $0x1  }
0x26: {  	[sflag:s6] =	ssyncadd.s32 @p0 $0xFFFFFFFF  }
0x27: {  	s7 =	sshll.u32 @!p0 s1, $0xE  }
0x28: {  	s7 =	sor.u32 @!p0 $0x4000, s7;
	s6 =	simm.s32 @!p0 $0x1B8D  }
0x29: {  	s5 =	sshll.u32 @!p0 s5, $0x11;
	s7 =	sadd.s32 @!p0 $0x11B8D, s7;
	_ =	swait.eq @!p0 [sflag:s6], $0x1  }
0x2a: {  	s5 =	sor.u32 @!p0 s5, s7;
	[sflag:s6] =	ssyncadd.s32 @!p0 $0xFFFFFFFF  }
0x2b: {  	s26 =	simm.s32 $0x1B8E;
	s25 =	sld [smem:$0x3FFE];
	[sflag:s5] =	ssyncadd.remote.s32 @!p0 $0x1  }
0x2c: {  	s27 =	simm.s32 $execute0_lowered;
	[smem:$0x3FD2] =	sst s26  }
0x2d: {  	s6 =	sshll.u32 s27, $0x1;
	_ =	strace $0x8000004C;
	[dreg:$0x1] =	wrdreg $0xFFFFFFFF  }
0x2e: {  	s28 =	simm.s32 $_size_execute0_lowered;
	s4 =	sadd.s32 s4, s6;
	[dreg:$0x0] =	wrdreg $0x0  }
0x2f: {  	s6 =	sshll.u32 s28, $0x1;
	[dreg:$0x2] =	wrdreg s4  }
0x30: {  	[dreg:$0x3] =	wrdreg s6  }
0x31: {  	[dreg:$0x4] =	wrdreg $0xC0  }
0x32: {  	_ =	task [dreg:s23], $0x5FFFF  }
0x33: {  	[dreg:$0x1] =	wrdreg $0xFFFFFFFF  }
0x34: {  	[dreg:$0x0] =	wrdreg $0x60  }
0x35: {  	[dreg:$0x2] =	wrdreg s19  }
0x36: {  	[dreg:$0x3] =	wrdreg s25  }
0x37: {  	[dreg:$0x4] =	wrdreg $0xA  }
0x38: {  	_ =	task.clear_ibuf [dreg:s23], $0x5FFFF;
	_ =	strace $0x9000004C  }
0x39: {  	s29 =	simm.s32 $0xA;
	_ =	strace $0x8000004E  }
0x3a: {  	_ =	swait.ge [sflag:s29], $0x1  }
0x3b: {  	[sflag:s29] =	ssyncadd.s32 $0xFFFFFFFF  }
0x3c: {  	_ =	strace $0x9000004E  }
0x3d: {  	_ =	sfence  }
0x3e: {  	s30 =	sld [smem:$0x0];
	_ =	sdelay $0x2  }
0x3f: {  	s31 =	sshll.u32 s1, $0xD;
	s1 =	sshrl.u32 s1, $0x2  }
0x40: {  	s4 =	sand.u32 $0x4000, s31;
	s1 =	sadd.s32 s1, s30  }
0x41: {  	s0 =	sor.u32 s4, s0;
	s1 =	sshll.u32 s1, $0x11  }
0x42: {  	s0 =	sor.u32 s1, s0  }
0x43: {  	s0 =	sadd.s32 $0x8F2B, s0  }
0x44: {  	[sflag:s0] =	ssyncadd.remote.s32 $0x1  }
0x45: {  	_ =	sfence.sel $0xFFFF  }
0x46: {  	[dreg:$0x0] =	wrdreg $0xFFFFFFFF;
	(pc) =	sbr.abs _section_cstart, $3  }
0x47: {  	[dreg:$0x1] =	wrdreg $0xFFFFFFFF  }
0x48: {  	_ =	task.clear_ibuf [dreg:s23], $0x2FFFF;
	_ =	strace $0x9FFFFFFF  }
0x49: {  	(tm) =	ssettm $0x7FFFFFFF  }
tec
execute0_lowered:
.L_overlay_start_1:
0x0: {  	(tag) =	ssettag $0x1  }
0x1: {  	s20 =	rddreg [dreg:$0x0]  }
0x2: {  	s1 =	rddreg [dreg:$0x1];
	s4 =	srdreg.scid;
	_ =	strace $0x8000004D  }
0x3: {  	s30 =	stileid.u32;
	s31 =	simm.s32 $0x1;
	s7 =	simm.s32 $0x2  }
0x4: {  	s12 =	simm.s32 $0x0;
	s13 =	simm.s32 $0x0;
	s14 =	simm.s32 $0x0  }
.Ltmp0:
0x5: {  	s9 =	simm.s32 $0x0;
	s4 =	sshll.u32 s4, $0x4;
	(pc) =	sbr.rel .LBB1_1-.Ltmp0, $4  }
0x6: {  	s8 =	simm.s32 $0x0;
	s0 =	sadd.s32 $0x402400, s1;
	s5 =	sand.u32 $0x10, s4  }
0x7: {  	[sflag:s31] =	ssyncpa.u1 $0x0;
	[dreg:$0x3] =	wrdreg s0;
	s6 =	sor.u32 s30, s5  }
0x8: {  	[sflag:s7] =	ssyncpa.u1 $0x0;
	s5 =	sand.u32 $0x3, s30;
	s6 =	sshrl.u32 s6, $0x2  }
0x9: {  	s11 =	smov.u32 s5;
	s10 =	smov.u32 s6;
	[dreg:$0x4] =	wrdreg s6  }
.LBB1_7:
0xa: {  	s0 =	sadd.s32 $0x10, s9  }
0xb: {  	s1 =	sadd.s32 $0x8, s10;
	s2 =	smov.u32 s10;
	p1 =	sgt.s32 s0, $0x3FF  }
0xc: {  	s2 =	smov.u32 @p1 s1  }
0xd: {  	s3 =	sadd.s32 $0x4, s11;
	s4 =	smov.u32 s11;
	p2 =	sgt.s32 s2, $0xF  }
0xe: {  	p0 =	slt.u32 s8, $0x2;
	s4 =	smov.u32 @p2 s3  }
0xf: {  	s8 =	sadd.s32 $0x1, s8;
	s0 =	simm.s32 @p1 $0x0;
	p1 =	sgt.s32 s4, $0x3  }
0x10: {  	s4 =	smov.u32 @p1 s5;
	p1 =	sne.s32 s8, $0x82  }
.Ltmp1:
0x11: {  	_ = 	snop;
	(pc) =	sbr.rel @!p1 .LBB1_8-.Ltmp1, $4  }
0x12: {  	s12 =	smov.u32 s9;
	s1 =	simm.s32 @!p0 $0x2  }
0x13: {  	s13 =	smov.u32 s10;
	s14 =	smov.u32 s11;
	_ =	swait.ge @!p0 [sflag:s1], $0x4000  }
0x14: {  	s9 =	smov.u32 s0;
	s2 =	smov.u32 @p2 s6;
	[sflag:s1] =	ssyncset.done @!p0 $0x0  }
0x15: {  	[sflag:s1] =	ssyncadd.s32 @!p0 $0xFFFFC000;
	s10 =	smov.u32 s2;
	s11 =	smov.u32 s4  }
.LBB1_1:
0x16: {  	p0 =	sgt.u32 s8, $0x7F  }
0x17: {  	s15 =	sxor.u32 @!p0 $0xFFFFFFFF, s8;
	s16 =	sshll.u32 @!p0 s11, $0x15  }
0x18: {  	s17 =	sshll.u32 @!p0 s10, $0x11;
	s18 =	sshll.u32 @!p0 s9, $0x7;
	s16 =	sadd.s32 @!p0 s20, s16  }
0x19: {  	s19 =	sshll.u32 @!p0 s9, $0x4;
	s18 =	sand.u32 @!p0 $0x1FC00, s18;
	s16 =	sadd.s32 @!p0 s17, s16  }
0x1a: {  	s15 =	sshll.u32 @!p0 s15, $0xE;
	s17 =	sand.u32 @!p0 $0x70, s19;
	s16 =	sadd.s32 @!p0 s18, s16  }
0x1b: {  	s15 =	sand.u32 @!p0 $0x4000, s15;
	s16 =	sadd.s32 @!p0 s17, s16;
	s17 =	simm.s32 @!p0 $0x0  }
0x1c: {  	[tilespmem:s15], [sflag:$0x1] =	stream.linear.gather @!p0 [hbm4b:s16+s17], $0x4000, $0x38;
	[tilespmem:$0x10000] =	vst v63  }
0x1d: {  	p0 =	seq.s32 s8, $0x0  }
0x1e: {  	p1 =	seq.s32 @!p0 s8, $0x81  }
0x1f: {  	p0 =	por p0, p1  }
.Ltmp2:
0x20: {  	_ = 	snop;
	(pc) =	sbr.rel @p0 .LBB1_7-.Ltmp2, $1  }
0x21: {  	_ =	sdelay $0x3  }
0x22: {  	s15 =	sshll.u32 s8, $0xE  }
0x23: {  	s17 =	sand.u32 $0x4000, s15  }
0x24: {  	s0 =	simm.s32 $0x1;
	v0 =	vmov s17  }
0x25: {  	_ =	swait.ge [sflag:s0], $0x4000  }
0x26: {  	s6 =	smov.u32 s5;
	[sflag:s0] =	ssyncset.done $0x0;
	s15 =	sor.u32 $0x8000, s17  }
0x27: {  	s5 =	smov.u32 s20;
	s16 =	simm.s32 $0x0;
	[sflag:s0] =	ssyncadd.s32 $0xFFFFC000;
	v1 =	vmov s15  }
.LBB1_3:
0x28: {  	s17 =	sshll.u32 s16, $0xA;
	s26 =	sshll.u32 s16, $0x7  }
0x29: {  	s27 =	sand.u32 $0x2000, s17;
	s31 =	sand.u32 $0x380, s26  }
0x2a: {  	p0 =	por $0x1, $0x1;
	s17 =	sor.u32 s31, s27  }
0x2b: {  	s29 =	simm.s32 $0x0;
	s26 =	sor.u32 s26, s27;
	s18 =	sor.u32 $0x10, s17  }
0x2c: {  	s19 =	sor.u32 $0x20, s17;
	s20 =	sor.u32 $0x30, s17;
	s21 =	sor.u32 $0x40, s17  }
0x2d: {  	s22 =	sor.u32 $0x50, s17;
	s23 =	sor.u32 $0x60, s17;
	s24 =	sor.u32 $0x70, s17  }
0x2e: {  	s25 =	sor.u32 $0x400, s17;
	s27 =	sor.u32 $0x800, s17;
	s28 =	sor.u32 $0xC00, s17  }
.LBB1_4:
0x2f: {  	s30 =	sor.u32 s18, s29  }
0x30: {  	s31 =	sor.u32 s19, s29;
	v2 =	vld.idx.msk [tilespmem:v0+s30+$0x0 ss:$0x1], $0xffff  }
0x31: {  	s0 =	sor.u32 s20, s29;
	v3 =	vld.idx.msk [tilespmem:v0+s31+$0x0 ss:$0x1], $0xffff  }
0x32: {  	s1 =	sor.u32 s21, s29;
	v4 =	vld.idx.msk [tilespmem:v0+s0+$0x0 ss:$0x1], $0xffff  }
0x33: {  	s7 =	sor.u32 s22, s29;
	v5 =	vld.idx.msk [tilespmem:v0+s1+$0x0 ss:$0x1], $0xffff  }
0x34: {  	s2 =	sor.u32 s23, s29;
	v6 =	vld.idx.msk [tilespmem:v0+s7+$0x0 ss:$0x1], $0xffff  }
0x35: {  	s3 =	sor.u32 s24, s29;
	[tilespmem:v1+s30+$0x0 ss:$0x1] =	vst.idx.msk $0xffff, v2;
	v2 =	vld.idx.msk [tilespmem:v0+s2+$0x0 ss:$0x1], $0xffff  }
0x36: {  	[tilespmem:v1+s31+$0x0 ss:$0x1] =	vst.idx.msk $0xffff, v3;
	v3 =	vld.idx.msk [tilespmem:v0+s3+$0x0 ss:$0x1], $0xffff;
	s31 =	sor.u32 s25, s29;
	s30 =	sor.u32 s26, s29  }
0x37: {  	[tilespmem:v1+s0+$0x0 ss:$0x1] =	vst.idx.msk $0xffff, v4;
	v49 =	vld.idx.msk [tilespmem:v0+s31+$0x0 ss:$0x1], $0xffff;
	s4 =	sor.u32 $0x410, s30  }
0x38: {  	[tilespmem:v1+s1+$0x0 ss:$0x1] =	vst.idx.msk $0xffff, v5;
	s1 =	sor.u32 $0x420, s30;
	v50 =	vld.idx.msk [tilespmem:v0+s4+$0x0 ss:$0x1], $0xffff  }
0x39: {  	[tilespmem:v1+s7+$0x0 ss:$0x1] =	vst.idx.msk $0xffff, v6;
	s7 =	sor.u32 $0x430, s30;
	v51 =	vld.idx.msk [tilespmem:v0+s1+$0x0 ss:$0x1], $0xffff  }
0x3a: {  	[tilespmem:v1+s2+$0x0 ss:$0x1] =	vst.idx.msk $0xffff, v2;
	v2 =	vld.idx.msk [tilespmem:v0+s7+$0x0 ss:$0x1], $0xffff;
	s2 =	sor.u32 $0x440, s30  }
0x3b: {  	[tilespmem:v1+s3+$0x0 ss:$0x1] =	vst.idx.msk $0xffff, v3;
	s3 =	sor.u32 $0x450, s30;
	v3 =	vld.idx.msk [tilespmem:v0+s2+$0x0 ss:$0x1], $0xffff  }
0x3c: {  	[tilespmem:v1+s31+$0x0 ss:$0x1] =	vst.idx.msk $0xffff, v49;
	v52 =	vld.idx.msk [tilespmem:v0+s3+$0x0 ss:$0x1], $0xffff;
	s31 =	sor.u32 $0x460, s30  }
0x3d: {  	s0 =	sor.u32 $0x470, s30;
	[tilespmem:v1+s4+$0x0 ss:$0x1] =	vst.idx.msk $0xffff, v50;
	v53 =	vld.idx.msk [tilespmem:v0+s31+$0x0 ss:$0x1], $0xffff  }
0x3e: {  	v54 =	vld.idx.msk [tilespmem:v0+s0+$0x0 ss:$0x1], $0xffff;
	s4 =	sor.u32 s17, s29;
	[tilespmem:v1+s1+$0x0 ss:$0x1] =	vst.idx.msk $0xffff, v51;
	s1 =	sor.u32 s27, s29  }
0x3f: {  	[tilespmem:v1+s7+$0x0 ss:$0x1] =	vst.idx.msk $0xffff, v2;
	v2 =	vld.idx.msk [tilespmem:v0+s1+$0x0 ss:$0x1], $0xffff;
	s7 =	sor.u32 $0x810, s4  }
0x40: {  	[tilespmem:v1+s2+$0x0 ss:$0x1] =	vst.idx.msk $0xffff, v3;
	v3 =	vld.idx.msk [tilespmem:v0+s7+$0x0 ss:$0x1], $0xffff  }
0x41: {  	v55 =	vld.idx.msk [tilespmem:v0+s4+$0x0 ss:$0x1], $0xffff;
	[tilespmem:v1+s3+$0x0 ss:$0x1] =	vst.idx.msk $0xffff, v52;
	s3 =	sor.u32 $0x820, s4  }
0x42: {  	[tilespmem:v1+s31+$0x0 ss:$0x1] =	vst.idx.msk $0xffff, v53;
	v56 =	vld.idx.msk [tilespmem:v0+s3+$0x0 ss:$0x1], $0xffff;
	s31 =	sor.u32 $0x830, s4  }
0x43: {  	[tilespmem:v1+s0+$0x0 ss:$0x1] =	vst.idx.msk $0xffff, v54;
	s0 =	sor.u32 $0x840, s4;
	v57 =	vld.idx.msk [tilespmem:v0+s31+$0x0 ss:$0x1], $0xffff  }
0x44: {  	[tilespmem:v1+s1+$0x0 ss:$0x1] =	vst.idx.msk $0xffff, v2;
	v2 =	vld.idx.msk [tilespmem:v0+s0+$0x0 ss:$0x1], $0xffff;
	s1 =	sor.u32 $0x850, s4  }
0x45: {  	[tilespmem:v1+s7+$0x0 ss:$0x1] =	vst.idx.msk $0xffff, v3;
	v3 =	vld.idx.msk [tilespmem:v0+s1+$0x0 ss:$0x1], $0xffff;
	s7 =	sor.u32 $0x860, s4  }
0x46: {  	[tilespmem:v1+s4+$0x0 ss:$0x1] =	vst.idx.msk $0xffff, v55;
	s4 =	sor.u32 $0x870, s4;
	v58 =	vld.idx.msk [tilespmem:v0+s7+$0x0 ss:$0x1], $0xffff  }
0x47: {  	s2 =	sor.u32 s28, s29;
	[tilespmem:v1+s3+$0x0 ss:$0x1] =	vst.idx.msk $0xffff, v56;
	v59 =	vld.idx.msk [tilespmem:v0+s4+$0x0 ss:$0x1], $0xffff  }
0x48: {  	v60 =	vld.idx.msk [tilespmem:v0+s2+$0x0 ss:$0x1], $0xffff;
	[tilespmem:v1+s31+$0x0 ss:$0x1] =	vst.idx.msk $0xffff, v57;
	s31 =	sor.u32 $0xC10, s30  }
0x49: {  	[tilespmem:v1+s0+$0x0 ss:$0x1] =	vst.idx.msk $0xffff, v2;
	v2 =	vld.idx.msk [tilespmem:v0+s31+$0x0 ss:$0x1], $0xffff;
	s0 =	sor.u32 $0xC20, s30  }
0x4a: {  	[tilespmem:v1+s1+$0x0 ss:$0x1] =	vst.idx.msk $0xffff, v3;
	v3 =	vld.idx.msk [tilespmem:v0+s0+$0x0 ss:$0x1], $0xffff;
	s1 =	sor.u32 $0xC30, s30  }
0x4b: {  	[tilespmem:v1+s7+$0x0 ss:$0x1] =	vst.idx.msk $0xffff, v58;
	v61 =	vld.idx.msk [tilespmem:v0+s1+$0x0 ss:$0x1], $0xffff;
	s7 =	sor.u32 $0xC40, s30  }
0x4c: {  	[tilespmem:v1+s4+$0x0 ss:$0x1] =	vst.idx.msk $0xffff, v59;
	s4 =	sor.u32 $0xC50, s30;
	v62 =	vld.idx.msk [tilespmem:v0+s7+$0x0 ss:$0x1], $0xffff  }
0x4d: {  	[tilespmem:v1+s2+$0x0 ss:$0x1] =	vst.idx.msk $0xffff, v60;
	s2 =	sor.u32 $0xC60, s30;
	v63 =	vld.idx.msk [tilespmem:v0+s4+$0x0 ss:$0x1], $0xffff  }
0x4e: {  	[tilespmem:v1+s31+$0x0 ss:$0x1] =	vst.idx.msk $0xffff, v2;
	v2 =	vld.idx.msk [tilespmem:v0+s2+$0x0 ss:$0x1], $0xffff;
	s31 =	sor.u32 $0xC70, s30  }
0x4f: {  	p1 =	por p0, p0;
	[tilespmem:v1+s0+$0x0 ss:$0x1] =	vst.idx.msk $0xffff, v3;
	v3 =	vld.idx.msk [tilespmem:v0+s31+$0x0 ss:$0x1], $0xffff  }
.Ltmp3:
0x50: {  	[tilespmem:v1+s1+$0x0 ss:$0x1] =	vst.idx.msk $0xffff, v61;
	(pc) =	sbr.rel @p1 .LBB1_4-.Ltmp3, $4  }
0x51: {  	[tilespmem:v1+s7+$0x0 ss:$0x1] =	vst.idx.msk $0xffff, v62  }
0x52: {  	[tilespmem:v1+s4+$0x0 ss:$0x1] =	vst.idx.msk $0xffff, v63  }
0x53: {  	[tilespmem:v1+s2+$0x0 ss:$0x1] =	vst.idx.msk $0xffff, v2  }
0x54: {  	p0 =	por $0x0, $0x0;
	s29 =	simm.s32 $0x1000;
	[tilespmem:v1+s31+$0x0 ss:$0x1] =	vst.idx.msk $0xffff, v3  }
0x55: {  	s16 =	sadd.s32 $0x1, s16  }
0x56: {  	p0 =	sne.s32 s16, $0x10  }
.Ltmp4:
0x57: {  	_ = 	snop;
	(pc) =	sbr.rel @p0 .LBB1_3-.Ltmp4, $1  }
0x58: {  	_ =	sdelay $0x3  }
0x59: {  	s0 =	sshll.u32 s14, $0x11  }
0x5a: {  	s1 =	sshll.u32 s13, $0x13;
	s2 =	sshll.u32 s12, $0x7;
	s3 =	rddreg [dreg:$0x3]  }
.Ltmp5:
0x5b: {  	s29 =	sshll.u32 s12, $0x4;
	s0 =	sadd.s32 s3, s0;
	(pc) =	sbr.rel .LBB1_7-.Ltmp5, $4  }
0x5c: {  	s31 =	simm.s32 $0x0;
	s2 =	sand.u32 $0x1FC00, s2;
	s0 =	sadd.s32 s1, s0  }
0x5d: {  	s20 =	smov.u32 s5;
	s30 =	sand.u32 $0x70, s29;
	s0 =	sadd.s32 s2, s0  }
0x5e: {  	s5 =	smov.u32 s6;
	s6 =	rddreg [dreg:$0x4];
	s0 =	sadd.s32 s30, s0  }
0x5f: {  	[hbm4b:s0+s31] =	stream.linear.scatter [tilespmem:s15], [sflag:$0x2], $0x4000, $0x38;
	[tilespmem:$0x10000] =	vst v63  }
.LBB1_8:
0x60: {  	_ =	sfence.sel $0x180000  }
0x61: {  	s0 =	simm.s32 $0x1;
	[bflag:$0x0] =	sbarrier.arrive $0xFFFF  }
0x62: {  	s30 =	simm.s32 $0x2;
	[sflag:s0] =	ssyncpa.u1 $0x1  }
0x63: {  	[sflag:s30] =	ssyncpa.u1 $0x1  }
0x64: {  	_ =	strace $0x9000004D  }
0x65: {  	s31 =	stileid.u32;
	[bflag:$0x2] =	sbarrier.arrive $0xFFFF  }
0x66: {  	p0 =	sne.s32 s31, $0x0;
	s0 =	rddreg [dreg:$0x2]  }
0x67: {  	s0 =	sadd.s32 @!p0 $0x100000, s0  }
0x68: {  	[sflag:s0] =	ssyncadd.tile.s32 @!p0 $0x1;
	_ =	shalt  }
.Lfunc_end1:
_tile_overlayer_lowered:
.L_overlay_start_2:
0x69: {  	(tag) =	ssettag $0x2  }
0x6a: {  	s0 =	rddreg [dreg:$0x0];
	s2 =	stileid.u32  }
0x6b: {  	s1 =	rddreg [dreg:$0x1];
	p0 =	sne.s32 s2, $0x0  }
0x6c: {  	s3 =	rddreg [dreg:$0x2];
	[bflag:$0x3] =	sbarrier.arrive $0xFFFF;
	s2 =	simm.s32 @!p0 $0x1C01  }
0x6d: {  	[timem:s3], [sflag:s2] =	dma.local @!p0 [hbm:s0], s1  }
0x6e: {  	s0 =	simm.s32 @!p0 $0x1  }
0x6f: {  	_ =	swait.ge @!p0 [sflag:s0], s1  }
0x70: {  	s1 =	ssub.s32 @!p0 $0x0, s1;
	[sflag:s0] =	ssyncset.done @!p0 $0x0  }
0x71: {  	[sflag:s0] =	ssyncadd.s32 @!p0 s1  }
0x72: {  	[bflag:$0x3] =	sbarrier.arrive $0xFFFF  }
0x73: {  	_ =	shalt  }

// kernel: sparse-core-data-format-call.cloned.1.call-start
scs
called_computation_lowered:
.L_overlay_start_0:
0x0: {  	s1 =	sld [smem:$0x3FD9]  }
0x1: {  	s2 =	sld [smem:$0x3FFE];
	_ =	sdelay $0x1  }
0x2: {  	s3 =	srdreg.scid  }
0x3: {  	s0 =	sand.u32 $0x1, s3  }
0x4: {  	s17 =	sshll.u32 s0, $0xA;
	s1 =	sadd.s32 s2, s1  }
0x5: {  	s1 =	sadd.s32 s1, s17  }
0x6: {  	[smem:$0x3FC1] =	sst s1  }
0x7: {  	_ = 	snop  }
0x8: {  	(tm) =	ssettm $0x1  }
0x9: {  	s18 =	sld [smem:$0x3FFB];
	_ =	sdelay $0x3  }
0xa: {  	_ =	strace s18  }
0xb: {  	s1 =	sld [smem:$0x3FFC];
	_ =	sdelay $0x3  }
0xc: {  	_ =	strace s1  }
0xd: {  	s1 =	sld [smem:$0x3FFD];
	_ =	sdelay $0x3  }
0xe: {  	_ =	strace s1  }
0xf: {  	_ =	strace $0x8FFFFFFF  }
0x10: {  	s19 =	sld [smem:$0x3FDB];
	_ =	sdelay $0x1  }
0x11: {  	s20 =	simm.s32 $_scs_section_size  }
0x12: {  	s4 =	simm.s32 $_size__tile_overlayer_lowered;
	s5 =	simm.s32 $_tile_overlayer_lowered  }
0x13: {  	s23 =	simm.s32 $0x1BFF;
	s22 =	sshll.u32 s5, $0x1;
	s1 =	sadd.s32 s20, s19  }
0x14: {  	s6 =	simm.s32 $0x0;
	s21 =	sshll.u32 s4, $0x1;
	s4 =	sadd.s32 s22, s1  }
0x15: {  	[timem:s6], [sflag:s23] =	dma.local [hbm:s4], s21  }
0x16: {  	_ =	swait.ge [sflag:s23], s21  }
0x17: {  	s2 =	ssub.s32 $0x0, s21;
	[sflag:s23] =	ssyncset.done $0x0  }
0x18: {  	[sflag:s23] =	ssyncadd.s32 s2;
	_ =	sdelay $0x1  }
0x19: {  	s24 =	simm.s32 $0x1B8B  }
0x1a: {  	_ =	swait.ge [sflag:s24], $0x1  }
0x1b: {  	[sflag:s24] =	ssyncset.done $0x0  }
0x1c: {  	s26 =	simm.s32 $0x1B8E;
	s25 =	sld [smem:$0x3FFE];
	[sflag:s24] =	ssyncadd.s32 $0xFFFFFFFF  }
0x1d: {  	s27 =	simm.s32 $execute0_lowered;
	[smem:$0x3FD2] =	sst s26  }
0x1e: {  	s4 =	sshll.u32 s27, $0x1;
	_ =	strace $0x80000058;
	[dreg:$0x1] =	wrdreg $0xFFFFFFFF  }
0x1f: {  	s28 =	simm.s32 $_size_execute0_lowered;
	s1 =	sadd.s32 s1, s4;
	[dreg:$0x0] =	wrdreg $0x0  }
0x20: {  	s4 =	sshll.u32 s28, $0x1;
	[dreg:$0x2] =	wrdreg s1  }
0x21: {  	[dreg:$0x3] =	wrdreg s4  }
0x22: {  	[dreg:$0x4] =	wrdreg $0xC0  }
0x23: {  	_ =	task [dreg:s6], $0x5FFFF  }
0x24: {  	[dreg:$0x1] =	wrdreg $0xFFFFFFFF  }
0x25: {  	[dreg:$0x0] =	wrdreg $0x60  }
0x26: {  	[dreg:$0x2] =	wrdreg s25  }
0x27: {  	[dreg:$0x3] =	wrdreg $0x9  }
0x28: {  	_ =	task.clear_ibuf [dreg:s6], $0x4FFFF;
	_ =	strace $0x90000058  }
0x29: {  	s29 =	simm.s32 $0x9;
	_ =	strace $0x8000005A  }
0x2a: {  	_ =	swait.ge [sflag:s29], $0x1  }
0x2b: {  	[sflag:s29] =	ssyncadd.s32 $0xFFFFFFFF  }
0x2c: {  	_ =	strace $0x9000005A  }
0x2d: {  	_ =	sfence  }
0x2e: {  	s30 =	sld [smem:$0x0];
	_ =	sdelay $0x2  }
0x2f: {  	s31 =	sshll.u32 s3, $0xD;
	s3 =	sshrl.u32 s3, $0x2  }
0x30: {  	s2 =	sand.u32 $0x4000, s31;
	s1 =	sadd.s32 s3, s30  }
0x31: {  	s0 =	sor.u32 s2, s0;
	s1 =	sshll.u32 s1, $0x11  }
0x32: {  	s0 =	sor.u32 s1, s0  }
0x33: {  	s0 =	sadd.s32 $0x8F2B, s0  }
0x34: {  	[sflag:s0] =	ssyncadd.remote.s32 $0x1  }
0x35: {  	_ =	sfence.sel $0xFFFF  }
0x36: {  	[dreg:$0x0] =	wrdreg $0xFFFFFFFF;
	(pc) =	sbr.abs _section_cstart, $3  }
0x37: {  	[dreg:$0x1] =	wrdreg $0xFFFFFFFF  }
0x38: {  	_ =	task.clear_ibuf [dreg:s6], $0x2FFFF;
	_ =	strace $0x9FFFFFFF  }
0x39: {  	(tm) =	ssettm $0x7FFFFFFF  }
tec
execute0_lowered:
.L_overlay_start_1:
0x0: {  	(tag) =	ssettag $0x1  }
0x1: {  	s0 =	srdreg.scid  }
0x2: {  	s2 =	stileid.u32;
	s0 =	sshll.u32 s0, $0x4  }
0x3: {  	s1 =	rddreg [dreg:$0x0];
	_ =	strace $0x80000059;
	s0 =	sand.u32 $0x10, s0  }
0x4: {  	s31 =	simm.s32 $0x1;
	s5 =	simm.s32 $0x2;
	s0 =	sor.u32 s2, s0  }
0x5: {  	s13 =	simm.s32 $0x0;
	s7 =	sadd.s32 $0x1802400, s1;
	s6 =	sshll.u32 s0, $0xA  }
0x6: {  	s10 =	simm.s32 $0x0;
	s1 =	sadd.s32 $0x2482400, s1;
	s0 =	ssub.s32 $0x640000, s6  }
0x7: {  	s11 =	simm.s32 $0x0;
	[dreg:$0x4] =	wrdreg s1;
	s4 =	sand.u32 $0x7C00, s0  }
.Ltmp0:
0x8: {  	p0 =	sne.s32 s4, $0x0;
	s4 =	simm.s32 $0x1;
	(pc) =	sbr.rel .LBB1_1-.Ltmp0, $4  }
0x9: {  	[dreg:$0x3] =	wrdreg s7;
	s0 =	sshrl.u32 s0, $0xF;
	s4 =	simm.s32 @!p0 $0x0  }
0xa: {  	[sflag:s31] =	ssyncpa.u1 $0x0;
	[dreg:$0x2] =	wrdreg s6;
	s8 =	sadd.s32 s4, s0  }
0xb: {  	[sflag:s5] =	ssyncpa.u1 $0x0;
	s9 =	sadd.s32 $0x1, s8;
	[dreg:$0x5] =	wrdreg s8  }
0xc: {  	s2 =	simm.s32 $0x0;
	s12 =	smov.u32 s6;
	[dreg:$0x6] =	wrdreg s9  }
.LBB1_7:
0xd: {  	s0 =	sadd.s32 $0x8000, s12  }
0xe: {  	s2 =	sadd.s32 $0x10, s10;
	s3 =	smov.u32 s10;
	p1 =	sgt.s32 s0, $0x63FFFF  }
0xf: {  	s3 =	smov.u32 @p1 s2  }
0x10: {  	s0 =	smov.u32 @p1 s6;
	p1 =	sgt.s32 s3, $0xF  }
0x11: {  	s3 =	simm.s32 @p1 $0x0;
	p1 =	sne.s32 s11, s9  }
.Ltmp1:
0x12: {  	p0 =	slt.u32 s11, $0x2;
	(pc) =	sbr.rel @!p1 .LBB1_8-.Ltmp1, $4  }
0x13: {  	s1 =	simm.s32 @!p0 $0x2  }
0x14: {  	s13 =	smov.u32 s12;
	_ =	swait.ge @!p0 [sflag:s1], $0x4000  }
0x15: {  	s2 =	smov.u32 s10;
	[sflag:s1] =	ssyncset.done @!p0 $0x0;
	s12 =	smov.u32 s0  }
0x16: {  	s11 =	sadd.s32 $0x1, s11;
	[sflag:s1] =	ssyncadd.s32 @!p0 $0xFFFFC000;
	s10 =	smov.u32 s3  }
.LBB1_1:
0x17: {  	p0 =	sge.u32 s11, s8  }
0x18: {  	s0 =	sshrl.u32 @!p0 s10, $0x3  }
0x19: {  	s1 =	sshll.u32 @!p0 s12, $0x3;
	s4 =	sshll.u32 @!p0 s10, $0x7;
	s0 =	smul.u32 @!p0 $0x3200000, s0  }
0x1a: {  	s5 =	sand.u32 @!p0 $0x7F, s12;
	s1 =	sand.u32 @!p0 $0xFFFFFC00, s1;
	s4 =	sand.u32 @!p0 $0x380, s4  }
0x1b: {  	s0 =	sadd.s32 @!p0 s0, s1;
	s1 =	sor.u32 @!p0 s5, s4  }
0x1c: {  	s1 =	sor.u32 @!p0 s0, s1  }
0x1d: {  	s4 =	smulhi.u32 @!p0 $0x51EB851F, s1;
	_ =	sdelay $0x1  }
0x1e: {  	s0 =	smulhi.u32 @!p0 $0x51EB851F, s0;
	s4 =	sshrl.u32 @!p0 s4, $0x15  }
0x1f: {  	s4 =	smul.u32 @!p0 $0x640000, s4  }
0x20: {  	s31 =	sadd.s32 $0xFFFFFFFF, s11;
	s5 =	sxor.u32 @!p0 $0xFFFFFFFF, s11;
	s0 =	sshrl.u32 @!p0 s0, $0x15  }
0x21: {  	s5 =	sshll.u32 @!p0 s5, $0xE;
	s0 =	sand.u32 @!p0 $0xF, s0;
	s1 =	ssub.s32 @!p0 s1, s4  }
0x22: {  	s0 =	smul.u32 @!p0 $0xC8000, s0;
	s4 =	sshrl.u32 @!p0 s1, $0x3;
	s1 =	sand.u32 @!p0 $0x7, s1  }
0x23: {  	s5 =	sand.u32 @!p0 $0x4000, s5;
	s4 =	sadd.s32 @!p0 s7, s4;
	s1 =	sshll.u32 @!p0 s1, $0x12  }
0x24: {  	s0 =	sadd.s32 @!p0 s0, s4;
	s1 =	sor.u32 @!p0 $0x2000, s1;
	s4 =	simm.s32 @!p0 $0x3200000  }
0x25: {  	[tilespmem:s5], [sflag:$0x1] =	stream.strided.gather @!p0 [hbm4b:s0+s1], $0x4000, s4, s1, $0x38;
	[tilespmem:$0x10800] =	vst v63  }
0x26: {  	p0 =	sge.u32 s31, s8  }
.Ltmp2:
0x27: {  	_ = 	snop;
	(pc) =	sbr.rel @p0 .LBB1_7-.Ltmp2, $1  }
0x28: {  	_ =	sdelay $0x3  }
0x29: {  	[dreg:$0x9] =	wrdreg s13  }
0x2a: {  	[dreg:$0x8] =	wrdreg s2;
	s0 =	sand.u32 $0x1, s11  }
0x2b: {  	[dreg:$0x7] =	wrdreg s12;
	s31 =	simm.s32 $0x1;
	s1 =	smul.u32 $0x11000, s0  }
0x2c: {  	_ =	swait.ge [sflag:s31], $0x4000  }
0x2d: {  	s16 =	simm.s32 $0x0;
	[sflag:s31] =	ssyncset.done $0x0;
	s1 =	sshrl.u32 s1, $0x2  }
0x2e: {  	s15 =	sshll.u32 s0, $0xE;
	[sflag:s31] =	ssyncadd.s32 $0xFFFFC000;
	s14 =	sor.u32 $0x8000, s1  }
.LBB1_3:
0x2f: {  	s0 =	sshll.u32 s16, $0xA  }
0x30: {  	s1 =	sshll.u32 s16, $0x7;
	s0 =	sand.u32 $0x2000, s0  }
0x31: {  	s1 =	sand.u32 $0x380, s1;
	s0 =	sadd.s32 s0, s15  }
0x32: {  	s0 =	sadd.s32 s1, s0  }
0x33: {  	s17 =	sadd.s32 s16, s14;
	p0 =	por $0x1, $0x1;
	s18 =	simm.s32 $0x0;
	v0 =	vmov s0  }
.LBB1_4:
0x34: {  	s0 =	smul.u32 $0x44, s18;
	s1 =	sshll.u32 s18, $0x3;
	s4 =	sor.u32 $0x80, s18  }
0x35: {  	s9 =	sor.u32 $0x90, s18;
	s22 =	sor.u32 $0xA0, s18;
	s25 =	sor.u32 $0xB0, s18  }
0x36: {  	s2 =	sor.u32 $0xC0, s18;
	s3 =	sor.u32 $0xD0, s18;
	s7 =	smul.u32 $0x44, s4  }
0x37: {  	p1 =	por p0, p0;
	s29 =	sand.u32 $0x3FFFFFF8, s1;
	s13 =	smul.u32 $0x44, s9  }
0x38: {  	s8 =	sshll.u32 s4, $0x3;
	s21 =	sshll.u32 s9, $0x3;
	s5 =	smul.u32 $0x44, s22  }
0x39: {  	s24 =	sshll.u32 s22, $0x3;
	s27 =	smul.u32 $0x44, s25;
	s28 =	sshll.u32 s25, $0x3  }
0x3a: {  	s4 =	sshll.u32 s2, $0x3;
	s25 =	smul.u32 $0x44, s3;
	s0 =	sshra.s32 s0, $0x2  }
0x3b: {  	s30 =	sand.u32 $0x3FFFFFF8, s8;
	s31 =	sand.u32 $0x1400, s21;
	s1 =	sand.u32 $0x1400, s24  }
0x3c: {  	s24 =	smul.u32 $0x44, s2;
	s8 =	sand.u32 $0x1400, s4;
	s0 =	sadd.s32 s0, s14  }
0x3d: {  	s12 =	sshra.s32 s7, $0x2;
	s23 =	sshra.s32 s13, $0x2;
	s26 =	sshra.s32 s5, $0x2  }
0x3e: {  	s5 =	sshra.s32 s27, $0x2;
	s7 =	sshll.u32 s3, $0x3;
	s9 =	sshra.s32 s25, $0x2  }
0x3f: {  	s3 =	sor.u32 $0x100, s18;
	v55 =	vld.idx.msk [tilespmem:v0+s31+$0x10 ss:$0x1], $0xffff;
	s31 =	sor.u32 $0x140, s18;
	s19 =	sadd.s32 s16, s0  }
0x40: {  	s20 =	sadd.s32 s12, s17;
	s21 =	sadd.s32 s23, s17;
	s22 =	sadd.s32 s26, s17  }
0x41: {  	s0 =	sand.u32 $0x1400, s28;
	s23 =	sadd.s32 s5, s17;
	s6 =	sshra.s32 s24, $0x2  }
0x42: {  	v1 =	vld.idx.msk [tilespmem:v0+s29+$0x0 ss:$0x1], $0xffff;
	s26 =	sor.u32 $0xE0, s18;
	s5 =	sand.u32 $0x1400, s7;
	s25 =	sadd.s32 s9, s17  }
0x43: {  	v2 =	vld.idx.msk [tilespmem:v0+s29+$0x10 ss:$0x1], $0xffff;
	s28 =	sor.u32 $0xF0, s18;
	s24 =	sadd.s32 s6, s17;
	s27 =	smul.u32 $0x44, s26  }
0x44: {  	v3 =	vld.idx.msk [tilespmem:v0+s29+$0x20 ss:$0x1], $0xffff;
	s12 =	sshll.u32 s26, $0x3;
	s2 =	smul.u32 $0x44, s28;
	s28 =	sshll.u32 s28, $0x3  }
0x45: {  	s6 =	smul.u32 $0x44, s3;
	s3 =	sshll.u32 s3, $0x3;
	s4 =	sand.u32 $0x1400, s12  }
0x46: {  	v4 =	vld.idx.msk [tilespmem:v0+s29+$0x30 ss:$0x1], $0xffff;
	s7 =	sand.u32 $0x1400, s28;
	s3 =	sand.u32 $0x3FFFFFF8, s3;
	s13 =	sshra.s32 s27, $0x2  }
0x47: {  	v5 =	vld.idx.msk [tilespmem:v0+s29+$0x40 ss:$0x1], $0xffff;
	s27 =	sshra.s32 s2, $0x2;
	s2 =	sor.u32 $0x110, s18;
	s28 =	sshra.s32 s6, $0x2;
	[tilespmem:s19+$0x0 ss:$0x11] =	vst.msk $0xffff, v1  }
0x48: {  	v1 =	vld.idx.msk [tilespmem:v0+s29+$0x50 ss:$0x1], $0xffff;
	[tilespmem:s19+$0x110 ss:$0x11] =	vst.msk $0xffff, v2;
	s26 =	sadd.s32 s13, s17;
	s27 =	sadd.s32 s27, s17;
	s6 =	smul.u32 $0x44, s2  }
0x49: {  	v2 =	vld.idx.msk [tilespmem:v0+s29+$0x60 ss:$0x1], $0xffff;
	[tilespmem:s19+$0x220 ss:$0x11] =	vst.msk $0xffff, v3;
	s28 =	sadd.s32 s28, s17;
	s2 =	sshll.u32 s2, $0x3;
	s13 =	sor.u32 $0x120, s18  }
0x4a: {  	v3 =	vld.idx.msk [tilespmem:v0+s29+$0x70 ss:$0x1], $0xffff;
	[tilespmem:s21+$0x0 ss:$0x11] =	vst.msk $0xffff, v55;
	s21 =	sor.u32 $0x170, s18;
	s2 =	sand.u32 $0x1800, s2;
	s12 =	smul.u32 $0x44, s13  }
0x4b: {  	v54 =	vld.idx.msk [tilespmem:v0+s30+$0x0 ss:$0x1], $0xffff;
	[tilespmem:s19+$0x330 ss:$0x11] =	vst.msk $0xffff, v4;
	s9 =	sshll.u32 s13, $0x3;
	s13 =	sor.u32 $0x130, s18;
	s6 =	sshra.s32 s6, $0x2  }
0x4c: {  	[tilespmem:s19+$0x440 ss:$0x11] =	vst.msk $0xffff, v5;
	s29 =	sadd.s32 s6, s17;
	s6 =	sand.u32 $0x1800, s9;
	s12 =	sshra.s32 s12, $0x2  }
0x4d: {  	s9 =	smul.u32 $0x44, s13;
	s13 =	sshll.u32 s13, $0x3;
	s30 =	sadd.s32 s12, s17;
	[tilespmem:s19+$0x550 ss:$0x11] =	vst.msk $0xffff, v1;
	v1 =	vld.idx.msk [tilespmem:v0+s1+$0x20 ss:$0x1], $0xffff  }
0x4e: {  	s1 =	sand.u32 $0x1800, s13;
	s12 =	smul.u32 $0x44, s31;
	[tilespmem:s19+$0x660 ss:$0x11] =	vst.msk $0xffff, v2;
	v2 =	vld.idx.msk [tilespmem:v0+s0+$0x30 ss:$0x1], $0xffff;
	s13 =	sshll.u32 s31, $0x3  }
0x4f: {  	s31 =	sor.u32 $0x150, s18;
	[tilespmem:s19+$0x770 ss:$0x11] =	vst.msk $0xffff, v3;
	v3 =	vld.idx.msk [tilespmem:v0+s8+$0x40 ss:$0x1], $0xffff;
	s9 =	sshra.s32 s9, $0x2;
	s8 =	sand.u32 $0x1800, s13  }
0x50: {  	v56 =	vld.idx.msk [tilespmem:v0+s5+$0x50 ss:$0x1], $0xffff;
	[tilespmem:s20+$0x0 ss:$0x11] =	vst.msk $0xffff, v54;
	s19 =	smul.u32 $0x44, s31;
	s20 =	sshll.u32 s31, $0x3;
	s31 =	sor.u32 $0x160, s18  }
0x51: {  	v57 =	vld.idx.msk [tilespmem:v0+s4+$0x60 ss:$0x1], $0xffff;
	s0 =	sadd.s32 s9, s17;
	s12 =	sshra.s32 s12, $0x2;
	s4 =	sand.u32 $0x1800, s20  }
0x52: {  	s5 =	sadd.s32 s12, s17;
	s12 =	sshra.s32 s19, $0x2;
	s19 =	smul.u32 $0x44, s31  }
0x53: {  	s20 =	sshll.u32 s31, $0x3;
	s31 =	sor.u32 $0x180, s18;
	[tilespmem:s22+$0x0 ss:$0x11] =	vst.msk $0xffff, v1;
	v1 =	vld.idx.msk [tilespmem:v0+s7+$0x70 ss:$0x1], $0xffff;
	s7 =	sadd.s32 s12, s17  }
0x54: {  	[tilespmem:s23+$0x0 ss:$0x11] =	vst.msk $0xffff, v2;
	v2 =	vld.idx.msk [tilespmem:v0+s3+$0x0 ss:$0x1], $0xffff;
	s3 =	sand.u32 $0x1800, s20;
	s22 =	sshra.s32 s19, $0x2;
	s23 =	smul.u32 $0x44, s21  }
0x55: {  	[tilespmem:s24+$0x0 ss:$0x11] =	vst.msk $0xffff, v3;
	v3 =	vld.idx.msk [tilespmem:v0+s2+$0x10 ss:$0x1], $0xffff;
	s24 =	sshll.u32 s21, $0x3;
	s20 =	smul.u32 $0x44, s31;
	s21 =	sshll.u32 s31, $0x3  }
0x56: {  	[tilespmem:s25+$0x0 ss:$0x11] =	vst.msk $0xffff, v56;
	v58 =	vld.idx.msk [tilespmem:v0+s6+$0x20 ss:$0x1], $0xffff;
	s2 =	sadd.s32 s22, s17;
	s6 =	sand.u32 $0x1800, s24;
	s22 =	sor.u32 $0x190, s18  }
0x57: {  	[tilespmem:s26+$0x0 ss:$0x11] =	vst.msk $0xffff, v57;
	v59 =	vld.idx.msk [tilespmem:v0+s1+$0x30 ss:$0x1], $0xffff;
	s19 =	sshra.s32 s23, $0x2;
	s23 =	sand.u32 $0x3FFFFFF8, s21;
	s24 =	sshra.s32 s20, $0x2  }
0x58: {  	s25 =	smul.u32 $0x44, s22;
	s1 =	sadd.s32 s19, s17;
	s19 =	sor.u32 $0x1B0, s18;
	[tilespmem:s27+$0x0 ss:$0x11] =	vst.msk $0xffff, v1;
	v1 =	vld.idx.msk [tilespmem:v0+s8+$0x40 ss:$0x1], $0xffff  }
0x59: {  	s26 =	sshll.u32 s22, $0x3;
	s22 =	sshll.u32 s19, $0x3;
	[tilespmem:s28+$0x0 ss:$0x11] =	vst.msk $0xffff, v2;
	v2 =	vld.idx.msk [tilespmem:v0+s4+$0x50 ss:$0x1], $0xffff;
	s4 =	sadd.s32 s24, s17  }
0x5a: {  	s27 =	sor.u32 $0x1A0, s18;
	[tilespmem:s29+$0x0 ss:$0x11] =	vst.msk $0xffff, v3;
	v3 =	vld.idx.msk [tilespmem:v0+s3+$0x60 ss:$0x1], $0xffff;
	s28 =	sand.u32 $0x1C00, s26;
	s29 =	sshra.s32 s25, $0x2  }
0x5b: {  	[tilespmem:s30+$0x0 ss:$0x11] =	vst.msk $0xffff, v58;
	v60 =	vld.idx.msk [tilespmem:v0+s6+$0x70 ss:$0x1], $0xffff;
	s24 =	sand.u32 $0x1C00, s22;
	s25 =	sor.u32 $0x1C0, s18;
	s26 =	smul.u32 $0x44, s19  }
0x5c: {  	[tilespmem:s0+$0x0 ss:$0x11] =	vst.msk $0xffff, v59;
	v61 =	vld.idx.msk [tilespmem:v0+s23+$0x0 ss:$0x1], $0xffff;
	s31 =	smul.u32 $0x44, s27;
	s6 =	sadd.s32 s29, s17;
	s13 =	sshll.u32 s27, $0x3  }
0x5d: {  	s27 =	sshll.u32 s25, $0x3;
	s19 =	smul.u32 $0x44, s25;
	s20 =	sand.u32 $0x1C00, s13;
	[tilespmem:s5+$0x0 ss:$0x11] =	vst.msk $0xffff, v1;
	v1 =	vld.idx.msk [tilespmem:v0+s28+$0x10 ss:$0x1], $0xffff  }
0x5e: {  	s29 =	sand.u32 $0x1C00, s27;
	s21 =	sshra.s32 s31, $0x2;
	[tilespmem:s7+$0x0 ss:$0x11] =	vst.msk $0xffff, v2;
	v2 =	vld.idx.msk [tilespmem:v0+s20+$0x20 ss:$0x1], $0xffff;
	s28 =	sor.u32 $0x1D0, s18  }
0x5f: {  	s31 =	sor.u32 $0x1E0, s18;
	s23 =	sadd.s32 s21, s17;
	[tilespmem:s2+$0x0 ss:$0x11] =	vst.msk $0xffff, v3;
	v3 =	vld.idx.msk [tilespmem:v0+s24+$0x30 ss:$0x1], $0xffff;
	s30 =	sshll.u32 s28, $0x3  }
0x60: {  	[tilespmem:s1+$0x0 ss:$0x11] =	vst.msk $0xffff, v60;
	v62 =	vld.idx.msk [tilespmem:v0+s29+$0x40 ss:$0x1], $0xffff;
	s13 =	sshll.u32 s31, $0x3;
	s18 =	sor.u32 $0x1F0, s18;
	s12 =	sand.u32 $0x1C00, s30  }
0x61: {  	[tilespmem:s4+$0x0 ss:$0x11] =	vst.msk $0xffff, v61;
	s20 =	sand.u32 $0x1C00, s13;
	s24 =	smul.u32 $0x44, s31;
	s21 =	sshll.u32 s18, $0x3;
	v63 =	vld.idx.msk [tilespmem:v0+s12+$0x50 ss:$0x1], $0xffff  }
0x62: {  	s0 =	sshra.s32 s26, $0x2;
	s22 =	smul.u32 $0x44, s28;
	s2 =	sand.u32 $0x1C00, s21;
	[tilespmem:s6+$0x0 ss:$0x11] =	vst.msk $0xffff, v1;
	v1 =	vld.idx.msk [tilespmem:v0+s20+$0x60 ss:$0x1], $0xffff  }
0x63: {  	s0 =	sadd.s32 s0, s17;
	s26 =	smul.u32 $0x44, s18;
	[tilespmem:s23+$0x0 ss:$0x11] =	vst.msk $0xffff, v2;
	v2 =	vld.idx.msk [tilespmem:v0+s2+$0x70 ss:$0x1], $0xffff;
	s23 =	sshra.s32 s19, $0x2  }
.Ltmp3:
0x64: {  	s1 =	sshra.s32 s22, $0x2;
	[tilespmem:s0+$0x0 ss:$0x11] =	vst.msk $0xffff, v3;
	s25 =	sadd.s32 s23, s17;
	(pc) =	sbr.rel @p1 .LBB1_4-.Ltmp3, $4  }
0x65: {  	s28 =	sshra.s32 s24, $0x2;
	s27 =	sadd.s32 s1, s17;
	[tilespmem:s25+$0x0 ss:$0x11] =	vst.msk $0xffff, v62  }
0x66: {  	s29 =	sadd.s32 s28, s17;
	s30 =	sshra.s32 s26, $0x2;
	[tilespmem:s27+$0x0 ss:$0x11] =	vst.msk $0xffff, v63  }
0x67: {  	s31 =	sadd.s32 s30, s17;
	[tilespmem:s29+$0x0 ss:$0x11] =	vst.msk $0xffff, v1  }
0x68: {  	p0 =	por $0x0, $0x0;
	s18 =	simm.s32 $0x200;
	[tilespmem:s31+$0x0 ss:$0x11] =	vst.msk $0xffff, v2  }
0x69: {  	s16 =	sadd.s32 $0x1, s16  }
0x6a: {  	p0 =	sne.s32 s16, $0x10  }
.Ltmp4:
0x6b: {  	_ = 	snop;
	(pc) =	sbr.rel @p0 .LBB1_3-.Ltmp4, $1  }
0x6c: {  	_ =	sdelay $0x3  }
0x6d: {  	s0 =	rddreg [dreg:$0x9]  }
0x6e: {  	s3 =	rddreg [dreg:$0x8]  }
0x6f: {  	s0 =	sshll.u32 s0, $0x7;
	s1 =	sshll.u32 s3, $0x3  }
0x70: {  	s2 =	sand.u32 $0xFFFFFC00, s0;
	s1 =	sand.u32 $0xFFFFFC00, s1  }
0x71: {  	s0 =	sand.u32 $0x380, s0;
	s1 =	sadd.s32 s1, s2  }
0x72: {  	s0 =	sor.u32 s0, s1  }
0x73: {  	s0 =	sshrl.u32 s0, $0x7  }
0x74: {  	s29 =	rddreg [dreg:$0x4];
	s25 =	smulhi.u32 $0x147AE15, s0  }
0x75: {  	s6 =	rddreg [dreg:$0x2]  }
0x76: {  	s7 =	rddreg [dreg:$0x3];
	s1 =	sshrl.u32 s25, $0xF  }
0x77: {  	s31 =	simm.s32 $0x80;
	s8 =	rddreg [dreg:$0x5];
	s1 =	smul.u32 $0x640000, s1  }
.Ltmp5:
0x78: {  	s9 =	rddreg [dreg:$0x6];
	s26 =	sshrl.u32 s3, $0x3;
	(pc) =	sbr.rel .LBB1_7-.Ltmp5, $4  }
0x79: {  	s28 =	sand.u32 $0x7, s3;
	s27 =	sand.u32 $0xF, s26;
	s0 =	ssub.s32 s0, s1  }
0x7a: {  	s2 =	sshll.u32 s28, $0x12;
	s1 =	sadd.s32 s29, s27;
	s0 =	sshll.u32 s0, $0x4  }
0x7b: {  	s12 =	rddreg [dreg:$0x7];
	s30 =	sor.u32 $0x10, s2;
	s0 =	sadd.s32 s0, s1  }
0x7c: {  	[hbm4b:s0+s30] =	stream.strided.scatter [tilespmem:s14], [sflag:$0x2], $0x4000, s31, s30, $0x8;
	[tilespmem:$0x10800] =	vst v63  }
.LBB1_8:
0x7d: {  	_ =	sfence.sel $0x180000  }
0x7e: {  	s0 =	simm.s32 $0x1;
	[bflag:$0x0] =	sbarrier.arrive $0xFFFF  }
0x7f: {  	s30 =	simm.s32 $0x2;
	[sflag:s0] =	ssyncpa.u1 $0x1  }
0x80: {  	[sflag:s30] =	ssyncpa.u1 $0x1  }
0x81: {  	_ =	strace $0x90000059  }
0x82: {  	s31 =	stileid.u32;
	[bflag:$0x2] =	sbarrier.arrive $0xFFFF  }
0x83: {  	p0 =	sne.s32 s31, $0x0;
	s0 =	rddreg [dreg:$0x1]  }
0x84: {  	s0 =	sadd.s32 @!p0 $0x100000, s0  }
0x85: {  	[sflag:s0] =	ssyncadd.tile.s32 @!p0 $0x1;
	_ =	shalt  }
.Lfunc_end1:
_tile_overlayer_lowered:
.L_overlay_start_2:
0x86: {  	(tag) =	ssettag $0x2  }
0x87: {  	s0 =	rddreg [dreg:$0x0];
	s2 =	stileid.u32  }
0x88: {  	s1 =	rddreg [dreg:$0x1];
	p0 =	sne.s32 s2, $0x0  }
0x89: {  	s3 =	rddreg [dreg:$0x2];
	[bflag:$0x3] =	sbarrier.arrive $0xFFFF;
	s2 =	simm.s32 @!p0 $0x1C01  }
0x8a: {  	[timem:s3], [sflag:s2] =	dma.local @!p0 [hbm:s0], s1  }
0x8b: {  	s0 =	simm.s32 @!p0 $0x1  }
0x8c: {  	_ =	swait.ge @!p0 [sflag:s0], s1  }
0x8d: {  	s1 =	ssub.s32 @!p0 $0x0, s1;
	[sflag:s0] =	ssyncset.done @!p0 $0x0  }
0x8e: {  	[sflag:s0] =	ssyncadd.s32 @!p0 s1  }
0x8f: {  	[bflag:$0x3] =	sbarrier.arrive $0xFFFF  }
0x90: {  	_ =	shalt  }

</sc_bundles>
